<compile_context>
chip_gen: v7x
topology: tpu7x:2x2x1
jax: 0.10.2.dev20260603
libtpu: 0.0.44.dev20260713+nightly
codegen_flags: <defaults>
</compile_context>

<pallas_src>
import functools

import jax
import jax.numpy as jnp
from jax import lax
from jax.experimental import pallas as pl
from jax.experimental.pallas import tpu as pltpu
from jax.experimental.pallas import tpu_sc as plsc

N = 10000
E = 320000
NC, NS = 2, 16
NW = NC * NS
BLK = 128
TBLK = E // BLK
NBLK = TBLK // NW
XTRA = TBLK % NW
NP = 10240
ROWS_PT = NP // NS
TC_BLK = 5000


def _edge_agg(feat, srcp, dstp, F, NB, LA):
  mesh = plsc.VectorSubcoreMesh(core_axis_name="c", subcore_axis_name="s")

  @functools.partial(
      pl.kernel,
      out_type=jax.ShapeDtypeStruct((NC, NP, F), jnp.float32),
      mesh=mesh,
      scratch_types=[
          pltpu.VMEM((NBLK + 1, BLK), jnp.int32),
          pltpu.VMEM((NBLK + 1, BLK), jnp.int32),
          pltpu.VMEM((NB, BLK, F), jnp.float32),
          pltpu.VMEM((ROWS_PT, F), jnp.float32),
          pltpu.VMEM_SHARED((NP, F), jnp.float32),
          pltpu.VMEM_SHARED((N, F), jnp.float32),
          pltpu.SemaphoreType.DMA((NB,)),
          pltpu.SemaphoreType.DMA((NB,)),
      ],
      compiler_params=pltpu.CompilerParams(use_tc_tiling_on_sc=False),
  )
  def body(feat_hbm, srcp_hbm, dstp_hbm, out_hbm,
           src_v, dst_v, rows_v, zbuf_v, acc_sh, feat_sh, gsem, ssem):
    cid = lax.axis_index("c")
    sid = lax.axis_index("s")
    wid = sid * NC + cid

    def zero_row(r, carry):
      for j in range(F // 16):
        zbuf_v[r, pl.ds(j * 16, 16)] = jnp.zeros((16,), jnp.float32)
      return carry
    lax.fori_loop(0, ROWS_PT, zero_row, 0)
    pltpu.sync_copy(zbuf_v, acc_sh.at[pl.ds(sid * ROWS_PT, ROWS_PT)])

    @pl.when(sid < 10)
    def _():
      pltpu.sync_copy(feat_hbm.at[pl.ds(sid * 1000, 1000)],
                      feat_sh.at[pl.ds(sid * 1000, 1000)])
    plsc.subcore_barrier()

    base = wid * NBLK + jnp.minimum(wid, XTRA)
    pltpu.sync_copy(srcp_hbm.at[pl.ds(base, NBLK)], src_v.at[pl.ds(0, NBLK)])
    pltpu.sync_copy(dstp_hbm.at[pl.ds(base, NBLK)], dst_v.at[pl.ds(0, NBLK)])

    @pl.when(wid < XTRA)
    def _():
      pltpu.sync_copy(srcp_hbm.at[pl.ds(base + NBLK, 1)],
                      src_v.at[pl.ds(NBLK, 1)])
      pltpu.sync_copy(dstp_hbm.at[pl.ds(base + NBLK, 1)],
                      dst_v.at[pl.ds(NBLK, 1)])

    def gather(k, s):
      return pltpu.make_async_copy(
          feat_sh.at[src_v.at[k]], rows_v.at[s], gsem.at[s])

    def scatter(k, s):
      return pltpu.make_async_copy(
          rows_v.at[s], acc_sh.at[dst_v.at[k]], ssem.at[s])

    for s in range(LA):
      gather(s, s).start()

    def group(g, carry):
      for s in range(NB):
        k = g * NB + s
        gather(k, s).wait()
        sc = scatter(k, s)
        sc.start(add=True)
        t = (s + LA) % NB

        @pl.when(k + LA < NBLK)
        def _():
          @pl.when(k >= NB - LA)
          def _():
            scatter(k + LA - NB, t).wait()
          gather(k + LA, t).start()
      return carry
    lax.fori_loop(0, NBLK // NB, group, 0)

    for k in range(NBLK - NB, NBLK):
      scatter(k, k % NB).wait()

    @pl.when(wid < XTRA)
    def _():
      gather(NBLK, 0).start()
      gather(NBLK, 0).wait()
      sc = scatter(NBLK, 0)
      sc.start(add=True)
      sc.wait()

    plsc.subcore_barrier()
    pltpu.sync_copy(acc_sh.at[pl.ds(sid * ROWS_PT, ROWS_PT)], zbuf_v)
    pltpu.sync_copy(zbuf_v, out_hbm.at[cid, pl.ds(sid * ROWS_PT, ROWS_PT)])

  return body(feat, srcp, dstp)


def _deg_hist(dstp):
  F = 16
  mesh = plsc.VectorSubcoreMesh(core_axis_name="c", subcore_axis_name="s")

  @functools.partial(
      pl.kernel,
      out_type=jax.ShapeDtypeStruct((NC, NP, F), jnp.float32),
      mesh=mesh,
      scratch_types=[
          pltpu.VMEM((NBLK + 1, BLK), jnp.int32),
          pltpu.VMEM((BLK, F), jnp.float32),
          pltpu.VMEM((ROWS_PT, F), jnp.float32),
          pltpu.VMEM_SHARED((NP, F), jnp.float32),
      ],
      compiler_params=pltpu.CompilerParams(use_tc_tiling_on_sc=False),
  )
  def body(dstp_hbm, out_hbm, dst_v, ones_v, zbuf_v, acc_sh):
    cid = lax.axis_index("c")
    sid = lax.axis_index("s")
    wid = sid * NC + cid

    def zero_row(r, carry):
      zbuf_v[r, pl.ds(0, 16)] = jnp.zeros((16,), jnp.float32)
      return carry
    lax.fori_loop(0, ROWS_PT, zero_row, 0)
    pltpu.sync_copy(zbuf_v, acc_sh.at[pl.ds(sid * ROWS_PT, ROWS_PT)])

    def one_row(r, carry):
      ones_v[r, pl.ds(0, 16)] = jnp.ones((16,), jnp.float32)
      return carry
    lax.fori_loop(0, BLK, one_row, 0)
    plsc.subcore_barrier()

    base = wid * NBLK + jnp.minimum(wid, XTRA)
    pltpu.sync_copy(dstp_hbm.at[pl.ds(base, NBLK)], dst_v.at[pl.ds(0, NBLK)])

    @pl.when(wid < XTRA)
    def _():
      pltpu.sync_copy(dstp_hbm.at[pl.ds(base + NBLK, 1)],
                      dst_v.at[pl.ds(NBLK, 1)])

    nblk = NBLK + jnp.where(wid < XTRA, 1, 0)

    def step(j, carry):
      pltpu.sync_copy(ones_v, acc_sh.at[dst_v.at[j]], add=True)
      return carry
    lax.fori_loop(0, nblk, step, 0)

    plsc.subcore_barrier()
    pltpu.sync_copy(acc_sh.at[pl.ds(sid * ROWS_PT, ROWS_PT)], zbuf_v)
    pltpu.sync_copy(zbuf_v, out_hbm.at[cid, pl.ds(sid * ROWS_PT, ROWS_PT)])

  return body(dstp)


def _dinv_from(degp_blk):
  deg = degp_blk[0, :, 0:1] + degp_blk[1, :, 0:1] + 1.0
  return lax.rsqrt(deg)


def _tc1(x, W1, degp):
  def body(x_ref, w_ref, degp_ref, o_ref):
    dinv = _dinv_from(degp_ref)
    o_ref[...] = dinv * jnp.dot(x_ref[...], w_ref[...],
                                preferred_element_type=jnp.float32)

  grid = N // TC_BLK
  return pl.pallas_call(
      body,
      grid=(grid,),
      in_specs=[
          pl.BlockSpec((TC_BLK, 128), lambda i: (i, 0)),
          pl.BlockSpec((128, 32), lambda i: (0, 0)),
          pl.BlockSpec((NC, TC_BLK, 16), lambda i: (0, i, 0)),
      ],
      out_specs=pl.BlockSpec((TC_BLK, 32), lambda i: (i, 0)),
      out_shape=jax.ShapeDtypeStruct((N, 32), jnp.float32),
  )(x, W1, degp)


def _tc2(r1p, h1s, degp, b1, W2):
  def body(r_ref, h_ref, degp_ref, b_ref, w_ref, o_ref):
    dinv = _dinv_from(degp_ref)
    z = dinv * (r_ref[0] + r_ref[1] + h_ref[...]) + b_ref[...]
    z = jnp.maximum(z, 0.0)
    o_ref[...] = dinv * jnp.dot(z, w_ref[...],
                                preferred_element_type=jnp.float32)

  grid = N // TC_BLK
  return pl.pallas_call(
      body,
      grid=(grid,),
      in_specs=[
          pl.BlockSpec((NC, TC_BLK, 32), lambda i: (0, i, 0)),
          pl.BlockSpec((TC_BLK, 32), lambda i: (i, 0)),
          pl.BlockSpec((NC, TC_BLK, 16), lambda i: (0, i, 0)),
          pl.BlockSpec((1, 32), lambda i: (0, 0)),
          pl.BlockSpec((32, 16), lambda i: (0, 0)),
      ],
      out_specs=pl.BlockSpec((TC_BLK, 16), lambda i: (i, 0)),
      out_shape=jax.ShapeDtypeStruct((N, 16), jnp.float32),
  )(r1p, h1s, degp, b1, W2)


def _tc3(r2p, h2s, degp, b2):
  def body(r_ref, h_ref, degp_ref, b_ref, o_ref):
    dinv = _dinv_from(degp_ref)
    o_ref[...] = dinv * (r_ref[0] + r_ref[1] + h_ref[...]) + b_ref[...]

  grid = N // TC_BLK
  return pl.pallas_call(
      body,
      grid=(grid,),
      in_specs=[
          pl.BlockSpec((NC, TC_BLK, 16), lambda i: (0, i, 0)),
          pl.BlockSpec((TC_BLK, 16), lambda i: (i, 0)),
          pl.BlockSpec((NC, TC_BLK, 16), lambda i: (0, i, 0)),
          pl.BlockSpec((1, 16), lambda i: (0, 0)),
      ],
      out_specs=pl.BlockSpec((TC_BLK, 16), lambda i: (i, 0)),
      out_shape=jax.ShapeDtypeStruct((N, 16), jnp.float32),
  )(r2p, h2s, degp, b2)


@jax.jit
def kernel(x, edge_index, W1, b1, W2, b2):
  ei = edge_index.astype(jnp.int32)
  srcp = ei[0].reshape(TBLK, BLK)
  dstp = ei[1].reshape(TBLK, BLK)

  degp = _deg_hist(dstp)
  h1s = _tc1(x, W1, degp)
  r1p = _edge_agg(h1s, srcp, dstp, 32, NB=6, LA=5)
  h2s = _tc2(r1p, h1s, degp, b1.reshape(1, 32), W2)
  r2p = _edge_agg(h2s, srcp, dstp, 16, NB=13, LA=6)
  return _tc3(r2p, h2s, degp, b2.reshape(1, 16))

# --- scband reference (transcript-rebuilt; emitter-appended) ---
"""Pipeline reference for scband-gcnencoder-44882408243326 (READ-ONLY COPY).

The authoritative reference and input builder live on the scoring server;
editing this copy changes nothing except your own understanding.
"""

import jax, jax.numpy as jnp
import numpy as np

N_NODES = 10000


def gcn_conv(x, edge_index, W, b):
    n = x.shape[0]
    src = edge_index[0]
    dst = edge_index[1]
    # add self-loops (GCNConv default add_self_loops=True)
    loop = jnp.arange(n, dtype=src.dtype)
    src = jnp.concatenate([src, loop])
    dst = jnp.concatenate([dst, loop])
    # symmetric normalization: deg^{-1/2}[src] * deg^{-1/2}[dst]
    deg = jnp.zeros((n,), dtype=x.dtype).at[dst].add(1.0)
    dinv = jnp.where(deg > 0, jax.lax.rsqrt(deg), 0.0)
    norm = dinv[src] * dinv[dst]
    h = x @ W
    msg = jnp.take(h, src, axis=0) * norm[:, None]
    out = jnp.zeros((n, W.shape[1]), dtype=x.dtype).at[dst].add(msg)
    return out + b


def setup_inputs(seed: int = 0) -> dict:
    key = jax.random.key(seed)
    k_x, k_e, k_w1, k_b1, k_w2, k_b2 = jax.random.split(key, 6)
    x = jax.random.normal(k_x, (N_NODES, 128), dtype=jnp.float32)
    edge_index = jax.random.randint(k_e, (2, 320000), 0, N_NODES, dtype=jnp.int64)
    # GCNConv weight: glorot init [in, out]; bias zeros-like init but use small random
    W1 = jax.random.normal(k_w1, (128, 32), dtype=jnp.float32) * (1.0 / np.sqrt(128))
    b1 = jnp.zeros((32,), dtype=jnp.float32)
    W2 = jax.random.normal(k_w2, (32, 16), dtype=jnp.float32) * (1.0 / np.sqrt(32))
    b2 = jnp.zeros((16,), dtype=jnp.float32)
    return {"x": x, "edge_index": edge_index, "W1": W1, "b1": b1, "W2": W2, "b2": b2}


def reference(x, edge_index, W1, b1, W2, b2):
    h = gcn_conv(x, edge_index, W1, b1)
    h = jax.nn.relu(h)
    out = gcn_conv(h, edge_index, W2, b2)
    return out

if __name__ == "__main__":
    import jax
    _d = setup_inputs()
    print(jax.jit(kernel)(*tuple(_d.values())))

</pallas_src>

<mosaic_0001>
#map = affine_map<(d0, d1) -> (0, 0)>
#map1 = affine_map<(d0, d1) -> (0, 0, 0)>
module attributes {stable_mosaic.version = 14 : i64} {
  func.func @body(%arg0: i32, %arg1: i32, %arg2: memref<2500x128xi32, #tpu.memory_space<hbm>>, %arg3: memref<2x10240x16xf32, #tpu.memory_space<hbm>>, %arg4: memref<79x128xi32, #tpu.memory_space<vmem>>, %arg5: memref<128x16xf32, #tpu.memory_space<vmem>>, %arg6: memref<640x16xf32, #tpu.memory_space<vmem>>, %arg7: memref<10240x16xf32, #tpu.memory_space<vmem_shared>>) attributes {dimension_semantics = [#tpu.dimension_semantics<core_parallel>, #tpu.dimension_semantics<subcore_parallel>], iteration_bounds = array<i64: 2, 16>, scalar_prefetch = 0 : i64, scratch_operands = 4 : i64, tpu.core_type = #tpu.core_type<sc_vector_subcore>, window_params = [{transform_indices = #map}, {transform_indices = #map1}]} {
    %mul3A = arith.constant 2 : i32
    %mul3A_0 = arith.muli %arg1, %mul3A : i32
    %add3A = arith.addi %mul3A_0, %arg0 : i32
    %scan3A = arith.constant 0 : i32
    %scan3A_1 = arith.constant 0 : i32
    %scan3A_2 = arith.constant 640 : i32
    %scan3A_3 = arith.addi %scan3A_1, %scan3A_2 : i32
    %scan3A_4 = arith.constant 1 : i32
    scf.for %scan3A_39 = %scan3A_1 to %scan3A_3 step %scan3A_4  : i32 {
      %broadcast_in_dim3A = arith.constant 0.000000e+00 : f32
      %broadcast_in_dim3A_40 = vector.broadcast %broadcast_in_dim3A : f32 to vector<16xf32>
      %swap3A = arith.index_cast %scan3A_39 : i32 to index
      %swap3A_41 = arith.constant 0 : index
      %swap3A_42 = tpu.vector_load %arg6[%swap3A, %swap3A_41] {strides = array<i32>} : memref<640x16xf32, #tpu.memory_space<vmem>>, vector<1x16xf32>,
      %swap3A_43 = vector.shape_cast %swap3A_42 : vector<1x16xf32> to vector<16xf32>
      %swap3A_44 = vector.shape_cast %broadcast_in_dim3A_40 : vector<16xf32> to vector<1x16xf32>
      tpu.vector_store %arg6[%swap3A, %swap3A_41], %swap3A_44 {strides = array<i32>} : memref<640x16xf32, #tpu.memory_space<vmem>>, vector<1x16xf32>,
    }
    %scan3A_5 = arith.constant 640 : i32
    %mul3A_6 = arith.constant 640 : i32
    %mul3A_7 = arith.muli %arg1, %mul3A_6 : i32
    "tpu.region"() ({
      %run_scoped3A = tpu.sem_alloc : memref<!tpu.dma_semaphore, #tpu.memory_space<semaphore_mem>>
      %dma_start3A = arith.constant 0 : i32
      %dma_start3A_39 = tpu.memref_slice %arg7[%mul3A_7, %dma_start3A] : memref<10240x16xf32, #tpu.memory_space<vmem_shared>> -> memref<640x16xf32, #tpu.memory_space<vmem_shared>>
      %dma_start3A_40 = arith.constant 0 : i32
      %dma_start3A_41 = tpu.memref_slice %arg7[%mul3A_7, %dma_start3A_40] : memref<10240x16xf32, #tpu.memory_space<vmem_shared>> -> memref<640x16xf32, #tpu.memory_space<vmem_shared>>
      tpu.enqueue_dma source(%arg6 : memref<640x16xf32, #tpu.memory_space<vmem>>) target(%dma_start3A_41 : memref<640x16xf32, #tpu.memory_space<vmem_shared>>) target_semaphore(%run_scoped3A : memref<!tpu.dma_semaphore, #tpu.memory_space<semaphore_mem>>)
      %dma_wait3A = arith.constant 0 : i32
      %dma_wait3A_42 = tpu.memref_slice %arg7[%mul3A_7, %dma_wait3A] : memref<10240x16xf32, #tpu.memory_space<vmem_shared>> -> memref<640x16xf32, #tpu.memory_space<vmem_shared>>
      %dma_wait3A_43 = arith.constant 0 : i32
      %dma_wait3A_44 = tpu.memref_slice %arg7[%mul3A_7, %dma_wait3A_43] : memref<10240x16xf32, #tpu.memory_space<vmem_shared>> -> memref<640x16xf32, #tpu.memory_space<vmem_shared>>
      tpu.wait_dma2 semaphore(%run_scoped3A : memref<!tpu.dma_semaphore, #tpu.memory_space<semaphore_mem>>) src(%arg6 : memref<640x16xf32, #tpu.memory_space<vmem>>) dst(%dma_wait3A_44 : memref<640x16xf32, #tpu.memory_space<vmem_shared>>)
      tpu.yield
    }) : () -> ()
    %scan3A_8 = arith.constant 0 : i32
    %scan3A_9 = arith.constant 0 : i32
    %scan3A_10 = arith.constant 128 : i32
    %scan3A_11 = arith.addi %scan3A_9, %scan3A_10 : i32
    %scan3A_12 = arith.constant 1 : i32
    scf.for %scan3A_39 = %scan3A_9 to %scan3A_11 step %scan3A_12  : i32 {
      %broadcast_in_dim3A = arith.constant 1.000000e+00 : f32
      %broadcast_in_dim3A_40 = vector.broadcast %broadcast_in_dim3A : f32 to vector<16xf32>
      %swap3A = arith.index_cast %scan3A_39 : i32 to index
      %swap3A_41 = arith.constant 0 : index
      %swap3A_42 = tpu.vector_load %arg5[%swap3A, %swap3A_41] {strides = array<i32>} : memref<128x16xf32, #tpu.memory_space<vmem>>, vector<1x16xf32>,
      %swap3A_43 = vector.shape_cast %swap3A_42 : vector<1x16xf32> to vector<16xf32>
      %swap3A_44 = vector.shape_cast %broadcast_in_dim3A_40 : vector<16xf32> to vector<1x16xf32>
      tpu.vector_store %arg5[%swap3A, %swap3A_41], %swap3A_44 {strides = array<i32>} : memref<128x16xf32, #tpu.memory_space<vmem>>, vector<1x16xf32>,
    }
    %scan3A_13 = arith.constant 128 : i32
    %barrier3A = arith.constant 0 : index
    tpu.barrier barrier_id(%barrier3A)
    %mul3A_14 = arith.constant 78 : i32
    %mul3A_15 = arith.muli %add3A, %mul3A_14 : i32
    %min3A = arith.constant 4 : i32
    %min3A_16 = arith.minsi %add3A, %min3A : i32
    %add3A_17 = arith.addi %mul3A_15, %min3A_16 : i32
    "tpu.region"() ({
      %run_scoped3A = tpu.sem_alloc : memref<!tpu.dma_semaphore, #tpu.memory_space<semaphore_mem>>
      %dma_start3A = arith.constant 0 : i32
      %dma_start3A_39 = arith.constant 0 : i32
      %dma_start3A_40 = tpu.memref_slice %arg4[%dma_start3A, %dma_start3A_39] : memref<79x128xi32, #tpu.memory_space<vmem>> -> memref<78x128xi32, #tpu.memory_space<vmem>>
      %dma_start3A_41 = arith.constant 0 : i32
      %dma_start3A_42 = tpu.memref_slice %arg2[%add3A_17, %dma_start3A_41] : memref<2500x128xi32, #tpu.memory_space<hbm>> -> memref<78x128xi32, #tpu.memory_space<hbm>>
      %dma_start3A_43 = arith.constant 0 : i32
      %dma_start3A_44 = arith.constant 0 : i32
      %dma_start3A_45 = tpu.memref_slice %arg4[%dma_start3A_43, %dma_start3A_44] : memref<79x128xi32, #tpu.memory_space<vmem>> -> memref<78x128xi32, #tpu.memory_space<vmem>>
      %dma_start3A_46 = arith.constant 0 : i32
      %dma_start3A_47 = tpu.memref_slice %arg2[%add3A_17, %dma_start3A_46] : memref<2500x128xi32, #tpu.memory_space<hbm>> -> memref<78x128xi32, #tpu.memory_space<hbm>>
      tpu.enqueue_dma source(%dma_start3A_47 : memref<78x128xi32, #tpu.memory_space<hbm>>) target(%dma_start3A_45 : memref<78x128xi32, #tpu.memory_space<vmem>>) target_semaphore(%run_scoped3A : memref<!tpu.dma_semaphore, #tpu.memory_space<semaphore_mem>>)
      %dma_wait3A = arith.constant 0 : i32
      %dma_wait3A_48 = arith.constant 0 : i32
      %dma_wait3A_49 = tpu.memref_slice %arg4[%dma_wait3A, %dma_wait3A_48] : memref<79x128xi32, #tpu.memory_space<vmem>> -> memref<78x128xi32, #tpu.memory_space<vmem>>
      %dma_wait3A_50 = arith.constant 0 : i32
      %dma_wait3A_51 = tpu.memref_slice %arg2[%add3A_17, %dma_wait3A_50] : memref<2500x128xi32, #tpu.memory_space<hbm>> -> memref<78x128xi32, #tpu.memory_space<hbm>>
      %dma_wait3A_52 = arith.constant 0 : i32
      %dma_wait3A_53 = arith.constant 0 : i32
      %dma_wait3A_54 = tpu.memref_slice %arg4[%dma_wait3A_52, %dma_wait3A_53] : memref<79x128xi32, #tpu.memory_space<vmem>> -> memref<78x128xi32, #tpu.memory_space<vmem>>
      %dma_wait3A_55 = arith.constant 0 : i32
      %dma_wait3A_56 = tpu.memref_slice %arg2[%add3A_17, %dma_wait3A_55] : memref<2500x128xi32, #tpu.memory_space<hbm>> -> memref<78x128xi32, #tpu.memory_space<hbm>>
      tpu.wait_dma2 semaphore(%run_scoped3A : memref<!tpu.dma_semaphore, #tpu.memory_space<semaphore_mem>>) src(%dma_wait3A_56 : memref<78x128xi32, #tpu.memory_space<hbm>>) dst(%dma_wait3A_54 : memref<78x128xi32, #tpu.memory_space<vmem>>)
      tpu.yield
    }) : () -> ()
    %lt3A = arith.constant 4 : i32
    %lt3A_18 = arith.cmpi slt, %add3A, %lt3A : i32
    %convert_element_type3A = arith.extui %lt3A_18 : i1 to i32
    %cond3A = arith.constant 0 : i32
    %cond3A_19 = arith.cmpi ne, %convert_element_type3A, %cond3A : i32
    scf.if %cond3A_19 {
      %add3A_39 = arith.constant 78 : i32
      %add3A_40 = arith.addi %add3A_17, %add3A_39 : i32
      "tpu.region"() ({
        %run_scoped3A = tpu.sem_alloc : memref<!tpu.dma_semaphore, #tpu.memory_space<semaphore_mem>>
        %dma_start3A = arith.constant 78 : i32
        %dma_start3A_41 = arith.constant 0 : i32
        %dma_start3A_42 = tpu.memref_slice %arg4[%dma_start3A, %dma_start3A_41] : memref<79x128xi32, #tpu.memory_space<vmem>> -> memref<1x128xi32, #tpu.memory_space<vmem>>
        %dma_start3A_43 = arith.constant 0 : i32
        %dma_start3A_44 = tpu.memref_slice %arg2[%add3A_40, %dma_start3A_43] : memref<2500x128xi32, #tpu.memory_space<hbm>> -> memref<1x128xi32, #tpu.memory_space<hbm>>
        %dma_start3A_45 = arith.constant 78 : i32
        %dma_start3A_46 = arith.constant 0 : i32
        %dma_start3A_47 = tpu.memref_slice %arg4[%dma_start3A_45, %dma_start3A_46] : memref<79x128xi32, #tpu.memory_space<vmem>> -> memref<1x128xi32, #tpu.memory_space<vmem>>
        %dma_start3A_48 = arith.constant 0 : i32
        %dma_start3A_49 = tpu.memref_slice %arg2[%add3A_40, %dma_start3A_48] : memref<2500x128xi32, #tpu.memory_space<hbm>> -> memref<1x128xi32, #tpu.memory_space<hbm>>
        tpu.enqueue_dma source(%dma_start3A_49 : memref<1x128xi32, #tpu.memory_space<hbm>>) target(%dma_start3A_47 : memref<1x128xi32, #tpu.memory_space<vmem>>) target_semaphore(%run_scoped3A : memref<!tpu.dma_semaphore, #tpu.memory_space<semaphore_mem>>)
        %dma_wait3A = arith.constant 78 : i32
        %dma_wait3A_50 = arith.constant 0 : i32
        %dma_wait3A_51 = tpu.memref_slice %arg4[%dma_wait3A, %dma_wait3A_50] : memref<79x128xi32, #tpu.memory_space<vmem>> -> memref<1x128xi32, #tpu.memory_space<vmem>>
        %dma_wait3A_52 = arith.constant 0 : i32
        %dma_wait3A_53 = tpu.memref_slice %arg2[%add3A_40, %dma_wait3A_52] : memref<2500x128xi32, #tpu.memory_space<hbm>> -> memref<1x128xi32, #tpu.memory_space<hbm>>
        %dma_wait3A_54 = arith.constant 78 : i32
        %dma_wait3A_55 = arith.constant 0 : i32
        %dma_wait3A_56 = tpu.memref_slice %arg4[%dma_wait3A_54, %dma_wait3A_55] : memref<79x128xi32, #tpu.memory_space<vmem>> -> memref<1x128xi32, #tpu.memory_space<vmem>>
        %dma_wait3A_57 = arith.constant 0 : i32
        %dma_wait3A_58 = tpu.memref_slice %arg2[%add3A_40, %dma_wait3A_57] : memref<2500x128xi32, #tpu.memory_space<hbm>> -> memref<1x128xi32, #tpu.memory_space<hbm>>
        tpu.wait_dma2 semaphore(%run_scoped3A : memref<!tpu.dma_semaphore, #tpu.memory_space<semaphore_mem>>) src(%dma_wait3A_58 : memref<1x128xi32, #tpu.memory_space<hbm>>) dst(%dma_wait3A_56 : memref<1x128xi32, #tpu.memory_space<vmem>>)
        tpu.yield
      }) : () -> ()
    } else {
    }
    %lt3A_20 = arith.constant 4 : i32
    %lt3A_21 = arith.cmpi slt, %add3A, %lt3A_20 : i32
    %jit3A = arith.constant 1 : i32
    %jit3A_22 = arith.constant 0 : i32
    %select_n3A = arith.select %lt3A_21, %jit3A, %jit3A_22 : i32
    %add3A_23 = arith.constant 78 : i32
    %add3A_24 = arith.addi %add3A_23, %select_n3A : i32
    %while3A = arith.constant 0 : i32
    %while3A_25 = arith.constant 0 : i32
    %while3A_26 = arith.subi %add3A_24, %while3A_25 : i32
    %while3A_27 = arith.addi %while3A_25, %while3A_26 : i32
    %while3A_28 = arith.constant 1 : i32
    %while3A_29 = arith.divsi %while3A_26, %while3A_28 : i32
    %while3A_30 = arith.muli %while3A_29, %while3A_28 : i32
    %while3A_31 = arith.addi %while3A_25, %while3A_30 : i32
    %while3A_32 = arith.constant 1 : i32
    scf.for %while3A_39 = %while3A_25 to %while3A_31 step %while3A_32  : i32 {
      "tpu.region"() ({
        %run_scoped3A = tpu.sem_alloc : memref<!tpu.dma_semaphore, #tpu.memory_space<semaphore_mem>>
        %dma_start3A = arith.constant 0 : i32
        %dma_start3A_40 = tpu.memref_slice %arg4[%while3A_39, %dma_start3A] : memref<79x128xi32, #tpu.memory_space<vmem>> -> memref<1x128xi32, #tpu.memory_space<vmem>>
        %dma_start3A_41 = tpu.memref_squeeze %dma_start3A_40 : memref<1x128xi32, #tpu.memory_space<vmem>> -> memref<128xi32, #tpu.memory_space<vmem>>
        %dma_start3A_42 = arith.constant 0 : i32
        %dma_start3A_43 = arith.constant 0 : i32
        %dma_start3A_44 = tpu.memref_slice %arg7[%dma_start3A_42, %dma_start3A_43] : memref<10240x16xf32, #tpu.memory_space<vmem_shared>> -> memref<10240x16xf32, #tpu.memory_space<vmem_shared>>
        tpu.enqueue_indirect_dma source(%arg5 : memref<128x16xf32, #tpu.memory_space<vmem>>) target(%dma_start3A_44 : memref<10240x16xf32, #tpu.memory_space<vmem_shared>>) offsets(%dma_start3A_41 : memref<128xi32, #tpu.memory_space<vmem>>) semaphore(%run_scoped3A : memref<!tpu.dma_semaphore, #tpu.memory_space<semaphore_mem>>) {add = true}
        %dma_wait3A = arith.constant 0 : i32
        %dma_wait3A_45 = tpu.memref_slice %arg4[%while3A_39, %dma_wait3A] : memref<79x128xi32, #tpu.memory_space<vmem>> -> memref<1x128xi32, #tpu.memory_space<vmem>>
        %dma_wait3A_46 = tpu.memref_squeeze %dma_wait3A_45 : memref<1x128xi32, #tpu.memory_space<vmem>> -> memref<128xi32, #tpu.memory_space<vmem>>
        %dma_wait3A_47 = arith.constant 0 : i32
        %dma_wait3A_48 = arith.constant 0 : i32
        %dma_wait3A_49 = tpu.memref_slice %arg7[%dma_wait3A_47, %dma_wait3A_48] : memref<10240x16xf32, #tpu.memory_space<vmem_shared>> -> memref<10240x16xf32, #tpu.memory_space<vmem_shared>>
        tpu.wait_indirect_dma semaphore(%run_scoped3A : memref<!tpu.dma_semaphore, #tpu.memory_space<semaphore_mem>>) src(%arg5 : memref<128x16xf32, #tpu.memory_space<vmem>>) dst(%dma_wait3A_49 : memref<10240x16xf32, #tpu.memory_space<vmem_shared>>)
        tpu.yield
      }) : () -> ()
    }
    %while3A_33 = arith.constant 1 : i32
    scf.for %while3A_39 = %while3A_31 to %while3A_27 step %while3A_33  : i32 {
      "tpu.region"() ({
        %run_scoped3A = tpu.sem_alloc : memref<!tpu.dma_semaphore, #tpu.memory_space<semaphore_mem>>
        %dma_start3A = arith.constant 0 : i32
        %dma_start3A_40 = tpu.memref_slice %arg4[%while3A_39, %dma_start3A] : memref<79x128xi32, #tpu.memory_space<vmem>> -> memref<1x128xi32, #tpu.memory_space<vmem>>
        %dma_start3A_41 = tpu.memref_squeeze %dma_start3A_40 : memref<1x128xi32, #tpu.memory_space<vmem>> -> memref<128xi32, #tpu.memory_space<vmem>>
        %dma_start3A_42 = arith.constant 0 : i32
        %dma_start3A_43 = arith.constant 0 : i32
        %dma_start3A_44 = tpu.memref_slice %arg7[%dma_start3A_42, %dma_start3A_43] : memref<10240x16xf32, #tpu.memory_space<vmem_shared>> -> memref<10240x16xf32, #tpu.memory_space<vmem_shared>>
        tpu.enqueue_indirect_dma source(%arg5 : memref<128x16xf32, #tpu.memory_space<vmem>>) target(%dma_start3A_44 : memref<10240x16xf32, #tpu.memory_space<vmem_shared>>) offsets(%dma_start3A_41 : memref<128xi32, #tpu.memory_space<vmem>>) semaphore(%run_scoped3A : memref<!tpu.dma_semaphore, #tpu.memory_space<semaphore_mem>>) {add = true}
        %dma_wait3A = arith.constant 0 : i32
        %dma_wait3A_45 = tpu.memref_slice %arg4[%while3A_39, %dma_wait3A] : memref<79x128xi32, #tpu.memory_space<vmem>> -> memref<1x128xi32, #tpu.memory_space<vmem>>
        %dma_wait3A_46 = tpu.memref_squeeze %dma_wait3A_45 : memref<1x128xi32, #tpu.memory_space<vmem>> -> memref<128xi32, #tpu.memory_space<vmem>>
        %dma_wait3A_47 = arith.constant 0 : i32
        %dma_wait3A_48 = arith.constant 0 : i32
        %dma_wait3A_49 = tpu.memref_slice %arg7[%dma_wait3A_47, %dma_wait3A_48] : memref<10240x16xf32, #tpu.memory_space<vmem_shared>> -> memref<10240x16xf32, #tpu.memory_space<vmem_shared>>
        tpu.wait_indirect_dma semaphore(%run_scoped3A : memref<!tpu.dma_semaphore, #tpu.memory_space<semaphore_mem>>) src(%arg5 : memref<128x16xf32, #tpu.memory_space<vmem>>) dst(%dma_wait3A_49 : memref<10240x16xf32, #tpu.memory_space<vmem_shared>>)
        tpu.yield
      }) : () -> ()
    }
    %barrier3A_34 = arith.constant 0 : index
    tpu.barrier barrier_id(%barrier3A_34)
    %mul3A_35 = arith.constant 640 : i32
    %mul3A_36 = arith.muli %arg1, %mul3A_35 : i32
    "tpu.region"() ({
      %run_scoped3A = tpu.sem_alloc : memref<!tpu.dma_semaphore, #tpu.memory_space<semaphore_mem>>
      %dma_start3A = arith.constant 0 : i32
      %dma_start3A_39 = tpu.memref_slice %arg7[%mul3A_36, %dma_start3A] : memref<10240x16xf32, #tpu.memory_space<vmem_shared>> -> memref<640x16xf32, #tpu.memory_space<vmem_shared>>
      %dma_start3A_40 = arith.constant 0 : i32
      %dma_start3A_41 = tpu.memref_slice %arg7[%mul3A_36, %dma_start3A_40] : memref<10240x16xf32, #tpu.memory_space<vmem_shared>> -> memref<640x16xf32, #tpu.memory_space<vmem_shared>>
      tpu.enqueue_dma source(%dma_start3A_41 : memref<640x16xf32, #tpu.memory_space<vmem_shared>>) target(%arg6 : memref<640x16xf32, #tpu.memory_space<vmem>>) target_semaphore(%run_scoped3A : memref<!tpu.dma_semaphore, #tpu.memory_space<semaphore_mem>>)
      %dma_wait3A = arith.constant 0 : i32
      %dma_wait3A_42 = tpu.memref_slice %arg7[%mul3A_36, %dma_wait3A] : memref<10240x16xf32, #tpu.memory_space<vmem_shared>> -> memref<640x16xf32, #tpu.memory_space<vmem_shared>>
      %dma_wait3A_43 = arith.constant 0 : i32
      %dma_wait3A_44 = tpu.memref_slice %arg7[%mul3A_36, %dma_wait3A_43] : memref<10240x16xf32, #tpu.memory_space<vmem_shared>> -> memref<640x16xf32, #tpu.memory_space<vmem_shared>>
      tpu.wait_dma2 semaphore(%run_scoped3A : memref<!tpu.dma_semaphore, #tpu.memory_space<semaphore_mem>>) src(%dma_wait3A_44 : memref<640x16xf32, #tpu.memory_space<vmem_shared>>) dst(%arg6 : memref<640x16xf32, #tpu.memory_space<vmem>>)
      tpu.yield
    }) : () -> ()
    %mul3A_37 = arith.constant 640 : i32
    %mul3A_38 = arith.muli %arg1, %mul3A_37 : i32
    "tpu.region"() ({
      %run_scoped3A = tpu.sem_alloc : memref<!tpu.dma_semaphore, #tpu.memory_space<semaphore_mem>>
      %dma_start3A = arith.constant 0 : i32
      %dma_start3A_39 = tpu.memref_slice %arg3[%arg0, %mul3A_38, %dma_start3A] : memref<2x10240x16xf32, #tpu.memory_space<hbm>> -> memref<1x640x16xf32, #tpu.memory_space<hbm>>
      %dma_start3A_40 = tpu.memref_squeeze %dma_start3A_39 : memref<1x640x16xf32, #tpu.memory_space<hbm>> -> memref<640x16xf32, #tpu.memory_space<hbm>>
      %dma_start3A_41 = arith.constant 0 : i32
      %dma_start3A_42 = tpu.memref_slice %arg3[%arg0, %mul3A_38, %dma_start3A_41] : memref<2x10240x16xf32, #tpu.memory_space<hbm>> -> memref<1x640x16xf32, #tpu.memory_space<hbm>>
      %dma_start3A_43 = tpu.memref_squeeze %dma_start3A_42 : memref<1x640x16xf32, #tpu.memory_space<hbm>> -> memref<640x16xf32, #tpu.memory_space<hbm>>
      tpu.enqueue_dma source(%arg6 : memref<640x16xf32, #tpu.memory_space<vmem>>) target(%dma_start3A_43 : memref<640x16xf32, #tpu.memory_space<hbm>>) target_semaphore(%run_scoped3A : memref<!tpu.dma_semaphore, #tpu.memory_space<semaphore_mem>>)
      %dma_wait3A = arith.constant 0 : i32
      %dma_wait3A_44 = tpu.memref_slice %arg3[%arg0, %mul3A_38, %dma_wait3A] : memref<2x10240x16xf32, #tpu.memory_space<hbm>> -> memref<1x640x16xf32, #tpu.memory_space<hbm>>
      %dma_wait3A_45 = tpu.memref_squeeze %dma_wait3A_44 : memref<1x640x16xf32, #tpu.memory_space<hbm>> -> memref<640x16xf32, #tpu.memory_space<hbm>>
      %dma_wait3A_46 = arith.constant 0 : i32
      %dma_wait3A_47 = tpu.memref_slice %arg3[%arg0, %mul3A_38, %dma_wait3A_46] : memref<2x10240x16xf32, #tpu.memory_space<hbm>> -> memref<1x640x16xf32, #tpu.memory_space<hbm>>
      %dma_wait3A_48 = tpu.memref_squeeze %dma_wait3A_47 : memref<1x640x16xf32, #tpu.memory_space<hbm>> -> memref<640x16xf32, #tpu.memory_space<hbm>>
      tpu.wait_dma2 semaphore(%run_scoped3A : memref<!tpu.dma_semaphore, #tpu.memory_space<semaphore_mem>>) src(%arg6 : memref<640x16xf32, #tpu.memory_space<vmem>>) dst(%dma_wait3A_48 : memref<640x16xf32, #tpu.memory_space<hbm>>)
      tpu.yield
    }) : () -> ()
    return
  }
}

#map = affine_map<(d0, d1) -> (0, 0)>
#map1 = affine_map<(d0, d1) -> (0, 0, 0)>
module attributes {stable_mosaic.version = 14 : i64} {
  func.func @body(%arg0: i32, %arg1: i32, %arg2: memref<10000x32xf32, #tpu.memory_space<hbm>>, %arg3: memref<2500x128xi32, #tpu.memory_space<hbm>>, %arg4: memref<2500x128xi32, #tpu.memory_space<hbm>>, %arg5: memref<2x10240x32xf32, #tpu.memory_space<hbm>>, %arg6: memref<79x128xi32, #tpu.memory_space<vmem>>, %arg7: memref<79x128xi32, #tpu.memory_space<vmem>>, %arg8: memref<6x128x32xf32, #tpu.memory_space<vmem>>, %arg9: memref<640x32xf32, #tpu.memory_space<vmem>>, %arg10: memref<10240x32xf32, #tpu.memory_space<vmem_shared>>, %arg11: memref<10000x32xf32, #tpu.memory_space<vmem_shared>>, %arg12: memref<6x!tpu.dma_semaphore, #tpu.memory_space<semaphore_mem>>, %arg13: memref<6x!tpu.dma_semaphore, #tpu.memory_space<semaphore_mem>>) attributes {dimension_semantics = [#tpu.dimension_semantics<core_parallel>, #tpu.dimension_semantics<subcore_parallel>], iteration_bounds = array<i64: 2, 16>, scalar_prefetch = 0 : i64, scratch_operands = 8 : i64, tpu.core_type = #tpu.core_type<sc_vector_subcore>, window_params = [{transform_indices = #map}, {transform_indices = #map}, {transform_indices = #map}, {transform_indices = #map1}]} {
    %mul3A = arith.constant 2 : i32
    %mul3A_0 = arith.muli %arg1, %mul3A : i32
    %add3A = arith.addi %mul3A_0, %arg0 : i32
    %scan3A = arith.constant 0 : i32
    %scan3A_1 = arith.constant 0 : i32
    %scan3A_2 = arith.constant 640 : i32
    %scan3A_3 = arith.addi %scan3A_1, %scan3A_2 : i32
    %scan3A_4 = arith.constant 1 : i32
    scf.for %scan3A_198 = %scan3A_1 to %scan3A_3 step %scan3A_4  : i32 {
      %broadcast_in_dim3A = arith.constant 0.000000e+00 : f32
      %broadcast_in_dim3A_199 = vector.broadcast %broadcast_in_dim3A : f32 to vector<16xf32>
      %swap3A = arith.index_cast %scan3A_198 : i32 to index
      %swap3A_200 = arith.constant 0 : index
      %swap3A_201 = tpu.vector_load %arg9[%swap3A, %swap3A_200] {strides = array<i32>} : memref<640x32xf32, #tpu.memory_space<vmem>>, vector<1x16xf32>,
      %swap3A_202 = vector.shape_cast %swap3A_201 : vector<1x16xf32> to vector<16xf32>
      %swap3A_203 = vector.shape_cast %broadcast_in_dim3A_199 : vector<16xf32> to vector<1x16xf32>
      tpu.vector_store %arg9[%swap3A, %swap3A_200], %swap3A_203 {strides = array<i32>} : memref<640x32xf32, #tpu.memory_space<vmem>>, vector<1x16xf32>,
      %broadcast_in_dim3A_204 = arith.constant 0.000000e+00 : f32
      %broadcast_in_dim3A_205 = vector.broadcast %broadcast_in_dim3A_204 : f32 to vector<16xf32>
      %swap3A_206 = arith.index_cast %scan3A_198 : i32 to index
      %swap3A_207 = arith.constant 16 : index
      %swap3A_208 = tpu.vector_load %arg9[%swap3A_206, %swap3A_207] {strides = array<i32>} : memref<640x32xf32, #tpu.memory_space<vmem>>, vector<1x16xf32>,
      %swap3A_209 = vector.shape_cast %swap3A_208 : vector<1x16xf32> to vector<16xf32>
      %swap3A_210 = vector.shape_cast %broadcast_in_dim3A_205 : vector<16xf32> to vector<1x16xf32>
      tpu.vector_store %arg9[%swap3A_206, %swap3A_207], %swap3A_210 {strides = array<i32>} : memref<640x32xf32, #tpu.memory_space<vmem>>, vector<1x16xf32>,
    }
    %scan3A_5 = arith.constant 640 : i32
    %mul3A_6 = arith.constant 640 : i32
    %mul3A_7 = arith.muli %arg1, %mul3A_6 : i32
    "tpu.region"() ({
      %run_scoped3A = tpu.sem_alloc : memref<!tpu.dma_semaphore, #tpu.memory_space<semaphore_mem>>
      %dma_start3A_198 = arith.constant 0 : i32
      %dma_start3A_199 = tpu.memref_slice %arg10[%mul3A_7, %dma_start3A_198] : memref<10240x32xf32, #tpu.memory_space<vmem_shared>> -> memref<640x32xf32, #tpu.memory_space<vmem_shared>>
      %dma_start3A_200 = arith.constant 0 : i32
      %dma_start3A_201 = tpu.memref_slice %arg10[%mul3A_7, %dma_start3A_200] : memref<10240x32xf32, #tpu.memory_space<vmem_shared>> -> memref<640x32xf32, #tpu.memory_space<vmem_shared>>
      tpu.enqueue_dma source(%arg9 : memref<640x32xf32, #tpu.memory_space<vmem>>) target(%dma_start3A_201 : memref<640x32xf32, #tpu.memory_space<vmem_shared>>) target_semaphore(%run_scoped3A : memref<!tpu.dma_semaphore, #tpu.memory_space<semaphore_mem>>)
      %dma_wait3A_202 = arith.constant 0 : i32
      %dma_wait3A_203 = tpu.memref_slice %arg10[%mul3A_7, %dma_wait3A_202] : memref<10240x32xf32, #tpu.memory_space<vmem_shared>> -> memref<640x32xf32, #tpu.memory_space<vmem_shared>>
      %dma_wait3A_204 = arith.constant 0 : i32
      %dma_wait3A_205 = tpu.memref_slice %arg10[%mul3A_7, %dma_wait3A_204] : memref<10240x32xf32, #tpu.memory_space<vmem_shared>> -> memref<640x32xf32, #tpu.memory_space<vmem_shared>>
      tpu.wait_dma2 semaphore(%run_scoped3A : memref<!tpu.dma_semaphore, #tpu.memory_space<semaphore_mem>>) src(%arg9 : memref<640x32xf32, #tpu.memory_space<vmem>>) dst(%dma_wait3A_205 : memref<640x32xf32, #tpu.memory_space<vmem_shared>>)
      tpu.yield
    }) : () -> ()
    %lt3A = arith.constant 10 : i32
    %lt3A_8 = arith.cmpi slt, %arg1, %lt3A : i32
    %convert_element_type3A = arith.extui %lt3A_8 : i1 to i32
    %cond3A = arith.constant 0 : i32
    %cond3A_9 = arith.cmpi ne, %convert_element_type3A, %cond3A : i32
    scf.if %cond3A_9 {
      %mul3A_198 = arith.constant 1000 : i32
      %mul3A_199 = arith.muli %arg1, %mul3A_198 : i32
      %mul3A_200 = arith.constant 1000 : i32
      %mul3A_201 = arith.muli %arg1, %mul3A_200 : i32
      "tpu.region"() ({
        %run_scoped3A = tpu.sem_alloc : memref<!tpu.dma_semaphore, #tpu.memory_space<semaphore_mem>>
        %dma_start3A_202 = arith.constant 0 : i32
        %dma_start3A_203 = tpu.memref_slice %arg11[%mul3A_201, %dma_start3A_202] : memref<10000x32xf32, #tpu.memory_space<vmem_shared>> -> memref<1000x32xf32, #tpu.memory_space<vmem_shared>>
        %dma_start3A_204 = arith.constant 0 : i32
        %dma_start3A_205 = tpu.memref_slice %arg2[%mul3A_199, %dma_start3A_204] : memref<10000x32xf32, #tpu.memory_space<hbm>> -> memref<1000x32xf32, #tpu.memory_space<hbm>>
        tpu.enqueue_dma source(%dma_start3A_205 : memref<1000x32xf32, #tpu.memory_space<hbm>>) target(%dma_start3A_203 : memref<1000x32xf32, #tpu.memory_space<vmem_shared>>) target_semaphore(%run_scoped3A : memref<!tpu.dma_semaphore, #tpu.memory_space<semaphore_mem>>)
        %dma_wait3A_206 = arith.constant 0 : i32
        %dma_wait3A_207 = tpu.memref_slice %arg11[%mul3A_201, %dma_wait3A_206] : memref<10000x32xf32, #tpu.memory_space<vmem_shared>> -> memref<1000x32xf32, #tpu.memory_space<vmem_shared>>
        %dma_wait3A_208 = arith.constant 0 : i32
        %dma_wait3A_209 = tpu.memref_slice %arg2[%mul3A_199, %dma_wait3A_208] : memref<10000x32xf32, #tpu.memory_space<hbm>> -> memref<1000x32xf32, #tpu.memory_space<hbm>>
        tpu.wait_dma2 semaphore(%run_scoped3A : memref<!tpu.dma_semaphore, #tpu.memory_space<semaphore_mem>>) src(%dma_wait3A_209 : memref<1000x32xf32, #tpu.memory_space<hbm>>) dst(%dma_wait3A_207 : memref<1000x32xf32, #tpu.memory_space<vmem_shared>>)
        tpu.yield
      }) : () -> ()
    } else {
    }
    %barrier3A = arith.constant 0 : index
    tpu.barrier barrier_id(%barrier3A)
    %mul3A_10 = arith.constant 78 : i32
    %mul3A_11 = arith.muli %add3A, %mul3A_10 : i32
    %min3A = arith.constant 4 : i32
    %min3A_12 = arith.minsi %add3A, %min3A : i32
    %add3A_13 = arith.addi %mul3A_11, %min3A_12 : i32
    "tpu.region"() ({
      %run_scoped3A = tpu.sem_alloc : memref<!tpu.dma_semaphore, #tpu.memory_space<semaphore_mem>>
      %dma_start3A_198 = arith.constant 0 : i32
      %dma_start3A_199 = arith.constant 0 : i32
      %dma_start3A_200 = tpu.memref_slice %arg6[%dma_start3A_198, %dma_start3A_199] : memref<79x128xi32, #tpu.memory_space<vmem>> -> memref<78x128xi32, #tpu.memory_space<vmem>>
      %dma_start3A_201 = arith.constant 0 : i32
      %dma_start3A_202 = tpu.memref_slice %arg3[%add3A_13, %dma_start3A_201] : memref<2500x128xi32, #tpu.memory_space<hbm>> -> memref<78x128xi32, #tpu.memory_space<hbm>>
      %dma_start3A_203 = arith.constant 0 : i32
      %dma_start3A_204 = arith.constant 0 : i32
      %dma_start3A_205 = tpu.memref_slice %arg6[%dma_start3A_203, %dma_start3A_204] : memref<79x128xi32, #tpu.memory_space<vmem>> -> memref<78x128xi32, #tpu.memory_space<vmem>>
      %dma_start3A_206 = arith.constant 0 : i32
      %dma_start3A_207 = tpu.memref_slice %arg3[%add3A_13, %dma_start3A_206] : memref<2500x128xi32, #tpu.memory_space<hbm>> -> memref<78x128xi32, #tpu.memory_space<hbm>>
      tpu.enqueue_dma source(%dma_start3A_207 : memref<78x128xi32, #tpu.memory_space<hbm>>) target(%dma_start3A_205 : memref<78x128xi32, #tpu.memory_space<vmem>>) target_semaphore(%run_scoped3A : memref<!tpu.dma_semaphore, #tpu.memory_space<semaphore_mem>>)
      %dma_wait3A_208 = arith.constant 0 : i32
      %dma_wait3A_209 = arith.constant 0 : i32
      %dma_wait3A_210 = tpu.memref_slice %arg6[%dma_wait3A_208, %dma_wait3A_209] : memref<79x128xi32, #tpu.memory_space<vmem>> -> memref<78x128xi32, #tpu.memory_space<vmem>>
      %dma_wait3A_211 = arith.constant 0 : i32
      %dma_wait3A_212 = tpu.memref_slice %arg3[%add3A_13, %dma_wait3A_211] : memref<2500x128xi32, #tpu.memory_space<hbm>> -> memref<78x128xi32, #tpu.memory_space<hbm>>
      %dma_wait3A_213 = arith.constant 0 : i32
      %dma_wait3A_214 = arith.constant 0 : i32
      %dma_wait3A_215 = tpu.memref_slice %arg6[%dma_wait3A_213, %dma_wait3A_214] : memref<79x128xi32, #tpu.memory_space<vmem>> -> memref<78x128xi32, #tpu.memory_space<vmem>>
      %dma_wait3A_216 = arith.constant 0 : i32
      %dma_wait3A_217 = tpu.memref_slice %arg3[%add3A_13, %dma_wait3A_216] : memref<2500x128xi32, #tpu.memory_space<hbm>> -> memref<78x128xi32, #tpu.memory_space<hbm>>
      tpu.wait_dma2 semaphore(%run_scoped3A : memref<!tpu.dma_semaphore, #tpu.memory_space<semaphore_mem>>) src(%dma_wait3A_217 : memref<78x128xi32, #tpu.memory_space<hbm>>) dst(%dma_wait3A_215 : memref<78x128xi32, #tpu.memory_space<vmem>>)
      tpu.yield
    }) : () -> ()
    "tpu.region"() ({
      %run_scoped3A = tpu.sem_alloc : memref<!tpu.dma_semaphore, #tpu.memory_space<semaphore_mem>>
      %dma_start3A_198 = arith.constant 0 : i32
      %dma_start3A_199 = arith.constant 0 : i32
      %dma_start3A_200 = tpu.memref_slice %arg7[%dma_start3A_198, %dma_start3A_199] : memref<79x128xi32, #tpu.memory_space<vmem>> -> memref<78x128xi32, #tpu.memory_space<vmem>>
      %dma_start3A_201 = arith.constant 0 : i32
      %dma_start3A_202 = tpu.memref_slice %arg4[%add3A_13, %dma_start3A_201] : memref<2500x128xi32, #tpu.memory_space<hbm>> -> memref<78x128xi32, #tpu.memory_space<hbm>>
      %dma_start3A_203 = arith.constant 0 : i32
      %dma_start3A_204 = arith.constant 0 : i32
      %dma_start3A_205 = tpu.memref_slice %arg7[%dma_start3A_203, %dma_start3A_204] : memref<79x128xi32, #tpu.memory_space<vmem>> -> memref<78x128xi32, #tpu.memory_space<vmem>>
      %dma_start3A_206 = arith.constant 0 : i32
      %dma_start3A_207 = tpu.memref_slice %arg4[%add3A_13, %dma_start3A_206] : memref<2500x128xi32, #tpu.memory_space<hbm>> -> memref<78x128xi32, #tpu.memory_space<hbm>>
      tpu.enqueue_dma source(%dma_start3A_207 : memref<78x128xi32, #tpu.memory_space<hbm>>) target(%dma_start3A_205 : memref<78x128xi32, #tpu.memory_space<vmem>>) target_semaphore(%run_scoped3A : memref<!tpu.dma_semaphore, #tpu.memory_space<semaphore_mem>>)
      %dma_wait3A_208 = arith.constant 0 : i32
      %dma_wait3A_209 = arith.constant 0 : i32
      %dma_wait3A_210 = tpu.memref_slice %arg7[%dma_wait3A_208, %dma_wait3A_209] : memref<79x128xi32, #tpu.memory_space<vmem>> -> memref<78x128xi32, #tpu.memory_space<vmem>>
      %dma_wait3A_211 = arith.constant 0 : i32
      %dma_wait3A_212 = tpu.memref_slice %arg4[%add3A_13, %dma_wait3A_211] : memref<2500x128xi32, #tpu.memory_space<hbm>> -> memref<78x128xi32, #tpu.memory_space<hbm>>
      %dma_wait3A_213 = arith.constant 0 : i32
      %dma_wait3A_214 = arith.constant 0 : i32
      %dma_wait3A_215 = tpu.memref_slice %arg7[%dma_wait3A_213, %dma_wait3A_214] : memref<79x128xi32, #tpu.memory_space<vmem>> -> memref<78x128xi32, #tpu.memory_space<vmem>>
      %dma_wait3A_216 = arith.constant 0 : i32
      %dma_wait3A_217 = tpu.memref_slice %arg4[%add3A_13, %dma_wait3A_216] : memref<2500x128xi32, #tpu.memory_space<hbm>> -> memref<78x128xi32, #tpu.memory_space<hbm>>
      tpu.wait_dma2 semaphore(%run_scoped3A : memref<!tpu.dma_semaphore, #tpu.memory_space<semaphore_mem>>) src(%dma_wait3A_217 : memref<78x128xi32, #tpu.memory_space<hbm>>) dst(%dma_wait3A_215 : memref<78x128xi32, #tpu.memory_space<vmem>>)
      tpu.yield
    }) : () -> ()
    %lt3A_14 = arith.constant 4 : i32
    %lt3A_15 = arith.cmpi slt, %add3A, %lt3A_14 : i32
    %convert_element_type3A_16 = arith.extui %lt3A_15 : i1 to i32
    %cond3A_17 = arith.constant 0 : i32
    %cond3A_18 = arith.cmpi ne, %convert_element_type3A_16, %cond3A_17 : i32
    scf.if %cond3A_18 {
      %add3A_198 = arith.constant 78 : i32
      %add3A_199 = arith.addi %add3A_13, %add3A_198 : i32
      "tpu.region"() ({
        %run_scoped3A = tpu.sem_alloc : memref<!tpu.dma_semaphore, #tpu.memory_space<semaphore_mem>>
        %dma_start3A_202 = arith.constant 78 : i32
        %dma_start3A_203 = arith.constant 0 : i32
        %dma_start3A_204 = tpu.memref_slice %arg6[%dma_start3A_202, %dma_start3A_203] : memref<79x128xi32, #tpu.memory_space<vmem>> -> memref<1x128xi32, #tpu.memory_space<vmem>>
        %dma_start3A_205 = arith.constant 0 : i32
        %dma_start3A_206 = tpu.memref_slice %arg3[%add3A_199, %dma_start3A_205] : memref<2500x128xi32, #tpu.memory_space<hbm>> -> memref<1x128xi32, #tpu.memory_space<hbm>>
        %dma_start3A_207 = arith.constant 78 : i32
        %dma_start3A_208 = arith.constant 0 : i32
        %dma_start3A_209 = tpu.memref_slice %arg6[%dma_start3A_207, %dma_start3A_208] : memref<79x128xi32, #tpu.memory_space<vmem>> -> memref<1x128xi32, #tpu.memory_space<vmem>>
        %dma_start3A_210 = arith.constant 0 : i32
        %dma_start3A_211 = tpu.memref_slice %arg3[%add3A_199, %dma_start3A_210] : memref<2500x128xi32, #tpu.memory_space<hbm>> -> memref<1x128xi32, #tpu.memory_space<hbm>>
        tpu.enqueue_dma source(%dma_start3A_211 : memref<1x128xi32, #tpu.memory_space<hbm>>) target(%dma_start3A_209 : memref<1x128xi32, #tpu.memory_space<vmem>>) target_semaphore(%run_scoped3A : memref<!tpu.dma_semaphore, #tpu.memory_space<semaphore_mem>>)
        %dma_wait3A_212 = arith.constant 78 : i32
        %dma_wait3A_213 = arith.constant 0 : i32
        %dma_wait3A_214 = tpu.memref_slice %arg6[%dma_wait3A_212, %dma_wait3A_213] : memref<79x128xi32, #tpu.memory_space<vmem>> -> memref<1x128xi32, #tpu.memory_space<vmem>>
        %dma_wait3A_215 = arith.constant 0 : i32
        %dma_wait3A_216 = tpu.memref_slice %arg3[%add3A_199, %dma_wait3A_215] : memref<2500x128xi32, #tpu.memory_space<hbm>> -> memref<1x128xi32, #tpu.memory_space<hbm>>
        %dma_wait3A_217 = arith.constant 78 : i32
        %dma_wait3A_218 = arith.constant 0 : i32
        %dma_wait3A_219 = tpu.memref_slice %arg6[%dma_wait3A_217, %dma_wait3A_218] : memref<79x128xi32, #tpu.memory_space<vmem>> -> memref<1x128xi32, #tpu.memory_space<vmem>>
        %dma_wait3A_220 = arith.constant 0 : i32
        %dma_wait3A_221 = tpu.memref_slice %arg3[%add3A_199, %dma_wait3A_220] : memref<2500x128xi32, #tpu.memory_space<hbm>> -> memref<1x128xi32, #tpu.memory_space<hbm>>
        tpu.wait_dma2 semaphore(%run_scoped3A : memref<!tpu.dma_semaphore, #tpu.memory_space<semaphore_mem>>) src(%dma_wait3A_221 : memref<1x128xi32, #tpu.memory_space<hbm>>) dst(%dma_wait3A_219 : memref<1x128xi32, #tpu.memory_space<vmem>>)
        tpu.yield
      }) : () -> ()
      %add3A_200 = arith.constant 78 : i32
      %add3A_201 = arith.addi %add3A_13, %add3A_200 : i32
      "tpu.region"() ({
        %run_scoped3A = tpu.sem_alloc : memref<!tpu.dma_semaphore, #tpu.memory_space<semaphore_mem>>
        %dma_start3A_202 = arith.constant 78 : i32
        %dma_start3A_203 = arith.constant 0 : i32
        %dma_start3A_204 = tpu.memref_slice %arg7[%dma_start3A_202, %dma_start3A_203] : memref<79x128xi32, #tpu.memory_space<vmem>> -> memref<1x128xi32, #tpu.memory_space<vmem>>
        %dma_start3A_205 = arith.constant 0 : i32
        %dma_start3A_206 = tpu.memref_slice %arg4[%add3A_201, %dma_start3A_205] : memref<2500x128xi32, #tpu.memory_space<hbm>> -> memref<1x128xi32, #tpu.memory_space<hbm>>
        %dma_start3A_207 = arith.constant 78 : i32
        %dma_start3A_208 = arith.constant 0 : i32
        %dma_start3A_209 = tpu.memref_slice %arg7[%dma_start3A_207, %dma_start3A_208] : memref<79x128xi32, #tpu.memory_space<vmem>> -> memref<1x128xi32, #tpu.memory_space<vmem>>
        %dma_start3A_210 = arith.constant 0 : i32
        %dma_start3A_211 = tpu.memref_slice %arg4[%add3A_201, %dma_start3A_210] : memref<2500x128xi32, #tpu.memory_space<hbm>> -> memref<1x128xi32, #tpu.memory_space<hbm>>
        tpu.enqueue_dma source(%dma_start3A_211 : memref<1x128xi32, #tpu.memory_space<hbm>>) target(%dma_start3A_209 : memref<1x128xi32, #tpu.memory_space<vmem>>) target_semaphore(%run_scoped3A : memref<!tpu.dma_semaphore, #tpu.memory_space<semaphore_mem>>)
        %dma_wait3A_212 = arith.constant 78 : i32
        %dma_wait3A_213 = arith.constant 0 : i32
        %dma_wait3A_214 = tpu.memref_slice %arg7[%dma_wait3A_212, %dma_wait3A_213] : memref<79x128xi32, #tpu.memory_space<vmem>> -> memref<1x128xi32, #tpu.memory_space<vmem>>
        %dma_wait3A_215 = arith.constant 0 : i32
        %dma_wait3A_216 = tpu.memref_slice %arg4[%add3A_201, %dma_wait3A_215] : memref<2500x128xi32, #tpu.memory_space<hbm>> -> memref<1x128xi32, #tpu.memory_space<hbm>>
        %dma_wait3A_217 = arith.constant 78 : i32
        %dma_wait3A_218 = arith.constant 0 : i32
        %dma_wait3A_219 = tpu.memref_slice %arg7[%dma_wait3A_217, %dma_wait3A_218] : memref<79x128xi32, #tpu.memory_space<vmem>> -> memref<1x128xi32, #tpu.memory_space<vmem>>
        %dma_wait3A_220 = arith.constant 0 : i32
        %dma_wait3A_221 = tpu.memref_slice %arg4[%add3A_201, %dma_wait3A_220] : memref<2500x128xi32, #tpu.memory_space<hbm>> -> memref<1x128xi32, #tpu.memory_space<hbm>>
        tpu.wait_dma2 semaphore(%run_scoped3A : memref<!tpu.dma_semaphore, #tpu.memory_space<semaphore_mem>>) src(%dma_wait3A_221 : memref<1x128xi32, #tpu.memory_space<hbm>>) dst(%dma_wait3A_219 : memref<1x128xi32, #tpu.memory_space<vmem>>)
        tpu.yield
      }) : () -> ()
    } else {
    }
    %dma_start3A = arith.constant 0 : i32
    %dma_start3A_19 = arith.constant 0 : i32
    %dma_start3A_20 = arith.constant 0 : i32
    %dma_start3A_21 = arith.constant 0 : i32
    %dma_start3A_22 = arith.constant 0 : i32
    %dma_start3A_23 = tpu.memref_slice %arg8[%dma_start3A_19, %dma_start3A_21, %dma_start3A_22] : memref<6x128x32xf32, #tpu.memory_space<vmem>> -> memref<1x128x32xf32, #tpu.memory_space<vmem>>
    %dma_start3A_24 = tpu.memref_squeeze %dma_start3A_23 : memref<1x128x32xf32, #tpu.memory_space<vmem>> -> memref<128x32xf32, #tpu.memory_space<vmem>>
    %dma_start3A_25 = arith.constant 0 : i32
    %dma_start3A_26 = tpu.memref_slice %arg6[%dma_start3A, %dma_start3A_25] : memref<79x128xi32, #tpu.memory_space<vmem>> -> memref<1x128xi32, #tpu.memory_space<vmem>>
    %dma_start3A_27 = tpu.memref_squeeze %dma_start3A_26 : memref<1x128xi32, #tpu.memory_space<vmem>> -> memref<128xi32, #tpu.memory_space<vmem>>
    %dma_start3A_28 = arith.constant 0 : i32
    %dma_start3A_29 = arith.constant 0 : i32
    %dma_start3A_30 = tpu.memref_slice %arg11[%dma_start3A_28, %dma_start3A_29] : memref<10000x32xf32, #tpu.memory_space<vmem_shared>> -> memref<10000x32xf32, #tpu.memory_space<vmem_shared>>
    %dma_start3A_31 = tpu.memref_slice %arg12[%dma_start3A_20] : memref<6x!tpu.dma_semaphore, #tpu.memory_space<semaphore_mem>> -> memref<1x!tpu.dma_semaphore, #tpu.memory_space<semaphore_mem>>
    %dma_start3A_32 = tpu.memref_squeeze %dma_start3A_31 : memref<1x!tpu.dma_semaphore, #tpu.memory_space<semaphore_mem>> -> memref<!tpu.dma_semaphore, #tpu.memory_space<semaphore_mem>>
    tpu.enqueue_indirect_dma source(%dma_start3A_30 : memref<10000x32xf32, #tpu.memory_space<vmem_shared>>) target(%dma_start3A_24 : memref<128x32xf32, #tpu.memory_space<vmem>>) offsets(%dma_start3A_27 : memref<128xi32, #tpu.memory_space<vmem>>) semaphore(%dma_start3A_32 : memref<!tpu.dma_semaphore, #tpu.memory_space<semaphore_mem>>)
    %dma_start3A_33 = arith.constant 1 : i32
    %dma_start3A_34 = arith.constant 1 : i32
    %dma_start3A_35 = arith.constant 1 : i32
    %dma_start3A_36 = arith.constant 0 : i32
    %dma_start3A_37 = arith.constant 0 : i32
    %dma_start3A_38 = tpu.memref_slice %arg8[%dma_start3A_34, %dma_start3A_36, %dma_start3A_37] : memref<6x128x32xf32, #tpu.memory_space<vmem>> -> memref<1x128x32xf32, #tpu.memory_space<vmem>>
    %dma_start3A_39 = tpu.memref_squeeze %dma_start3A_38 : memref<1x128x32xf32, #tpu.memory_space<vmem>> -> memref<128x32xf32, #tpu.memory_space<vmem>>
    %dma_start3A_40 = arith.constant 0 : i32
    %dma_start3A_41 = tpu.memref_slice %arg6[%dma_start3A_33, %dma_start3A_40] : memref<79x128xi32, #tpu.memory_space<vmem>> -> memref<1x128xi32, #tpu.memory_space<vmem>>
    %dma_start3A_42 = tpu.memref_squeeze %dma_start3A_41 : memref<1x128xi32, #tpu.memory_space<vmem>> -> memref<128xi32, #tpu.memory_space<vmem>>
    %dma_start3A_43 = arith.constant 0 : i32
    %dma_start3A_44 = arith.constant 0 : i32
    %dma_start3A_45 = tpu.memref_slice %arg11[%dma_start3A_43, %dma_start3A_44] : memref<10000x32xf32, #tpu.memory_space<vmem_shared>> -> memref<10000x32xf32, #tpu.memory_space<vmem_shared>>
    %dma_start3A_46 = tpu.memref_slice %arg12[%dma_start3A_35] : memref<6x!tpu.dma_semaphore, #tpu.memory_space<semaphore_mem>> -> memref<1x!tpu.dma_semaphore, #tpu.memory_space<semaphore_mem>>
    %dma_start3A_47 = tpu.memref_squeeze %dma_start3A_46 : memref<1x!tpu.dma_semaphore, #tpu.memory_space<semaphore_mem>> -> memref<!tpu.dma_semaphore, #tpu.memory_space<semaphore_mem>>
    tpu.enqueue_indirect_dma source(%dma_start3A_45 : memref<10000x32xf32, #tpu.memory_space<vmem_shared>>) target(%dma_start3A_39 : memref<128x32xf32, #tpu.memory_space<vmem>>) offsets(%dma_start3A_42 : memref<128xi32, #tpu.memory_space<vmem>>) semaphore(%dma_start3A_47 : memref<!tpu.dma_semaphore, #tpu.memory_space<semaphore_mem>>)
    %dma_start3A_48 = arith.constant 2 : i32
    %dma_start3A_49 = arith.constant 2 : i32
    %dma_start3A_50 = arith.constant 2 : i32
    %dma_start3A_51 = arith.constant 0 : i32
    %dma_start3A_52 = arith.constant 0 : i32
    %dma_start3A_53 = tpu.memref_slice %arg8[%dma_start3A_49, %dma_start3A_51, %dma_start3A_52] : memref<6x128x32xf32, #tpu.memory_space<vmem>> -> memref<1x128x32xf32, #tpu.memory_space<vmem>>
    %dma_start3A_54 = tpu.memref_squeeze %dma_start3A_53 : memref<1x128x32xf32, #tpu.memory_space<vmem>> -> memref<128x32xf32, #tpu.memory_space<vmem>>
    %dma_start3A_55 = arith.constant 0 : i32
    %dma_start3A_56 = tpu.memref_slice %arg6[%dma_start3A_48, %dma_start3A_55] : memref<79x128xi32, #tpu.memory_space<vmem>> -> memref<1x128xi32, #tpu.memory_space<vmem>>
    %dma_start3A_57 = tpu.memref_squeeze %dma_start3A_56 : memref<1x128xi32, #tpu.memory_space<vmem>> -> memref<128xi32, #tpu.memory_space<vmem>>
    %dma_start3A_58 = arith.constant 0 : i32
    %dma_start3A_59 = arith.constant 0 : i32
    %dma_start3A_60 = tpu.memref_slice %arg11[%dma_start3A_58, %dma_start3A_59] : memref<10000x32xf32, #tpu.memory_space<vmem_shared>> -> memref<10000x32xf32, #tpu.memory_space<vmem_shared>>
    %dma_start3A_61 = tpu.memref_slice %arg12[%dma_start3A_50] : memref<6x!tpu.dma_semaphore, #tpu.memory_space<semaphore_mem>> -> memref<1x!tpu.dma_semaphore, #tpu.memory_space<semaphore_mem>>
    %dma_start3A_62 = tpu.memref_squeeze %dma_start3A_61 : memref<1x!tpu.dma_semaphore, #tpu.memory_space<semaphore_mem>> -> memref<!tpu.dma_semaphore, #tpu.memory_space<semaphore_mem>>
    tpu.enqueue_indirect_dma source(%dma_start3A_60 : memref<10000x32xf32, #tpu.memory_space<vmem_shared>>) target(%dma_start3A_54 : memref<128x32xf32, #tpu.memory_space<vmem>>) offsets(%dma_start3A_57 : memref<128xi32, #tpu.memory_space<vmem>>) semaphore(%dma_start3A_62 : memref<!tpu.dma_semaphore, #tpu.memory_space<semaphore_mem>>)
    %dma_start3A_63 = arith.constant 3 : i32
    %dma_start3A_64 = arith.constant 3 : i32
    %dma_start3A_65 = arith.constant 3 : i32
    %dma_start3A_66 = arith.constant 0 : i32
    %dma_start3A_67 = arith.constant 0 : i32
    %dma_start3A_68 = tpu.memref_slice %arg8[%dma_start3A_64, %dma_start3A_66, %dma_start3A_67] : memref<6x128x32xf32, #tpu.memory_space<vmem>> -> memref<1x128x32xf32, #tpu.memory_space<vmem>>
    %dma_start3A_69 = tpu.memref_squeeze %dma_start3A_68 : memref<1x128x32xf32, #tpu.memory_space<vmem>> -> memref<128x32xf32, #tpu.memory_space<vmem>>
    %dma_start3A_70 = arith.constant 0 : i32
    %dma_start3A_71 = tpu.memref_slice %arg6[%dma_start3A_63, %dma_start3A_70] : memref<79x128xi32, #tpu.memory_space<vmem>> -> memref<1x128xi32, #tpu.memory_space<vmem>>
    %dma_start3A_72 = tpu.memref_squeeze %dma_start3A_71 : memref<1x128xi32, #tpu.memory_space<vmem>> -> memref<128xi32, #tpu.memory_space<vmem>>
    %dma_start3A_73 = arith.constant 0 : i32
    %dma_start3A_74 = arith.constant 0 : i32
    %dma_start3A_75 = tpu.memref_slice %arg11[%dma_start3A_73, %dma_start3A_74] : memref<10000x32xf32, #tpu.memory_space<vmem_shared>> -> memref<10000x32xf32, #tpu.memory_space<vmem_shared>>
    %dma_start3A_76 = tpu.memref_slice %arg12[%dma_start3A_65] : memref<6x!tpu.dma_semaphore, #tpu.memory_space<semaphore_mem>> -> memref<1x!tpu.dma_semaphore, #tpu.memory_space<semaphore_mem>>
    %dma_start3A_77 = tpu.memref_squeeze %dma_start3A_76 : memref<1x!tpu.dma_semaphore, #tpu.memory_space<semaphore_mem>> -> memref<!tpu.dma_semaphore, #tpu.memory_space<semaphore_mem>>
    tpu.enqueue_indirect_dma source(%dma_start3A_75 : memref<10000x32xf32, #tpu.memory_space<vmem_shared>>) target(%dma_start3A_69 : memref<128x32xf32, #tpu.memory_space<vmem>>) offsets(%dma_start3A_72 : memref<128xi32, #tpu.memory_space<vmem>>) semaphore(%dma_start3A_77 : memref<!tpu.dma_semaphore, #tpu.memory_space<semaphore_mem>>)
    %dma_start3A_78 = arith.constant 4 : i32
    %dma_start3A_79 = arith.constant 4 : i32
    %dma_start3A_80 = arith.constant 4 : i32
    %dma_start3A_81 = arith.constant 0 : i32
    %dma_start3A_82 = arith.constant 0 : i32
    %dma_start3A_83 = tpu.memref_slice %arg8[%dma_start3A_79, %dma_start3A_81, %dma_start3A_82] : memref<6x128x32xf32, #tpu.memory_space<vmem>> -> memref<1x128x32xf32, #tpu.memory_space<vmem>>
    %dma_start3A_84 = tpu.memref_squeeze %dma_start3A_83 : memref<1x128x32xf32, #tpu.memory_space<vmem>> -> memref<128x32xf32, #tpu.memory_space<vmem>>
    %dma_start3A_85 = arith.constant 0 : i32
    %dma_start3A_86 = tpu.memref_slice %arg6[%dma_start3A_78, %dma_start3A_85] : memref<79x128xi32, #tpu.memory_space<vmem>> -> memref<1x128xi32, #tpu.memory_space<vmem>>
    %dma_start3A_87 = tpu.memref_squeeze %dma_start3A_86 : memref<1x128xi32, #tpu.memory_space<vmem>> -> memref<128xi32, #tpu.memory_space<vmem>>
    %dma_start3A_88 = arith.constant 0 : i32
    %dma_start3A_89 = arith.constant 0 : i32
    %dma_start3A_90 = tpu.memref_slice %arg11[%dma_start3A_88, %dma_start3A_89] : memref<10000x32xf32, #tpu.memory_space<vmem_shared>> -> memref<10000x32xf32, #tpu.memory_space<vmem_shared>>
    %dma_start3A_91 = tpu.memref_slice %arg12[%dma_start3A_80] : memref<6x!tpu.dma_semaphore, #tpu.memory_space<semaphore_mem>> -> memref<1x!tpu.dma_semaphore, #tpu.memory_space<semaphore_mem>>
    %dma_start3A_92 = tpu.memref_squeeze %dma_start3A_91 : memref<1x!tpu.dma_semaphore, #tpu.memory_space<semaphore_mem>> -> memref<!tpu.dma_semaphore, #tpu.memory_space<semaphore_mem>>
    tpu.enqueue_indirect_dma source(%dma_start3A_90 : memref<10000x32xf32, #tpu.memory_space<vmem_shared>>) target(%dma_start3A_84 : memref<128x32xf32, #tpu.memory_space<vmem>>) offsets(%dma_start3A_87 : memref<128xi32, #tpu.memory_space<vmem>>) semaphore(%dma_start3A_92 : memref<!tpu.dma_semaphore, #tpu.memory_space<semaphore_mem>>)
    %scan3A_93 = arith.constant 0 : i32
    %scan3A_94 = arith.constant 0 : i32
    %scan3A_95 = arith.constant 13 : i32
    %scan3A_96 = arith.addi %scan3A_94, %scan3A_95 : i32
    %scan3A_97 = arith.constant 1 : i32
    scf.for %scan3A_198 = %scan3A_94 to %scan3A_96 step %scan3A_97  : i32 {
      %mul3A_199 = arith.constant 6 : i32
      %mul3A_200 = arith.muli %scan3A_198, %mul3A_199 : i32
      %add3A_201 = arith.constant 0 : i32
      %add3A_202 = arith.addi %mul3A_200, %add3A_201 : i32
      %dma_wait3A_203 = arith.constant 0 : i32
      %dma_wait3A_204 = arith.constant 0 : i32
      %dma_wait3A_205 = arith.constant 0 : i32
      %dma_wait3A_206 = arith.constant 0 : i32
      %dma_wait3A_207 = tpu.memref_slice %arg8[%dma_wait3A_203, %dma_wait3A_205, %dma_wait3A_206] : memref<6x128x32xf32, #tpu.memory_space<vmem>> -> memref<1x128x32xf32, #tpu.memory_space<vmem>>
      %dma_wait3A_208 = tpu.memref_squeeze %dma_wait3A_207 : memref<1x128x32xf32, #tpu.memory_space<vmem>> -> memref<128x32xf32, #tpu.memory_space<vmem>>
      %dma_wait3A_209 = arith.constant 0 : i32
      %dma_wait3A_210 = tpu.memref_slice %arg6[%add3A_202, %dma_wait3A_209] : memref<79x128xi32, #tpu.memory_space<vmem>> -> memref<1x128xi32, #tpu.memory_space<vmem>>
      %dma_wait3A_211 = tpu.memref_squeeze %dma_wait3A_210 : memref<1x128xi32, #tpu.memory_space<vmem>> -> memref<128xi32, #tpu.memory_space<vmem>>
      %dma_wait3A_212 = arith.constant 0 : i32
      %dma_wait3A_213 = arith.constant 0 : i32
      %dma_wait3A_214 = tpu.memref_slice %arg11[%dma_wait3A_212, %dma_wait3A_213] : memref<10000x32xf32, #tpu.memory_space<vmem_shared>> -> memref<10000x32xf32, #tpu.memory_space<vmem_shared>>
      %dma_wait3A_215 = tpu.memref_slice %arg12[%dma_wait3A_204] : memref<6x!tpu.dma_semaphore, #tpu.memory_space<semaphore_mem>> -> memref<1x!tpu.dma_semaphore, #tpu.memory_space<semaphore_mem>>
      %dma_wait3A_216 = tpu.memref_squeeze %dma_wait3A_215 : memref<1x!tpu.dma_semaphore, #tpu.memory_space<semaphore_mem>> -> memref<!tpu.dma_semaphore, #tpu.memory_space<semaphore_mem>>
      tpu.wait_indirect_dma semaphore(%dma_wait3A_216 : memref<!tpu.dma_semaphore, #tpu.memory_space<semaphore_mem>>) src(%dma_wait3A_214 : memref<10000x32xf32, #tpu.memory_space<vmem_shared>>) dst(%dma_wait3A_208 : memref<128x32xf32, #tpu.memory_space<vmem>>)
      %dma_start3A_217 = arith.constant 0 : i32
      %dma_start3A_218 = arith.constant 0 : i32
      %dma_start3A_219 = arith.constant 0 : i32
      %dma_start3A_220 = arith.constant 0 : i32
      %dma_start3A_221 = tpu.memref_slice %arg8[%dma_start3A_217, %dma_start3A_219, %dma_start3A_220] : memref<6x128x32xf32, #tpu.memory_space<vmem>> -> memref<1x128x32xf32, #tpu.memory_space<vmem>>
      %dma_start3A_222 = tpu.memref_squeeze %dma_start3A_221 : memref<1x128x32xf32, #tpu.memory_space<vmem>> -> memref<128x32xf32, #tpu.memory_space<vmem>>
      %dma_start3A_223 = arith.constant 0 : i32
      %dma_start3A_224 = tpu.memref_slice %arg7[%add3A_202, %dma_start3A_223] : memref<79x128xi32, #tpu.memory_space<vmem>> -> memref<1x128xi32, #tpu.memory_space<vmem>>
      %dma_start3A_225 = tpu.memref_squeeze %dma_start3A_224 : memref<1x128xi32, #tpu.memory_space<vmem>> -> memref<128xi32, #tpu.memory_space<vmem>>
      %dma_start3A_226 = arith.constant 0 : i32
      %dma_start3A_227 = arith.constant 0 : i32
      %dma_start3A_228 = tpu.memref_slice %arg10[%dma_start3A_226, %dma_start3A_227] : memref<10240x32xf32, #tpu.memory_space<vmem_shared>> -> memref<10240x32xf32, #tpu.memory_space<vmem_shared>>
      %dma_start3A_229 = tpu.memref_slice %arg13[%dma_start3A_218] : memref<6x!tpu.dma_semaphore, #tpu.memory_space<semaphore_mem>> -> memref<1x!tpu.dma_semaphore, #tpu.memory_space<semaphore_mem>>
      %dma_start3A_230 = tpu.memref_squeeze %dma_start3A_229 : memref<1x!tpu.dma_semaphore, #tpu.memory_space<semaphore_mem>> -> memref<!tpu.dma_semaphore, #tpu.memory_space<semaphore_mem>>
      tpu.enqueue_indirect_dma source(%dma_start3A_222 : memref<128x32xf32, #tpu.memory_space<vmem>>) target(%dma_start3A_228 : memref<10240x32xf32, #tpu.memory_space<vmem_shared>>) offsets(%dma_start3A_225 : memref<128xi32, #tpu.memory_space<vmem>>) semaphore(%dma_start3A_230 : memref<!tpu.dma_semaphore, #tpu.memory_space<semaphore_mem>>) {add = true}
      %add3A_231 = arith.constant 5 : i32
      %add3A_232 = arith.addi %add3A_202, %add3A_231 : i32
      %lt3A_233 = arith.constant 78 : i32
      %lt3A_234 = arith.cmpi slt, %add3A_232, %lt3A_233 : i32
      %convert_element_type3A_235 = arith.extui %lt3A_234 : i1 to i32
      %cond3A_236 = arith.constant 0 : i32
      %cond3A_237 = arith.cmpi ne, %convert_element_type3A_235, %cond3A_236 : i32
      scf.if %cond3A_237 {
        %ge3A = arith.constant 1 : i32
        %ge3A_433 = arith.cmpi sge, %add3A_202, %ge3A : i32
        %convert_element_type3A_434 = arith.extui %ge3A_433 : i1 to i32
        %cond3A_435 = arith.constant 0 : i32
        %cond3A_436 = arith.cmpi ne, %convert_element_type3A_434, %cond3A_435 : i32
        scf.if %cond3A_436 {
          %add3A_453 = arith.constant 5 : i32
          %add3A_454 = arith.addi %add3A_202, %add3A_453 : i32
          %sub3A = arith.constant 6 : i32
          %sub3A_455 = arith.subi %add3A_454, %sub3A : i32
          %dma_wait3A_456 = arith.constant 5 : i32
          %dma_wait3A_457 = arith.constant 5 : i32
          %dma_wait3A_458 = arith.constant 0 : i32
          %dma_wait3A_459 = arith.constant 0 : i32
          %dma_wait3A_460 = tpu.memref_slice %arg8[%dma_wait3A_456, %dma_wait3A_458, %dma_wait3A_459] : memref<6x128x32xf32, #tpu.memory_space<vmem>> -> memref<1x128x32xf32, #tpu.memory_space<vmem>>
          %dma_wait3A_461 = tpu.memref_squeeze %dma_wait3A_460 : memref<1x128x32xf32, #tpu.memory_space<vmem>> -> memref<128x32xf32, #tpu.memory_space<vmem>>
          %dma_wait3A_462 = arith.constant 0 : i32
          %dma_wait3A_463 = tpu.memref_slice %arg7[%sub3A_455, %dma_wait3A_462] : memref<79x128xi32, #tpu.memory_space<vmem>> -> memref<1x128xi32, #tpu.memory_space<vmem>>
          %dma_wait3A_464 = tpu.memref_squeeze %dma_wait3A_463 : memref<1x128xi32, #tpu.memory_space<vmem>> -> memref<128xi32, #tpu.memory_space<vmem>>
          %dma_wait3A_465 = arith.constant 0 : i32
          %dma_wait3A_466 = arith.constant 0 : i32
          %dma_wait3A_467 = tpu.memref_slice %arg10[%dma_wait3A_465, %dma_wait3A_466] : memref<10240x32xf32, #tpu.memory_space<vmem_shared>> -> memref<10240x32xf32, #tpu.memory_space<vmem_shared>>
          %dma_wait3A_468 = tpu.memref_slice %arg13[%dma_wait3A_457] : memref<6x!tpu.dma_semaphore, #tpu.memory_space<semaphore_mem>> -> memref<1x!tpu.dma_semaphore, #tpu.memory_space<semaphore_mem>>
          %dma_wait3A_469 = tpu.memref_squeeze %dma_wait3A_468 : memref<1x!tpu.dma_semaphore, #tpu.memory_space<semaphore_mem>> -> memref<!tpu.dma_semaphore, #tpu.memory_space<semaphore_mem>>
          tpu.wait_indirect_dma semaphore(%dma_wait3A_469 : memref<!tpu.dma_semaphore, #tpu.memory_space<semaphore_mem>>) src(%dma_wait3A_461 : memref<128x32xf32, #tpu.memory_space<vmem>>) dst(%dma_wait3A_467 : memref<10240x32xf32, #tpu.memory_space<vmem_shared>>)
        } else {
        }
        %add3A_437 = arith.constant 5 : i32
        %add3A_438 = arith.addi %add3A_202, %add3A_437 : i32
        %dma_start3A_439 = arith.constant 5 : i32
        %dma_start3A_440 = arith.constant 5 : i32
        %dma_start3A_441 = arith.constant 0 : i32
        %dma_start3A_442 = arith.constant 0 : i32
        %dma_start3A_443 = tpu.memref_slice %arg8[%dma_start3A_439, %dma_start3A_441, %dma_start3A_442] : memref<6x128x32xf32, #tpu.memory_space<vmem>> -> memref<1x128x32xf32, #tpu.memory_space<vmem>>
        %dma_start3A_444 = tpu.memref_squeeze %dma_start3A_443 : memref<1x128x32xf32, #tpu.memory_space<vmem>> -> memref<128x32xf32, #tpu.memory_space<vmem>>
        %dma_start3A_445 = arith.constant 0 : i32
        %dma_start3A_446 = tpu.memref_slice %arg6[%add3A_438, %dma_start3A_445] : memref<79x128xi32, #tpu.memory_space<vmem>> -> memref<1x128xi32, #tpu.memory_space<vmem>>
        %dma_start3A_447 = tpu.memref_squeeze %dma_start3A_446 : memref<1x128xi32, #tpu.memory_space<vmem>> -> memref<128xi32, #tpu.memory_space<vmem>>
        %dma_start3A_448 = arith.constant 0 : i32
        %dma_start3A_449 = arith.constant 0 : i32
        %dma_start3A_450 = tpu.memref_slice %arg11[%dma_start3A_448, %dma_start3A_449] : memref<10000x32xf32, #tpu.memory_space<vmem_shared>> -> memref<10000x32xf32, #tpu.memory_space<vmem_shared>>
        %dma_start3A_451 = tpu.memref_slice %arg12[%dma_start3A_440] : memref<6x!tpu.dma_semaphore, #tpu.memory_space<semaphore_mem>> -> memref<1x!tpu.dma_semaphore, #tpu.memory_space<semaphore_mem>>
        %dma_start3A_452 = tpu.memref_squeeze %dma_start3A_451 : memref<1x!tpu.dma_semaphore, #tpu.memory_space<semaphore_mem>> -> memref<!tpu.dma_semaphore, #tpu.memory_space<semaphore_mem>>
        tpu.enqueue_indirect_dma source(%dma_start3A_450 : memref<10000x32xf32, #tpu.memory_space<vmem_shared>>) target(%dma_start3A_444 : memref<128x32xf32, #tpu.memory_space<vmem>>) offsets(%dma_start3A_447 : memref<128xi32, #tpu.memory_space<vmem>>) semaphore(%dma_start3A_452 : memref<!tpu.dma_semaphore, #tpu.memory_space<semaphore_mem>>)
      } else {
      }
      %mul3A_238 = arith.constant 6 : i32
      %mul3A_239 = arith.muli %scan3A_198, %mul3A_238 : i32
      %add3A_240 = arith.constant 1 : i32
      %add3A_241 = arith.addi %mul3A_239, %add3A_240 : i32
      %dma_wait3A_242 = arith.constant 1 : i32
      %dma_wait3A_243 = arith.constant 1 : i32
      %dma_wait3A_244 = arith.constant 0 : i32
      %dma_wait3A_245 = arith.constant 0 : i32
      %dma_wait3A_246 = tpu.memref_slice %arg8[%dma_wait3A_242, %dma_wait3A_244, %dma_wait3A_245] : memref<6x128x32xf32, #tpu.memory_space<vmem>> -> memref<1x128x32xf32, #tpu.memory_space<vmem>>
      %dma_wait3A_247 = tpu.memref_squeeze %dma_wait3A_246 : memref<1x128x32xf32, #tpu.memory_space<vmem>> -> memref<128x32xf32, #tpu.memory_space<vmem>>
      %dma_wait3A_248 = arith.constant 0 : i32
      %dma_wait3A_249 = tpu.memref_slice %arg6[%add3A_241, %dma_wait3A_248] : memref<79x128xi32, #tpu.memory_space<vmem>> -> memref<1x128xi32, #tpu.memory_space<vmem>>
      %dma_wait3A_250 = tpu.memref_squeeze %dma_wait3A_249 : memref<1x128xi32, #tpu.memory_space<vmem>> -> memref<128xi32, #tpu.memory_space<vmem>>
      %dma_wait3A_251 = arith.constant 0 : i32
      %dma_wait3A_252 = arith.constant 0 : i32
      %dma_wait3A_253 = tpu.memref_slice %arg11[%dma_wait3A_251, %dma_wait3A_252] : memref<10000x32xf32, #tpu.memory_space<vmem_shared>> -> memref<10000x32xf32, #tpu.memory_space<vmem_shared>>
      %dma_wait3A_254 = tpu.memref_slice %arg12[%dma_wait3A_243] : memref<6x!tpu.dma_semaphore, #tpu.memory_space<semaphore_mem>> -> memref<1x!tpu.dma_semaphore, #tpu.memory_space<semaphore_mem>>
      %dma_wait3A_255 = tpu.memref_squeeze %dma_wait3A_254 : memref<1x!tpu.dma_semaphore, #tpu.memory_space<semaphore_mem>> -> memref<!tpu.dma_semaphore, #tpu.memory_space<semaphore_mem>>
      tpu.wait_indirect_dma semaphore(%dma_wait3A_255 : memref<!tpu.dma_semaphore, #tpu.memory_space<semaphore_mem>>) src(%dma_wait3A_253 : memref<10000x32xf32, #tpu.memory_space<vmem_shared>>) dst(%dma_wait3A_247 : memref<128x32xf32, #tpu.memory_space<vmem>>)
      %dma_start3A_256 = arith.constant 1 : i32
      %dma_start3A_257 = arith.constant 1 : i32
      %dma_start3A_258 = arith.constant 0 : i32
      %dma_start3A_259 = arith.constant 0 : i32
      %dma_start3A_260 = tpu.memref_slice %arg8[%dma_start3A_256, %dma_start3A_258, %dma_start3A_259] : memref<6x128x32xf32, #tpu.memory_space<vmem>> -> memref<1x128x32xf32, #tpu.memory_space<vmem>>
      %dma_start3A_261 = tpu.memref_squeeze %dma_start3A_260 : memref<1x128x32xf32, #tpu.memory_space<vmem>> -> memref<128x32xf32, #tpu.memory_space<vmem>>
      %dma_start3A_262 = arith.constant 0 : i32
      %dma_start3A_263 = tpu.memref_slice %arg7[%add3A_241, %dma_start3A_262] : memref<79x128xi32, #tpu.memory_space<vmem>> -> memref<1x128xi32, #tpu.memory_space<vmem>>
      %dma_start3A_264 = tpu.memref_squeeze %dma_start3A_263 : memref<1x128xi32, #tpu.memory_space<vmem>> -> memref<128xi32, #tpu.memory_space<vmem>>
      %dma_start3A_265 = arith.constant 0 : i32
      %dma_start3A_266 = arith.constant 0 : i32
      %dma_start3A_267 = tpu.memref_slice %arg10[%dma_start3A_265, %dma_start3A_266] : memref<10240x32xf32, #tpu.memory_space<vmem_shared>> -> memref<10240x32xf32, #tpu.memory_space<vmem_shared>>
      %dma_start3A_268 = tpu.memref_slice %arg13[%dma_start3A_257] : memref<6x!tpu.dma_semaphore, #tpu.memory_space<semaphore_mem>> -> memref<1x!tpu.dma_semaphore, #tpu.memory_space<semaphore_mem>>
      %dma_start3A_269 = tpu.memref_squeeze %dma_start3A_268 : memref<1x!tpu.dma_semaphore, #tpu.memory_space<semaphore_mem>> -> memref<!tpu.dma_semaphore, #tpu.memory_space<semaphore_mem>>
      tpu.enqueue_indirect_dma source(%dma_start3A_261 : memref<128x32xf32, #tpu.memory_space<vmem>>) target(%dma_start3A_267 : memref<10240x32xf32, #tpu.memory_space<vmem_shared>>) offsets(%dma_start3A_264 : memref<128xi32, #tpu.memory_space<vmem>>) semaphore(%dma_start3A_269 : memref<!tpu.dma_semaphore, #tpu.memory_space<semaphore_mem>>) {add = true}
      %add3A_270 = arith.constant 5 : i32
      %add3A_271 = arith.addi %add3A_241, %add3A_270 : i32
      %lt3A_272 = arith.constant 78 : i32
      %lt3A_273 = arith.cmpi slt, %add3A_271, %lt3A_272 : i32
      %convert_element_type3A_274 = arith.extui %lt3A_273 : i1 to i32
      %cond3A_275 = arith.constant 0 : i32
      %cond3A_276 = arith.cmpi ne, %convert_element_type3A_274, %cond3A_275 : i32
      scf.if %cond3A_276 {
        %ge3A = arith.constant 1 : i32
        %ge3A_433 = arith.cmpi sge, %add3A_241, %ge3A : i32
        %convert_element_type3A_434 = arith.extui %ge3A_433 : i1 to i32
        %cond3A_435 = arith.constant 0 : i32
        %cond3A_436 = arith.cmpi ne, %convert_element_type3A_434, %cond3A_435 : i32
        scf.if %cond3A_436 {
          %add3A_453 = arith.constant 5 : i32
          %add3A_454 = arith.addi %add3A_241, %add3A_453 : i32
          %sub3A = arith.constant 6 : i32
          %sub3A_455 = arith.subi %add3A_454, %sub3A : i32
          %dma_wait3A_456 = arith.constant 0 : i32
          %dma_wait3A_457 = arith.constant 0 : i32
          %dma_wait3A_458 = arith.constant 0 : i32
          %dma_wait3A_459 = arith.constant 0 : i32
          %dma_wait3A_460 = tpu.memref_slice %arg8[%dma_wait3A_456, %dma_wait3A_458, %dma_wait3A_459] : memref<6x128x32xf32, #tpu.memory_space<vmem>> -> memref<1x128x32xf32, #tpu.memory_space<vmem>>
          %dma_wait3A_461 = tpu.memref_squeeze %dma_wait3A_460 : memref<1x128x32xf32, #tpu.memory_space<vmem>> -> memref<128x32xf32, #tpu.memory_space<vmem>>
          %dma_wait3A_462 = arith.constant 0 : i32
          %dma_wait3A_463 = tpu.memref_slice %arg7[%sub3A_455, %dma_wait3A_462] : memref<79x128xi32, #tpu.memory_space<vmem>> -> memref<1x128xi32, #tpu.memory_space<vmem>>
          %dma_wait3A_464 = tpu.memref_squeeze %dma_wait3A_463 : memref<1x128xi32, #tpu.memory_space<vmem>> -> memref<128xi32, #tpu.memory_space<vmem>>
          %dma_wait3A_465 = arith.constant 0 : i32
          %dma_wait3A_466 = arith.constant 0 : i32
          %dma_wait3A_467 = tpu.memref_slice %arg10[%dma_wait3A_465, %dma_wait3A_466] : memref<10240x32xf32, #tpu.memory_space<vmem_shared>> -> memref<10240x32xf32, #tpu.memory_space<vmem_shared>>
          %dma_wait3A_468 = tpu.memref_slice %arg13[%dma_wait3A_457] : memref<6x!tpu.dma_semaphore, #tpu.memory_space<semaphore_mem>> -> memref<1x!tpu.dma_semaphore, #tpu.memory_space<semaphore_mem>>
          %dma_wait3A_469 = tpu.memref_squeeze %dma_wait3A_468 : memref<1x!tpu.dma_semaphore, #tpu.memory_space<semaphore_mem>> -> memref<!tpu.dma_semaphore, #tpu.memory_space<semaphore_mem>>
          tpu.wait_indirect_dma semaphore(%dma_wait3A_469 : memref<!tpu.dma_semaphore, #tpu.memory_space<semaphore_mem>>) src(%dma_wait3A_461 : memref<128x32xf32, #tpu.memory_space<vmem>>) dst(%dma_wait3A_467 : memref<10240x32xf32, #tpu.memory_space<vmem_shared>>)
        } else {
        }
        %add3A_437 = arith.constant 5 : i32
        %add3A_438 = arith.addi %add3A_241, %add3A_437 : i32
        %dma_start3A_439 = arith.constant 0 : i32
        %dma_start3A_440 = arith.constant 0 : i32
        %dma_start3A_441 = arith.constant 0 : i32
        %dma_start3A_442 = arith.constant 0 : i32
        %dma_start3A_443 = tpu.memref_slice %arg8[%dma_start3A_439, %dma_start3A_441, %dma_start3A_442] : memref<6x128x32xf32, #tpu.memory_space<vmem>> -> memref<1x128x32xf32, #tpu.memory_space<vmem>>
        %dma_start3A_444 = tpu.memref_squeeze %dma_start3A_443 : memref<1x128x32xf32, #tpu.memory_space<vmem>> -> memref<128x32xf32, #tpu.memory_space<vmem>>
        %dma_start3A_445 = arith.constant 0 : i32
        %dma_start3A_446 = tpu.memref_slice %arg6[%add3A_438, %dma_start3A_445] : memref<79x128xi32, #tpu.memory_space<vmem>> -> memref<1x128xi32, #tpu.memory_space<vmem>>
        %dma_start3A_447 = tpu.memref_squeeze %dma_start3A_446 : memref<1x128xi32, #tpu.memory_space<vmem>> -> memref<128xi32, #tpu.memory_space<vmem>>
        %dma_start3A_448 = arith.constant 0 : i32
        %dma_start3A_449 = arith.constant 0 : i32
        %dma_start3A_450 = tpu.memref_slice %arg11[%dma_start3A_448, %dma_start3A_449] : memref<10000x32xf32, #tpu.memory_space<vmem_shared>> -> memref<10000x32xf32, #tpu.memory_space<vmem_shared>>
        %dma_start3A_451 = tpu.memref_slice %arg12[%dma_start3A_440] : memref<6x!tpu.dma_semaphore, #tpu.memory_space<semaphore_mem>> -> memref<1x!tpu.dma_semaphore, #tpu.memory_space<semaphore_mem>>
        %dma_start3A_452 = tpu.memref_squeeze %dma_start3A_451 : memref<1x!tpu.dma_semaphore, #tpu.memory_space<semaphore_mem>> -> memref<!tpu.dma_semaphore, #tpu.memory_space<semaphore_mem>>
        tpu.enqueue_indirect_dma source(%dma_start3A_450 : memref<10000x32xf32, #tpu.memory_space<vmem_shared>>) target(%dma_start3A_444 : memref<128x32xf32, #tpu.memory_space<vmem>>) offsets(%dma_start3A_447 : memref<128xi32, #tpu.memory_space<vmem>>) semaphore(%dma_start3A_452 : memref<!tpu.dma_semaphore, #tpu.memory_space<semaphore_mem>>)
      } else {
      }
      %mul3A_277 = arith.constant 6 : i32
      %mul3A_278 = arith.muli %scan3A_198, %mul3A_277 : i32
      %add3A_279 = arith.constant 2 : i32
      %add3A_280 = arith.addi %mul3A_278, %add3A_279 : i32
      %dma_wait3A_281 = arith.constant 2 : i32
      %dma_wait3A_282 = arith.constant 2 : i32
      %dma_wait3A_283 = arith.constant 0 : i32
      %dma_wait3A_284 = arith.constant 0 : i32
      %dma_wait3A_285 = tpu.memref_slice %arg8[%dma_wait3A_281, %dma_wait3A_283, %dma_wait3A_284] : memref<6x128x32xf32, #tpu.memory_space<vmem>> -> memref<1x128x32xf32, #tpu.memory_space<vmem>>
      %dma_wait3A_286 = tpu.memref_squeeze %dma_wait3A_285 : memref<1x128x32xf32, #tpu.memory_space<vmem>> -> memref<128x32xf32, #tpu.memory_space<vmem>>
      %dma_wait3A_287 = arith.constant 0 : i32
      %dma_wait3A_288 = tpu.memref_slice %arg6[%add3A_280, %dma_wait3A_287] : memref<79x128xi32, #tpu.memory_space<vmem>> -> memref<1x128xi32, #tpu.memory_space<vmem>>
      %dma_wait3A_289 = tpu.memref_squeeze %dma_wait3A_288 : memref<1x128xi32, #tpu.memory_space<vmem>> -> memref<128xi32, #tpu.memory_space<vmem>>
      %dma_wait3A_290 = arith.constant 0 : i32
      %dma_wait3A_291 = arith.constant 0 : i32
      %dma_wait3A_292 = tpu.memref_slice %arg11[%dma_wait3A_290, %dma_wait3A_291] : memref<10000x32xf32, #tpu.memory_space<vmem_shared>> -> memref<10000x32xf32, #tpu.memory_space<vmem_shared>>
      %dma_wait3A_293 = tpu.memref_slice %arg12[%dma_wait3A_282] : memref<6x!tpu.dma_semaphore, #tpu.memory_space<semaphore_mem>> -> memref<1x!tpu.dma_semaphore, #tpu.memory_space<semaphore_mem>>
      %dma_wait3A_294 = tpu.memref_squeeze %dma_wait3A_293 : memref<1x!tpu.dma_semaphore, #tpu.memory_space<semaphore_mem>> -> memref<!tpu.dma_semaphore, #tpu.memory_space<semaphore_mem>>
      tpu.wait_indirect_dma semaphore(%dma_wait3A_294 : memref<!tpu.dma_semaphore, #tpu.memory_space<semaphore_mem>>) src(%dma_wait3A_292 : memref<10000x32xf32, #tpu.memory_space<vmem_shared>>) dst(%dma_wait3A_286 : memref<128x32xf32, #tpu.memory_space<vmem>>)
      %dma_start3A_295 = arith.constant 2 : i32
      %dma_start3A_296 = arith.constant 2 : i32
      %dma_start3A_297 = arith.constant 0 : i32
      %dma_start3A_298 = arith.constant 0 : i32
      %dma_start3A_299 = tpu.memref_slice %arg8[%dma_start3A_295, %dma_start3A_297, %dma_start3A_298] : memref<6x128x32xf32, #tpu.memory_space<vmem>> -> memref<1x128x32xf32, #tpu.memory_space<vmem>>
      %dma_start3A_300 = tpu.memref_squeeze %dma_start3A_299 : memref<1x128x32xf32, #tpu.memory_space<vmem>> -> memref<128x32xf32, #tpu.memory_space<vmem>>
      %dma_start3A_301 = arith.constant 0 : i32
      %dma_start3A_302 = tpu.memref_slice %arg7[%add3A_280, %dma_start3A_301] : memref<79x128xi32, #tpu.memory_space<vmem>> -> memref<1x128xi32, #tpu.memory_space<vmem>>
      %dma_start3A_303 = tpu.memref_squeeze %dma_start3A_302 : memref<1x128xi32, #tpu.memory_space<vmem>> -> memref<128xi32, #tpu.memory_space<vmem>>
      %dma_start3A_304 = arith.constant 0 : i32
      %dma_start3A_305 = arith.constant 0 : i32
      %dma_start3A_306 = tpu.memref_slice %arg10[%dma_start3A_304, %dma_start3A_305] : memref<10240x32xf32, #tpu.memory_space<vmem_shared>> -> memref<10240x32xf32, #tpu.memory_space<vmem_shared>>
      %dma_start3A_307 = tpu.memref_slice %arg13[%dma_start3A_296] : memref<6x!tpu.dma_semaphore, #tpu.memory_space<semaphore_mem>> -> memref<1x!tpu.dma_semaphore, #tpu.memory_space<semaphore_mem>>
      %dma_start3A_308 = tpu.memref_squeeze %dma_start3A_307 : memref<1x!tpu.dma_semaphore, #tpu.memory_space<semaphore_mem>> -> memref<!tpu.dma_semaphore, #tpu.memory_space<semaphore_mem>>
      tpu.enqueue_indirect_dma source(%dma_start3A_300 : memref<128x32xf32, #tpu.memory_space<vmem>>) target(%dma_start3A_306 : memref<10240x32xf32, #tpu.memory_space<vmem_shared>>) offsets(%dma_start3A_303 : memref<128xi32, #tpu.memory_space<vmem>>) semaphore(%dma_start3A_308 : memref<!tpu.dma_semaphore, #tpu.memory_space<semaphore_mem>>) {add = true}
      %add3A_309 = arith.constant 5 : i32
      %add3A_310 = arith.addi %add3A_280, %add3A_309 : i32
      %lt3A_311 = arith.constant 78 : i32
      %lt3A_312 = arith.cmpi slt, %add3A_310, %lt3A_311 : i32
      %convert_element_type3A_313 = arith.extui %lt3A_312 : i1 to i32
      %cond3A_314 = arith.constant 0 : i32
      %cond3A_315 = arith.cmpi ne, %convert_element_type3A_313, %cond3A_314 : i32
      scf.if %cond3A_315 {
        %ge3A = arith.constant 1 : i32
        %ge3A_433 = arith.cmpi sge, %add3A_280, %ge3A : i32
        %convert_element_type3A_434 = arith.extui %ge3A_433 : i1 to i32
        %cond3A_435 = arith.constant 0 : i32
        %cond3A_436 = arith.cmpi ne, %convert_element_type3A_434, %cond3A_435 : i32
        scf.if %cond3A_436 {
          %add3A_453 = arith.constant 5 : i32
          %add3A_454 = arith.addi %add3A_280, %add3A_453 : i32
          %sub3A = arith.constant 6 : i32
          %sub3A_455 = arith.subi %add3A_454, %sub3A : i32
          %dma_wait3A_456 = arith.constant 1 : i32
          %dma_wait3A_457 = arith.constant 1 : i32
          %dma_wait3A_458 = arith.constant 0 : i32
          %dma_wait3A_459 = arith.constant 0 : i32
          %dma_wait3A_460 = tpu.memref_slice %arg8[%dma_wait3A_456, %dma_wait3A_458, %dma_wait3A_459] : memref<6x128x32xf32, #tpu.memory_space<vmem>> -> memref<1x128x32xf32, #tpu.memory_space<vmem>>
          %dma_wait3A_461 = tpu.memref_squeeze %dma_wait3A_460 : memref<1x128x32xf32, #tpu.memory_space<vmem>> -> memref<128x32xf32, #tpu.memory_space<vmem>>
          %dma_wait3A_462 = arith.constant 0 : i32
          %dma_wait3A_463 = tpu.memref_slice %arg7[%sub3A_455, %dma_wait3A_462] : memref<79x128xi32, #tpu.memory_space<vmem>> -> memref<1x128xi32, #tpu.memory_space<vmem>>
          %dma_wait3A_464 = tpu.memref_squeeze %dma_wait3A_463 : memref<1x128xi32, #tpu.memory_space<vmem>> -> memref<128xi32, #tpu.memory_space<vmem>>
          %dma_wait3A_465 = arith.constant 0 : i32
          %dma_wait3A_466 = arith.constant 0 : i32
          %dma_wait3A_467 = tpu.memref_slice %arg10[%dma_wait3A_465, %dma_wait3A_466] : memref<10240x32xf32, #tpu.memory_space<vmem_shared>> -> memref<10240x32xf32, #tpu.memory_space<vmem_shared>>
          %dma_wait3A_468 = tpu.memref_slice %arg13[%dma_wait3A_457] : memref<6x!tpu.dma_semaphore, #tpu.memory_space<semaphore_mem>> -> memref<1x!tpu.dma_semaphore, #tpu.memory_space<semaphore_mem>>
          %dma_wait3A_469 = tpu.memref_squeeze %dma_wait3A_468 : memref<1x!tpu.dma_semaphore, #tpu.memory_space<semaphore_mem>> -> memref<!tpu.dma_semaphore, #tpu.memory_space<semaphore_mem>>
          tpu.wait_indirect_dma semaphore(%dma_wait3A_469 : memref<!tpu.dma_semaphore, #tpu.memory_space<semaphore_mem>>) src(%dma_wait3A_461 : memref<128x32xf32, #tpu.memory_space<vmem>>) dst(%dma_wait3A_467 : memref<10240x32xf32, #tpu.memory_space<vmem_shared>>)
        } else {
        }
        %add3A_437 = arith.constant 5 : i32
        %add3A_438 = arith.addi %add3A_280, %add3A_437 : i32
        %dma_start3A_439 = arith.constant 1 : i32
        %dma_start3A_440 = arith.constant 1 : i32
        %dma_start3A_441 = arith.constant 0 : i32
        %dma_start3A_442 = arith.constant 0 : i32
        %dma_start3A_443 = tpu.memref_slice %arg8[%dma_start3A_439, %dma_start3A_441, %dma_start3A_442] : memref<6x128x32xf32, #tpu.memory_space<vmem>> -> memref<1x128x32xf32, #tpu.memory_space<vmem>>
        %dma_start3A_444 = tpu.memref_squeeze %dma_start3A_443 : memref<1x128x32xf32, #tpu.memory_space<vmem>> -> memref<128x32xf32, #tpu.memory_space<vmem>>
        %dma_start3A_445 = arith.constant 0 : i32
        %dma_start3A_446 = tpu.memref_slice %arg6[%add3A_438, %dma_start3A_445] : memref<79x128xi32, #tpu.memory_space<vmem>> -> memref<1x128xi32, #tpu.memory_space<vmem>>
        %dma_start3A_447 = tpu.memref_squeeze %dma_start3A_446 : memref<1x128xi32, #tpu.memory_space<vmem>> -> memref<128xi32, #tpu.memory_space<vmem>>
        %dma_start3A_448 = arith.constant 0 : i32
        %dma_start3A_449 = arith.constant 0 : i32
        %dma_start3A_450 = tpu.memref_slice %arg11[%dma_start3A_448, %dma_start3A_449] : memref<10000x32xf32, #tpu.memory_space<vmem_shared>> -> memref<10000x32xf32, #tpu.memory_space<vmem_shared>>
        %dma_start3A_451 = tpu.memref_slice %arg12[%dma_start3A_440] : memref<6x!tpu.dma_semaphore, #tpu.memory_space<semaphore_mem>> -> memref<1x!tpu.dma_semaphore, #tpu.memory_space<semaphore_mem>>
        %dma_start3A_452 = tpu.memref_squeeze %dma_start3A_451 : memref<1x!tpu.dma_semaphore, #tpu.memory_space<semaphore_mem>> -> memref<!tpu.dma_semaphore, #tpu.memory_space<semaphore_mem>>
        tpu.enqueue_indirect_dma source(%dma_start3A_450 : memref<10000x32xf32, #tpu.memory_space<vmem_shared>>) target(%dma_start3A_444 : memref<128x32xf32, #tpu.memory_space<vmem>>) offsets(%dma_start3A_447 : memref<128xi32, #tpu.memory_space<vmem>>) semaphore(%dma_start3A_452 : memref<!tpu.dma_semaphore, #tpu.memory_space<semaphore_mem>>)
      } else {
      }
      %mul3A_316 = arith.constant 6 : i32
      %mul3A_317 = arith.muli %scan3A_198, %mul3A_316 : i32
      %add3A_318 = arith.constant 3 : i32
      %add3A_319 = arith.addi %mul3A_317, %add3A_318 : i32
      %dma_wait3A_320 = arith.constant 3 : i32
      %dma_wait3A_321 = arith.constant 3 : i32
      %dma_wait3A_322 = arith.constant 0 : i32
      %dma_wait3A_323 = arith.constant 0 : i32
      %dma_wait3A_324 = tpu.memref_slice %arg8[%dma_wait3A_320, %dma_wait3A_322, %dma_wait3A_323] : memref<6x128x32xf32, #tpu.memory_space<vmem>> -> memref<1x128x32xf32, #tpu.memory_space<vmem>>
      %dma_wait3A_325 = tpu.memref_squeeze %dma_wait3A_324 : memref<1x128x32xf32, #tpu.memory_space<vmem>> -> memref<128x32xf32, #tpu.memory_space<vmem>>
      %dma_wait3A_326 = arith.constant 0 : i32
      %dma_wait3A_327 = tpu.memref_slice %arg6[%add3A_319, %dma_wait3A_326] : memref<79x128xi32, #tpu.memory_space<vmem>> -> memref<1x128xi32, #tpu.memory_space<vmem>>
      %dma_wait3A_328 = tpu.memref_squeeze %dma_wait3A_327 : memref<1x128xi32, #tpu.memory_space<vmem>> -> memref<128xi32, #tpu.memory_space<vmem>>
      %dma_wait3A_329 = arith.constant 0 : i32
      %dma_wait3A_330 = arith.constant 0 : i32
      %dma_wait3A_331 = tpu.memref_slice %arg11[%dma_wait3A_329, %dma_wait3A_330] : memref<10000x32xf32, #tpu.memory_space<vmem_shared>> -> memref<10000x32xf32, #tpu.memory_space<vmem_shared>>
      %dma_wait3A_332 = tpu.memref_slice %arg12[%dma_wait3A_321] : memref<6x!tpu.dma_semaphore, #tpu.memory_space<semaphore_mem>> -> memref<1x!tpu.dma_semaphore, #tpu.memory_space<semaphore_mem>>
      %dma_wait3A_333 = tpu.memref_squeeze %dma_wait3A_332 : memref<1x!tpu.dma_semaphore, #tpu.memory_space<semaphore_mem>> -> memref<!tpu.dma_semaphore, #tpu.memory_space<semaphore_mem>>
      tpu.wait_indirect_dma semaphore(%dma_wait3A_333 : memref<!tpu.dma_semaphore, #tpu.memory_space<semaphore_mem>>) src(%dma_wait3A_331 : memref<10000x32xf32, #tpu.memory_space<vmem_shared>>) dst(%dma_wait3A_325 : memref<128x32xf32, #tpu.memory_space<vmem>>)
      %dma_start3A_334 = arith.constant 3 : i32
      %dma_start3A_335 = arith.constant 3 : i32
      %dma_start3A_336 = arith.constant 0 : i32
      %dma_start3A_337 = arith.constant 0 : i32
      %dma_start3A_338 = tpu.memref_slice %arg8[%dma_start3A_334, %dma_start3A_336, %dma_start3A_337] : memref<6x128x32xf32, #tpu.memory_space<vmem>> -> memref<1x128x32xf32, #tpu.memory_space<vmem>>
      %dma_start3A_339 = tpu.memref_squeeze %dma_start3A_338 : memref<1x128x32xf32, #tpu.memory_space<vmem>> -> memref<128x32xf32, #tpu.memory_space<vmem>>
      %dma_start3A_340 = arith.constant 0 : i32
      %dma_start3A_341 = tpu.memref_slice %arg7[%add3A_319, %dma_start3A_340] : memref<79x128xi32, #tpu.memory_space<vmem>> -> memref<1x128xi32, #tpu.memory_space<vmem>>
      %dma_start3A_342 = tpu.memref_squeeze %dma_start3A_341 : memref<1x128xi32, #tpu.memory_space<vmem>> -> memref<128xi32, #tpu.memory_space<vmem>>
      %dma_start3A_343 = arith.constant 0 : i32
      %dma_start3A_344 = arith.constant 0 : i32
      %dma_start3A_345 = tpu.memref_slice %arg10[%dma_start3A_343, %dma_start3A_344] : memref<10240x32xf32, #tpu.memory_space<vmem_shared>> -> memref<10240x32xf32, #tpu.memory_space<vmem_shared>>
      %dma_start3A_346 = tpu.memref_slice %arg13[%dma_start3A_335] : memref<6x!tpu.dma_semaphore, #tpu.memory_space<semaphore_mem>> -> memref<1x!tpu.dma_semaphore, #tpu.memory_space<semaphore_mem>>
      %dma_start3A_347 = tpu.memref_squeeze %dma_start3A_346 : memref<1x!tpu.dma_semaphore, #tpu.memory_space<semaphore_mem>> -> memref<!tpu.dma_semaphore, #tpu.memory_space<semaphore_mem>>
      tpu.enqueue_indirect_dma source(%dma_start3A_339 : memref<128x32xf32, #tpu.memory_space<vmem>>) target(%dma_start3A_345 : memref<10240x32xf32, #tpu.memory_space<vmem_shared>>) offsets(%dma_start3A_342 : memref<128xi32, #tpu.memory_space<vmem>>) semaphore(%dma_start3A_347 : memref<!tpu.dma_semaphore, #tpu.memory_space<semaphore_mem>>) {add = true}
      %add3A_348 = arith.constant 5 : i32
      %add3A_349 = arith.addi %add3A_319, %add3A_348 : i32
      %lt3A_350 = arith.constant 78 : i32
      %lt3A_351 = arith.cmpi slt, %add3A_349, %lt3A_350 : i32
      %convert_element_type3A_352 = arith.extui %lt3A_351 : i1 to i32
      %cond3A_353 = arith.constant 0 : i32
      %cond3A_354 = arith.cmpi ne, %convert_element_type3A_352, %cond3A_353 : i32
      scf.if %cond3A_354 {
        %ge3A = arith.constant 1 : i32
        %ge3A_433 = arith.cmpi sge, %add3A_319, %ge3A : i32
        %convert_element_type3A_434 = arith.extui %ge3A_433 : i1 to i32
        %cond3A_435 = arith.constant 0 : i32
        %cond3A_436 = arith.cmpi ne, %convert_element_type3A_434, %cond3A_435 : i32
        scf.if %cond3A_436 {
          %add3A_453 = arith.constant 5 : i32
          %add3A_454 = arith.addi %add3A_319, %add3A_453 : i32
          %sub3A = arith.constant 6 : i32
          %sub3A_455 = arith.subi %add3A_454, %sub3A : i32
          %dma_wait3A_456 = arith.constant 2 : i32
          %dma_wait3A_457 = arith.constant 2 : i32
          %dma_wait3A_458 = arith.constant 0 : i32
          %dma_wait3A_459 = arith.constant 0 : i32
          %dma_wait3A_460 = tpu.memref_slice %arg8[%dma_wait3A_456, %dma_wait3A_458, %dma_wait3A_459] : memref<6x128x32xf32, #tpu.memory_space<vmem>> -> memref<1x128x32xf32, #tpu.memory_space<vmem>>
          %dma_wait3A_461 = tpu.memref_squeeze %dma_wait3A_460 : memref<1x128x32xf32, #tpu.memory_space<vmem>> -> memref<128x32xf32, #tpu.memory_space<vmem>>
          %dma_wait3A_462 = arith.constant 0 : i32
          %dma_wait3A_463 = tpu.memref_slice %arg7[%sub3A_455, %dma_wait3A_462] : memref<79x128xi32, #tpu.memory_space<vmem>> -> memref<1x128xi32, #tpu.memory_space<vmem>>
          %dma_wait3A_464 = tpu.memref_squeeze %dma_wait3A_463 : memref<1x128xi32, #tpu.memory_space<vmem>> -> memref<128xi32, #tpu.memory_space<vmem>>
          %dma_wait3A_465 = arith.constant 0 : i32
          %dma_wait3A_466 = arith.constant 0 : i32
          %dma_wait3A_467 = tpu.memref_slice %arg10[%dma_wait3A_465, %dma_wait3A_466] : memref<10240x32xf32, #tpu.memory_space<vmem_shared>> -> memref<10240x32xf32, #tpu.memory_space<vmem_shared>>
          %dma_wait3A_468 = tpu.memref_slice %arg13[%dma_wait3A_457] : memref<6x!tpu.dma_semaphore, #tpu.memory_space<semaphore_mem>> -> memref<1x!tpu.dma_semaphore, #tpu.memory_space<semaphore_mem>>
          %dma_wait3A_469 = tpu.memref_squeeze %dma_wait3A_468 : memref<1x!tpu.dma_semaphore, #tpu.memory_space<semaphore_mem>> -> memref<!tpu.dma_semaphore, #tpu.memory_space<semaphore_mem>>
          tpu.wait_indirect_dma semaphore(%dma_wait3A_469 : memref<!tpu.dma_semaphore, #tpu.memory_space<semaphore_mem>>) src(%dma_wait3A_461 : memref<128x32xf32, #tpu.memory_space<vmem>>) dst(%dma_wait3A_467 : memref<10240x32xf32, #tpu.memory_space<vmem_shared>>)
        } else {
        }
        %add3A_437 = arith.constant 5 : i32
        %add3A_438 = arith.addi %add3A_319, %add3A_437 : i32
        %dma_start3A_439 = arith.constant 2 : i32
        %dma_start3A_440 = arith.constant 2 : i32
        %dma_start3A_441 = arith.constant 0 : i32
        %dma_start3A_442 = arith.constant 0 : i32
        %dma_start3A_443 = tpu.memref_slice %arg8[%dma_start3A_439, %dma_start3A_441, %dma_start3A_442] : memref<6x128x32xf32, #tpu.memory_space<vmem>> -> memref<1x128x32xf32, #tpu.memory_space<vmem>>
        %dma_start3A_444 = tpu.memref_squeeze %dma_start3A_443 : memref<1x128x32xf32, #tpu.memory_space<vmem>> -> memref<128x32xf32, #tpu.memory_space<vmem>>
        %dma_start3A_445 = arith.constant 0 : i32
        %dma_start3A_446 = tpu.memref_slice %arg6[%add3A_438, %dma_start3A_445] : memref<79x128xi32, #tpu.memory_space<vmem>> -> memref<1x128xi32, #tpu.memory_space<vmem>>
        %dma_start3A_447 = tpu.memref_squeeze %dma_start3A_446 : memref<1x128xi32, #tpu.memory_space<vmem>> -> memref<128xi32, #tpu.memory_space<vmem>>
        %dma_start3A_448 = arith.constant 0 : i32
        %dma_start3A_449 = arith.constant 0 : i32
        %dma_start3A_450 = tpu.memref_slice %arg11[%dma_start3A_448, %dma_start3A_449] : memref<10000x32xf32, #tpu.memory_space<vmem_shared>> -> memref<10000x32xf32, #tpu.memory_space<vmem_shared>>
        %dma_start3A_451 = tpu.memref_slice %arg12[%dma_start3A_440] : memref<6x!tpu.dma_semaphore, #tpu.memory_space<semaphore_mem>> -> memref<1x!tpu.dma_semaphore, #tpu.memory_space<semaphore_mem>>
        %dma_start3A_452 = tpu.memref_squeeze %dma_start3A_451 : memref<1x!tpu.dma_semaphore, #tpu.memory_space<semaphore_mem>> -> memref<!tpu.dma_semaphore, #tpu.memory_space<semaphore_mem>>
        tpu.enqueue_indirect_dma source(%dma_start3A_450 : memref<10000x32xf32, #tpu.memory_space<vmem_shared>>) target(%dma_start3A_444 : memref<128x32xf32, #tpu.memory_space<vmem>>) offsets(%dma_start3A_447 : memref<128xi32, #tpu.memory_space<vmem>>) semaphore(%dma_start3A_452 : memref<!tpu.dma_semaphore, #tpu.memory_space<semaphore_mem>>)
      } else {
      }
      %mul3A_355 = arith.constant 6 : i32
      %mul3A_356 = arith.muli %scan3A_198, %mul3A_355 : i32
      %add3A_357 = arith.constant 4 : i32
      %add3A_358 = arith.addi %mul3A_356, %add3A_357 : i32
      %dma_wait3A_359 = arith.constant 4 : i32
      %dma_wait3A_360 = arith.constant 4 : i32
      %dma_wait3A_361 = arith.constant 0 : i32
      %dma_wait3A_362 = arith.constant 0 : i32
      %dma_wait3A_363 = tpu.memref_slice %arg8[%dma_wait3A_359, %dma_wait3A_361, %dma_wait3A_362] : memref<6x128x32xf32, #tpu.memory_space<vmem>> -> memref<1x128x32xf32, #tpu.memory_space<vmem>>
      %dma_wait3A_364 = tpu.memref_squeeze %dma_wait3A_363 : memref<1x128x32xf32, #tpu.memory_space<vmem>> -> memref<128x32xf32, #tpu.memory_space<vmem>>
      %dma_wait3A_365 = arith.constant 0 : i32
      %dma_wait3A_366 = tpu.memref_slice %arg6[%add3A_358, %dma_wait3A_365] : memref<79x128xi32, #tpu.memory_space<vmem>> -> memref<1x128xi32, #tpu.memory_space<vmem>>
      %dma_wait3A_367 = tpu.memref_squeeze %dma_wait3A_366 : memref<1x128xi32, #tpu.memory_space<vmem>> -> memref<128xi32, #tpu.memory_space<vmem>>
      %dma_wait3A_368 = arith.constant 0 : i32
      %dma_wait3A_369 = arith.constant 0 : i32
      %dma_wait3A_370 = tpu.memref_slice %arg11[%dma_wait3A_368, %dma_wait3A_369] : memref<10000x32xf32, #tpu.memory_space<vmem_shared>> -> memref<10000x32xf32, #tpu.memory_space<vmem_shared>>
      %dma_wait3A_371 = tpu.memref_slice %arg12[%dma_wait3A_360] : memref<6x!tpu.dma_semaphore, #tpu.memory_space<semaphore_mem>> -> memref<1x!tpu.dma_semaphore, #tpu.memory_space<semaphore_mem>>
      %dma_wait3A_372 = tpu.memref_squeeze %dma_wait3A_371 : memref<1x!tpu.dma_semaphore, #tpu.memory_space<semaphore_mem>> -> memref<!tpu.dma_semaphore, #tpu.memory_space<semaphore_mem>>
      tpu.wait_indirect_dma semaphore(%dma_wait3A_372 : memref<!tpu.dma_semaphore, #tpu.memory_space<semaphore_mem>>) src(%dma_wait3A_370 : memref<10000x32xf32, #tpu.memory_space<vmem_shared>>) dst(%dma_wait3A_364 : memref<128x32xf32, #tpu.memory_space<vmem>>)
      %dma_start3A_373 = arith.constant 4 : i32
      %dma_start3A_374 = arith.constant 4 : i32
      %dma_start3A_375 = arith.constant 0 : i32
      %dma_start3A_376 = arith.constant 0 : i32
      %dma_start3A_377 = tpu.memref_slice %arg8[%dma_start3A_373, %dma_start3A_375, %dma_start3A_376] : memref<6x128x32xf32, #tpu.memory_space<vmem>> -> memref<1x128x32xf32, #tpu.memory_space<vmem>>
      %dma_start3A_378 = tpu.memref_squeeze %dma_start3A_377 : memref<1x128x32xf32, #tpu.memory_space<vmem>> -> memref<128x32xf32, #tpu.memory_space<vmem>>
      %dma_start3A_379 = arith.constant 0 : i32
      %dma_start3A_380 = tpu.memref_slice %arg7[%add3A_358, %dma_start3A_379] : memref<79x128xi32, #tpu.memory_space<vmem>> -> memref<1x128xi32, #tpu.memory_space<vmem>>
      %dma_start3A_381 = tpu.memref_squeeze %dma_start3A_380 : memref<1x128xi32, #tpu.memory_space<vmem>> -> memref<128xi32, #tpu.memory_space<vmem>>
      %dma_start3A_382 = arith.constant 0 : i32
      %dma_start3A_383 = arith.constant 0 : i32
      %dma_start3A_384 = tpu.memref_slice %arg10[%dma_start3A_382, %dma_start3A_383] : memref<10240x32xf32, #tpu.memory_space<vmem_shared>> -> memref<10240x32xf32, #tpu.memory_space<vmem_shared>>
      %dma_start3A_385 = tpu.memref_slice %arg13[%dma_start3A_374] : memref<6x!tpu.dma_semaphore, #tpu.memory_space<semaphore_mem>> -> memref<1x!tpu.dma_semaphore, #tpu.memory_space<semaphore_mem>>
      %dma_start3A_386 = tpu.memref_squeeze %dma_start3A_385 : memref<1x!tpu.dma_semaphore, #tpu.memory_space<semaphore_mem>> -> memref<!tpu.dma_semaphore, #tpu.memory_space<semaphore_mem>>
      tpu.enqueue_indirect_dma source(%dma_start3A_378 : memref<128x32xf32, #tpu.memory_space<vmem>>) target(%dma_start3A_384 : memref<10240x32xf32, #tpu.memory_space<vmem_shared>>) offsets(%dma_start3A_381 : memref<128xi32, #tpu.memory_space<vmem>>) semaphore(%dma_start3A_386 : memref<!tpu.dma_semaphore, #tpu.memory_space<semaphore_mem>>) {add = true}
      %add3A_387 = arith.constant 5 : i32
      %add3A_388 = arith.addi %add3A_358, %add3A_387 : i32
      %lt3A_389 = arith.constant 78 : i32
      %lt3A_390 = arith.cmpi slt, %add3A_388, %lt3A_389 : i32
      %convert_element_type3A_391 = arith.extui %lt3A_390 : i1 to i32
      %cond3A_392 = arith.constant 0 : i32
      %cond3A_393 = arith.cmpi ne, %convert_element_type3A_391, %cond3A_392 : i32
      scf.if %cond3A_393 {
        %ge3A = arith.constant 1 : i32
        %ge3A_433 = arith.cmpi sge, %add3A_358, %ge3A : i32
        %convert_element_type3A_434 = arith.extui %ge3A_433 : i1 to i32
        %cond3A_435 = arith.constant 0 : i32
        %cond3A_436 = arith.cmpi ne, %convert_element_type3A_434, %cond3A_435 : i32
        scf.if %cond3A_436 {
          %add3A_453 = arith.constant 5 : i32
          %add3A_454 = arith.addi %add3A_358, %add3A_453 : i32
          %sub3A = arith.constant 6 : i32
          %sub3A_455 = arith.subi %add3A_454, %sub3A : i32
          %dma_wait3A_456 = arith.constant 3 : i32
          %dma_wait3A_457 = arith.constant 3 : i32
          %dma_wait3A_458 = arith.constant 0 : i32
          %dma_wait3A_459 = arith.constant 0 : i32
          %dma_wait3A_460 = tpu.memref_slice %arg8[%dma_wait3A_456, %dma_wait3A_458, %dma_wait3A_459] : memref<6x128x32xf32, #tpu.memory_space<vmem>> -> memref<1x128x32xf32, #tpu.memory_space<vmem>>
          %dma_wait3A_461 = tpu.memref_squeeze %dma_wait3A_460 : memref<1x128x32xf32, #tpu.memory_space<vmem>> -> memref<128x32xf32, #tpu.memory_space<vmem>>
          %dma_wait3A_462 = arith.constant 0 : i32
          %dma_wait3A_463 = tpu.memref_slice %arg7[%sub3A_455, %dma_wait3A_462] : memref<79x128xi32, #tpu.memory_space<vmem>> -> memref<1x128xi32, #tpu.memory_space<vmem>>
          %dma_wait3A_464 = tpu.memref_squeeze %dma_wait3A_463 : memref<1x128xi32, #tpu.memory_space<vmem>> -> memref<128xi32, #tpu.memory_space<vmem>>
          %dma_wait3A_465 = arith.constant 0 : i32
          %dma_wait3A_466 = arith.constant 0 : i32
          %dma_wait3A_467 = tpu.memref_slice %arg10[%dma_wait3A_465, %dma_wait3A_466] : memref<10240x32xf32, #tpu.memory_space<vmem_shared>> -> memref<10240x32xf32, #tpu.memory_space<vmem_shared>>
          %dma_wait3A_468 = tpu.memref_slice %arg13[%dma_wait3A_457] : memref<6x!tpu.dma_semaphore, #tpu.memory_space<semaphore_mem>> -> memref<1x!tpu.dma_semaphore, #tpu.memory_space<semaphore_mem>>
          %dma_wait3A_469 = tpu.memref_squeeze %dma_wait3A_468 : memref<1x!tpu.dma_semaphore, #tpu.memory_space<semaphore_mem>> -> memref<!tpu.dma_semaphore, #tpu.memory_space<semaphore_mem>>
          tpu.wait_indirect_dma semaphore(%dma_wait3A_469 : memref<!tpu.dma_semaphore, #tpu.memory_space<semaphore_mem>>) src(%dma_wait3A_461 : memref<128x32xf32, #tpu.memory_space<vmem>>) dst(%dma_wait3A_467 : memref<10240x32xf32, #tpu.memory_space<vmem_shared>>)
        } else {
        }
        %add3A_437 = arith.constant 5 : i32
        %add3A_438 = arith.addi %add3A_358, %add3A_437 : i32
        %dma_start3A_439 = arith.constant 3 : i32
        %dma_start3A_440 = arith.constant 3 : i32
        %dma_start3A_441 = arith.constant 0 : i32
        %dma_start3A_442 = arith.constant 0 : i32
        %dma_start3A_443 = tpu.memref_slice %arg8[%dma_start3A_439, %dma_start3A_441, %dma_start3A_442] : memref<6x128x32xf32, #tpu.memory_space<vmem>> -> memref<1x128x32xf32, #tpu.memory_space<vmem>>
        %dma_start3A_444 = tpu.memref_squeeze %dma_start3A_443 : memref<1x128x32xf32, #tpu.memory_space<vmem>> -> memref<128x32xf32, #tpu.memory_space<vmem>>
        %dma_start3A_445 = arith.constant 0 : i32
        %dma_start3A_446 = tpu.memref_slice %arg6[%add3A_438, %dma_start3A_445] : memref<79x128xi32, #tpu.memory_space<vmem>> -> memref<1x128xi32, #tpu.memory_space<vmem>>
        %dma_start3A_447 = tpu.memref_squeeze %dma_start3A_446 : memref<1x128xi32, #tpu.memory_space<vmem>> -> memref<128xi32, #tpu.memory_space<vmem>>
        %dma_start3A_448 = arith.constant 0 : i32
        %dma_start3A_449 = arith.constant 0 : i32
        %dma_start3A_450 = tpu.memref_slice %arg11[%dma_start3A_448, %dma_start3A_449] : memref<10000x32xf32, #tpu.memory_space<vmem_shared>> -> memref<10000x32xf32, #tpu.memory_space<vmem_shared>>
        %dma_start3A_451 = tpu.memref_slice %arg12[%dma_start3A_440] : memref<6x!tpu.dma_semaphore, #tpu.memory_space<semaphore_mem>> -> memref<1x!tpu.dma_semaphore, #tpu.memory_space<semaphore_mem>>
        %dma_start3A_452 = tpu.memref_squeeze %dma_start3A_451 : memref<1x!tpu.dma_semaphore, #tpu.memory_space<semaphore_mem>> -> memref<!tpu.dma_semaphore, #tpu.memory_space<semaphore_mem>>
        tpu.enqueue_indirect_dma source(%dma_start3A_450 : memref<10000x32xf32, #tpu.memory_space<vmem_shared>>) target(%dma_start3A_444 : memref<128x32xf32, #tpu.memory_space<vmem>>) offsets(%dma_start3A_447 : memref<128xi32, #tpu.memory_space<vmem>>) semaphore(%dma_start3A_452 : memref<!tpu.dma_semaphore, #tpu.memory_space<semaphore_mem>>)
      } else {
      }
      %mul3A_394 = arith.constant 6 : i32
      %mul3A_395 = arith.muli %scan3A_198, %mul3A_394 : i32
      %add3A_396 = arith.constant 5 : i32
      %add3A_397 = arith.addi %mul3A_395, %add3A_396 : i32
      %dma_wait3A_398 = arith.constant 5 : i32
      %dma_wait3A_399 = arith.constant 5 : i32
      %dma_wait3A_400 = arith.constant 0 : i32
      %dma_wait3A_401 = arith.constant 0 : i32
      %dma_wait3A_402 = tpu.memref_slice %arg8[%dma_wait3A_398, %dma_wait3A_400, %dma_wait3A_401] : memref<6x128x32xf32, #tpu.memory_space<vmem>> -> memref<1x128x32xf32, #tpu.memory_space<vmem>>
      %dma_wait3A_403 = tpu.memref_squeeze %dma_wait3A_402 : memref<1x128x32xf32, #tpu.memory_space<vmem>> -> memref<128x32xf32, #tpu.memory_space<vmem>>
      %dma_wait3A_404 = arith.constant 0 : i32
      %dma_wait3A_405 = tpu.memref_slice %arg6[%add3A_397, %dma_wait3A_404] : memref<79x128xi32, #tpu.memory_space<vmem>> -> memref<1x128xi32, #tpu.memory_space<vmem>>
      %dma_wait3A_406 = tpu.memref_squeeze %dma_wait3A_405 : memref<1x128xi32, #tpu.memory_space<vmem>> -> memref<128xi32, #tpu.memory_space<vmem>>
      %dma_wait3A_407 = arith.constant 0 : i32
      %dma_wait3A_408 = arith.constant 0 : i32
      %dma_wait3A_409 = tpu.memref_slice %arg11[%dma_wait3A_407, %dma_wait3A_408] : memref<10000x32xf32, #tpu.memory_space<vmem_shared>> -> memref<10000x32xf32, #tpu.memory_space<vmem_shared>>
      %dma_wait3A_410 = tpu.memref_slice %arg12[%dma_wait3A_399] : memref<6x!tpu.dma_semaphore, #tpu.memory_space<semaphore_mem>> -> memref<1x!tpu.dma_semaphore, #tpu.memory_space<semaphore_mem>>
      %dma_wait3A_411 = tpu.memref_squeeze %dma_wait3A_410 : memref<1x!tpu.dma_semaphore, #tpu.memory_space<semaphore_mem>> -> memref<!tpu.dma_semaphore, #tpu.memory_space<semaphore_mem>>
      tpu.wait_indirect_dma semaphore(%dma_wait3A_411 : memref<!tpu.dma_semaphore, #tpu.memory_space<semaphore_mem>>) src(%dma_wait3A_409 : memref<10000x32xf32, #tpu.memory_space<vmem_shared>>) dst(%dma_wait3A_403 : memref<128x32xf32, #tpu.memory_space<vmem>>)
      %dma_start3A_412 = arith.constant 5 : i32
      %dma_start3A_413 = arith.constant 5 : i32
      %dma_start3A_414 = arith.constant 0 : i32
      %dma_start3A_415 = arith.constant 0 : i32
      %dma_start3A_416 = tpu.memref_slice %arg8[%dma_start3A_412, %dma_start3A_414, %dma_start3A_415] : memref<6x128x32xf32, #tpu.memory_space<vmem>> -> memref<1x128x32xf32, #tpu.memory_space<vmem>>
      %dma_start3A_417 = tpu.memref_squeeze %dma_start3A_416 : memref<1x128x32xf32, #tpu.memory_space<vmem>> -> memref<128x32xf32, #tpu.memory_space<vmem>>
      %dma_start3A_418 = arith.constant 0 : i32
      %dma_start3A_419 = tpu.memref_slice %arg7[%add3A_397, %dma_start3A_418] : memref<79x128xi32, #tpu.memory_space<vmem>> -> memref<1x128xi32, #tpu.memory_space<vmem>>
      %dma_start3A_420 = tpu.memref_squeeze %dma_start3A_419 : memref<1x128xi32, #tpu.memory_space<vmem>> -> memref<128xi32, #tpu.memory_space<vmem>>
      %dma_start3A_421 = arith.constant 0 : i32
      %dma_start3A_422 = arith.constant 0 : i32
      %dma_start3A_423 = tpu.memref_slice %arg10[%dma_start3A_421, %dma_start3A_422] : memref<10240x32xf32, #tpu.memory_space<vmem_shared>> -> memref<10240x32xf32, #tpu.memory_space<vmem_shared>>
      %dma_start3A_424 = tpu.memref_slice %arg13[%dma_start3A_413] : memref<6x!tpu.dma_semaphore, #tpu.memory_space<semaphore_mem>> -> memref<1x!tpu.dma_semaphore, #tpu.memory_space<semaphore_mem>>
      %dma_start3A_425 = tpu.memref_squeeze %dma_start3A_424 : memref<1x!tpu.dma_semaphore, #tpu.memory_space<semaphore_mem>> -> memref<!tpu.dma_semaphore, #tpu.memory_space<semaphore_mem>>
      tpu.enqueue_indirect_dma source(%dma_start3A_417 : memref<128x32xf32, #tpu.memory_space<vmem>>) target(%dma_start3A_423 : memref<10240x32xf32, #tpu.memory_space<vmem_shared>>) offsets(%dma_start3A_420 : memref<128xi32, #tpu.memory_space<vmem>>) semaphore(%dma_start3A_425 : memref<!tpu.dma_semaphore, #tpu.memory_space<semaphore_mem>>) {add = true}
      %add3A_426 = arith.constant 5 : i32
      %add3A_427 = arith.addi %add3A_397, %add3A_426 : i32
      %lt3A_428 = arith.constant 78 : i32
      %lt3A_429 = arith.cmpi slt, %add3A_427, %lt3A_428 : i32
      %convert_element_type3A_430 = arith.extui %lt3A_429 : i1 to i32
      %cond3A_431 = arith.constant 0 : i32
      %cond3A_432 = arith.cmpi ne, %convert_element_type3A_430, %cond3A_431 : i32
      scf.if %cond3A_432 {
        %ge3A = arith.constant 1 : i32
        %ge3A_433 = arith.cmpi sge, %add3A_397, %ge3A : i32
        %convert_element_type3A_434 = arith.extui %ge3A_433 : i1 to i32
        %cond3A_435 = arith.constant 0 : i32
        %cond3A_436 = arith.cmpi ne, %convert_element_type3A_434, %cond3A_435 : i32
        scf.if %cond3A_436 {
          %add3A_453 = arith.constant 5 : i32
          %add3A_454 = arith.addi %add3A_397, %add3A_453 : i32
          %sub3A = arith.constant 6 : i32
          %sub3A_455 = arith.subi %add3A_454, %sub3A : i32
          %dma_wait3A_456 = arith.constant 4 : i32
          %dma_wait3A_457 = arith.constant 4 : i32
          %dma_wait3A_458 = arith.constant 0 : i32
          %dma_wait3A_459 = arith.constant 0 : i32
          %dma_wait3A_460 = tpu.memref_slice %arg8[%dma_wait3A_456, %dma_wait3A_458, %dma_wait3A_459] : memref<6x128x32xf32, #tpu.memory_space<vmem>> -> memref<1x128x32xf32, #tpu.memory_space<vmem>>
          %dma_wait3A_461 = tpu.memref_squeeze %dma_wait3A_460 : memref<1x128x32xf32, #tpu.memory_space<vmem>> -> memref<128x32xf32, #tpu.memory_space<vmem>>
          %dma_wait3A_462 = arith.constant 0 : i32
          %dma_wait3A_463 = tpu.memref_slice %arg7[%sub3A_455, %dma_wait3A_462] : memref<79x128xi32, #tpu.memory_space<vmem>> -> memref<1x128xi32, #tpu.memory_space<vmem>>
          %dma_wait3A_464 = tpu.memref_squeeze %dma_wait3A_463 : memref<1x128xi32, #tpu.memory_space<vmem>> -> memref<128xi32, #tpu.memory_space<vmem>>
          %dma_wait3A_465 = arith.constant 0 : i32
          %dma_wait3A_466 = arith.constant 0 : i32
          %dma_wait3A_467 = tpu.memref_slice %arg10[%dma_wait3A_465, %dma_wait3A_466] : memref<10240x32xf32, #tpu.memory_space<vmem_shared>> -> memref<10240x32xf32, #tpu.memory_space<vmem_shared>>
          %dma_wait3A_468 = tpu.memref_slice %arg13[%dma_wait3A_457] : memref<6x!tpu.dma_semaphore, #tpu.memory_space<semaphore_mem>> -> memref<1x!tpu.dma_semaphore, #tpu.memory_space<semaphore_mem>>
          %dma_wait3A_469 = tpu.memref_squeeze %dma_wait3A_468 : memref<1x!tpu.dma_semaphore, #tpu.memory_space<semaphore_mem>> -> memref<!tpu.dma_semaphore, #tpu.memory_space<semaphore_mem>>
          tpu.wait_indirect_dma semaphore(%dma_wait3A_469 : memref<!tpu.dma_semaphore, #tpu.memory_space<semaphore_mem>>) src(%dma_wait3A_461 : memref<128x32xf32, #tpu.memory_space<vmem>>) dst(%dma_wait3A_467 : memref<10240x32xf32, #tpu.memory_space<vmem_shared>>)
        } else {
        }
        %add3A_437 = arith.constant 5 : i32
        %add3A_438 = arith.addi %add3A_397, %add3A_437 : i32
        %dma_start3A_439 = arith.constant 4 : i32
        %dma_start3A_440 = arith.constant 4 : i32
        %dma_start3A_441 = arith.constant 0 : i32
        %dma_start3A_442 = arith.constant 0 : i32
        %dma_start3A_443 = tpu.memref_slice %arg8[%dma_start3A_439, %dma_start3A_441, %dma_start3A_442] : memref<6x128x32xf32, #tpu.memory_space<vmem>> -> memref<1x128x32xf32, #tpu.memory_space<vmem>>
        %dma_start3A_444 = tpu.memref_squeeze %dma_start3A_443 : memref<1x128x32xf32, #tpu.memory_space<vmem>> -> memref<128x32xf32, #tpu.memory_space<vmem>>
        %dma_start3A_445 = arith.constant 0 : i32
        %dma_start3A_446 = tpu.memref_slice %arg6[%add3A_438, %dma_start3A_445] : memref<79x128xi32, #tpu.memory_space<vmem>> -> memref<1x128xi32, #tpu.memory_space<vmem>>
        %dma_start3A_447 = tpu.memref_squeeze %dma_start3A_446 : memref<1x128xi32, #tpu.memory_space<vmem>> -> memref<128xi32, #tpu.memory_space<vmem>>
        %dma_start3A_448 = arith.constant 0 : i32
        %dma_start3A_449 = arith.constant 0 : i32
        %dma_start3A_450 = tpu.memref_slice %arg11[%dma_start3A_448, %dma_start3A_449] : memref<10000x32xf32, #tpu.memory_space<vmem_shared>> -> memref<10000x32xf32, #tpu.memory_space<vmem_shared>>
        %dma_start3A_451 = tpu.memref_slice %arg12[%dma_start3A_440] : memref<6x!tpu.dma_semaphore, #tpu.memory_space<semaphore_mem>> -> memref<1x!tpu.dma_semaphore, #tpu.memory_space<semaphore_mem>>
        %dma_start3A_452 = tpu.memref_squeeze %dma_start3A_451 : memref<1x!tpu.dma_semaphore, #tpu.memory_space<semaphore_mem>> -> memref<!tpu.dma_semaphore, #tpu.memory_space<semaphore_mem>>
        tpu.enqueue_indirect_dma source(%dma_start3A_450 : memref<10000x32xf32, #tpu.memory_space<vmem_shared>>) target(%dma_start3A_444 : memref<128x32xf32, #tpu.memory_space<vmem>>) offsets(%dma_start3A_447 : memref<128xi32, #tpu.memory_space<vmem>>) semaphore(%dma_start3A_452 : memref<!tpu.dma_semaphore, #tpu.memory_space<semaphore_mem>>)
      } else {
      }
    }
    %scan3A_98 = arith.constant 13 : i32
    %dma_wait3A = arith.constant 0 : i32
    %dma_wait3A_99 = arith.constant 72 : i32
    %dma_wait3A_100 = arith.constant 0 : i32
    %dma_wait3A_101 = arith.constant 0 : i32
    %dma_wait3A_102 = arith.constant 0 : i32
    %dma_wait3A_103 = tpu.memref_slice %arg8[%dma_wait3A, %dma_wait3A_101, %dma_wait3A_102] : memref<6x128x32xf32, #tpu.memory_space<vmem>> -> memref<1x128x32xf32, #tpu.memory_space<vmem>>
    %dma_wait3A_104 = tpu.memref_squeeze %dma_wait3A_103 : memref<1x128x32xf32, #tpu.memory_space<vmem>> -> memref<128x32xf32, #tpu.memory_space<vmem>>
    %dma_wait3A_105 = arith.constant 0 : i32
    %dma_wait3A_106 = tpu.memref_slice %arg7[%dma_wait3A_99, %dma_wait3A_105] : memref<79x128xi32, #tpu.memory_space<vmem>> -> memref<1x128xi32, #tpu.memory_space<vmem>>
    %dma_wait3A_107 = tpu.memref_squeeze %dma_wait3A_106 : memref<1x128xi32, #tpu.memory_space<vmem>> -> memref<128xi32, #tpu.memory_space<vmem>>
    %dma_wait3A_108 = arith.constant 0 : i32
    %dma_wait3A_109 = arith.constant 0 : i32
    %dma_wait3A_110 = tpu.memref_slice %arg10[%dma_wait3A_108, %dma_wait3A_109] : memref<10240x32xf32, #tpu.memory_space<vmem_shared>> -> memref<10240x32xf32, #tpu.memory_space<vmem_shared>>
    %dma_wait3A_111 = tpu.memref_slice %arg13[%dma_wait3A_100] : memref<6x!tpu.dma_semaphore, #tpu.memory_space<semaphore_mem>> -> memref<1x!tpu.dma_semaphore, #tpu.memory_space<semaphore_mem>>
    %dma_wait3A_112 = tpu.memref_squeeze %dma_wait3A_111 : memref<1x!tpu.dma_semaphore, #tpu.memory_space<semaphore_mem>> -> memref<!tpu.dma_semaphore, #tpu.memory_space<semaphore_mem>>
    tpu.wait_indirect_dma semaphore(%dma_wait3A_112 : memref<!tpu.dma_semaphore, #tpu.memory_space<semaphore_mem>>) src(%dma_wait3A_104 : memref<128x32xf32, #tpu.memory_space<vmem>>) dst(%dma_wait3A_110 : memref<10240x32xf32, #tpu.memory_space<vmem_shared>>)
    %dma_wait3A_113 = arith.constant 1 : i32
    %dma_wait3A_114 = arith.constant 73 : i32
    %dma_wait3A_115 = arith.constant 1 : i32
    %dma_wait3A_116 = arith.constant 0 : i32
    %dma_wait3A_117 = arith.constant 0 : i32
    %dma_wait3A_118 = tpu.memref_slice %arg8[%dma_wait3A_113, %dma_wait3A_116, %dma_wait3A_117] : memref<6x128x32xf32, #tpu.memory_space<vmem>> -> memref<1x128x32xf32, #tpu.memory_space<vmem>>
    %dma_wait3A_119 = tpu.memref_squeeze %dma_wait3A_118 : memref<1x128x32xf32, #tpu.memory_space<vmem>> -> memref<128x32xf32, #tpu.memory_space<vmem>>
    %dma_wait3A_120 = arith.constant 0 : i32
    %dma_wait3A_121 = tpu.memref_slice %arg7[%dma_wait3A_114, %dma_wait3A_120] : memref<79x128xi32, #tpu.memory_space<vmem>> -> memref<1x128xi32, #tpu.memory_space<vmem>>
    %dma_wait3A_122 = tpu.memref_squeeze %dma_wait3A_121 : memref<1x128xi32, #tpu.memory_space<vmem>> -> memref<128xi32, #tpu.memory_space<vmem>>
    %dma_wait3A_123 = arith.constant 0 : i32
    %dma_wait3A_124 = arith.constant 0 : i32
    %dma_wait3A_125 = tpu.memref_slice %arg10[%dma_wait3A_123, %dma_wait3A_124] : memref<10240x32xf32, #tpu.memory_space<vmem_shared>> -> memref<10240x32xf32, #tpu.memory_space<vmem_shared>>
    %dma_wait3A_126 = tpu.memref_slice %arg13[%dma_wait3A_115] : memref<6x!tpu.dma_semaphore, #tpu.memory_space<semaphore_mem>> -> memref<1x!tpu.dma_semaphore, #tpu.memory_space<semaphore_mem>>
    %dma_wait3A_127 = tpu.memref_squeeze %dma_wait3A_126 : memref<1x!tpu.dma_semaphore, #tpu.memory_space<semaphore_mem>> -> memref<!tpu.dma_semaphore, #tpu.memory_space<semaphore_mem>>
    tpu.wait_indirect_dma semaphore(%dma_wait3A_127 : memref<!tpu.dma_semaphore, #tpu.memory_space<semaphore_mem>>) src(%dma_wait3A_119 : memref<128x32xf32, #tpu.memory_space<vmem>>) dst(%dma_wait3A_125 : memref<10240x32xf32, #tpu.memory_space<vmem_shared>>)
    %dma_wait3A_128 = arith.constant 2 : i32
    %dma_wait3A_129 = arith.constant 74 : i32
    %dma_wait3A_130 = arith.constant 2 : i32
    %dma_wait3A_131 = arith.constant 0 : i32
    %dma_wait3A_132 = arith.constant 0 : i32
    %dma_wait3A_133 = tpu.memref_slice %arg8[%dma_wait3A_128, %dma_wait3A_131, %dma_wait3A_132] : memref<6x128x32xf32, #tpu.memory_space<vmem>> -> memref<1x128x32xf32, #tpu.memory_space<vmem>>
    %dma_wait3A_134 = tpu.memref_squeeze %dma_wait3A_133 : memref<1x128x32xf32, #tpu.memory_space<vmem>> -> memref<128x32xf32, #tpu.memory_space<vmem>>
    %dma_wait3A_135 = arith.constant 0 : i32
    %dma_wait3A_136 = tpu.memref_slice %arg7[%dma_wait3A_129, %dma_wait3A_135] : memref<79x128xi32, #tpu.memory_space<vmem>> -> memref<1x128xi32, #tpu.memory_space<vmem>>
    %dma_wait3A_137 = tpu.memref_squeeze %dma_wait3A_136 : memref<1x128xi32, #tpu.memory_space<vmem>> -> memref<128xi32, #tpu.memory_space<vmem>>
    %dma_wait3A_138 = arith.constant 0 : i32
    %dma_wait3A_139 = arith.constant 0 : i32
    %dma_wait3A_140 = tpu.memref_slice %arg10[%dma_wait3A_138, %dma_wait3A_139] : memref<10240x32xf32, #tpu.memory_space<vmem_shared>> -> memref<10240x32xf32, #tpu.memory_space<vmem_shared>>
    %dma_wait3A_141 = tpu.memref_slice %arg13[%dma_wait3A_130] : memref<6x!tpu.dma_semaphore, #tpu.memory_space<semaphore_mem>> -> memref<1x!tpu.dma_semaphore, #tpu.memory_space<semaphore_mem>>
    %dma_wait3A_142 = tpu.memref_squeeze %dma_wait3A_141 : memref<1x!tpu.dma_semaphore, #tpu.memory_space<semaphore_mem>> -> memref<!tpu.dma_semaphore, #tpu.memory_space<semaphore_mem>>
    tpu.wait_indirect_dma semaphore(%dma_wait3A_142 : memref<!tpu.dma_semaphore, #tpu.memory_space<semaphore_mem>>) src(%dma_wait3A_134 : memref<128x32xf32, #tpu.memory_space<vmem>>) dst(%dma_wait3A_140 : memref<10240x32xf32, #tpu.memory_space<vmem_shared>>)
    %dma_wait3A_143 = arith.constant 3 : i32
    %dma_wait3A_144 = arith.constant 75 : i32
    %dma_wait3A_145 = arith.constant 3 : i32
    %dma_wait3A_146 = arith.constant 0 : i32
    %dma_wait3A_147 = arith.constant 0 : i32
    %dma_wait3A_148 = tpu.memref_slice %arg8[%dma_wait3A_143, %dma_wait3A_146, %dma_wait3A_147] : memref<6x128x32xf32, #tpu.memory_space<vmem>> -> memref<1x128x32xf32, #tpu.memory_space<vmem>>
    %dma_wait3A_149 = tpu.memref_squeeze %dma_wait3A_148 : memref<1x128x32xf32, #tpu.memory_space<vmem>> -> memref<128x32xf32, #tpu.memory_space<vmem>>
    %dma_wait3A_150 = arith.constant 0 : i32
    %dma_wait3A_151 = tpu.memref_slice %arg7[%dma_wait3A_144, %dma_wait3A_150] : memref<79x128xi32, #tpu.memory_space<vmem>> -> memref<1x128xi32, #tpu.memory_space<vmem>>
    %dma_wait3A_152 = tpu.memref_squeeze %dma_wait3A_151 : memref<1x128xi32, #tpu.memory_space<vmem>> -> memref<128xi32, #tpu.memory_space<vmem>>
    %dma_wait3A_153 = arith.constant 0 : i32
    %dma_wait3A_154 = arith.constant 0 : i32
    %dma_wait3A_155 = tpu.memref_slice %arg10[%dma_wait3A_153, %dma_wait3A_154] : memref<10240x32xf32, #tpu.memory_space<vmem_shared>> -> memref<10240x32xf32, #tpu.memory_space<vmem_shared>>
    %dma_wait3A_156 = tpu.memref_slice %arg13[%dma_wait3A_145] : memref<6x!tpu.dma_semaphore, #tpu.memory_space<semaphore_mem>> -> memref<1x!tpu.dma_semaphore, #tpu.memory_space<semaphore_mem>>
    %dma_wait3A_157 = tpu.memref_squeeze %dma_wait3A_156 : memref<1x!tpu.dma_semaphore, #tpu.memory_space<semaphore_mem>> -> memref<!tpu.dma_semaphore, #tpu.memory_space<semaphore_mem>>
    tpu.wait_indirect_dma semaphore(%dma_wait3A_157 : memref<!tpu.dma_semaphore, #tpu.memory_space<semaphore_mem>>) src(%dma_wait3A_149 : memref<128x32xf32, #tpu.memory_space<vmem>>) dst(%dma_wait3A_155 : memref<10240x32xf32, #tpu.memory_space<vmem_shared>>)
    %dma_wait3A_158 = arith.constant 4 : i32
    %dma_wait3A_159 = arith.constant 76 : i32
    %dma_wait3A_160 = arith.constant 4 : i32
    %dma_wait3A_161 = arith.constant 0 : i32
    %dma_wait3A_162 = arith.constant 0 : i32
    %dma_wait3A_163 = tpu.memref_slice %arg8[%dma_wait3A_158, %dma_wait3A_161, %dma_wait3A_162] : memref<6x128x32xf32, #tpu.memory_space<vmem>> -> memref<1x128x32xf32, #tpu.memory_space<vmem>>
    %dma_wait3A_164 = tpu.memref_squeeze %dma_wait3A_163 : memref<1x128x32xf32, #tpu.memory_space<vmem>> -> memref<128x32xf32, #tpu.memory_space<vmem>>
    %dma_wait3A_165 = arith.constant 0 : i32
    %dma_wait3A_166 = tpu.memref_slice %arg7[%dma_wait3A_159, %dma_wait3A_165] : memref<79x128xi32, #tpu.memory_space<vmem>> -> memref<1x128xi32, #tpu.memory_space<vmem>>
    %dma_wait3A_167 = tpu.memref_squeeze %dma_wait3A_166 : memref<1x128xi32, #tpu.memory_space<vmem>> -> memref<128xi32, #tpu.memory_space<vmem>>
    %dma_wait3A_168 = arith.constant 0 : i32
    %dma_wait3A_169 = arith.constant 0 : i32
    %dma_wait3A_170 = tpu.memref_slice %arg10[%dma_wait3A_168, %dma_wait3A_169] : memref<10240x32xf32, #tpu.memory_space<vmem_shared>> -> memref<10240x32xf32, #tpu.memory_space<vmem_shared>>
    %dma_wait3A_171 = tpu.memref_slice %arg13[%dma_wait3A_160] : memref<6x!tpu.dma_semaphore, #tpu.memory_space<semaphore_mem>> -> memref<1x!tpu.dma_semaphore, #tpu.memory_space<semaphore_mem>>
    %dma_wait3A_172 = tpu.memref_squeeze %dma_wait3A_171 : memref<1x!tpu.dma_semaphore, #tpu.memory_space<semaphore_mem>> -> memref<!tpu.dma_semaphore, #tpu.memory_space<semaphore_mem>>
    tpu.wait_indirect_dma semaphore(%dma_wait3A_172 : memref<!tpu.dma_semaphore, #tpu.memory_space<semaphore_mem>>) src(%dma_wait3A_164 : memref<128x32xf32, #tpu.memory_space<vmem>>) dst(%dma_wait3A_170 : memref<10240x32xf32, #tpu.memory_space<vmem_shared>>)
    %dma_wait3A_173 = arith.constant 5 : i32
    %dma_wait3A_174 = arith.constant 77 : i32
    %dma_wait3A_175 = arith.constant 5 : i32
    %dma_wait3A_176 = arith.constant 0 : i32
    %dma_wait3A_177 = arith.constant 0 : i32
    %dma_wait3A_178 = tpu.memref_slice %arg8[%dma_wait3A_173, %dma_wait3A_176, %dma_wait3A_177] : memref<6x128x32xf32, #tpu.memory_space<vmem>> -> memref<1x128x32xf32, #tpu.memory_space<vmem>>
    %dma_wait3A_179 = tpu.memref_squeeze %dma_wait3A_178 : memref<1x128x32xf32, #tpu.memory_space<vmem>> -> memref<128x32xf32, #tpu.memory_space<vmem>>
    %dma_wait3A_180 = arith.constant 0 : i32
    %dma_wait3A_181 = tpu.memref_slice %arg7[%dma_wait3A_174, %dma_wait3A_180] : memref<79x128xi32, #tpu.memory_space<vmem>> -> memref<1x128xi32, #tpu.memory_space<vmem>>
    %dma_wait3A_182 = tpu.memref_squeeze %dma_wait3A_181 : memref<1x128xi32, #tpu.memory_space<vmem>> -> memref<128xi32, #tpu.memory_space<vmem>>
    %dma_wait3A_183 = arith.constant 0 : i32
    %dma_wait3A_184 = arith.constant 0 : i32
    %dma_wait3A_185 = tpu.memref_slice %arg10[%dma_wait3A_183, %dma_wait3A_184] : memref<10240x32xf32, #tpu.memory_space<vmem_shared>> -> memref<10240x32xf32, #tpu.memory_space<vmem_shared>>
    %dma_wait3A_186 = tpu.memref_slice %arg13[%dma_wait3A_175] : memref<6x!tpu.dma_semaphore, #tpu.memory_space<semaphore_mem>> -> memref<1x!tpu.dma_semaphore, #tpu.memory_space<semaphore_mem>>
    %dma_wait3A_187 = tpu.memref_squeeze %dma_wait3A_186 : memref<1x!tpu.dma_semaphore, #tpu.memory_space<semaphore_mem>> -> memref<!tpu.dma_semaphore, #tpu.memory_space<semaphore_mem>>
    tpu.wait_indirect_dma semaphore(%dma_wait3A_187 : memref<!tpu.dma_semaphore, #tpu.memory_space<semaphore_mem>>) src(%dma_wait3A_179 : memref<128x32xf32, #tpu.memory_space<vmem>>) dst(%dma_wait3A_185 : memref<10240x32xf32, #tpu.memory_space<vmem_shared>>)
    %lt3A_188 = arith.constant 4 : i32
    %lt3A_189 = arith.cmpi slt, %add3A, %lt3A_188 : i32
    %convert_element_type3A_190 = arith.extui %lt3A_189 : i1 to i32
    %cond3A_191 = arith.constant 0 : i32
    %cond3A_192 = arith.cmpi ne, %convert_element_type3A_190, %cond3A_191 : i32
    scf.if %cond3A_192 {
      %dma_start3A_198 = arith.constant 78 : i32
      %dma_start3A_199 = arith.constant 0 : i32
      %dma_start3A_200 = arith.constant 0 : i32
      %dma_start3A_201 = arith.constant 0 : i32
      %dma_start3A_202 = arith.constant 0 : i32
      %dma_start3A_203 = tpu.memref_slice %arg8[%dma_start3A_199, %dma_start3A_201, %dma_start3A_202] : memref<6x128x32xf32, #tpu.memory_space<vmem>> -> memref<1x128x32xf32, #tpu.memory_space<vmem>>
      %dma_start3A_204 = tpu.memref_squeeze %dma_start3A_203 : memref<1x128x32xf32, #tpu.memory_space<vmem>> -> memref<128x32xf32, #tpu.memory_space<vmem>>
      %dma_start3A_205 = arith.constant 0 : i32
      %dma_start3A_206 = tpu.memref_slice %arg6[%dma_start3A_198, %dma_start3A_205] : memref<79x128xi32, #tpu.memory_space<vmem>> -> memref<1x128xi32, #tpu.memory_space<vmem>>
      %dma_start3A_207 = tpu.memref_squeeze %dma_start3A_206 : memref<1x128xi32, #tpu.memory_space<vmem>> -> memref<128xi32, #tpu.memory_space<vmem>>
      %dma_start3A_208 = arith.constant 0 : i32
      %dma_start3A_209 = arith.constant 0 : i32
      %dma_start3A_210 = tpu.memref_slice %arg11[%dma_start3A_208, %dma_start3A_209] : memref<10000x32xf32, #tpu.memory_space<vmem_shared>> -> memref<10000x32xf32, #tpu.memory_space<vmem_shared>>
      %dma_start3A_211 = tpu.memref_slice %arg12[%dma_start3A_200] : memref<6x!tpu.dma_semaphore, #tpu.memory_space<semaphore_mem>> -> memref<1x!tpu.dma_semaphore, #tpu.memory_space<semaphore_mem>>
      %dma_start3A_212 = tpu.memref_squeeze %dma_start3A_211 : memref<1x!tpu.dma_semaphore, #tpu.memory_space<semaphore_mem>> -> memref<!tpu.dma_semaphore, #tpu.memory_space<semaphore_mem>>
      tpu.enqueue_indirect_dma source(%dma_start3A_210 : memref<10000x32xf32, #tpu.memory_space<vmem_shared>>) target(%dma_start3A_204 : memref<128x32xf32, #tpu.memory_space<vmem>>) offsets(%dma_start3A_207 : memref<128xi32, #tpu.memory_space<vmem>>) semaphore(%dma_start3A_212 : memref<!tpu.dma_semaphore, #tpu.memory_space<semaphore_mem>>)
      %dma_wait3A_213 = arith.constant 78 : i32
      %dma_wait3A_214 = arith.constant 0 : i32
      %dma_wait3A_215 = arith.constant 0 : i32
      %dma_wait3A_216 = arith.constant 0 : i32
      %dma_wait3A_217 = arith.constant 0 : i32
      %dma_wait3A_218 = tpu.memref_slice %arg8[%dma_wait3A_214, %dma_wait3A_216, %dma_wait3A_217] : memref<6x128x32xf32, #tpu.memory_space<vmem>> -> memref<1x128x32xf32, #tpu.memory_space<vmem>>
      %dma_wait3A_219 = tpu.memref_squeeze %dma_wait3A_218 : memref<1x128x32xf32, #tpu.memory_space<vmem>> -> memref<128x32xf32, #tpu.memory_space<vmem>>
      %dma_wait3A_220 = arith.constant 0 : i32
      %dma_wait3A_221 = tpu.memref_slice %arg6[%dma_wait3A_213, %dma_wait3A_220] : memref<79x128xi32, #tpu.memory_space<vmem>> -> memref<1x128xi32, #tpu.memory_space<vmem>>
      %dma_wait3A_222 = tpu.memref_squeeze %dma_wait3A_221 : memref<1x128xi32, #tpu.memory_space<vmem>> -> memref<128xi32, #tpu.memory_space<vmem>>
      %dma_wait3A_223 = arith.constant 0 : i32
      %dma_wait3A_224 = arith.constant 0 : i32
      %dma_wait3A_225 = tpu.memref_slice %arg11[%dma_wait3A_223, %dma_wait3A_224] : memref<10000x32xf32, #tpu.memory_space<vmem_shared>> -> memref<10000x32xf32, #tpu.memory_space<vmem_shared>>
      %dma_wait3A_226 = tpu.memref_slice %arg12[%dma_wait3A_215] : memref<6x!tpu.dma_semaphore, #tpu.memory_space<semaphore_mem>> -> memref<1x!tpu.dma_semaphore, #tpu.memory_space<semaphore_mem>>
      %dma_wait3A_227 = tpu.memref_squeeze %dma_wait3A_226 : memref<1x!tpu.dma_semaphore, #tpu.memory_space<semaphore_mem>> -> memref<!tpu.dma_semaphore, #tpu.memory_space<semaphore_mem>>
      tpu.wait_indirect_dma semaphore(%dma_wait3A_227 : memref<!tpu.dma_semaphore, #tpu.memory_space<semaphore_mem>>) src(%dma_wait3A_225 : memref<10000x32xf32, #tpu.memory_space<vmem_shared>>) dst(%dma_wait3A_219 : memref<128x32xf32, #tpu.memory_space<vmem>>)
      %dma_start3A_228 = arith.constant 0 : i32
      %dma_start3A_229 = arith.constant 78 : i32
      %dma_start3A_230 = arith.constant 0 : i32
      %dma_start3A_231 = arith.constant 0 : i32
      %dma_start3A_232 = arith.constant 0 : i32
      %dma_start3A_233 = tpu.memref_slice %arg8[%dma_start3A_228, %dma_start3A_231, %dma_start3A_232] : memref<6x128x32xf32, #tpu.memory_space<vmem>> -> memref<1x128x32xf32, #tpu.memory_space<vmem>>
      %dma_start3A_234 = tpu.memref_squeeze %dma_start3A_233 : memref<1x128x32xf32, #tpu.memory_space<vmem>> -> memref<128x32xf32, #tpu.memory_space<vmem>>
      %dma_start3A_235 = arith.constant 0 : i32
      %dma_start3A_236 = tpu.memref_slice %arg7[%dma_start3A_229, %dma_start3A_235] : memref<79x128xi32, #tpu.memory_space<vmem>> -> memref<1x128xi32, #tpu.memory_space<vmem>>
      %dma_start3A_237 = tpu.memref_squeeze %dma_start3A_236 : memref<1x128xi32, #tpu.memory_space<vmem>> -> memref<128xi32, #tpu.memory_space<vmem>>
      %dma_start3A_238 = arith.constant 0 : i32
      %dma_start3A_239 = arith.constant 0 : i32
      %dma_start3A_240 = tpu.memref_slice %arg10[%dma_start3A_238, %dma_start3A_239] : memref<10240x32xf32, #tpu.memory_space<vmem_shared>> -> memref<10240x32xf32, #tpu.memory_space<vmem_shared>>
      %dma_start3A_241 = tpu.memref_slice %arg13[%dma_start3A_230] : memref<6x!tpu.dma_semaphore, #tpu.memory_space<semaphore_mem>> -> memref<1x!tpu.dma_semaphore, #tpu.memory_space<semaphore_mem>>
      %dma_start3A_242 = tpu.memref_squeeze %dma_start3A_241 : memref<1x!tpu.dma_semaphore, #tpu.memory_space<semaphore_mem>> -> memref<!tpu.dma_semaphore, #tpu.memory_space<semaphore_mem>>
      tpu.enqueue_indirect_dma source(%dma_start3A_234 : memref<128x32xf32, #tpu.memory_space<vmem>>) target(%dma_start3A_240 : memref<10240x32xf32, #tpu.memory_space<vmem_shared>>) offsets(%dma_start3A_237 : memref<128xi32, #tpu.memory_space<vmem>>) semaphore(%dma_start3A_242 : memref<!tpu.dma_semaphore, #tpu.memory_space<semaphore_mem>>) {add = true}
      %dma_wait3A_243 = arith.constant 0 : i32
      %dma_wait3A_244 = arith.constant 78 : i32
      %dma_wait3A_245 = arith.constant 0 : i32
      %dma_wait3A_246 = arith.constant 0 : i32
      %dma_wait3A_247 = arith.constant 0 : i32
      %dma_wait3A_248 = tpu.memref_slice %arg8[%dma_wait3A_243, %dma_wait3A_246, %dma_wait3A_247] : memref<6x128x32xf32, #tpu.memory_space<vmem>> -> memref<1x128x32xf32, #tpu.memory_space<vmem>>
      %dma_wait3A_249 = tpu.memref_squeeze %dma_wait3A_248 : memref<1x128x32xf32, #tpu.memory_space<vmem>> -> memref<128x32xf32, #tpu.memory_space<vmem>>
      %dma_wait3A_250 = arith.constant 0 : i32
      %dma_wait3A_251 = tpu.memref_slice %arg7[%dma_wait3A_244, %dma_wait3A_250] : memref<79x128xi32, #tpu.memory_space<vmem>> -> memref<1x128xi32, #tpu.memory_space<vmem>>
      %dma_wait3A_252 = tpu.memref_squeeze %dma_wait3A_251 : memref<1x128xi32, #tpu.memory_space<vmem>> -> memref<128xi32, #tpu.memory_space<vmem>>
      %dma_wait3A_253 = arith.constant 0 : i32
      %dma_wait3A_254 = arith.constant 0 : i32
      %dma_wait3A_255 = tpu.memref_slice %arg10[%dma_wait3A_253, %dma_wait3A_254] : memref<10240x32xf32, #tpu.memory_space<vmem_shared>> -> memref<10240x32xf32, #tpu.memory_space<vmem_shared>>
      %dma_wait3A_256 = tpu.memref_slice %arg13[%dma_wait3A_245] : memref<6x!tpu.dma_semaphore, #tpu.memory_space<semaphore_mem>> -> memref<1x!tpu.dma_semaphore, #tpu.memory_space<semaphore_mem>>
      %dma_wait3A_257 = tpu.memref_squeeze %dma_wait3A_256 : memref<1x!tpu.dma_semaphore, #tpu.memory_space<semaphore_mem>> -> memref<!tpu.dma_semaphore, #tpu.memory_space<semaphore_mem>>
      tpu.wait_indirect_dma semaphore(%dma_wait3A_257 : memref<!tpu.dma_semaphore, #tpu.memory_space<semaphore_mem>>) src(%dma_wait3A_249 : memref<128x32xf32, #tpu.memory_space<vmem>>) dst(%dma_wait3A_255 : memref<10240x32xf32, #tpu.memory_space<vmem_shared>>)
    } else {
    }
    %barrier3A_193 = arith.constant 0 : index
    tpu.barrier barrier_id(%barrier3A_193)
    %mul3A_194 = arith.constant 640 : i32
    %mul3A_195 = arith.muli %arg1, %mul3A_194 : i32
    "tpu.region"() ({
      %run_scoped3A = tpu.sem_alloc : memref<!tpu.dma_semaphore, #tpu.memory_space<semaphore_mem>>
      %dma_start3A_198 = arith.constant 0 : i32
      %dma_start3A_199 = tpu.memref_slice %arg10[%mul3A_195, %dma_start3A_198] : memref<10240x32xf32, #tpu.memory_space<vmem_shared>> -> memref<640x32xf32, #tpu.memory_space<vmem_shared>>
      %dma_start3A_200 = arith.constant 0 : i32
      %dma_start3A_201 = tpu.memref_slice %arg10[%mul3A_195, %dma_start3A_200] : memref<10240x32xf32, #tpu.memory_space<vmem_shared>> -> memref<640x32xf32, #tpu.memory_space<vmem_shared>>
      tpu.enqueue_dma source(%dma_start3A_201 : memref<640x32xf32, #tpu.memory_space<vmem_shared>>) target(%arg9 : memref<640x32xf32, #tpu.memory_space<vmem>>) target_semaphore(%run_scoped3A : memref<!tpu.dma_semaphore, #tpu.memory_space<semaphore_mem>>)
      %dma_wait3A_202 = arith.constant 0 : i32
      %dma_wait3A_203 = tpu.memref_slice %arg10[%mul3A_195, %dma_wait3A_202] : memref<10240x32xf32, #tpu.memory_space<vmem_shared>> -> memref<640x32xf32, #tpu.memory_space<vmem_shared>>
      %dma_wait3A_204 = arith.constant 0 : i32
      %dma_wait3A_205 = tpu.memref_slice %arg10[%mul3A_195, %dma_wait3A_204] : memref<10240x32xf32, #tpu.memory_space<vmem_shared>> -> memref<640x32xf32, #tpu.memory_space<vmem_shared>>
      tpu.wait_dma2 semaphore(%run_scoped3A : memref<!tpu.dma_semaphore, #tpu.memory_space<semaphore_mem>>) src(%dma_wait3A_205 : memref<640x32xf32, #tpu.memory_space<vmem_shared>>) dst(%arg9 : memref<640x32xf32, #tpu.memory_space<vmem>>)
      tpu.yield
    }) : () -> ()
    %mul3A_196 = arith.constant 640 : i32
    %mul3A_197 = arith.muli %arg1, %mul3A_196 : i32
    "tpu.region"() ({
      %run_scoped3A = tpu.sem_alloc : memref<!tpu.dma_semaphore, #tpu.memory_space<semaphore_mem>>
      %dma_start3A_198 = arith.constant 0 : i32
      %dma_start3A_199 = tpu.memref_slice %arg5[%arg0, %mul3A_197, %dma_start3A_198] : memref<2x10240x32xf32, #tpu.memory_space<hbm>> -> memref<1x640x32xf32, #tpu.memory_space<hbm>>
      %dma_start3A_200 = tpu.memref_squeeze %dma_start3A_199 : memref<1x640x32xf32, #tpu.memory_space<hbm>> -> memref<640x32xf32, #tpu.memory_space<hbm>>
      %dma_start3A_201 = arith.constant 0 : i32
      %dma_start3A_202 = tpu.memref_slice %arg5[%arg0, %mul3A_197, %dma_start3A_201] : memref<2x10240x32xf32, #tpu.memory_space<hbm>> -> memref<1x640x32xf32, #tpu.memory_space<hbm>>
      %dma_start3A_203 = tpu.memref_squeeze %dma_start3A_202 : memref<1x640x32xf32, #tpu.memory_space<hbm>> -> memref<640x32xf32, #tpu.memory_space<hbm>>
      tpu.enqueue_dma source(%arg9 : memref<640x32xf32, #tpu.memory_space<vmem>>) target(%dma_start3A_203 : memref<640x32xf32, #tpu.memory_space<hbm>>) target_semaphore(%run_scoped3A : memref<!tpu.dma_semaphore, #tpu.memory_space<semaphore_mem>>)
      %dma_wait3A_204 = arith.constant 0 : i32
      %dma_wait3A_205 = tpu.memref_slice %arg5[%arg0, %mul3A_197, %dma_wait3A_204] : memref<2x10240x32xf32, #tpu.memory_space<hbm>> -> memref<1x640x32xf32, #tpu.memory_space<hbm>>
      %dma_wait3A_206 = tpu.memref_squeeze %dma_wait3A_205 : memref<1x640x32xf32, #tpu.memory_space<hbm>> -> memref<640x32xf32, #tpu.memory_space<hbm>>
      %dma_wait3A_207 = arith.constant 0 : i32
      %dma_wait3A_208 = tpu.memref_slice %arg5[%arg0, %mul3A_197, %dma_wait3A_207] : memref<2x10240x32xf32, #tpu.memory_space<hbm>> -> memref<1x640x32xf32, #tpu.memory_space<hbm>>
      %dma_wait3A_209 = tpu.memref_squeeze %dma_wait3A_208 : memref<1x640x32xf32, #tpu.memory_space<hbm>> -> memref<640x32xf32, #tpu.memory_space<hbm>>
      tpu.wait_dma2 semaphore(%run_scoped3A : memref<!tpu.dma_semaphore, #tpu.memory_space<semaphore_mem>>) src(%arg9 : memref<640x32xf32, #tpu.memory_space<vmem>>) dst(%dma_wait3A_209 : memref<640x32xf32, #tpu.memory_space<hbm>>)
      tpu.yield
    }) : () -> ()
    return
  }
}

#map = affine_map<(d0, d1) -> (0, 0)>
#map1 = affine_map<(d0, d1) -> (0, 0, 0)>
module attributes {stable_mosaic.version = 14 : i64} {
  func.func @body(%arg0: i32, %arg1: i32, %arg2: memref<10000x16xf32, #tpu.memory_space<hbm>>, %arg3: memref<2500x128xi32, #tpu.memory_space<hbm>>, %arg4: memref<2500x128xi32, #tpu.memory_space<hbm>>, %arg5: memref<2x10240x16xf32, #tpu.memory_space<hbm>>, %arg6: memref<79x128xi32, #tpu.memory_space<vmem>>, %arg7: memref<79x128xi32, #tpu.memory_space<vmem>>, %arg8: memref<13x128x16xf32, #tpu.memory_space<vmem>>, %arg9: memref<640x16xf32, #tpu.memory_space<vmem>>, %arg10: memref<10240x16xf32, #tpu.memory_space<vmem_shared>>, %arg11: memref<10000x16xf32, #tpu.memory_space<vmem_shared>>, %arg12: memref<13x!tpu.dma_semaphore, #tpu.memory_space<semaphore_mem>>, %arg13: memref<13x!tpu.dma_semaphore, #tpu.memory_space<semaphore_mem>>) attributes {dimension_semantics = [#tpu.dimension_semantics<core_parallel>, #tpu.dimension_semantics<subcore_parallel>], iteration_bounds = array<i64: 2, 16>, scalar_prefetch = 0 : i64, scratch_operands = 8 : i64, tpu.core_type = #tpu.core_type<sc_vector_subcore>, window_params = [{transform_indices = #map}, {transform_indices = #map}, {transform_indices = #map}, {transform_indices = #map1}]} {
    %mul3A = arith.constant 2 : i32
    %mul3A_0 = arith.muli %arg1, %mul3A : i32
    %add3A = arith.addi %mul3A_0, %arg0 : i32
    %scan3A = arith.constant 0 : i32
    %scan3A_1 = arith.constant 0 : i32
    %scan3A_2 = arith.constant 640 : i32
    %scan3A_3 = arith.addi %scan3A_1, %scan3A_2 : i32
    %scan3A_4 = arith.constant 1 : i32
    scf.for %scan3A_318 = %scan3A_1 to %scan3A_3 step %scan3A_4  : i32 {
      %broadcast_in_dim3A = arith.constant 0.000000e+00 : f32
      %broadcast_in_dim3A_319 = vector.broadcast %broadcast_in_dim3A : f32 to vector<16xf32>
      %swap3A = arith.index_cast %scan3A_318 : i32 to index
      %swap3A_320 = arith.constant 0 : index
      %swap3A_321 = tpu.vector_load %arg9[%swap3A, %swap3A_320] {strides = array<i32>} : memref<640x16xf32, #tpu.memory_space<vmem>>, vector<1x16xf32>,
      %swap3A_322 = vector.shape_cast %swap3A_321 : vector<1x16xf32> to vector<16xf32>
      %swap3A_323 = vector.shape_cast %broadcast_in_dim3A_319 : vector<16xf32> to vector<1x16xf32>
      tpu.vector_store %arg9[%swap3A, %swap3A_320], %swap3A_323 {strides = array<i32>} : memref<640x16xf32, #tpu.memory_space<vmem>>, vector<1x16xf32>,
    }
    %scan3A_5 = arith.constant 640 : i32
    %mul3A_6 = arith.constant 640 : i32
    %mul3A_7 = arith.muli %arg1, %mul3A_6 : i32
    "tpu.region"() ({
      %run_scoped3A = tpu.sem_alloc : memref<!tpu.dma_semaphore, #tpu.memory_space<semaphore_mem>>
      %dma_start3A_318 = arith.constant 0 : i32
      %dma_start3A_319 = tpu.memref_slice %arg10[%mul3A_7, %dma_start3A_318] : memref<10240x16xf32, #tpu.memory_space<vmem_shared>> -> memref<640x16xf32, #tpu.memory_space<vmem_shared>>
      %dma_start3A_320 = arith.constant 0 : i32
      %dma_start3A_321 = tpu.memref_slice %arg10[%mul3A_7, %dma_start3A_320] : memref<10240x16xf32, #tpu.memory_space<vmem_shared>> -> memref<640x16xf32, #tpu.memory_space<vmem_shared>>
      tpu.enqueue_dma source(%arg9 : memref<640x16xf32, #tpu.memory_space<vmem>>) target(%dma_start3A_321 : memref<640x16xf32, #tpu.memory_space<vmem_shared>>) target_semaphore(%run_scoped3A : memref<!tpu.dma_semaphore, #tpu.memory_space<semaphore_mem>>)
      %dma_wait3A_322 = arith.constant 0 : i32
      %dma_wait3A_323 = tpu.memref_slice %arg10[%mul3A_7, %dma_wait3A_322] : memref<10240x16xf32, #tpu.memory_space<vmem_shared>> -> memref<640x16xf32, #tpu.memory_space<vmem_shared>>
      %dma_wait3A_324 = arith.constant 0 : i32
      %dma_wait3A_325 = tpu.memref_slice %arg10[%mul3A_7, %dma_wait3A_324] : memref<10240x16xf32, #tpu.memory_space<vmem_shared>> -> memref<640x16xf32, #tpu.memory_space<vmem_shared>>
      tpu.wait_dma2 semaphore(%run_scoped3A : memref<!tpu.dma_semaphore, #tpu.memory_space<semaphore_mem>>) src(%arg9 : memref<640x16xf32, #tpu.memory_space<vmem>>) dst(%dma_wait3A_325 : memref<640x16xf32, #tpu.memory_space<vmem_shared>>)
      tpu.yield
    }) : () -> ()
    %lt3A = arith.constant 10 : i32
    %lt3A_8 = arith.cmpi slt, %arg1, %lt3A : i32
    %convert_element_type3A = arith.extui %lt3A_8 : i1 to i32
    %cond3A = arith.constant 0 : i32
    %cond3A_9 = arith.cmpi ne, %convert_element_type3A, %cond3A : i32
    scf.if %cond3A_9 {
      %mul3A_318 = arith.constant 1000 : i32
      %mul3A_319 = arith.muli %arg1, %mul3A_318 : i32
      %mul3A_320 = arith.constant 1000 : i32
      %mul3A_321 = arith.muli %arg1, %mul3A_320 : i32
      "tpu.region"() ({
        %run_scoped3A = tpu.sem_alloc : memref<!tpu.dma_semaphore, #tpu.memory_space<semaphore_mem>>
        %dma_start3A_322 = arith.constant 0 : i32
        %dma_start3A_323 = tpu.memref_slice %arg11[%mul3A_321, %dma_start3A_322] : memref<10000x16xf32, #tpu.memory_space<vmem_shared>> -> memref<1000x16xf32, #tpu.memory_space<vmem_shared>>
        %dma_start3A_324 = arith.constant 0 : i32
        %dma_start3A_325 = tpu.memref_slice %arg2[%mul3A_319, %dma_start3A_324] : memref<10000x16xf32, #tpu.memory_space<hbm>> -> memref<1000x16xf32, #tpu.memory_space<hbm>>
        tpu.enqueue_dma source(%dma_start3A_325 : memref<1000x16xf32, #tpu.memory_space<hbm>>) target(%dma_start3A_323 : memref<1000x16xf32, #tpu.memory_space<vmem_shared>>) target_semaphore(%run_scoped3A : memref<!tpu.dma_semaphore, #tpu.memory_space<semaphore_mem>>)
        %dma_wait3A_326 = arith.constant 0 : i32
        %dma_wait3A_327 = tpu.memref_slice %arg11[%mul3A_321, %dma_wait3A_326] : memref<10000x16xf32, #tpu.memory_space<vmem_shared>> -> memref<1000x16xf32, #tpu.memory_space<vmem_shared>>
        %dma_wait3A_328 = arith.constant 0 : i32
        %dma_wait3A_329 = tpu.memref_slice %arg2[%mul3A_319, %dma_wait3A_328] : memref<10000x16xf32, #tpu.memory_space<hbm>> -> memref<1000x16xf32, #tpu.memory_space<hbm>>
        tpu.wait_dma2 semaphore(%run_scoped3A : memref<!tpu.dma_semaphore, #tpu.memory_space<semaphore_mem>>) src(%dma_wait3A_329 : memref<1000x16xf32, #tpu.memory_space<hbm>>) dst(%dma_wait3A_327 : memref<1000x16xf32, #tpu.memory_space<vmem_shared>>)
        tpu.yield
      }) : () -> ()
    } else {
    }
    %barrier3A = arith.constant 0 : index
    tpu.barrier barrier_id(%barrier3A)
    %mul3A_10 = arith.constant 78 : i32
    %mul3A_11 = arith.muli %add3A, %mul3A_10 : i32
    %min3A = arith.constant 4 : i32
    %min3A_12 = arith.minsi %add3A, %min3A : i32
    %add3A_13 = arith.addi %mul3A_11, %min3A_12 : i32
    "tpu.region"() ({
      %run_scoped3A = tpu.sem_alloc : memref<!tpu.dma_semaphore, #tpu.memory_space<semaphore_mem>>
      %dma_start3A_318 = arith.constant 0 : i32
      %dma_start3A_319 = arith.constant 0 : i32
      %dma_start3A_320 = tpu.memref_slice %arg6[%dma_start3A_318, %dma_start3A_319] : memref<79x128xi32, #tpu.memory_space<vmem>> -> memref<78x128xi32, #tpu.memory_space<vmem>>
      %dma_start3A_321 = arith.constant 0 : i32
      %dma_start3A_322 = tpu.memref_slice %arg3[%add3A_13, %dma_start3A_321] : memref<2500x128xi32, #tpu.memory_space<hbm>> -> memref<78x128xi32, #tpu.memory_space<hbm>>
      %dma_start3A_323 = arith.constant 0 : i32
      %dma_start3A_324 = arith.constant 0 : i32
      %dma_start3A_325 = tpu.memref_slice %arg6[%dma_start3A_323, %dma_start3A_324] : memref<79x128xi32, #tpu.memory_space<vmem>> -> memref<78x128xi32, #tpu.memory_space<vmem>>
      %dma_start3A_326 = arith.constant 0 : i32
      %dma_start3A_327 = tpu.memref_slice %arg3[%add3A_13, %dma_start3A_326] : memref<2500x128xi32, #tpu.memory_space<hbm>> -> memref<78x128xi32, #tpu.memory_space<hbm>>
      tpu.enqueue_dma source(%dma_start3A_327 : memref<78x128xi32, #tpu.memory_space<hbm>>) target(%dma_start3A_325 : memref<78x128xi32, #tpu.memory_space<vmem>>) target_semaphore(%run_scoped3A : memref<!tpu.dma_semaphore, #tpu.memory_space<semaphore_mem>>)
      %dma_wait3A_328 = arith.constant 0 : i32
      %dma_wait3A_329 = arith.constant 0 : i32
      %dma_wait3A_330 = tpu.memref_slice %arg6[%dma_wait3A_328, %dma_wait3A_329] : memref<79x128xi32, #tpu.memory_space<vmem>> -> memref<78x128xi32, #tpu.memory_space<vmem>>
      %dma_wait3A_331 = arith.constant 0 : i32
      %dma_wait3A_332 = tpu.memref_slice %arg3[%add3A_13, %dma_wait3A_331] : memref<2500x128xi32, #tpu.memory_space<hbm>> -> memref<78x128xi32, #tpu.memory_space<hbm>>
      %dma_wait3A_333 = arith.constant 0 : i32
      %dma_wait3A_334 = arith.constant 0 : i32
      %dma_wait3A_335 = tpu.memref_slice %arg6[%dma_wait3A_333, %dma_wait3A_334] : memref<79x128xi32, #tpu.memory_space<vmem>> -> memref<78x128xi32, #tpu.memory_space<vmem>>
      %dma_wait3A_336 = arith.constant 0 : i32
      %dma_wait3A_337 = tpu.memref_slice %arg3[%add3A_13, %dma_wait3A_336] : memref<2500x128xi32, #tpu.memory_space<hbm>> -> memref<78x128xi32, #tpu.memory_space<hbm>>
      tpu.wait_dma2 semaphore(%run_scoped3A : memref<!tpu.dma_semaphore, #tpu.memory_space<semaphore_mem>>) src(%dma_wait3A_337 : memref<78x128xi32, #tpu.memory_space<hbm>>) dst(%dma_wait3A_335 : memref<78x128xi32, #tpu.memory_space<vmem>>)
      tpu.yield
    }) : () -> ()
    "tpu.region"() ({
      %run_scoped3A = tpu.sem_alloc : memref<!tpu.dma_semaphore, #tpu.memory_space<semaphore_mem>>
      %dma_start3A_318 = arith.constant 0 : i32
      %dma_start3A_319 = arith.constant 0 : i32
      %dma_start3A_320 = tpu.memref_slice %arg7[%dma_start3A_318, %dma_start3A_319] : memref<79x128xi32, #tpu.memory_space<vmem>> -> memref<78x128xi32, #tpu.memory_space<vmem>>
      %dma_start3A_321 = arith.constant 0 : i32
      %dma_start3A_322 = tpu.memref_slice %arg4[%add3A_13, %dma_start3A_321] : memref<2500x128xi32, #tpu.memory_space<hbm>> -> memref<78x128xi32, #tpu.memory_space<hbm>>
      %dma_start3A_323 = arith.constant 0 : i32
      %dma_start3A_324 = arith.constant 0 : i32
      %dma_start3A_325 = tpu.memref_slice %arg7[%dma_start3A_323, %dma_start3A_324] : memref<79x128xi32, #tpu.memory_space<vmem>> -> memref<78x128xi32, #tpu.memory_space<vmem>>
      %dma_start3A_326 = arith.constant 0 : i32
      %dma_start3A_327 = tpu.memref_slice %arg4[%add3A_13, %dma_start3A_326] : memref<2500x128xi32, #tpu.memory_space<hbm>> -> memref<78x128xi32, #tpu.memory_space<hbm>>
      tpu.enqueue_dma source(%dma_start3A_327 : memref<78x128xi32, #tpu.memory_space<hbm>>) target(%dma_start3A_325 : memref<78x128xi32, #tpu.memory_space<vmem>>) target_semaphore(%run_scoped3A : memref<!tpu.dma_semaphore, #tpu.memory_space<semaphore_mem>>)
      %dma_wait3A_328 = arith.constant 0 : i32
      %dma_wait3A_329 = arith.constant 0 : i32
      %dma_wait3A_330 = tpu.memref_slice %arg7[%dma_wait3A_328, %dma_wait3A_329] : memref<79x128xi32, #tpu.memory_space<vmem>> -> memref<78x128xi32, #tpu.memory_space<vmem>>
      %dma_wait3A_331 = arith.constant 0 : i32
      %dma_wait3A_332 = tpu.memref_slice %arg4[%add3A_13, %dma_wait3A_331] : memref<2500x128xi32, #tpu.memory_space<hbm>> -> memref<78x128xi32, #tpu.memory_space<hbm>>
      %dma_wait3A_333 = arith.constant 0 : i32
      %dma_wait3A_334 = arith.constant 0 : i32
      %dma_wait3A_335 = tpu.memref_slice %arg7[%dma_wait3A_333, %dma_wait3A_334] : memref<79x128xi32, #tpu.memory_space<vmem>> -> memref<78x128xi32, #tpu.memory_space<vmem>>
      %dma_wait3A_336 = arith.constant 0 : i32
      %dma_wait3A_337 = tpu.memref_slice %arg4[%add3A_13, %dma_wait3A_336] : memref<2500x128xi32, #tpu.memory_space<hbm>> -> memref<78x128xi32, #tpu.memory_space<hbm>>
      tpu.wait_dma2 semaphore(%run_scoped3A : memref<!tpu.dma_semaphore, #tpu.memory_space<semaphore_mem>>) src(%dma_wait3A_337 : memref<78x128xi32, #tpu.memory_space<hbm>>) dst(%dma_wait3A_335 : memref<78x128xi32, #tpu.memory_space<vmem>>)
      tpu.yield
    }) : () -> ()
    %lt3A_14 = arith.constant 4 : i32
    %lt3A_15 = arith.cmpi slt, %add3A, %lt3A_14 : i32
    %convert_element_type3A_16 = arith.extui %lt3A_15 : i1 to i32
    %cond3A_17 = arith.constant 0 : i32
    %cond3A_18 = arith.cmpi ne, %convert_element_type3A_16, %cond3A_17 : i32
    scf.if %cond3A_18 {
      %add3A_318 = arith.constant 78 : i32
      %add3A_319 = arith.addi %add3A_13, %add3A_318 : i32
      "tpu.region"() ({
        %run_scoped3A = tpu.sem_alloc : memref<!tpu.dma_semaphore, #tpu.memory_space<semaphore_mem>>
        %dma_start3A_322 = arith.constant 78 : i32
        %dma_start3A_323 = arith.constant 0 : i32
        %dma_start3A_324 = tpu.memref_slice %arg6[%dma_start3A_322, %dma_start3A_323] : memref<79x128xi32, #tpu.memory_space<vmem>> -> memref<1x128xi32, #tpu.memory_space<vmem>>
        %dma_start3A_325 = arith.constant 0 : i32
        %dma_start3A_326 = tpu.memref_slice %arg3[%add3A_319, %dma_start3A_325] : memref<2500x128xi32, #tpu.memory_space<hbm>> -> memref<1x128xi32, #tpu.memory_space<hbm>>
        %dma_start3A_327 = arith.constant 78 : i32
        %dma_start3A_328 = arith.constant 0 : i32
        %dma_start3A_329 = tpu.memref_slice %arg6[%dma_start3A_327, %dma_start3A_328] : memref<79x128xi32, #tpu.memory_space<vmem>> -> memref<1x128xi32, #tpu.memory_space<vmem>>
        %dma_start3A_330 = arith.constant 0 : i32
        %dma_start3A_331 = tpu.memref_slice %arg3[%add3A_319, %dma_start3A_330] : memref<2500x128xi32, #tpu.memory_space<hbm>> -> memref<1x128xi32, #tpu.memory_space<hbm>>
        tpu.enqueue_dma source(%dma_start3A_331 : memref<1x128xi32, #tpu.memory_space<hbm>>) target(%dma_start3A_329 : memref<1x128xi32, #tpu.memory_space<vmem>>) target_semaphore(%run_scoped3A : memref<!tpu.dma_semaphore, #tpu.memory_space<semaphore_mem>>)
        %dma_wait3A_332 = arith.constant 78 : i32
        %dma_wait3A_333 = arith.constant 0 : i32
        %dma_wait3A_334 = tpu.memref_slice %arg6[%dma_wait3A_332, %dma_wait3A_333] : memref<79x128xi32, #tpu.memory_space<vmem>> -> memref<1x128xi32, #tpu.memory_space<vmem>>
        %dma_wait3A_335 = arith.constant 0 : i32
        %dma_wait3A_336 = tpu.memref_slice %arg3[%add3A_319, %dma_wait3A_335] : memref<2500x128xi32, #tpu.memory_space<hbm>> -> memref<1x128xi32, #tpu.memory_space<hbm>>
        %dma_wait3A_337 = arith.constant 78 : i32
        %dma_wait3A_338 = arith.constant 0 : i32
        %dma_wait3A_339 = tpu.memref_slice %arg6[%dma_wait3A_337, %dma_wait3A_338] : memref<79x128xi32, #tpu.memory_space<vmem>> -> memref<1x128xi32, #tpu.memory_space<vmem>>
        %dma_wait3A_340 = arith.constant 0 : i32
        %dma_wait3A_341 = tpu.memref_slice %arg3[%add3A_319, %dma_wait3A_340] : memref<2500x128xi32, #tpu.memory_space<hbm>> -> memref<1x128xi32, #tpu.memory_space<hbm>>
        tpu.wait_dma2 semaphore(%run_scoped3A : memref<!tpu.dma_semaphore, #tpu.memory_space<semaphore_mem>>) src(%dma_wait3A_341 : memref<1x128xi32, #tpu.memory_space<hbm>>) dst(%dma_wait3A_339 : memref<1x128xi32, #tpu.memory_space<vmem>>)
        tpu.yield
      }) : () -> ()
      %add3A_320 = arith.constant 78 : i32
      %add3A_321 = arith.addi %add3A_13, %add3A_320 : i32
      "tpu.region"() ({
        %run_scoped3A = tpu.sem_alloc : memref<!tpu.dma_semaphore, #tpu.memory_space<semaphore_mem>>
        %dma_start3A_322 = arith.constant 78 : i32
        %dma_start3A_323 = arith.constant 0 : i32
        %dma_start3A_324 = tpu.memref_slice %arg7[%dma_start3A_322, %dma_start3A_323] : memref<79x128xi32, #tpu.memory_space<vmem>> -> memref<1x128xi32, #tpu.memory_space<vmem>>
        %dma_start3A_325 = arith.constant 0 : i32
        %dma_start3A_326 = tpu.memref_slice %arg4[%add3A_321, %dma_start3A_325] : memref<2500x128xi32, #tpu.memory_space<hbm>> -> memref<1x128xi32, #tpu.memory_space<hbm>>
        %dma_start3A_327 = arith.constant 78 : i32
        %dma_start3A_328 = arith.constant 0 : i32
        %dma_start3A_329 = tpu.memref_slice %arg7[%dma_start3A_327, %dma_start3A_328] : memref<79x128xi32, #tpu.memory_space<vmem>> -> memref<1x128xi32, #tpu.memory_space<vmem>>
        %dma_start3A_330 = arith.constant 0 : i32
        %dma_start3A_331 = tpu.memref_slice %arg4[%add3A_321, %dma_start3A_330] : memref<2500x128xi32, #tpu.memory_space<hbm>> -> memref<1x128xi32, #tpu.memory_space<hbm>>
        tpu.enqueue_dma source(%dma_start3A_331 : memref<1x128xi32, #tpu.memory_space<hbm>>) target(%dma_start3A_329 : memref<1x128xi32, #tpu.memory_space<vmem>>) target_semaphore(%run_scoped3A : memref<!tpu.dma_semaphore, #tpu.memory_space<semaphore_mem>>)
        %dma_wait3A_332 = arith.constant 78 : i32
        %dma_wait3A_333 = arith.constant 0 : i32
        %dma_wait3A_334 = tpu.memref_slice %arg7[%dma_wait3A_332, %dma_wait3A_333] : memref<79x128xi32, #tpu.memory_space<vmem>> -> memref<1x128xi32, #tpu.memory_space<vmem>>
        %dma_wait3A_335 = arith.constant 0 : i32
        %dma_wait3A_336 = tpu.memref_slice %arg4[%add3A_321, %dma_wait3A_335] : memref<2500x128xi32, #tpu.memory_space<hbm>> -> memref<1x128xi32, #tpu.memory_space<hbm>>
        %dma_wait3A_337 = arith.constant 78 : i32
        %dma_wait3A_338 = arith.constant 0 : i32
        %dma_wait3A_339 = tpu.memref_slice %arg7[%dma_wait3A_337, %dma_wait3A_338] : memref<79x128xi32, #tpu.memory_space<vmem>> -> memref<1x128xi32, #tpu.memory_space<vmem>>
        %dma_wait3A_340 = arith.constant 0 : i32
        %dma_wait3A_341 = tpu.memref_slice %arg4[%add3A_321, %dma_wait3A_340] : memref<2500x128xi32, #tpu.memory_space<hbm>> -> memref<1x128xi32, #tpu.memory_space<hbm>>
        tpu.wait_dma2 semaphore(%run_scoped3A : memref<!tpu.dma_semaphore, #tpu.memory_space<semaphore_mem>>) src(%dma_wait3A_341 : memref<1x128xi32, #tpu.memory_space<hbm>>) dst(%dma_wait3A_339 : memref<1x128xi32, #tpu.memory_space<vmem>>)
        tpu.yield
      }) : () -> ()
    } else {
    }
    %dma_start3A = arith.constant 0 : i32
    %dma_start3A_19 = arith.constant 0 : i32
    %dma_start3A_20 = arith.constant 0 : i32
    %dma_start3A_21 = arith.constant 0 : i32
    %dma_start3A_22 = arith.constant 0 : i32
    %dma_start3A_23 = tpu.memref_slice %arg8[%dma_start3A_19, %dma_start3A_21, %dma_start3A_22] : memref<13x128x16xf32, #tpu.memory_space<vmem>> -> memref<1x128x16xf32, #tpu.memory_space<vmem>>
    %dma_start3A_24 = tpu.memref_squeeze %dma_start3A_23 : memref<1x128x16xf32, #tpu.memory_space<vmem>> -> memref<128x16xf32, #tpu.memory_space<vmem>>
    %dma_start3A_25 = arith.constant 0 : i32
    %dma_start3A_26 = tpu.memref_slice %arg6[%dma_start3A, %dma_start3A_25] : memref<79x128xi32, #tpu.memory_space<vmem>> -> memref<1x128xi32, #tpu.memory_space<vmem>>
    %dma_start3A_27 = tpu.memref_squeeze %dma_start3A_26 : memref<1x128xi32, #tpu.memory_space<vmem>> -> memref<128xi32, #tpu.memory_space<vmem>>
    %dma_start3A_28 = arith.constant 0 : i32
    %dma_start3A_29 = arith.constant 0 : i32
    %dma_start3A_30 = tpu.memref_slice %arg11[%dma_start3A_28, %dma_start3A_29] : memref<10000x16xf32, #tpu.memory_space<vmem_shared>> -> memref<10000x16xf32, #tpu.memory_space<vmem_shared>>
    %dma_start3A_31 = tpu.memref_slice %arg12[%dma_start3A_20] : memref<13x!tpu.dma_semaphore, #tpu.memory_space<semaphore_mem>> -> memref<1x!tpu.dma_semaphore, #tpu.memory_space<semaphore_mem>>
    %dma_start3A_32 = tpu.memref_squeeze %dma_start3A_31 : memref<1x!tpu.dma_semaphore, #tpu.memory_space<semaphore_mem>> -> memref<!tpu.dma_semaphore, #tpu.memory_space<semaphore_mem>>
    tpu.enqueue_indirect_dma source(%dma_start3A_30 : memref<10000x16xf32, #tpu.memory_space<vmem_shared>>) target(%dma_start3A_24 : memref<128x16xf32, #tpu.memory_space<vmem>>) offsets(%dma_start3A_27 : memref<128xi32, #tpu.memory_space<vmem>>) semaphore(%dma_start3A_32 : memref<!tpu.dma_semaphore, #tpu.memory_space<semaphore_mem>>)
    %dma_start3A_33 = arith.constant 1 : i32
    %dma_start3A_34 = arith.constant 1 : i32
    %dma_start3A_35 = arith.constant 1 : i32
    %dma_start3A_36 = arith.constant 0 : i32
    %dma_start3A_37 = arith.constant 0 : i32
    %dma_start3A_38 = tpu.memref_slice %arg8[%dma_start3A_34, %dma_start3A_36, %dma_start3A_37] : memref<13x128x16xf32, #tpu.memory_space<vmem>> -> memref<1x128x16xf32, #tpu.memory_space<vmem>>
    %dma_start3A_39 = tpu.memref_squeeze %dma_start3A_38 : memref<1x128x16xf32, #tpu.memory_space<vmem>> -> memref<128x16xf32, #tpu.memory_space<vmem>>
    %dma_start3A_40 = arith.constant 0 : i32
    %dma_start3A_41 = tpu.memref_slice %arg6[%dma_start3A_33, %dma_start3A_40] : memref<79x128xi32, #tpu.memory_space<vmem>> -> memref<1x128xi32, #tpu.memory_space<vmem>>
    %dma_start3A_42 = tpu.memref_squeeze %dma_start3A_41 : memref<1x128xi32, #tpu.memory_space<vmem>> -> memref<128xi32, #tpu.memory_space<vmem>>
    %dma_start3A_43 = arith.constant 0 : i32
    %dma_start3A_44 = arith.constant 0 : i32
    %dma_start3A_45 = tpu.memref_slice %arg11[%dma_start3A_43, %dma_start3A_44] : memref<10000x16xf32, #tpu.memory_space<vmem_shared>> -> memref<10000x16xf32, #tpu.memory_space<vmem_shared>>
    %dma_start3A_46 = tpu.memref_slice %arg12[%dma_start3A_35] : memref<13x!tpu.dma_semaphore, #tpu.memory_space<semaphore_mem>> -> memref<1x!tpu.dma_semaphore, #tpu.memory_space<semaphore_mem>>
    %dma_start3A_47 = tpu.memref_squeeze %dma_start3A_46 : memref<1x!tpu.dma_semaphore, #tpu.memory_space<semaphore_mem>> -> memref<!tpu.dma_semaphore, #tpu.memory_space<semaphore_mem>>
    tpu.enqueue_indirect_dma source(%dma_start3A_45 : memref<10000x16xf32, #tpu.memory_space<vmem_shared>>) target(%dma_start3A_39 : memref<128x16xf32, #tpu.memory_space<vmem>>) offsets(%dma_start3A_42 : memref<128xi32, #tpu.memory_space<vmem>>) semaphore(%dma_start3A_47 : memref<!tpu.dma_semaphore, #tpu.memory_space<semaphore_mem>>)
    %dma_start3A_48 = arith.constant 2 : i32
    %dma_start3A_49 = arith.constant 2 : i32
    %dma_start3A_50 = arith.constant 2 : i32
    %dma_start3A_51 = arith.constant 0 : i32
    %dma_start3A_52 = arith.constant 0 : i32
    %dma_start3A_53 = tpu.memref_slice %arg8[%dma_start3A_49, %dma_start3A_51, %dma_start3A_52] : memref<13x128x16xf32, #tpu.memory_space<vmem>> -> memref<1x128x16xf32, #tpu.memory_space<vmem>>
    %dma_start3A_54 = tpu.memref_squeeze %dma_start3A_53 : memref<1x128x16xf32, #tpu.memory_space<vmem>> -> memref<128x16xf32, #tpu.memory_space<vmem>>
    %dma_start3A_55 = arith.constant 0 : i32
    %dma_start3A_56 = tpu.memref_slice %arg6[%dma_start3A_48, %dma_start3A_55] : memref<79x128xi32, #tpu.memory_space<vmem>> -> memref<1x128xi32, #tpu.memory_space<vmem>>
    %dma_start3A_57 = tpu.memref_squeeze %dma_start3A_56 : memref<1x128xi32, #tpu.memory_space<vmem>> -> memref<128xi32, #tpu.memory_space<vmem>>
    %dma_start3A_58 = arith.constant 0 : i32
    %dma_start3A_59 = arith.constant 0 : i32
    %dma_start3A_60 = tpu.memref_slice %arg11[%dma_start3A_58, %dma_start3A_59] : memref<10000x16xf32, #tpu.memory_space<vmem_shared>> -> memref<10000x16xf32, #tpu.memory_space<vmem_shared>>
    %dma_start3A_61 = tpu.memref_slice %arg12[%dma_start3A_50] : memref<13x!tpu.dma_semaphore, #tpu.memory_space<semaphore_mem>> -> memref<1x!tpu.dma_semaphore, #tpu.memory_space<semaphore_mem>>
    %dma_start3A_62 = tpu.memref_squeeze %dma_start3A_61 : memref<1x!tpu.dma_semaphore, #tpu.memory_space<semaphore_mem>> -> memref<!tpu.dma_semaphore, #tpu.memory_space<semaphore_mem>>
    tpu.enqueue_indirect_dma source(%dma_start3A_60 : memref<10000x16xf32, #tpu.memory_space<vmem_shared>>) target(%dma_start3A_54 : memref<128x16xf32, #tpu.memory_space<vmem>>) offsets(%dma_start3A_57 : memref<128xi32, #tpu.memory_space<vmem>>) semaphore(%dma_start3A_62 : memref<!tpu.dma_semaphore, #tpu.memory_space<semaphore_mem>>)
    %dma_start3A_63 = arith.constant 3 : i32
    %dma_start3A_64 = arith.constant 3 : i32
    %dma_start3A_65 = arith.constant 3 : i32
    %dma_start3A_66 = arith.constant 0 : i32
    %dma_start3A_67 = arith.constant 0 : i32
    %dma_start3A_68 = tpu.memref_slice %arg8[%dma_start3A_64, %dma_start3A_66, %dma_start3A_67] : memref<13x128x16xf32, #tpu.memory_space<vmem>> -> memref<1x128x16xf32, #tpu.memory_space<vmem>>
    %dma_start3A_69 = tpu.memref_squeeze %dma_start3A_68 : memref<1x128x16xf32, #tpu.memory_space<vmem>> -> memref<128x16xf32, #tpu.memory_space<vmem>>
    %dma_start3A_70 = arith.constant 0 : i32
    %dma_start3A_71 = tpu.memref_slice %arg6[%dma_start3A_63, %dma_start3A_70] : memref<79x128xi32, #tpu.memory_space<vmem>> -> memref<1x128xi32, #tpu.memory_space<vmem>>
    %dma_start3A_72 = tpu.memref_squeeze %dma_start3A_71 : memref<1x128xi32, #tpu.memory_space<vmem>> -> memref<128xi32, #tpu.memory_space<vmem>>
    %dma_start3A_73 = arith.constant 0 : i32
    %dma_start3A_74 = arith.constant 0 : i32
    %dma_start3A_75 = tpu.memref_slice %arg11[%dma_start3A_73, %dma_start3A_74] : memref<10000x16xf32, #tpu.memory_space<vmem_shared>> -> memref<10000x16xf32, #tpu.memory_space<vmem_shared>>
    %dma_start3A_76 = tpu.memref_slice %arg12[%dma_start3A_65] : memref<13x!tpu.dma_semaphore, #tpu.memory_space<semaphore_mem>> -> memref<1x!tpu.dma_semaphore, #tpu.memory_space<semaphore_mem>>
    %dma_start3A_77 = tpu.memref_squeeze %dma_start3A_76 : memref<1x!tpu.dma_semaphore, #tpu.memory_space<semaphore_mem>> -> memref<!tpu.dma_semaphore, #tpu.memory_space<semaphore_mem>>
    tpu.enqueue_indirect_dma source(%dma_start3A_75 : memref<10000x16xf32, #tpu.memory_space<vmem_shared>>) target(%dma_start3A_69 : memref<128x16xf32, #tpu.memory_space<vmem>>) offsets(%dma_start3A_72 : memref<128xi32, #tpu.memory_space<vmem>>) semaphore(%dma_start3A_77 : memref<!tpu.dma_semaphore, #tpu.memory_space<semaphore_mem>>)
    %dma_start3A_78 = arith.constant 4 : i32
    %dma_start3A_79 = arith.constant 4 : i32
    %dma_start3A_80 = arith.constant 4 : i32
    %dma_start3A_81 = arith.constant 0 : i32
    %dma_start3A_82 = arith.constant 0 : i32
    %dma_start3A_83 = tpu.memref_slice %arg8[%dma_start3A_79, %dma_start3A_81, %dma_start3A_82] : memref<13x128x16xf32, #tpu.memory_space<vmem>> -> memref<1x128x16xf32, #tpu.memory_space<vmem>>
    %dma_start3A_84 = tpu.memref_squeeze %dma_start3A_83 : memref<1x128x16xf32, #tpu.memory_space<vmem>> -> memref<128x16xf32, #tpu.memory_space<vmem>>
    %dma_start3A_85 = arith.constant 0 : i32
    %dma_start3A_86 = tpu.memref_slice %arg6[%dma_start3A_78, %dma_start3A_85] : memref<79x128xi32, #tpu.memory_space<vmem>> -> memref<1x128xi32, #tpu.memory_space<vmem>>
    %dma_start3A_87 = tpu.memref_squeeze %dma_start3A_86 : memref<1x128xi32, #tpu.memory_space<vmem>> -> memref<128xi32, #tpu.memory_space<vmem>>
    %dma_start3A_88 = arith.constant 0 : i32
    %dma_start3A_89 = arith.constant 0 : i32
    %dma_start3A_90 = tpu.memref_slice %arg11[%dma_start3A_88, %dma_start3A_89] : memref<10000x16xf32, #tpu.memory_space<vmem_shared>> -> memref<10000x16xf32, #tpu.memory_space<vmem_shared>>
    %dma_start3A_91 = tpu.memref_slice %arg12[%dma_start3A_80] : memref<13x!tpu.dma_semaphore, #tpu.memory_space<semaphore_mem>> -> memref<1x!tpu.dma_semaphore, #tpu.memory_space<semaphore_mem>>
    %dma_start3A_92 = tpu.memref_squeeze %dma_start3A_91 : memref<1x!tpu.dma_semaphore, #tpu.memory_space<semaphore_mem>> -> memref<!tpu.dma_semaphore, #tpu.memory_space<semaphore_mem>>
    tpu.enqueue_indirect_dma source(%dma_start3A_90 : memref<10000x16xf32, #tpu.memory_space<vmem_shared>>) target(%dma_start3A_84 : memref<128x16xf32, #tpu.memory_space<vmem>>) offsets(%dma_start3A_87 : memref<128xi32, #tpu.memory_space<vmem>>) semaphore(%dma_start3A_92 : memref<!tpu.dma_semaphore, #tpu.memory_space<semaphore_mem>>)
    %dma_start3A_93 = arith.constant 5 : i32
    %dma_start3A_94 = arith.constant 5 : i32
    %dma_start3A_95 = arith.constant 5 : i32
    %dma_start3A_96 = arith.constant 0 : i32
    %dma_start3A_97 = arith.constant 0 : i32
    %dma_start3A_98 = tpu.memref_slice %arg8[%dma_start3A_94, %dma_start3A_96, %dma_start3A_97] : memref<13x128x16xf32, #tpu.memory_space<vmem>> -> memref<1x128x16xf32, #tpu.memory_space<vmem>>
    %dma_start3A_99 = tpu.memref_squeeze %dma_start3A_98 : memref<1x128x16xf32, #tpu.memory_space<vmem>> -> memref<128x16xf32, #tpu.memory_space<vmem>>
    %dma_start3A_100 = arith.constant 0 : i32
    %dma_start3A_101 = tpu.memref_slice %arg6[%dma_start3A_93, %dma_start3A_100] : memref<79x128xi32, #tpu.memory_space<vmem>> -> memref<1x128xi32, #tpu.memory_space<vmem>>
    %dma_start3A_102 = tpu.memref_squeeze %dma_start3A_101 : memref<1x128xi32, #tpu.memory_space<vmem>> -> memref<128xi32, #tpu.memory_space<vmem>>
    %dma_start3A_103 = arith.constant 0 : i32
    %dma_start3A_104 = arith.constant 0 : i32
    %dma_start3A_105 = tpu.memref_slice %arg11[%dma_start3A_103, %dma_start3A_104] : memref<10000x16xf32, #tpu.memory_space<vmem_shared>> -> memref<10000x16xf32, #tpu.memory_space<vmem_shared>>
    %dma_start3A_106 = tpu.memref_slice %arg12[%dma_start3A_95] : memref<13x!tpu.dma_semaphore, #tpu.memory_space<semaphore_mem>> -> memref<1x!tpu.dma_semaphore, #tpu.memory_space<semaphore_mem>>
    %dma_start3A_107 = tpu.memref_squeeze %dma_start3A_106 : memref<1x!tpu.dma_semaphore, #tpu.memory_space<semaphore_mem>> -> memref<!tpu.dma_semaphore, #tpu.memory_space<semaphore_mem>>
    tpu.enqueue_indirect_dma source(%dma_start3A_105 : memref<10000x16xf32, #tpu.memory_space<vmem_shared>>) target(%dma_start3A_99 : memref<128x16xf32, #tpu.memory_space<vmem>>) offsets(%dma_start3A_102 : memref<128xi32, #tpu.memory_space<vmem>>) semaphore(%dma_start3A_107 : memref<!tpu.dma_semaphore, #tpu.memory_space<semaphore_mem>>)
    %scan3A_108 = arith.constant 0 : i32
    %scan3A_109 = arith.constant 0 : i32
    %scan3A_110 = arith.constant 6 : i32
    %scan3A_111 = arith.addi %scan3A_109, %scan3A_110 : i32
    %scan3A_112 = arith.constant 1 : i32
    scf.for %scan3A_318 = %scan3A_109 to %scan3A_111 step %scan3A_112  : i32 {
      %mul3A_319 = arith.constant 13 : i32
      %mul3A_320 = arith.muli %scan3A_318, %mul3A_319 : i32
      %add3A_321 = arith.constant 0 : i32
      %add3A_322 = arith.addi %mul3A_320, %add3A_321 : i32
      %dma_wait3A_323 = arith.constant 0 : i32
      %dma_wait3A_324 = arith.constant 0 : i32
      %dma_wait3A_325 = arith.constant 0 : i32
      %dma_wait3A_326 = arith.constant 0 : i32
      %dma_wait3A_327 = tpu.memref_slice %arg8[%dma_wait3A_323, %dma_wait3A_325, %dma_wait3A_326] : memref<13x128x16xf32, #tpu.memory_space<vmem>> -> memref<1x128x16xf32, #tpu.memory_space<vmem>>
      %dma_wait3A_328 = tpu.memref_squeeze %dma_wait3A_327 : memref<1x128x16xf32, #tpu.memory_space<vmem>> -> memref<128x16xf32, #tpu.memory_space<vmem>>
      %dma_wait3A_329 = arith.constant 0 : i32
      %dma_wait3A_330 = tpu.memref_slice %arg6[%add3A_322, %dma_wait3A_329] : memref<79x128xi32, #tpu.memory_space<vmem>> -> memref<1x128xi32, #tpu.memory_space<vmem>>
      %dma_wait3A_331 = tpu.memref_squeeze %dma_wait3A_330 : memref<1x128xi32, #tpu.memory_space<vmem>> -> memref<128xi32, #tpu.memory_space<vmem>>
      %dma_wait3A_332 = arith.constant 0 : i32
      %dma_wait3A_333 = arith.constant 0 : i32
      %dma_wait3A_334 = tpu.memref_slice %arg11[%dma_wait3A_332, %dma_wait3A_333] : memref<10000x16xf32, #tpu.memory_space<vmem_shared>> -> memref<10000x16xf32, #tpu.memory_space<vmem_shared>>
      %dma_wait3A_335 = tpu.memref_slice %arg12[%dma_wait3A_324] : memref<13x!tpu.dma_semaphore, #tpu.memory_space<semaphore_mem>> -> memref<1x!tpu.dma_semaphore, #tpu.memory_space<semaphore_mem>>
      %dma_wait3A_336 = tpu.memref_squeeze %dma_wait3A_335 : memref<1x!tpu.dma_semaphore, #tpu.memory_space<semaphore_mem>> -> memref<!tpu.dma_semaphore, #tpu.memory_space<semaphore_mem>>
      tpu.wait_indirect_dma semaphore(%dma_wait3A_336 : memref<!tpu.dma_semaphore, #tpu.memory_space<semaphore_mem>>) src(%dma_wait3A_334 : memref<10000x16xf32, #tpu.memory_space<vmem_shared>>) dst(%dma_wait3A_328 : memref<128x16xf32, #tpu.memory_space<vmem>>)
      %dma_start3A_337 = arith.constant 0 : i32
      %dma_start3A_338 = arith.constant 0 : i32
      %dma_start3A_339 = arith.constant 0 : i32
      %dma_start3A_340 = arith.constant 0 : i32
      %dma_start3A_341 = tpu.memref_slice %arg8[%dma_start3A_337, %dma_start3A_339, %dma_start3A_340] : memref<13x128x16xf32, #tpu.memory_space<vmem>> -> memref<1x128x16xf32, #tpu.memory_space<vmem>>
      %dma_start3A_342 = tpu.memref_squeeze %dma_start3A_341 : memref<1x128x16xf32, #tpu.memory_space<vmem>> -> memref<128x16xf32, #tpu.memory_space<vmem>>
      %dma_start3A_343 = arith.constant 0 : i32
      %dma_start3A_344 = tpu.memref_slice %arg7[%add3A_322, %dma_start3A_343] : memref<79x128xi32, #tpu.memory_space<vmem>> -> memref<1x128xi32, #tpu.memory_space<vmem>>
      %dma_start3A_345 = tpu.memref_squeeze %dma_start3A_344 : memref<1x128xi32, #tpu.memory_space<vmem>> -> memref<128xi32, #tpu.memory_space<vmem>>
      %dma_start3A_346 = arith.constant 0 : i32
      %dma_start3A_347 = arith.constant 0 : i32
      %dma_start3A_348 = tpu.memref_slice %arg10[%dma_start3A_346, %dma_start3A_347] : memref<10240x16xf32, #tpu.memory_space<vmem_shared>> -> memref<10240x16xf32, #tpu.memory_space<vmem_shared>>
      %dma_start3A_349 = tpu.memref_slice %arg13[%dma_start3A_338] : memref<13x!tpu.dma_semaphore, #tpu.memory_space<semaphore_mem>> -> memref<1x!tpu.dma_semaphore, #tpu.memory_space<semaphore_mem>>
      %dma_start3A_350 = tpu.memref_squeeze %dma_start3A_349 : memref<1x!tpu.dma_semaphore, #tpu.memory_space<semaphore_mem>> -> memref<!tpu.dma_semaphore, #tpu.memory_space<semaphore_mem>>
      tpu.enqueue_indirect_dma source(%dma_start3A_342 : memref<128x16xf32, #tpu.memory_space<vmem>>) target(%dma_start3A_348 : memref<10240x16xf32, #tpu.memory_space<vmem_shared>>) offsets(%dma_start3A_345 : memref<128xi32, #tpu.memory_space<vmem>>) semaphore(%dma_start3A_350 : memref<!tpu.dma_semaphore, #tpu.memory_space<semaphore_mem>>) {add = true}
      %add3A_351 = arith.constant 6 : i32
      %add3A_352 = arith.addi %add3A_322, %add3A_351 : i32
      %lt3A_353 = arith.constant 78 : i32
      %lt3A_354 = arith.cmpi slt, %add3A_352, %lt3A_353 : i32
      %convert_element_type3A_355 = arith.extui %lt3A_354 : i1 to i32
      %cond3A_356 = arith.constant 0 : i32
      %cond3A_357 = arith.cmpi ne, %convert_element_type3A_355, %cond3A_356 : i32
      scf.if %cond3A_357 {
        %ge3A = arith.constant 7 : i32
        %ge3A_826 = arith.cmpi sge, %add3A_322, %ge3A : i32
        %convert_element_type3A_827 = arith.extui %ge3A_826 : i1 to i32
        %cond3A_828 = arith.constant 0 : i32
        %cond3A_829 = arith.cmpi ne, %convert_element_type3A_827, %cond3A_828 : i32
        scf.if %cond3A_829 {
          %add3A_846 = arith.constant 6 : i32
          %add3A_847 = arith.addi %add3A_322, %add3A_846 : i32
          %sub3A = arith.constant 13 : i32
          %sub3A_848 = arith.subi %add3A_847, %sub3A : i32
          %dma_wait3A_849 = arith.constant 6 : i32
          %dma_wait3A_850 = arith.constant 6 : i32
          %dma_wait3A_851 = arith.constant 0 : i32
          %dma_wait3A_852 = arith.constant 0 : i32
          %dma_wait3A_853 = tpu.memref_slice %arg8[%dma_wait3A_849, %dma_wait3A_851, %dma_wait3A_852] : memref<13x128x16xf32, #tpu.memory_space<vmem>> -> memref<1x128x16xf32, #tpu.memory_space<vmem>>
          %dma_wait3A_854 = tpu.memref_squeeze %dma_wait3A_853 : memref<1x128x16xf32, #tpu.memory_space<vmem>> -> memref<128x16xf32, #tpu.memory_space<vmem>>
          %dma_wait3A_855 = arith.constant 0 : i32
          %dma_wait3A_856 = tpu.memref_slice %arg7[%sub3A_848, %dma_wait3A_855] : memref<79x128xi32, #tpu.memory_space<vmem>> -> memref<1x128xi32, #tpu.memory_space<vmem>>
          %dma_wait3A_857 = tpu.memref_squeeze %dma_wait3A_856 : memref<1x128xi32, #tpu.memory_space<vmem>> -> memref<128xi32, #tpu.memory_space<vmem>>
          %dma_wait3A_858 = arith.constant 0 : i32
          %dma_wait3A_859 = arith.constant 0 : i32
          %dma_wait3A_860 = tpu.memref_slice %arg10[%dma_wait3A_858, %dma_wait3A_859] : memref<10240x16xf32, #tpu.memory_space<vmem_shared>> -> memref<10240x16xf32, #tpu.memory_space<vmem_shared>>
          %dma_wait3A_861 = tpu.memref_slice %arg13[%dma_wait3A_850] : memref<13x!tpu.dma_semaphore, #tpu.memory_space<semaphore_mem>> -> memref<1x!tpu.dma_semaphore, #tpu.memory_space<semaphore_mem>>
          %dma_wait3A_862 = tpu.memref_squeeze %dma_wait3A_861 : memref<1x!tpu.dma_semaphore, #tpu.memory_space<semaphore_mem>> -> memref<!tpu.dma_semaphore, #tpu.memory_space<semaphore_mem>>
          tpu.wait_indirect_dma semaphore(%dma_wait3A_862 : memref<!tpu.dma_semaphore, #tpu.memory_space<semaphore_mem>>) src(%dma_wait3A_854 : memref<128x16xf32, #tpu.memory_space<vmem>>) dst(%dma_wait3A_860 : memref<10240x16xf32, #tpu.memory_space<vmem_shared>>)
        } else {
        }
        %add3A_830 = arith.constant 6 : i32
        %add3A_831 = arith.addi %add3A_322, %add3A_830 : i32
        %dma_start3A_832 = arith.constant 6 : i32
        %dma_start3A_833 = arith.constant 6 : i32
        %dma_start3A_834 = arith.constant 0 : i32
        %dma_start3A_835 = arith.constant 0 : i32
        %dma_start3A_836 = tpu.memref_slice %arg8[%dma_start3A_832, %dma_start3A_834, %dma_start3A_835] : memref<13x128x16xf32, #tpu.memory_space<vmem>> -> memref<1x128x16xf32, #tpu.memory_space<vmem>>
        %dma_start3A_837 = tpu.memref_squeeze %dma_start3A_836 : memref<1x128x16xf32, #tpu.memory_space<vmem>> -> memref<128x16xf32, #tpu.memory_space<vmem>>
        %dma_start3A_838 = arith.constant 0 : i32
        %dma_start3A_839 = tpu.memref_slice %arg6[%add3A_831, %dma_start3A_838] : memref<79x128xi32, #tpu.memory_space<vmem>> -> memref<1x128xi32, #tpu.memory_space<vmem>>
        %dma_start3A_840 = tpu.memref_squeeze %dma_start3A_839 : memref<1x128xi32, #tpu.memory_space<vmem>> -> memref<128xi32, #tpu.memory_space<vmem>>
        %dma_start3A_841 = arith.constant 0 : i32
        %dma_start3A_842 = arith.constant 0 : i32
        %dma_start3A_843 = tpu.memref_slice %arg11[%dma_start3A_841, %dma_start3A_842] : memref<10000x16xf32, #tpu.memory_space<vmem_shared>> -> memref<10000x16xf32, #tpu.memory_space<vmem_shared>>
        %dma_start3A_844 = tpu.memref_slice %arg12[%dma_start3A_833] : memref<13x!tpu.dma_semaphore, #tpu.memory_space<semaphore_mem>> -> memref<1x!tpu.dma_semaphore, #tpu.memory_space<semaphore_mem>>
        %dma_start3A_845 = tpu.memref_squeeze %dma_start3A_844 : memref<1x!tpu.dma_semaphore, #tpu.memory_space<semaphore_mem>> -> memref<!tpu.dma_semaphore, #tpu.memory_space<semaphore_mem>>
        tpu.enqueue_indirect_dma source(%dma_start3A_843 : memref<10000x16xf32, #tpu.memory_space<vmem_shared>>) target(%dma_start3A_837 : memref<128x16xf32, #tpu.memory_space<vmem>>) offsets(%dma_start3A_840 : memref<128xi32, #tpu.memory_space<vmem>>) semaphore(%dma_start3A_845 : memref<!tpu.dma_semaphore, #tpu.memory_space<semaphore_mem>>)
      } else {
      }
      %mul3A_358 = arith.constant 13 : i32
      %mul3A_359 = arith.muli %scan3A_318, %mul3A_358 : i32
      %add3A_360 = arith.constant 1 : i32
      %add3A_361 = arith.addi %mul3A_359, %add3A_360 : i32
      %dma_wait3A_362 = arith.constant 1 : i32
      %dma_wait3A_363 = arith.constant 1 : i32
      %dma_wait3A_364 = arith.constant 0 : i32
      %dma_wait3A_365 = arith.constant 0 : i32
      %dma_wait3A_366 = tpu.memref_slice %arg8[%dma_wait3A_362, %dma_wait3A_364, %dma_wait3A_365] : memref<13x128x16xf32, #tpu.memory_space<vmem>> -> memref<1x128x16xf32, #tpu.memory_space<vmem>>
      %dma_wait3A_367 = tpu.memref_squeeze %dma_wait3A_366 : memref<1x128x16xf32, #tpu.memory_space<vmem>> -> memref<128x16xf32, #tpu.memory_space<vmem>>
      %dma_wait3A_368 = arith.constant 0 : i32
      %dma_wait3A_369 = tpu.memref_slice %arg6[%add3A_361, %dma_wait3A_368] : memref<79x128xi32, #tpu.memory_space<vmem>> -> memref<1x128xi32, #tpu.memory_space<vmem>>
      %dma_wait3A_370 = tpu.memref_squeeze %dma_wait3A_369 : memref<1x128xi32, #tpu.memory_space<vmem>> -> memref<128xi32, #tpu.memory_space<vmem>>
      %dma_wait3A_371 = arith.constant 0 : i32
      %dma_wait3A_372 = arith.constant 0 : i32
      %dma_wait3A_373 = tpu.memref_slice %arg11[%dma_wait3A_371, %dma_wait3A_372] : memref<10000x16xf32, #tpu.memory_space<vmem_shared>> -> memref<10000x16xf32, #tpu.memory_space<vmem_shared>>
      %dma_wait3A_374 = tpu.memref_slice %arg12[%dma_wait3A_363] : memref<13x!tpu.dma_semaphore, #tpu.memory_space<semaphore_mem>> -> memref<1x!tpu.dma_semaphore, #tpu.memory_space<semaphore_mem>>
      %dma_wait3A_375 = tpu.memref_squeeze %dma_wait3A_374 : memref<1x!tpu.dma_semaphore, #tpu.memory_space<semaphore_mem>> -> memref<!tpu.dma_semaphore, #tpu.memory_space<semaphore_mem>>
      tpu.wait_indirect_dma semaphore(%dma_wait3A_375 : memref<!tpu.dma_semaphore, #tpu.memory_space<semaphore_mem>>) src(%dma_wait3A_373 : memref<10000x16xf32, #tpu.memory_space<vmem_shared>>) dst(%dma_wait3A_367 : memref<128x16xf32, #tpu.memory_space<vmem>>)
      %dma_start3A_376 = arith.constant 1 : i32
      %dma_start3A_377 = arith.constant 1 : i32
      %dma_start3A_378 = arith.constant 0 : i32
      %dma_start3A_379 = arith.constant 0 : i32
      %dma_start3A_380 = tpu.memref_slice %arg8[%dma_start3A_376, %dma_start3A_378, %dma_start3A_379] : memref<13x128x16xf32, #tpu.memory_space<vmem>> -> memref<1x128x16xf32, #tpu.memory_space<vmem>>
      %dma_start3A_381 = tpu.memref_squeeze %dma_start3A_380 : memref<1x128x16xf32, #tpu.memory_space<vmem>> -> memref<128x16xf32, #tpu.memory_space<vmem>>
      %dma_start3A_382 = arith.constant 0 : i32
      %dma_start3A_383 = tpu.memref_slice %arg7[%add3A_361, %dma_start3A_382] : memref<79x128xi32, #tpu.memory_space<vmem>> -> memref<1x128xi32, #tpu.memory_space<vmem>>
      %dma_start3A_384 = tpu.memref_squeeze %dma_start3A_383 : memref<1x128xi32, #tpu.memory_space<vmem>> -> memref<128xi32, #tpu.memory_space<vmem>>
      %dma_start3A_385 = arith.constant 0 : i32
      %dma_start3A_386 = arith.constant 0 : i32
      %dma_start3A_387 = tpu.memref_slice %arg10[%dma_start3A_385, %dma_start3A_386] : memref<10240x16xf32, #tpu.memory_space<vmem_shared>> -> memref<10240x16xf32, #tpu.memory_space<vmem_shared>>
      %dma_start3A_388 = tpu.memref_slice %arg13[%dma_start3A_377] : memref<13x!tpu.dma_semaphore, #tpu.memory_space<semaphore_mem>> -> memref<1x!tpu.dma_semaphore, #tpu.memory_space<semaphore_mem>>
      %dma_start3A_389 = tpu.memref_squeeze %dma_start3A_388 : memref<1x!tpu.dma_semaphore, #tpu.memory_space<semaphore_mem>> -> memref<!tpu.dma_semaphore, #tpu.memory_space<semaphore_mem>>
      tpu.enqueue_indirect_dma source(%dma_start3A_381 : memref<128x16xf32, #tpu.memory_space<vmem>>) target(%dma_start3A_387 : memref<10240x16xf32, #tpu.memory_space<vmem_shared>>) offsets(%dma_start3A_384 : memref<128xi32, #tpu.memory_space<vmem>>) semaphore(%dma_start3A_389 : memref<!tpu.dma_semaphore, #tpu.memory_space<semaphore_mem>>) {add = true}
      %add3A_390 = arith.constant 6 : i32
      %add3A_391 = arith.addi %add3A_361, %add3A_390 : i32
      %lt3A_392 = arith.constant 78 : i32
      %lt3A_393 = arith.cmpi slt, %add3A_391, %lt3A_392 : i32
      %convert_element_type3A_394 = arith.extui %lt3A_393 : i1 to i32
      %cond3A_395 = arith.constant 0 : i32
      %cond3A_396 = arith.cmpi ne, %convert_element_type3A_394, %cond3A_395 : i32
      scf.if %cond3A_396 {
        %ge3A = arith.constant 7 : i32
        %ge3A_826 = arith.cmpi sge, %add3A_361, %ge3A : i32
        %convert_element_type3A_827 = arith.extui %ge3A_826 : i1 to i32
        %cond3A_828 = arith.constant 0 : i32
        %cond3A_829 = arith.cmpi ne, %convert_element_type3A_827, %cond3A_828 : i32
        scf.if %cond3A_829 {
          %add3A_846 = arith.constant 6 : i32
          %add3A_847 = arith.addi %add3A_361, %add3A_846 : i32
          %sub3A = arith.constant 13 : i32
          %sub3A_848 = arith.subi %add3A_847, %sub3A : i32
          %dma_wait3A_849 = arith.constant 7 : i32
          %dma_wait3A_850 = arith.constant 7 : i32
          %dma_wait3A_851 = arith.constant 0 : i32
          %dma_wait3A_852 = arith.constant 0 : i32
          %dma_wait3A_853 = tpu.memref_slice %arg8[%dma_wait3A_849, %dma_wait3A_851, %dma_wait3A_852] : memref<13x128x16xf32, #tpu.memory_space<vmem>> -> memref<1x128x16xf32, #tpu.memory_space<vmem>>
          %dma_wait3A_854 = tpu.memref_squeeze %dma_wait3A_853 : memref<1x128x16xf32, #tpu.memory_space<vmem>> -> memref<128x16xf32, #tpu.memory_space<vmem>>
          %dma_wait3A_855 = arith.constant 0 : i32
          %dma_wait3A_856 = tpu.memref_slice %arg7[%sub3A_848, %dma_wait3A_855] : memref<79x128xi32, #tpu.memory_space<vmem>> -> memref<1x128xi32, #tpu.memory_space<vmem>>
          %dma_wait3A_857 = tpu.memref_squeeze %dma_wait3A_856 : memref<1x128xi32, #tpu.memory_space<vmem>> -> memref<128xi32, #tpu.memory_space<vmem>>
          %dma_wait3A_858 = arith.constant 0 : i32
          %dma_wait3A_859 = arith.constant 0 : i32
          %dma_wait3A_860 = tpu.memref_slice %arg10[%dma_wait3A_858, %dma_wait3A_859] : memref<10240x16xf32, #tpu.memory_space<vmem_shared>> -> memref<10240x16xf32, #tpu.memory_space<vmem_shared>>
          %dma_wait3A_861 = tpu.memref_slice %arg13[%dma_wait3A_850] : memref<13x!tpu.dma_semaphore, #tpu.memory_space<semaphore_mem>> -> memref<1x!tpu.dma_semaphore, #tpu.memory_space<semaphore_mem>>
          %dma_wait3A_862 = tpu.memref_squeeze %dma_wait3A_861 : memref<1x!tpu.dma_semaphore, #tpu.memory_space<semaphore_mem>> -> memref<!tpu.dma_semaphore, #tpu.memory_space<semaphore_mem>>
          tpu.wait_indirect_dma semaphore(%dma_wait3A_862 : memref<!tpu.dma_semaphore, #tpu.memory_space<semaphore_mem>>) src(%dma_wait3A_854 : memref<128x16xf32, #tpu.memory_space<vmem>>) dst(%dma_wait3A_860 : memref<10240x16xf32, #tpu.memory_space<vmem_shared>>)
        } else {
        }
        %add3A_830 = arith.constant 6 : i32
        %add3A_831 = arith.addi %add3A_361, %add3A_830 : i32
        %dma_start3A_832 = arith.constant 7 : i32
        %dma_start3A_833 = arith.constant 7 : i32
        %dma_start3A_834 = arith.constant 0 : i32
        %dma_start3A_835 = arith.constant 0 : i32
        %dma_start3A_836 = tpu.memref_slice %arg8[%dma_start3A_832, %dma_start3A_834, %dma_start3A_835] : memref<13x128x16xf32, #tpu.memory_space<vmem>> -> memref<1x128x16xf32, #tpu.memory_space<vmem>>
        %dma_start3A_837 = tpu.memref_squeeze %dma_start3A_836 : memref<1x128x16xf32, #tpu.memory_space<vmem>> -> memref<128x16xf32, #tpu.memory_space<vmem>>
        %dma_start3A_838 = arith.constant 0 : i32
        %dma_start3A_839 = tpu.memref_slice %arg6[%add3A_831, %dma_start3A_838] : memref<79x128xi32, #tpu.memory_space<vmem>> -> memref<1x128xi32, #tpu.memory_space<vmem>>
        %dma_start3A_840 = tpu.memref_squeeze %dma_start3A_839 : memref<1x128xi32, #tpu.memory_space<vmem>> -> memref<128xi32, #tpu.memory_space<vmem>>
        %dma_start3A_841 = arith.constant 0 : i32
        %dma_start3A_842 = arith.constant 0 : i32
        %dma_start3A_843 = tpu.memref_slice %arg11[%dma_start3A_841, %dma_start3A_842] : memref<10000x16xf32, #tpu.memory_space<vmem_shared>> -> memref<10000x16xf32, #tpu.memory_space<vmem_shared>>
        %dma_start3A_844 = tpu.memref_slice %arg12[%dma_start3A_833] : memref<13x!tpu.dma_semaphore, #tpu.memory_space<semaphore_mem>> -> memref<1x!tpu.dma_semaphore, #tpu.memory_space<semaphore_mem>>
        %dma_start3A_845 = tpu.memref_squeeze %dma_start3A_844 : memref<1x!tpu.dma_semaphore, #tpu.memory_space<semaphore_mem>> -> memref<!tpu.dma_semaphore, #tpu.memory_space<semaphore_mem>>
        tpu.enqueue_indirect_dma source(%dma_start3A_843 : memref<10000x16xf32, #tpu.memory_space<vmem_shared>>) target(%dma_start3A_837 : memref<128x16xf32, #tpu.memory_space<vmem>>) offsets(%dma_start3A_840 : memref<128xi32, #tpu.memory_space<vmem>>) semaphore(%dma_start3A_845 : memref<!tpu.dma_semaphore, #tpu.memory_space<semaphore_mem>>)
      } else {
      }
      %mul3A_397 = arith.constant 13 : i32
      %mul3A_398 = arith.muli %scan3A_318, %mul3A_397 : i32
      %add3A_399 = arith.constant 2 : i32
      %add3A_400 = arith.addi %mul3A_398, %add3A_399 : i32
      %dma_wait3A_401 = arith.constant 2 : i32
      %dma_wait3A_402 = arith.constant 2 : i32
      %dma_wait3A_403 = arith.constant 0 : i32
      %dma_wait3A_404 = arith.constant 0 : i32
      %dma_wait3A_405 = tpu.memref_slice %arg8[%dma_wait3A_401, %dma_wait3A_403, %dma_wait3A_404] : memref<13x128x16xf32, #tpu.memory_space<vmem>> -> memref<1x128x16xf32, #tpu.memory_space<vmem>>
      %dma_wait3A_406 = tpu.memref_squeeze %dma_wait3A_405 : memref<1x128x16xf32, #tpu.memory_space<vmem>> -> memref<128x16xf32, #tpu.memory_space<vmem>>
      %dma_wait3A_407 = arith.constant 0 : i32
      %dma_wait3A_408 = tpu.memref_slice %arg6[%add3A_400, %dma_wait3A_407] : memref<79x128xi32, #tpu.memory_space<vmem>> -> memref<1x128xi32, #tpu.memory_space<vmem>>
      %dma_wait3A_409 = tpu.memref_squeeze %dma_wait3A_408 : memref<1x128xi32, #tpu.memory_space<vmem>> -> memref<128xi32, #tpu.memory_space<vmem>>
      %dma_wait3A_410 = arith.constant 0 : i32
      %dma_wait3A_411 = arith.constant 0 : i32
      %dma_wait3A_412 = tpu.memref_slice %arg11[%dma_wait3A_410, %dma_wait3A_411] : memref<10000x16xf32, #tpu.memory_space<vmem_shared>> -> memref<10000x16xf32, #tpu.memory_space<vmem_shared>>
      %dma_wait3A_413 = tpu.memref_slice %arg12[%dma_wait3A_402] : memref<13x!tpu.dma_semaphore, #tpu.memory_space<semaphore_mem>> -> memref<1x!tpu.dma_semaphore, #tpu.memory_space<semaphore_mem>>
      %dma_wait3A_414 = tpu.memref_squeeze %dma_wait3A_413 : memref<1x!tpu.dma_semaphore, #tpu.memory_space<semaphore_mem>> -> memref<!tpu.dma_semaphore, #tpu.memory_space<semaphore_mem>>
      tpu.wait_indirect_dma semaphore(%dma_wait3A_414 : memref<!tpu.dma_semaphore, #tpu.memory_space<semaphore_mem>>) src(%dma_wait3A_412 : memref<10000x16xf32, #tpu.memory_space<vmem_shared>>) dst(%dma_wait3A_406 : memref<128x16xf32, #tpu.memory_space<vmem>>)
      %dma_start3A_415 = arith.constant 2 : i32
      %dma_start3A_416 = arith.constant 2 : i32
      %dma_start3A_417 = arith.constant 0 : i32
      %dma_start3A_418 = arith.constant 0 : i32
      %dma_start3A_419 = tpu.memref_slice %arg8[%dma_start3A_415, %dma_start3A_417, %dma_start3A_418] : memref<13x128x16xf32, #tpu.memory_space<vmem>> -> memref<1x128x16xf32, #tpu.memory_space<vmem>>
      %dma_start3A_420 = tpu.memref_squeeze %dma_start3A_419 : memref<1x128x16xf32, #tpu.memory_space<vmem>> -> memref<128x16xf32, #tpu.memory_space<vmem>>
      %dma_start3A_421 = arith.constant 0 : i32
      %dma_start3A_422 = tpu.memref_slice %arg7[%add3A_400, %dma_start3A_421] : memref<79x128xi32, #tpu.memory_space<vmem>> -> memref<1x128xi32, #tpu.memory_space<vmem>>
      %dma_start3A_423 = tpu.memref_squeeze %dma_start3A_422 : memref<1x128xi32, #tpu.memory_space<vmem>> -> memref<128xi32, #tpu.memory_space<vmem>>
      %dma_start3A_424 = arith.constant 0 : i32
      %dma_start3A_425 = arith.constant 0 : i32
      %dma_start3A_426 = tpu.memref_slice %arg10[%dma_start3A_424, %dma_start3A_425] : memref<10240x16xf32, #tpu.memory_space<vmem_shared>> -> memref<10240x16xf32, #tpu.memory_space<vmem_shared>>
      %dma_start3A_427 = tpu.memref_slice %arg13[%dma_start3A_416] : memref<13x!tpu.dma_semaphore, #tpu.memory_space<semaphore_mem>> -> memref<1x!tpu.dma_semaphore, #tpu.memory_space<semaphore_mem>>
      %dma_start3A_428 = tpu.memref_squeeze %dma_start3A_427 : memref<1x!tpu.dma_semaphore, #tpu.memory_space<semaphore_mem>> -> memref<!tpu.dma_semaphore, #tpu.memory_space<semaphore_mem>>
      tpu.enqueue_indirect_dma source(%dma_start3A_420 : memref<128x16xf32, #tpu.memory_space<vmem>>) target(%dma_start3A_426 : memref<10240x16xf32, #tpu.memory_space<vmem_shared>>) offsets(%dma_start3A_423 : memref<128xi32, #tpu.memory_space<vmem>>) semaphore(%dma_start3A_428 : memref<!tpu.dma_semaphore, #tpu.memory_space<semaphore_mem>>) {add = true}
      %add3A_429 = arith.constant 6 : i32
      %add3A_430 = arith.addi %add3A_400, %add3A_429 : i32
      %lt3A_431 = arith.constant 78 : i32
      %lt3A_432 = arith.cmpi slt, %add3A_430, %lt3A_431 : i32
      %convert_element_type3A_433 = arith.extui %lt3A_432 : i1 to i32
      %cond3A_434 = arith.constant 0 : i32
      %cond3A_435 = arith.cmpi ne, %convert_element_type3A_433, %cond3A_434 : i32
      scf.if %cond3A_435 {
        %ge3A = arith.constant 7 : i32
        %ge3A_826 = arith.cmpi sge, %add3A_400, %ge3A : i32
        %convert_element_type3A_827 = arith.extui %ge3A_826 : i1 to i32
        %cond3A_828 = arith.constant 0 : i32
        %cond3A_829 = arith.cmpi ne, %convert_element_type3A_827, %cond3A_828 : i32
        scf.if %cond3A_829 {
          %add3A_846 = arith.constant 6 : i32
          %add3A_847 = arith.addi %add3A_400, %add3A_846 : i32
          %sub3A = arith.constant 13 : i32
          %sub3A_848 = arith.subi %add3A_847, %sub3A : i32
          %dma_wait3A_849 = arith.constant 8 : i32
          %dma_wait3A_850 = arith.constant 8 : i32
          %dma_wait3A_851 = arith.constant 0 : i32
          %dma_wait3A_852 = arith.constant 0 : i32
          %dma_wait3A_853 = tpu.memref_slice %arg8[%dma_wait3A_849, %dma_wait3A_851, %dma_wait3A_852] : memref<13x128x16xf32, #tpu.memory_space<vmem>> -> memref<1x128x16xf32, #tpu.memory_space<vmem>>
          %dma_wait3A_854 = tpu.memref_squeeze %dma_wait3A_853 : memref<1x128x16xf32, #tpu.memory_space<vmem>> -> memref<128x16xf32, #tpu.memory_space<vmem>>
          %dma_wait3A_855 = arith.constant 0 : i32
          %dma_wait3A_856 = tpu.memref_slice %arg7[%sub3A_848, %dma_wait3A_855] : memref<79x128xi32, #tpu.memory_space<vmem>> -> memref<1x128xi32, #tpu.memory_space<vmem>>
          %dma_wait3A_857 = tpu.memref_squeeze %dma_wait3A_856 : memref<1x128xi32, #tpu.memory_space<vmem>> -> memref<128xi32, #tpu.memory_space<vmem>>
          %dma_wait3A_858 = arith.constant 0 : i32
          %dma_wait3A_859 = arith.constant 0 : i32
          %dma_wait3A_860 = tpu.memref_slice %arg10[%dma_wait3A_858, %dma_wait3A_859] : memref<10240x16xf32, #tpu.memory_space<vmem_shared>> -> memref<10240x16xf32, #tpu.memory_space<vmem_shared>>
          %dma_wait3A_861 = tpu.memref_slice %arg13[%dma_wait3A_850] : memref<13x!tpu.dma_semaphore, #tpu.memory_space<semaphore_mem>> -> memref<1x!tpu.dma_semaphore, #tpu.memory_space<semaphore_mem>>
          %dma_wait3A_862 = tpu.memref_squeeze %dma_wait3A_861 : memref<1x!tpu.dma_semaphore, #tpu.memory_space<semaphore_mem>> -> memref<!tpu.dma_semaphore, #tpu.memory_space<semaphore_mem>>
          tpu.wait_indirect_dma semaphore(%dma_wait3A_862 : memref<!tpu.dma_semaphore, #tpu.memory_space<semaphore_mem>>) src(%dma_wait3A_854 : memref<128x16xf32, #tpu.memory_space<vmem>>) dst(%dma_wait3A_860 : memref<10240x16xf32, #tpu.memory_space<vmem_shared>>)
        } else {
        }
        %add3A_830 = arith.constant 6 : i32
        %add3A_831 = arith.addi %add3A_400, %add3A_830 : i32
        %dma_start3A_832 = arith.constant 8 : i32
        %dma_start3A_833 = arith.constant 8 : i32
        %dma_start3A_834 = arith.constant 0 : i32
        %dma_start3A_835 = arith.constant 0 : i32
        %dma_start3A_836 = tpu.memref_slice %arg8[%dma_start3A_832, %dma_start3A_834, %dma_start3A_835] : memref<13x128x16xf32, #tpu.memory_space<vmem>> -> memref<1x128x16xf32, #tpu.memory_space<vmem>>
        %dma_start3A_837 = tpu.memref_squeeze %dma_start3A_836 : memref<1x128x16xf32, #tpu.memory_space<vmem>> -> memref<128x16xf32, #tpu.memory_space<vmem>>
        %dma_start3A_838 = arith.constant 0 : i32
        %dma_start3A_839 = tpu.memref_slice %arg6[%add3A_831, %dma_start3A_838] : memref<79x128xi32, #tpu.memory_space<vmem>> -> memref<1x128xi32, #tpu.memory_space<vmem>>
        %dma_start3A_840 = tpu.memref_squeeze %dma_start3A_839 : memref<1x128xi32, #tpu.memory_space<vmem>> -> memref<128xi32, #tpu.memory_space<vmem>>
        %dma_start3A_841 = arith.constant 0 : i32
        %dma_start3A_842 = arith.constant 0 : i32
        %dma_start3A_843 = tpu.memref_slice %arg11[%dma_start3A_841, %dma_start3A_842] : memref<10000x16xf32, #tpu.memory_space<vmem_shared>> -> memref<10000x16xf32, #tpu.memory_space<vmem_shared>>
        %dma_start3A_844 = tpu.memref_slice %arg12[%dma_start3A_833] : memref<13x!tpu.dma_semaphore, #tpu.memory_space<semaphore_mem>> -> memref<1x!tpu.dma_semaphore, #tpu.memory_space<semaphore_mem>>
        %dma_start3A_845 = tpu.memref_squeeze %dma_start3A_844 : memref<1x!tpu.dma_semaphore, #tpu.memory_space<semaphore_mem>> -> memref<!tpu.dma_semaphore, #tpu.memory_space<semaphore_mem>>
        tpu.enqueue_indirect_dma source(%dma_start3A_843 : memref<10000x16xf32, #tpu.memory_space<vmem_shared>>) target(%dma_start3A_837 : memref<128x16xf32, #tpu.memory_space<vmem>>) offsets(%dma_start3A_840 : memref<128xi32, #tpu.memory_space<vmem>>) semaphore(%dma_start3A_845 : memref<!tpu.dma_semaphore, #tpu.memory_space<semaphore_mem>>)
      } else {
      }
      %mul3A_436 = arith.constant 13 : i32
      %mul3A_437 = arith.muli %scan3A_318, %mul3A_436 : i32
      %add3A_438 = arith.constant 3 : i32
      %add3A_439 = arith.addi %mul3A_437, %add3A_438 : i32
      %dma_wait3A_440 = arith.constant 3 : i32
      %dma_wait3A_441 = arith.constant 3 : i32
      %dma_wait3A_442 = arith.constant 0 : i32
      %dma_wait3A_443 = arith.constant 0 : i32
      %dma_wait3A_444 = tpu.memref_slice %arg8[%dma_wait3A_440, %dma_wait3A_442, %dma_wait3A_443] : memref<13x128x16xf32, #tpu.memory_space<vmem>> -> memref<1x128x16xf32, #tpu.memory_space<vmem>>
      %dma_wait3A_445 = tpu.memref_squeeze %dma_wait3A_444 : memref<1x128x16xf32, #tpu.memory_space<vmem>> -> memref<128x16xf32, #tpu.memory_space<vmem>>
      %dma_wait3A_446 = arith.constant 0 : i32
      %dma_wait3A_447 = tpu.memref_slice %arg6[%add3A_439, %dma_wait3A_446] : memref<79x128xi32, #tpu.memory_space<vmem>> -> memref<1x128xi32, #tpu.memory_space<vmem>>
      %dma_wait3A_448 = tpu.memref_squeeze %dma_wait3A_447 : memref<1x128xi32, #tpu.memory_space<vmem>> -> memref<128xi32, #tpu.memory_space<vmem>>
      %dma_wait3A_449 = arith.constant 0 : i32
      %dma_wait3A_450 = arith.constant 0 : i32
      %dma_wait3A_451 = tpu.memref_slice %arg11[%dma_wait3A_449, %dma_wait3A_450] : memref<10000x16xf32, #tpu.memory_space<vmem_shared>> -> memref<10000x16xf32, #tpu.memory_space<vmem_shared>>
      %dma_wait3A_452 = tpu.memref_slice %arg12[%dma_wait3A_441] : memref<13x!tpu.dma_semaphore, #tpu.memory_space<semaphore_mem>> -> memref<1x!tpu.dma_semaphore, #tpu.memory_space<semaphore_mem>>
      %dma_wait3A_453 = tpu.memref_squeeze %dma_wait3A_452 : memref<1x!tpu.dma_semaphore, #tpu.memory_space<semaphore_mem>> -> memref<!tpu.dma_semaphore, #tpu.memory_space<semaphore_mem>>
      tpu.wait_indirect_dma semaphore(%dma_wait3A_453 : memref<!tpu.dma_semaphore, #tpu.memory_space<semaphore_mem>>) src(%dma_wait3A_451 : memref<10000x16xf32, #tpu.memory_space<vmem_shared>>) dst(%dma_wait3A_445 : memref<128x16xf32, #tpu.memory_space<vmem>>)
      %dma_start3A_454 = arith.constant 3 : i32
      %dma_start3A_455 = arith.constant 3 : i32
      %dma_start3A_456 = arith.constant 0 : i32
      %dma_start3A_457 = arith.constant 0 : i32
      %dma_start3A_458 = tpu.memref_slice %arg8[%dma_start3A_454, %dma_start3A_456, %dma_start3A_457] : memref<13x128x16xf32, #tpu.memory_space<vmem>> -> memref<1x128x16xf32, #tpu.memory_space<vmem>>
      %dma_start3A_459 = tpu.memref_squeeze %dma_start3A_458 : memref<1x128x16xf32, #tpu.memory_space<vmem>> -> memref<128x16xf32, #tpu.memory_space<vmem>>
      %dma_start3A_460 = arith.constant 0 : i32
      %dma_start3A_461 = tpu.memref_slice %arg7[%add3A_439, %dma_start3A_460] : memref<79x128xi32, #tpu.memory_space<vmem>> -> memref<1x128xi32, #tpu.memory_space<vmem>>
      %dma_start3A_462 = tpu.memref_squeeze %dma_start3A_461 : memref<1x128xi32, #tpu.memory_space<vmem>> -> memref<128xi32, #tpu.memory_space<vmem>>
      %dma_start3A_463 = arith.constant 0 : i32
      %dma_start3A_464 = arith.constant 0 : i32
      %dma_start3A_465 = tpu.memref_slice %arg10[%dma_start3A_463, %dma_start3A_464] : memref<10240x16xf32, #tpu.memory_space<vmem_shared>> -> memref<10240x16xf32, #tpu.memory_space<vmem_shared>>
      %dma_start3A_466 = tpu.memref_slice %arg13[%dma_start3A_455] : memref<13x!tpu.dma_semaphore, #tpu.memory_space<semaphore_mem>> -> memref<1x!tpu.dma_semaphore, #tpu.memory_space<semaphore_mem>>
      %dma_start3A_467 = tpu.memref_squeeze %dma_start3A_466 : memref<1x!tpu.dma_semaphore, #tpu.memory_space<semaphore_mem>> -> memref<!tpu.dma_semaphore, #tpu.memory_space<semaphore_mem>>
      tpu.enqueue_indirect_dma source(%dma_start3A_459 : memref<128x16xf32, #tpu.memory_space<vmem>>) target(%dma_start3A_465 : memref<10240x16xf32, #tpu.memory_space<vmem_shared>>) offsets(%dma_start3A_462 : memref<128xi32, #tpu.memory_space<vmem>>) semaphore(%dma_start3A_467 : memref<!tpu.dma_semaphore, #tpu.memory_space<semaphore_mem>>) {add = true}
      %add3A_468 = arith.constant 6 : i32
      %add3A_469 = arith.addi %add3A_439, %add3A_468 : i32
      %lt3A_470 = arith.constant 78 : i32
      %lt3A_471 = arith.cmpi slt, %add3A_469, %lt3A_470 : i32
      %convert_element_type3A_472 = arith.extui %lt3A_471 : i1 to i32
      %cond3A_473 = arith.constant 0 : i32
      %cond3A_474 = arith.cmpi ne, %convert_element_type3A_472, %cond3A_473 : i32
      scf.if %cond3A_474 {
        %ge3A = arith.constant 7 : i32
        %ge3A_826 = arith.cmpi sge, %add3A_439, %ge3A : i32
        %convert_element_type3A_827 = arith.extui %ge3A_826 : i1 to i32
        %cond3A_828 = arith.constant 0 : i32
        %cond3A_829 = arith.cmpi ne, %convert_element_type3A_827, %cond3A_828 : i32
        scf.if %cond3A_829 {
          %add3A_846 = arith.constant 6 : i32
          %add3A_847 = arith.addi %add3A_439, %add3A_846 : i32
          %sub3A = arith.constant 13 : i32
          %sub3A_848 = arith.subi %add3A_847, %sub3A : i32
          %dma_wait3A_849 = arith.constant 9 : i32
          %dma_wait3A_850 = arith.constant 9 : i32
          %dma_wait3A_851 = arith.constant 0 : i32
          %dma_wait3A_852 = arith.constant 0 : i32
          %dma_wait3A_853 = tpu.memref_slice %arg8[%dma_wait3A_849, %dma_wait3A_851, %dma_wait3A_852] : memref<13x128x16xf32, #tpu.memory_space<vmem>> -> memref<1x128x16xf32, #tpu.memory_space<vmem>>
          %dma_wait3A_854 = tpu.memref_squeeze %dma_wait3A_853 : memref<1x128x16xf32, #tpu.memory_space<vmem>> -> memref<128x16xf32, #tpu.memory_space<vmem>>
          %dma_wait3A_855 = arith.constant 0 : i32
          %dma_wait3A_856 = tpu.memref_slice %arg7[%sub3A_848, %dma_wait3A_855] : memref<79x128xi32, #tpu.memory_space<vmem>> -> memref<1x128xi32, #tpu.memory_space<vmem>>
          %dma_wait3A_857 = tpu.memref_squeeze %dma_wait3A_856 : memref<1x128xi32, #tpu.memory_space<vmem>> -> memref<128xi32, #tpu.memory_space<vmem>>
          %dma_wait3A_858 = arith.constant 0 : i32
          %dma_wait3A_859 = arith.constant 0 : i32
          %dma_wait3A_860 = tpu.memref_slice %arg10[%dma_wait3A_858, %dma_wait3A_859] : memref<10240x16xf32, #tpu.memory_space<vmem_shared>> -> memref<10240x16xf32, #tpu.memory_space<vmem_shared>>
          %dma_wait3A_861 = tpu.memref_slice %arg13[%dma_wait3A_850] : memref<13x!tpu.dma_semaphore, #tpu.memory_space<semaphore_mem>> -> memref<1x!tpu.dma_semaphore, #tpu.memory_space<semaphore_mem>>
          %dma_wait3A_862 = tpu.memref_squeeze %dma_wait3A_861 : memref<1x!tpu.dma_semaphore, #tpu.memory_space<semaphore_mem>> -> memref<!tpu.dma_semaphore, #tpu.memory_space<semaphore_mem>>
          tpu.wait_indirect_dma semaphore(%dma_wait3A_862 : memref<!tpu.dma_semaphore, #tpu.memory_space<semaphore_mem>>) src(%dma_wait3A_854 : memref<128x16xf32, #tpu.memory_space<vmem>>) dst(%dma_wait3A_860 : memref<10240x16xf32, #tpu.memory_space<vmem_shared>>)
        } else {
        }
        %add3A_830 = arith.constant 6 : i32
        %add3A_831 = arith.addi %add3A_439, %add3A_830 : i32
        %dma_start3A_832 = arith.constant 9 : i32
        %dma_start3A_833 = arith.constant 9 : i32
        %dma_start3A_834 = arith.constant 0 : i32
        %dma_start3A_835 = arith.constant 0 : i32
        %dma_start3A_836 = tpu.memref_slice %arg8[%dma_start3A_832, %dma_start3A_834, %dma_start3A_835] : memref<13x128x16xf32, #tpu.memory_space<vmem>> -> memref<1x128x16xf32, #tpu.memory_space<vmem>>
        %dma_start3A_837 = tpu.memref_squeeze %dma_start3A_836 : memref<1x128x16xf32, #tpu.memory_space<vmem>> -> memref<128x16xf32, #tpu.memory_space<vmem>>
        %dma_start3A_838 = arith.constant 0 : i32
        %dma_start3A_839 = tpu.memref_slice %arg6[%add3A_831, %dma_start3A_838] : memref<79x128xi32, #tpu.memory_space<vmem>> -> memref<1x128xi32, #tpu.memory_space<vmem>>
        %dma_start3A_840 = tpu.memref_squeeze %dma_start3A_839 : memref<1x128xi32, #tpu.memory_space<vmem>> -> memref<128xi32, #tpu.memory_space<vmem>>
        %dma_start3A_841 = arith.constant 0 : i32
        %dma_start3A_842 = arith.constant 0 : i32
        %dma_start3A_843 = tpu.memref_slice %arg11[%dma_start3A_841, %dma_start3A_842] : memref<10000x16xf32, #tpu.memory_space<vmem_shared>> -> memref<10000x16xf32, #tpu.memory_space<vmem_shared>>
        %dma_start3A_844 = tpu.memref_slice %arg12[%dma_start3A_833] : memref<13x!tpu.dma_semaphore, #tpu.memory_space<semaphore_mem>> -> memref<1x!tpu.dma_semaphore, #tpu.memory_space<semaphore_mem>>
        %dma_start3A_845 = tpu.memref_squeeze %dma_start3A_844 : memref<1x!tpu.dma_semaphore, #tpu.memory_space<semaphore_mem>> -> memref<!tpu.dma_semaphore, #tpu.memory_space<semaphore_mem>>
        tpu.enqueue_indirect_dma source(%dma_start3A_843 : memref<10000x16xf32, #tpu.memory_space<vmem_shared>>) target(%dma_start3A_837 : memref<128x16xf32, #tpu.memory_space<vmem>>) offsets(%dma_start3A_840 : memref<128xi32, #tpu.memory_space<vmem>>) semaphore(%dma_start3A_845 : memref<!tpu.dma_semaphore, #tpu.memory_space<semaphore_mem>>)
      } else {
      }
      %mul3A_475 = arith.constant 13 : i32
      %mul3A_476 = arith.muli %scan3A_318, %mul3A_475 : i32
      %add3A_477 = arith.constant 4 : i32
      %add3A_478 = arith.addi %mul3A_476, %add3A_477 : i32
      %dma_wait3A_479 = arith.constant 4 : i32
      %dma_wait3A_480 = arith.constant 4 : i32
      %dma_wait3A_481 = arith.constant 0 : i32
      %dma_wait3A_482 = arith.constant 0 : i32
      %dma_wait3A_483 = tpu.memref_slice %arg8[%dma_wait3A_479, %dma_wait3A_481, %dma_wait3A_482] : memref<13x128x16xf32, #tpu.memory_space<vmem>> -> memref<1x128x16xf32, #tpu.memory_space<vmem>>
      %dma_wait3A_484 = tpu.memref_squeeze %dma_wait3A_483 : memref<1x128x16xf32, #tpu.memory_space<vmem>> -> memref<128x16xf32, #tpu.memory_space<vmem>>
      %dma_wait3A_485 = arith.constant 0 : i32
      %dma_wait3A_486 = tpu.memref_slice %arg6[%add3A_478, %dma_wait3A_485] : memref<79x128xi32, #tpu.memory_space<vmem>> -> memref<1x128xi32, #tpu.memory_space<vmem>>
      %dma_wait3A_487 = tpu.memref_squeeze %dma_wait3A_486 : memref<1x128xi32, #tpu.memory_space<vmem>> -> memref<128xi32, #tpu.memory_space<vmem>>
      %dma_wait3A_488 = arith.constant 0 : i32
      %dma_wait3A_489 = arith.constant 0 : i32
      %dma_wait3A_490 = tpu.memref_slice %arg11[%dma_wait3A_488, %dma_wait3A_489] : memref<10000x16xf32, #tpu.memory_space<vmem_shared>> -> memref<10000x16xf32, #tpu.memory_space<vmem_shared>>
      %dma_wait3A_491 = tpu.memref_slice %arg12[%dma_wait3A_480] : memref<13x!tpu.dma_semaphore, #tpu.memory_space<semaphore_mem>> -> memref<1x!tpu.dma_semaphore, #tpu.memory_space<semaphore_mem>>
      %dma_wait3A_492 = tpu.memref_squeeze %dma_wait3A_491 : memref<1x!tpu.dma_semaphore, #tpu.memory_space<semaphore_mem>> -> memref<!tpu.dma_semaphore, #tpu.memory_space<semaphore_mem>>
      tpu.wait_indirect_dma semaphore(%dma_wait3A_492 : memref<!tpu.dma_semaphore, #tpu.memory_space<semaphore_mem>>) src(%dma_wait3A_490 : memref<10000x16xf32, #tpu.memory_space<vmem_shared>>) dst(%dma_wait3A_484 : memref<128x16xf32, #tpu.memory_space<vmem>>)
      %dma_start3A_493 = arith.constant 4 : i32
      %dma_start3A_494 = arith.constant 4 : i32
      %dma_start3A_495 = arith.constant 0 : i32
      %dma_start3A_496 = arith.constant 0 : i32
      %dma_start3A_497 = tpu.memref_slice %arg8[%dma_start3A_493, %dma_start3A_495, %dma_start3A_496] : memref<13x128x16xf32, #tpu.memory_space<vmem>> -> memref<1x128x16xf32, #tpu.memory_space<vmem>>
      %dma_start3A_498 = tpu.memref_squeeze %dma_start3A_497 : memref<1x128x16xf32, #tpu.memory_space<vmem>> -> memref<128x16xf32, #tpu.memory_space<vmem>>
      %dma_start3A_499 = arith.constant 0 : i32
      %dma_start3A_500 = tpu.memref_slice %arg7[%add3A_478, %dma_start3A_499] : memref<79x128xi32, #tpu.memory_space<vmem>> -> memref<1x128xi32, #tpu.memory_space<vmem>>
      %dma_start3A_501 = tpu.memref_squeeze %dma_start3A_500 : memref<1x128xi32, #tpu.memory_space<vmem>> -> memref<128xi32, #tpu.memory_space<vmem>>
      %dma_start3A_502 = arith.constant 0 : i32
      %dma_start3A_503 = arith.constant 0 : i32
      %dma_start3A_504 = tpu.memref_slice %arg10[%dma_start3A_502, %dma_start3A_503] : memref<10240x16xf32, #tpu.memory_space<vmem_shared>> -> memref<10240x16xf32, #tpu.memory_space<vmem_shared>>
      %dma_start3A_505 = tpu.memref_slice %arg13[%dma_start3A_494] : memref<13x!tpu.dma_semaphore, #tpu.memory_space<semaphore_mem>> -> memref<1x!tpu.dma_semaphore, #tpu.memory_space<semaphore_mem>>
      %dma_start3A_506 = tpu.memref_squeeze %dma_start3A_505 : memref<1x!tpu.dma_semaphore, #tpu.memory_space<semaphore_mem>> -> memref<!tpu.dma_semaphore, #tpu.memory_space<semaphore_mem>>
      tpu.enqueue_indirect_dma source(%dma_start3A_498 : memref<128x16xf32, #tpu.memory_space<vmem>>) target(%dma_start3A_504 : memref<10240x16xf32, #tpu.memory_space<vmem_shared>>) offsets(%dma_start3A_501 : memref<128xi32, #tpu.memory_space<vmem>>) semaphore(%dma_start3A_506 : memref<!tpu.dma_semaphore, #tpu.memory_space<semaphore_mem>>) {add = true}
      %add3A_507 = arith.constant 6 : i32
      %add3A_508 = arith.addi %add3A_478, %add3A_507 : i32
      %lt3A_509 = arith.constant 78 : i32
      %lt3A_510 = arith.cmpi slt, %add3A_508, %lt3A_509 : i32
      %convert_element_type3A_511 = arith.extui %lt3A_510 : i1 to i32
      %cond3A_512 = arith.constant 0 : i32
      %cond3A_513 = arith.cmpi ne, %convert_element_type3A_511, %cond3A_512 : i32
      scf.if %cond3A_513 {
        %ge3A = arith.constant 7 : i32
        %ge3A_826 = arith.cmpi sge, %add3A_478, %ge3A : i32
        %convert_element_type3A_827 = arith.extui %ge3A_826 : i1 to i32
        %cond3A_828 = arith.constant 0 : i32
        %cond3A_829 = arith.cmpi ne, %convert_element_type3A_827, %cond3A_828 : i32
        scf.if %cond3A_829 {
          %add3A_846 = arith.constant 6 : i32
          %add3A_847 = arith.addi %add3A_478, %add3A_846 : i32
          %sub3A = arith.constant 13 : i32
          %sub3A_848 = arith.subi %add3A_847, %sub3A : i32
          %dma_wait3A_849 = arith.constant 10 : i32
          %dma_wait3A_850 = arith.constant 10 : i32
          %dma_wait3A_851 = arith.constant 0 : i32
          %dma_wait3A_852 = arith.constant 0 : i32
          %dma_wait3A_853 = tpu.memref_slice %arg8[%dma_wait3A_849, %dma_wait3A_851, %dma_wait3A_852] : memref<13x128x16xf32, #tpu.memory_space<vmem>> -> memref<1x128x16xf32, #tpu.memory_space<vmem>>
          %dma_wait3A_854 = tpu.memref_squeeze %dma_wait3A_853 : memref<1x128x16xf32, #tpu.memory_space<vmem>> -> memref<128x16xf32, #tpu.memory_space<vmem>>
          %dma_wait3A_855 = arith.constant 0 : i32
          %dma_wait3A_856 = tpu.memref_slice %arg7[%sub3A_848, %dma_wait3A_855] : memref<79x128xi32, #tpu.memory_space<vmem>> -> memref<1x128xi32, #tpu.memory_space<vmem>>
          %dma_wait3A_857 = tpu.memref_squeeze %dma_wait3A_856 : memref<1x128xi32, #tpu.memory_space<vmem>> -> memref<128xi32, #tpu.memory_space<vmem>>
          %dma_wait3A_858 = arith.constant 0 : i32
          %dma_wait3A_859 = arith.constant 0 : i32
          %dma_wait3A_860 = tpu.memref_slice %arg10[%dma_wait3A_858, %dma_wait3A_859] : memref<10240x16xf32, #tpu.memory_space<vmem_shared>> -> memref<10240x16xf32, #tpu.memory_space<vmem_shared>>
          %dma_wait3A_861 = tpu.memref_slice %arg13[%dma_wait3A_850] : memref<13x!tpu.dma_semaphore, #tpu.memory_space<semaphore_mem>> -> memref<1x!tpu.dma_semaphore, #tpu.memory_space<semaphore_mem>>
          %dma_wait3A_862 = tpu.memref_squeeze %dma_wait3A_861 : memref<1x!tpu.dma_semaphore, #tpu.memory_space<semaphore_mem>> -> memref<!tpu.dma_semaphore, #tpu.memory_space<semaphore_mem>>
          tpu.wait_indirect_dma semaphore(%dma_wait3A_862 : memref<!tpu.dma_semaphore, #tpu.memory_space<semaphore_mem>>) src(%dma_wait3A_854 : memref<128x16xf32, #tpu.memory_space<vmem>>) dst(%dma_wait3A_860 : memref<10240x16xf32, #tpu.memory_space<vmem_shared>>)
        } else {
        }
        %add3A_830 = arith.constant 6 : i32
        %add3A_831 = arith.addi %add3A_478, %add3A_830 : i32
        %dma_start3A_832 = arith.constant 10 : i32
        %dma_start3A_833 = arith.constant 10 : i32
        %dma_start3A_834 = arith.constant 0 : i32
        %dma_start3A_835 = arith.constant 0 : i32
        %dma_start3A_836 = tpu.memref_slice %arg8[%dma_start3A_832, %dma_start3A_834, %dma_start3A_835] : memref<13x128x16xf32, #tpu.memory_space<vmem>> -> memref<1x128x16xf32, #tpu.memory_space<vmem>>
        %dma_start3A_837 = tpu.memref_squeeze %dma_start3A_836 : memref<1x128x16xf32, #tpu.memory_space<vmem>> -> memref<128x16xf32, #tpu.memory_space<vmem>>
        %dma_start3A_838 = arith.constant 0 : i32
        %dma_start3A_839 = tpu.memref_slice %arg6[%add3A_831, %dma_start3A_838] : memref<79x128xi32, #tpu.memory_space<vmem>> -> memref<1x128xi32, #tpu.memory_space<vmem>>
        %dma_start3A_840 = tpu.memref_squeeze %dma_start3A_839 : memref<1x128xi32, #tpu.memory_space<vmem>> -> memref<128xi32, #tpu.memory_space<vmem>>
        %dma_start3A_841 = arith.constant 0 : i32
        %dma_start3A_842 = arith.constant 0 : i32
        %dma_start3A_843 = tpu.memref_slice %arg11[%dma_start3A_841, %dma_start3A_842] : memref<10000x16xf32, #tpu.memory_space<vmem_shared>> -> memref<10000x16xf32, #tpu.memory_space<vmem_shared>>
        %dma_start3A_844 = tpu.memref_slice %arg12[%dma_start3A_833] : memref<13x!tpu.dma_semaphore, #tpu.memory_space<semaphore_mem>> -> memref<1x!tpu.dma_semaphore, #tpu.memory_space<semaphore_mem>>
        %dma_start3A_845 = tpu.memref_squeeze %dma_start3A_844 : memref<1x!tpu.dma_semaphore, #tpu.memory_space<semaphore_mem>> -> memref<!tpu.dma_semaphore, #tpu.memory_space<semaphore_mem>>
        tpu.enqueue_indirect_dma source(%dma_start3A_843 : memref<10000x16xf32, #tpu.memory_space<vmem_shared>>) target(%dma_start3A_837 : memref<128x16xf32, #tpu.memory_space<vmem>>) offsets(%dma_start3A_840 : memref<128xi32, #tpu.memory_space<vmem>>) semaphore(%dma_start3A_845 : memref<!tpu.dma_semaphore, #tpu.memory_space<semaphore_mem>>)
      } else {
      }
      %mul3A_514 = arith.constant 13 : i32
      %mul3A_515 = arith.muli %scan3A_318, %mul3A_514 : i32
      %add3A_516 = arith.constant 5 : i32
      %add3A_517 = arith.addi %mul3A_515, %add3A_516 : i32
      %dma_wait3A_518 = arith.constant 5 : i32
      %dma_wait3A_519 = arith.constant 5 : i32
      %dma_wait3A_520 = arith.constant 0 : i32
      %dma_wait3A_521 = arith.constant 0 : i32
      %dma_wait3A_522 = tpu.memref_slice %arg8[%dma_wait3A_518, %dma_wait3A_520, %dma_wait3A_521] : memref<13x128x16xf32, #tpu.memory_space<vmem>> -> memref<1x128x16xf32, #tpu.memory_space<vmem>>
      %dma_wait3A_523 = tpu.memref_squeeze %dma_wait3A_522 : memref<1x128x16xf32, #tpu.memory_space<vmem>> -> memref<128x16xf32, #tpu.memory_space<vmem>>
      %dma_wait3A_524 = arith.constant 0 : i32
      %dma_wait3A_525 = tpu.memref_slice %arg6[%add3A_517, %dma_wait3A_524] : memref<79x128xi32, #tpu.memory_space<vmem>> -> memref<1x128xi32, #tpu.memory_space<vmem>>
      %dma_wait3A_526 = tpu.memref_squeeze %dma_wait3A_525 : memref<1x128xi32, #tpu.memory_space<vmem>> -> memref<128xi32, #tpu.memory_space<vmem>>
      %dma_wait3A_527 = arith.constant 0 : i32
      %dma_wait3A_528 = arith.constant 0 : i32
      %dma_wait3A_529 = tpu.memref_slice %arg11[%dma_wait3A_527, %dma_wait3A_528] : memref<10000x16xf32, #tpu.memory_space<vmem_shared>> -> memref<10000x16xf32, #tpu.memory_space<vmem_shared>>
      %dma_wait3A_530 = tpu.memref_slice %arg12[%dma_wait3A_519] : memref<13x!tpu.dma_semaphore, #tpu.memory_space<semaphore_mem>> -> memref<1x!tpu.dma_semaphore, #tpu.memory_space<semaphore_mem>>
      %dma_wait3A_531 = tpu.memref_squeeze %dma_wait3A_530 : memref<1x!tpu.dma_semaphore, #tpu.memory_space<semaphore_mem>> -> memref<!tpu.dma_semaphore, #tpu.memory_space<semaphore_mem>>
      tpu.wait_indirect_dma semaphore(%dma_wait3A_531 : memref<!tpu.dma_semaphore, #tpu.memory_space<semaphore_mem>>) src(%dma_wait3A_529 : memref<10000x16xf32, #tpu.memory_space<vmem_shared>>) dst(%dma_wait3A_523 : memref<128x16xf32, #tpu.memory_space<vmem>>)
      %dma_start3A_532 = arith.constant 5 : i32
      %dma_start3A_533 = arith.constant 5 : i32
      %dma_start3A_534 = arith.constant 0 : i32
      %dma_start3A_535 = arith.constant 0 : i32
      %dma_start3A_536 = tpu.memref_slice %arg8[%dma_start3A_532, %dma_start3A_534, %dma_start3A_535] : memref<13x128x16xf32, #tpu.memory_space<vmem>> -> memref<1x128x16xf32, #tpu.memory_space<vmem>>
      %dma_start3A_537 = tpu.memref_squeeze %dma_start3A_536 : memref<1x128x16xf32, #tpu.memory_space<vmem>> -> memref<128x16xf32, #tpu.memory_space<vmem>>
      %dma_start3A_538 = arith.constant 0 : i32
      %dma_start3A_539 = tpu.memref_slice %arg7[%add3A_517, %dma_start3A_538] : memref<79x128xi32, #tpu.memory_space<vmem>> -> memref<1x128xi32, #tpu.memory_space<vmem>>
      %dma_start3A_540 = tpu.memref_squeeze %dma_start3A_539 : memref<1x128xi32, #tpu.memory_space<vmem>> -> memref<128xi32, #tpu.memory_space<vmem>>
      %dma_start3A_541 = arith.constant 0 : i32
      %dma_start3A_542 = arith.constant 0 : i32
      %dma_start3A_543 = tpu.memref_slice %arg10[%dma_start3A_541, %dma_start3A_542] : memref<10240x16xf32, #tpu.memory_space<vmem_shared>> -> memref<10240x16xf32, #tpu.memory_space<vmem_shared>>
      %dma_start3A_544 = tpu.memref_slice %arg13[%dma_start3A_533] : memref<13x!tpu.dma_semaphore, #tpu.memory_space<semaphore_mem>> -> memref<1x!tpu.dma_semaphore, #tpu.memory_space<semaphore_mem>>
      %dma_start3A_545 = tpu.memref_squeeze %dma_start3A_544 : memref<1x!tpu.dma_semaphore, #tpu.memory_space<semaphore_mem>> -> memref<!tpu.dma_semaphore, #tpu.memory_space<semaphore_mem>>
      tpu.enqueue_indirect_dma source(%dma_start3A_537 : memref<128x16xf32, #tpu.memory_space<vmem>>) target(%dma_start3A_543 : memref<10240x16xf32, #tpu.memory_space<vmem_shared>>) offsets(%dma_start3A_540 : memref<128xi32, #tpu.memory_space<vmem>>) semaphore(%dma_start3A_545 : memref<!tpu.dma_semaphore, #tpu.memory_space<semaphore_mem>>) {add = true}
      %add3A_546 = arith.constant 6 : i32
      %add3A_547 = arith.addi %add3A_517, %add3A_546 : i32
      %lt3A_548 = arith.constant 78 : i32
      %lt3A_549 = arith.cmpi slt, %add3A_547, %lt3A_548 : i32
      %convert_element_type3A_550 = arith.extui %lt3A_549 : i1 to i32
      %cond3A_551 = arith.constant 0 : i32
      %cond3A_552 = arith.cmpi ne, %convert_element_type3A_550, %cond3A_551 : i32
      scf.if %cond3A_552 {
        %ge3A = arith.constant 7 : i32
        %ge3A_826 = arith.cmpi sge, %add3A_517, %ge3A : i32
        %convert_element_type3A_827 = arith.extui %ge3A_826 : i1 to i32
        %cond3A_828 = arith.constant 0 : i32
        %cond3A_829 = arith.cmpi ne, %convert_element_type3A_827, %cond3A_828 : i32
        scf.if %cond3A_829 {
          %add3A_846 = arith.constant 6 : i32
          %add3A_847 = arith.addi %add3A_517, %add3A_846 : i32
          %sub3A = arith.constant 13 : i32
          %sub3A_848 = arith.subi %add3A_847, %sub3A : i32
          %dma_wait3A_849 = arith.constant 11 : i32
          %dma_wait3A_850 = arith.constant 11 : i32
          %dma_wait3A_851 = arith.constant 0 : i32
          %dma_wait3A_852 = arith.constant 0 : i32
          %dma_wait3A_853 = tpu.memref_slice %arg8[%dma_wait3A_849, %dma_wait3A_851, %dma_wait3A_852] : memref<13x128x16xf32, #tpu.memory_space<vmem>> -> memref<1x128x16xf32, #tpu.memory_space<vmem>>
          %dma_wait3A_854 = tpu.memref_squeeze %dma_wait3A_853 : memref<1x128x16xf32, #tpu.memory_space<vmem>> -> memref<128x16xf32, #tpu.memory_space<vmem>>
          %dma_wait3A_855 = arith.constant 0 : i32
          %dma_wait3A_856 = tpu.memref_slice %arg7[%sub3A_848, %dma_wait3A_855] : memref<79x128xi32, #tpu.memory_space<vmem>> -> memref<1x128xi32, #tpu.memory_space<vmem>>
          %dma_wait3A_857 = tpu.memref_squeeze %dma_wait3A_856 : memref<1x128xi32, #tpu.memory_space<vmem>> -> memref<128xi32, #tpu.memory_space<vmem>>
          %dma_wait3A_858 = arith.constant 0 : i32
          %dma_wait3A_859 = arith.constant 0 : i32
          %dma_wait3A_860 = tpu.memref_slice %arg10[%dma_wait3A_858, %dma_wait3A_859] : memref<10240x16xf32, #tpu.memory_space<vmem_shared>> -> memref<10240x16xf32, #tpu.memory_space<vmem_shared>>
          %dma_wait3A_861 = tpu.memref_slice %arg13[%dma_wait3A_850] : memref<13x!tpu.dma_semaphore, #tpu.memory_space<semaphore_mem>> -> memref<1x!tpu.dma_semaphore, #tpu.memory_space<semaphore_mem>>
          %dma_wait3A_862 = tpu.memref_squeeze %dma_wait3A_861 : memref<1x!tpu.dma_semaphore, #tpu.memory_space<semaphore_mem>> -> memref<!tpu.dma_semaphore, #tpu.memory_space<semaphore_mem>>
          tpu.wait_indirect_dma semaphore(%dma_wait3A_862 : memref<!tpu.dma_semaphore, #tpu.memory_space<semaphore_mem>>) src(%dma_wait3A_854 : memref<128x16xf32, #tpu.memory_space<vmem>>) dst(%dma_wait3A_860 : memref<10240x16xf32, #tpu.memory_space<vmem_shared>>)
        } else {
        }
        %add3A_830 = arith.constant 6 : i32
        %add3A_831 = arith.addi %add3A_517, %add3A_830 : i32
        %dma_start3A_832 = arith.constant 11 : i32
        %dma_start3A_833 = arith.constant 11 : i32
        %dma_start3A_834 = arith.constant 0 : i32
        %dma_start3A_835 = arith.constant 0 : i32
        %dma_start3A_836 = tpu.memref_slice %arg8[%dma_start3A_832, %dma_start3A_834, %dma_start3A_835] : memref<13x128x16xf32, #tpu.memory_space<vmem>> -> memref<1x128x16xf32, #tpu.memory_space<vmem>>
        %dma_start3A_837 = tpu.memref_squeeze %dma_start3A_836 : memref<1x128x16xf32, #tpu.memory_space<vmem>> -> memref<128x16xf32, #tpu.memory_space<vmem>>
        %dma_start3A_838 = arith.constant 0 : i32
        %dma_start3A_839 = tpu.memref_slice %arg6[%add3A_831, %dma_start3A_838] : memref<79x128xi32, #tpu.memory_space<vmem>> -> memref<1x128xi32, #tpu.memory_space<vmem>>
        %dma_start3A_840 = tpu.memref_squeeze %dma_start3A_839 : memref<1x128xi32, #tpu.memory_space<vmem>> -> memref<128xi32, #tpu.memory_space<vmem>>
        %dma_start3A_841 = arith.constant 0 : i32
        %dma_start3A_842 = arith.constant 0 : i32
        %dma_start3A_843 = tpu.memref_slice %arg11[%dma_start3A_841, %dma_start3A_842] : memref<10000x16xf32, #tpu.memory_space<vmem_shared>> -> memref<10000x16xf32, #tpu.memory_space<vmem_shared>>
        %dma_start3A_844 = tpu.memref_slice %arg12[%dma_start3A_833] : memref<13x!tpu.dma_semaphore, #tpu.memory_space<semaphore_mem>> -> memref<1x!tpu.dma_semaphore, #tpu.memory_space<semaphore_mem>>
        %dma_start3A_845 = tpu.memref_squeeze %dma_start3A_844 : memref<1x!tpu.dma_semaphore, #tpu.memory_space<semaphore_mem>> -> memref<!tpu.dma_semaphore, #tpu.memory_space<semaphore_mem>>
        tpu.enqueue_indirect_dma source(%dma_start3A_843 : memref<10000x16xf32, #tpu.memory_space<vmem_shared>>) target(%dma_start3A_837 : memref<128x16xf32, #tpu.memory_space<vmem>>) offsets(%dma_start3A_840 : memref<128xi32, #tpu.memory_space<vmem>>) semaphore(%dma_start3A_845 : memref<!tpu.dma_semaphore, #tpu.memory_space<semaphore_mem>>)
      } else {
      }
      %mul3A_553 = arith.constant 13 : i32
      %mul3A_554 = arith.muli %scan3A_318, %mul3A_553 : i32
      %add3A_555 = arith.constant 6 : i32
      %add3A_556 = arith.addi %mul3A_554, %add3A_555 : i32
      %dma_wait3A_557 = arith.constant 6 : i32
      %dma_wait3A_558 = arith.constant 6 : i32
      %dma_wait3A_559 = arith.constant 0 : i32
      %dma_wait3A_560 = arith.constant 0 : i32
      %dma_wait3A_561 = tpu.memref_slice %arg8[%dma_wait3A_557, %dma_wait3A_559, %dma_wait3A_560] : memref<13x128x16xf32, #tpu.memory_space<vmem>> -> memref<1x128x16xf32, #tpu.memory_space<vmem>>
      %dma_wait3A_562 = tpu.memref_squeeze %dma_wait3A_561 : memref<1x128x16xf32, #tpu.memory_space<vmem>> -> memref<128x16xf32, #tpu.memory_space<vmem>>
      %dma_wait3A_563 = arith.constant 0 : i32
      %dma_wait3A_564 = tpu.memref_slice %arg6[%add3A_556, %dma_wait3A_563] : memref<79x128xi32, #tpu.memory_space<vmem>> -> memref<1x128xi32, #tpu.memory_space<vmem>>
      %dma_wait3A_565 = tpu.memref_squeeze %dma_wait3A_564 : memref<1x128xi32, #tpu.memory_space<vmem>> -> memref<128xi32, #tpu.memory_space<vmem>>
      %dma_wait3A_566 = arith.constant 0 : i32
      %dma_wait3A_567 = arith.constant 0 : i32
      %dma_wait3A_568 = tpu.memref_slice %arg11[%dma_wait3A_566, %dma_wait3A_567] : memref<10000x16xf32, #tpu.memory_space<vmem_shared>> -> memref<10000x16xf32, #tpu.memory_space<vmem_shared>>
      %dma_wait3A_569 = tpu.memref_slice %arg12[%dma_wait3A_558] : memref<13x!tpu.dma_semaphore, #tpu.memory_space<semaphore_mem>> -> memref<1x!tpu.dma_semaphore, #tpu.memory_space<semaphore_mem>>
      %dma_wait3A_570 = tpu.memref_squeeze %dma_wait3A_569 : memref<1x!tpu.dma_semaphore, #tpu.memory_space<semaphore_mem>> -> memref<!tpu.dma_semaphore, #tpu.memory_space<semaphore_mem>>
      tpu.wait_indirect_dma semaphore(%dma_wait3A_570 : memref<!tpu.dma_semaphore, #tpu.memory_space<semaphore_mem>>) src(%dma_wait3A_568 : memref<10000x16xf32, #tpu.memory_space<vmem_shared>>) dst(%dma_wait3A_562 : memref<128x16xf32, #tpu.memory_space<vmem>>)
      %dma_start3A_571 = arith.constant 6 : i32
      %dma_start3A_572 = arith.constant 6 : i32
      %dma_start3A_573 = arith.constant 0 : i32
      %dma_start3A_574 = arith.constant 0 : i32
      %dma_start3A_575 = tpu.memref_slice %arg8[%dma_start3A_571, %dma_start3A_573, %dma_start3A_574] : memref<13x128x16xf32, #tpu.memory_space<vmem>> -> memref<1x128x16xf32, #tpu.memory_space<vmem>>
      %dma_start3A_576 = tpu.memref_squeeze %dma_start3A_575 : memref<1x128x16xf32, #tpu.memory_space<vmem>> -> memref<128x16xf32, #tpu.memory_space<vmem>>
      %dma_start3A_577 = arith.constant 0 : i32
      %dma_start3A_578 = tpu.memref_slice %arg7[%add3A_556, %dma_start3A_577] : memref<79x128xi32, #tpu.memory_space<vmem>> -> memref<1x128xi32, #tpu.memory_space<vmem>>
      %dma_start3A_579 = tpu.memref_squeeze %dma_start3A_578 : memref<1x128xi32, #tpu.memory_space<vmem>> -> memref<128xi32, #tpu.memory_space<vmem>>
      %dma_start3A_580 = arith.constant 0 : i32
      %dma_start3A_581 = arith.constant 0 : i32
      %dma_start3A_582 = tpu.memref_slice %arg10[%dma_start3A_580, %dma_start3A_581] : memref<10240x16xf32, #tpu.memory_space<vmem_shared>> -> memref<10240x16xf32, #tpu.memory_space<vmem_shared>>
      %dma_start3A_583 = tpu.memref_slice %arg13[%dma_start3A_572] : memref<13x!tpu.dma_semaphore, #tpu.memory_space<semaphore_mem>> -> memref<1x!tpu.dma_semaphore, #tpu.memory_space<semaphore_mem>>
      %dma_start3A_584 = tpu.memref_squeeze %dma_start3A_583 : memref<1x!tpu.dma_semaphore, #tpu.memory_space<semaphore_mem>> -> memref<!tpu.dma_semaphore, #tpu.memory_space<semaphore_mem>>
      tpu.enqueue_indirect_dma source(%dma_start3A_576 : memref<128x16xf32, #tpu.memory_space<vmem>>) target(%dma_start3A_582 : memref<10240x16xf32, #tpu.memory_space<vmem_shared>>) offsets(%dma_start3A_579 : memref<128xi32, #tpu.memory_space<vmem>>) semaphore(%dma_start3A_584 : memref<!tpu.dma_semaphore, #tpu.memory_space<semaphore_mem>>) {add = true}
      %add3A_585 = arith.constant 6 : i32
      %add3A_586 = arith.addi %add3A_556, %add3A_585 : i32
      %lt3A_587 = arith.constant 78 : i32
      %lt3A_588 = arith.cmpi slt, %add3A_586, %lt3A_587 : i32
      %convert_element_type3A_589 = arith.extui %lt3A_588 : i1 to i32
      %cond3A_590 = arith.constant 0 : i32
      %cond3A_591 = arith.cmpi ne, %convert_element_type3A_589, %cond3A_590 : i32
      scf.if %cond3A_591 {
        %ge3A = arith.constant 7 : i32
        %ge3A_826 = arith.cmpi sge, %add3A_556, %ge3A : i32
        %convert_element_type3A_827 = arith.extui %ge3A_826 : i1 to i32
        %cond3A_828 = arith.constant 0 : i32
        %cond3A_829 = arith.cmpi ne, %convert_element_type3A_827, %cond3A_828 : i32
        scf.if %cond3A_829 {
          %add3A_846 = arith.constant 6 : i32
          %add3A_847 = arith.addi %add3A_556, %add3A_846 : i32
          %sub3A = arith.constant 13 : i32
          %sub3A_848 = arith.subi %add3A_847, %sub3A : i32
          %dma_wait3A_849 = arith.constant 12 : i32
          %dma_wait3A_850 = arith.constant 12 : i32
          %dma_wait3A_851 = arith.constant 0 : i32
          %dma_wait3A_852 = arith.constant 0 : i32
          %dma_wait3A_853 = tpu.memref_slice %arg8[%dma_wait3A_849, %dma_wait3A_851, %dma_wait3A_852] : memref<13x128x16xf32, #tpu.memory_space<vmem>> -> memref<1x128x16xf32, #tpu.memory_space<vmem>>
          %dma_wait3A_854 = tpu.memref_squeeze %dma_wait3A_853 : memref<1x128x16xf32, #tpu.memory_space<vmem>> -> memref<128x16xf32, #tpu.memory_space<vmem>>
          %dma_wait3A_855 = arith.constant 0 : i32
          %dma_wait3A_856 = tpu.memref_slice %arg7[%sub3A_848, %dma_wait3A_855] : memref<79x128xi32, #tpu.memory_space<vmem>> -> memref<1x128xi32, #tpu.memory_space<vmem>>
          %dma_wait3A_857 = tpu.memref_squeeze %dma_wait3A_856 : memref<1x128xi32, #tpu.memory_space<vmem>> -> memref<128xi32, #tpu.memory_space<vmem>>
          %dma_wait3A_858 = arith.constant 0 : i32
          %dma_wait3A_859 = arith.constant 0 : i32
          %dma_wait3A_860 = tpu.memref_slice %arg10[%dma_wait3A_858, %dma_wait3A_859] : memref<10240x16xf32, #tpu.memory_space<vmem_shared>> -> memref<10240x16xf32, #tpu.memory_space<vmem_shared>>
          %dma_wait3A_861 = tpu.memref_slice %arg13[%dma_wait3A_850] : memref<13x!tpu.dma_semaphore, #tpu.memory_space<semaphore_mem>> -> memref<1x!tpu.dma_semaphore, #tpu.memory_space<semaphore_mem>>
          %dma_wait3A_862 = tpu.memref_squeeze %dma_wait3A_861 : memref<1x!tpu.dma_semaphore, #tpu.memory_space<semaphore_mem>> -> memref<!tpu.dma_semaphore, #tpu.memory_space<semaphore_mem>>
          tpu.wait_indirect_dma semaphore(%dma_wait3A_862 : memref<!tpu.dma_semaphore, #tpu.memory_space<semaphore_mem>>) src(%dma_wait3A_854 : memref<128x16xf32, #tpu.memory_space<vmem>>) dst(%dma_wait3A_860 : memref<10240x16xf32, #tpu.memory_space<vmem_shared>>)
        } else {
        }
        %add3A_830 = arith.constant 6 : i32
        %add3A_831 = arith.addi %add3A_556, %add3A_830 : i32
        %dma_start3A_832 = arith.constant 12 : i32
        %dma_start3A_833 = arith.constant 12 : i32
        %dma_start3A_834 = arith.constant 0 : i32
        %dma_start3A_835 = arith.constant 0 : i32
        %dma_start3A_836 = tpu.memref_slice %arg8[%dma_start3A_832, %dma_start3A_834, %dma_start3A_835] : memref<13x128x16xf32, #tpu.memory_space<vmem>> -> memref<1x128x16xf32, #tpu.memory_space<vmem>>
        %dma_start3A_837 = tpu.memref_squeeze %dma_start3A_836 : memref<1x128x16xf32, #tpu.memory_space<vmem>> -> memref<128x16xf32, #tpu.memory_space<vmem>>
        %dma_start3A_838 = arith.constant 0 : i32
        %dma_start3A_839 = tpu.memref_slice %arg6[%add3A_831, %dma_start3A_838] : memref<79x128xi32, #tpu.memory_space<vmem>> -> memref<1x128xi32, #tpu.memory_space<vmem>>
        %dma_start3A_840 = tpu.memref_squeeze %dma_start3A_839 : memref<1x128xi32, #tpu.memory_space<vmem>> -> memref<128xi32, #tpu.memory_space<vmem>>
        %dma_start3A_841 = arith.constant 0 : i32
        %dma_start3A_842 = arith.constant 0 : i32
        %dma_start3A_843 = tpu.memref_slice %arg11[%dma_start3A_841, %dma_start3A_842] : memref<10000x16xf32, #tpu.memory_space<vmem_shared>> -> memref<10000x16xf32, #tpu.memory_space<vmem_shared>>
        %dma_start3A_844 = tpu.memref_slice %arg12[%dma_start3A_833] : memref<13x!tpu.dma_semaphore, #tpu.memory_space<semaphore_mem>> -> memref<1x!tpu.dma_semaphore, #tpu.memory_space<semaphore_mem>>
        %dma_start3A_845 = tpu.memref_squeeze %dma_start3A_844 : memref<1x!tpu.dma_semaphore, #tpu.memory_space<semaphore_mem>> -> memref<!tpu.dma_semaphore, #tpu.memory_space<semaphore_mem>>
        tpu.enqueue_indirect_dma source(%dma_start3A_843 : memref<10000x16xf32, #tpu.memory_space<vmem_shared>>) target(%dma_start3A_837 : memref<128x16xf32, #tpu.memory_space<vmem>>) offsets(%dma_start3A_840 : memref<128xi32, #tpu.memory_space<vmem>>) semaphore(%dma_start3A_845 : memref<!tpu.dma_semaphore, #tpu.memory_space<semaphore_mem>>)
      } else {
      }
      %mul3A_592 = arith.constant 13 : i32
      %mul3A_593 = arith.muli %scan3A_318, %mul3A_592 : i32
      %add3A_594 = arith.constant 7 : i32
      %add3A_595 = arith.addi %mul3A_593, %add3A_594 : i32
      %dma_wait3A_596 = arith.constant 7 : i32
      %dma_wait3A_597 = arith.constant 7 : i32
      %dma_wait3A_598 = arith.constant 0 : i32
      %dma_wait3A_599 = arith.constant 0 : i32
      %dma_wait3A_600 = tpu.memref_slice %arg8[%dma_wait3A_596, %dma_wait3A_598, %dma_wait3A_599] : memref<13x128x16xf32, #tpu.memory_space<vmem>> -> memref<1x128x16xf32, #tpu.memory_space<vmem>>
      %dma_wait3A_601 = tpu.memref_squeeze %dma_wait3A_600 : memref<1x128x16xf32, #tpu.memory_space<vmem>> -> memref<128x16xf32, #tpu.memory_space<vmem>>
      %dma_wait3A_602 = arith.constant 0 : i32
      %dma_wait3A_603 = tpu.memref_slice %arg6[%add3A_595, %dma_wait3A_602] : memref<79x128xi32, #tpu.memory_space<vmem>> -> memref<1x128xi32, #tpu.memory_space<vmem>>
      %dma_wait3A_604 = tpu.memref_squeeze %dma_wait3A_603 : memref<1x128xi32, #tpu.memory_space<vmem>> -> memref<128xi32, #tpu.memory_space<vmem>>
      %dma_wait3A_605 = arith.constant 0 : i32
      %dma_wait3A_606 = arith.constant 0 : i32
      %dma_wait3A_607 = tpu.memref_slice %arg11[%dma_wait3A_605, %dma_wait3A_606] : memref<10000x16xf32, #tpu.memory_space<vmem_shared>> -> memref<10000x16xf32, #tpu.memory_space<vmem_shared>>
      %dma_wait3A_608 = tpu.memref_slice %arg12[%dma_wait3A_597] : memref<13x!tpu.dma_semaphore, #tpu.memory_space<semaphore_mem>> -> memref<1x!tpu.dma_semaphore, #tpu.memory_space<semaphore_mem>>
      %dma_wait3A_609 = tpu.memref_squeeze %dma_wait3A_608 : memref<1x!tpu.dma_semaphore, #tpu.memory_space<semaphore_mem>> -> memref<!tpu.dma_semaphore, #tpu.memory_space<semaphore_mem>>
      tpu.wait_indirect_dma semaphore(%dma_wait3A_609 : memref<!tpu.dma_semaphore, #tpu.memory_space<semaphore_mem>>) src(%dma_wait3A_607 : memref<10000x16xf32, #tpu.memory_space<vmem_shared>>) dst(%dma_wait3A_601 : memref<128x16xf32, #tpu.memory_space<vmem>>)
      %dma_start3A_610 = arith.constant 7 : i32
      %dma_start3A_611 = arith.constant 7 : i32
      %dma_start3A_612 = arith.constant 0 : i32
      %dma_start3A_613 = arith.constant 0 : i32
      %dma_start3A_614 = tpu.memref_slice %arg8[%dma_start3A_610, %dma_start3A_612, %dma_start3A_613] : memref<13x128x16xf32, #tpu.memory_space<vmem>> -> memref<1x128x16xf32, #tpu.memory_space<vmem>>
      %dma_start3A_615 = tpu.memref_squeeze %dma_start3A_614 : memref<1x128x16xf32, #tpu.memory_space<vmem>> -> memref<128x16xf32, #tpu.memory_space<vmem>>
      %dma_start3A_616 = arith.constant 0 : i32
      %dma_start3A_617 = tpu.memref_slice %arg7[%add3A_595, %dma_start3A_616] : memref<79x128xi32, #tpu.memory_space<vmem>> -> memref<1x128xi32, #tpu.memory_space<vmem>>
      %dma_start3A_618 = tpu.memref_squeeze %dma_start3A_617 : memref<1x128xi32, #tpu.memory_space<vmem>> -> memref<128xi32, #tpu.memory_space<vmem>>
      %dma_start3A_619 = arith.constant 0 : i32
      %dma_start3A_620 = arith.constant 0 : i32
      %dma_start3A_621 = tpu.memref_slice %arg10[%dma_start3A_619, %dma_start3A_620] : memref<10240x16xf32, #tpu.memory_space<vmem_shared>> -> memref<10240x16xf32, #tpu.memory_space<vmem_shared>>
      %dma_start3A_622 = tpu.memref_slice %arg13[%dma_start3A_611] : memref<13x!tpu.dma_semaphore, #tpu.memory_space<semaphore_mem>> -> memref<1x!tpu.dma_semaphore, #tpu.memory_space<semaphore_mem>>
      %dma_start3A_623 = tpu.memref_squeeze %dma_start3A_622 : memref<1x!tpu.dma_semaphore, #tpu.memory_space<semaphore_mem>> -> memref<!tpu.dma_semaphore, #tpu.memory_space<semaphore_mem>>
      tpu.enqueue_indirect_dma source(%dma_start3A_615 : memref<128x16xf32, #tpu.memory_space<vmem>>) target(%dma_start3A_621 : memref<10240x16xf32, #tpu.memory_space<vmem_shared>>) offsets(%dma_start3A_618 : memref<128xi32, #tpu.memory_space<vmem>>) semaphore(%dma_start3A_623 : memref<!tpu.dma_semaphore, #tpu.memory_space<semaphore_mem>>) {add = true}
      %add3A_624 = arith.constant 6 : i32
      %add3A_625 = arith.addi %add3A_595, %add3A_624 : i32
      %lt3A_626 = arith.constant 78 : i32
      %lt3A_627 = arith.cmpi slt, %add3A_625, %lt3A_626 : i32
      %convert_element_type3A_628 = arith.extui %lt3A_627 : i1 to i32
      %cond3A_629 = arith.constant 0 : i32
      %cond3A_630 = arith.cmpi ne, %convert_element_type3A_628, %cond3A_629 : i32
      scf.if %cond3A_630 {
        %ge3A = arith.constant 7 : i32
        %ge3A_826 = arith.cmpi sge, %add3A_595, %ge3A : i32
        %convert_element_type3A_827 = arith.extui %ge3A_826 : i1 to i32
        %cond3A_828 = arith.constant 0 : i32
        %cond3A_829 = arith.cmpi ne, %convert_element_type3A_827, %cond3A_828 : i32
        scf.if %cond3A_829 {
          %add3A_846 = arith.constant 6 : i32
          %add3A_847 = arith.addi %add3A_595, %add3A_846 : i32
          %sub3A = arith.constant 13 : i32
          %sub3A_848 = arith.subi %add3A_847, %sub3A : i32
          %dma_wait3A_849 = arith.constant 0 : i32
          %dma_wait3A_850 = arith.constant 0 : i32
          %dma_wait3A_851 = arith.constant 0 : i32
          %dma_wait3A_852 = arith.constant 0 : i32
          %dma_wait3A_853 = tpu.memref_slice %arg8[%dma_wait3A_849, %dma_wait3A_851, %dma_wait3A_852] : memref<13x128x16xf32, #tpu.memory_space<vmem>> -> memref<1x128x16xf32, #tpu.memory_space<vmem>>
          %dma_wait3A_854 = tpu.memref_squeeze %dma_wait3A_853 : memref<1x128x16xf32, #tpu.memory_space<vmem>> -> memref<128x16xf32, #tpu.memory_space<vmem>>
          %dma_wait3A_855 = arith.constant 0 : i32
          %dma_wait3A_856 = tpu.memref_slice %arg7[%sub3A_848, %dma_wait3A_855] : memref<79x128xi32, #tpu.memory_space<vmem>> -> memref<1x128xi32, #tpu.memory_space<vmem>>
          %dma_wait3A_857 = tpu.memref_squeeze %dma_wait3A_856 : memref<1x128xi32, #tpu.memory_space<vmem>> -> memref<128xi32, #tpu.memory_space<vmem>>
          %dma_wait3A_858 = arith.constant 0 : i32
          %dma_wait3A_859 = arith.constant 0 : i32
          %dma_wait3A_860 = tpu.memref_slice %arg10[%dma_wait3A_858, %dma_wait3A_859] : memref<10240x16xf32, #tpu.memory_space<vmem_shared>> -> memref<10240x16xf32, #tpu.memory_space<vmem_shared>>
          %dma_wait3A_861 = tpu.memref_slice %arg13[%dma_wait3A_850] : memref<13x!tpu.dma_semaphore, #tpu.memory_space<semaphore_mem>> -> memref<1x!tpu.dma_semaphore, #tpu.memory_space<semaphore_mem>>
          %dma_wait3A_862 = tpu.memref_squeeze %dma_wait3A_861 : memref<1x!tpu.dma_semaphore, #tpu.memory_space<semaphore_mem>> -> memref<!tpu.dma_semaphore, #tpu.memory_space<semaphore_mem>>
          tpu.wait_indirect_dma semaphore(%dma_wait3A_862 : memref<!tpu.dma_semaphore, #tpu.memory_space<semaphore_mem>>) src(%dma_wait3A_854 : memref<128x16xf32, #tpu.memory_space<vmem>>) dst(%dma_wait3A_860 : memref<10240x16xf32, #tpu.memory_space<vmem_shared>>)
        } else {
        }
        %add3A_830 = arith.constant 6 : i32
        %add3A_831 = arith.addi %add3A_595, %add3A_830 : i32
        %dma_start3A_832 = arith.constant 0 : i32
        %dma_start3A_833 = arith.constant 0 : i32
        %dma_start3A_834 = arith.constant 0 : i32
        %dma_start3A_835 = arith.constant 0 : i32
        %dma_start3A_836 = tpu.memref_slice %arg8[%dma_start3A_832, %dma_start3A_834, %dma_start3A_835] : memref<13x128x16xf32, #tpu.memory_space<vmem>> -> memref<1x128x16xf32, #tpu.memory_space<vmem>>
        %dma_start3A_837 = tpu.memref_squeeze %dma_start3A_836 : memref<1x128x16xf32, #tpu.memory_space<vmem>> -> memref<128x16xf32, #tpu.memory_space<vmem>>
        %dma_start3A_838 = arith.constant 0 : i32
        %dma_start3A_839 = tpu.memref_slice %arg6[%add3A_831, %dma_start3A_838] : memref<79x128xi32, #tpu.memory_space<vmem>> -> memref<1x128xi32, #tpu.memory_space<vmem>>
        %dma_start3A_840 = tpu.memref_squeeze %dma_start3A_839 : memref<1x128xi32, #tpu.memory_space<vmem>> -> memref<128xi32, #tpu.memory_space<vmem>>
        %dma_start3A_841 = arith.constant 0 : i32
        %dma_start3A_842 = arith.constant 0 : i32
        %dma_start3A_843 = tpu.memref_slice %arg11[%dma_start3A_841, %dma_start3A_842] : memref<10000x16xf32, #tpu.memory_space<vmem_shared>> -> memref<10000x16xf32, #tpu.memory_space<vmem_shared>>
        %dma_start3A_844 = tpu.memref_slice %arg12[%dma_start3A_833] : memref<13x!tpu.dma_semaphore, #tpu.memory_space<semaphore_mem>> -> memref<1x!tpu.dma_semaphore, #tpu.memory_space<semaphore_mem>>
        %dma_start3A_845 = tpu.memref_squeeze %dma_start3A_844 : memref<1x!tpu.dma_semaphore, #tpu.memory_space<semaphore_mem>> -> memref<!tpu.dma_semaphore, #tpu.memory_space<semaphore_mem>>
        tpu.enqueue_indirect_dma source(%dma_start3A_843 : memref<10000x16xf32, #tpu.memory_space<vmem_shared>>) target(%dma_start3A_837 : memref<128x16xf32, #tpu.memory_space<vmem>>) offsets(%dma_start3A_840 : memref<128xi32, #tpu.memory_space<vmem>>) semaphore(%dma_start3A_845 : memref<!tpu.dma_semaphore, #tpu.memory_space<semaphore_mem>>)
      } else {
      }
      %mul3A_631 = arith.constant 13 : i32
      %mul3A_632 = arith.muli %scan3A_318, %mul3A_631 : i32
      %add3A_633 = arith.constant 8 : i32
      %add3A_634 = arith.addi %mul3A_632, %add3A_633 : i32
      %dma_wait3A_635 = arith.constant 8 : i32
      %dma_wait3A_636 = arith.constant 8 : i32
      %dma_wait3A_637 = arith.constant 0 : i32
      %dma_wait3A_638 = arith.constant 0 : i32
      %dma_wait3A_639 = tpu.memref_slice %arg8[%dma_wait3A_635, %dma_wait3A_637, %dma_wait3A_638] : memref<13x128x16xf32, #tpu.memory_space<vmem>> -> memref<1x128x16xf32, #tpu.memory_space<vmem>>
      %dma_wait3A_640 = tpu.memref_squeeze %dma_wait3A_639 : memref<1x128x16xf32, #tpu.memory_space<vmem>> -> memref<128x16xf32, #tpu.memory_space<vmem>>
      %dma_wait3A_641 = arith.constant 0 : i32
      %dma_wait3A_642 = tpu.memref_slice %arg6[%add3A_634, %dma_wait3A_641] : memref<79x128xi32, #tpu.memory_space<vmem>> -> memref<1x128xi32, #tpu.memory_space<vmem>>
      %dma_wait3A_643 = tpu.memref_squeeze %dma_wait3A_642 : memref<1x128xi32, #tpu.memory_space<vmem>> -> memref<128xi32, #tpu.memory_space<vmem>>
      %dma_wait3A_644 = arith.constant 0 : i32
      %dma_wait3A_645 = arith.constant 0 : i32
      %dma_wait3A_646 = tpu.memref_slice %arg11[%dma_wait3A_644, %dma_wait3A_645] : memref<10000x16xf32, #tpu.memory_space<vmem_shared>> -> memref<10000x16xf32, #tpu.memory_space<vmem_shared>>
      %dma_wait3A_647 = tpu.memref_slice %arg12[%dma_wait3A_636] : memref<13x!tpu.dma_semaphore, #tpu.memory_space<semaphore_mem>> -> memref<1x!tpu.dma_semaphore, #tpu.memory_space<semaphore_mem>>
      %dma_wait3A_648 = tpu.memref_squeeze %dma_wait3A_647 : memref<1x!tpu.dma_semaphore, #tpu.memory_space<semaphore_mem>> -> memref<!tpu.dma_semaphore, #tpu.memory_space<semaphore_mem>>
      tpu.wait_indirect_dma semaphore(%dma_wait3A_648 : memref<!tpu.dma_semaphore, #tpu.memory_space<semaphore_mem>>) src(%dma_wait3A_646 : memref<10000x16xf32, #tpu.memory_space<vmem_shared>>) dst(%dma_wait3A_640 : memref<128x16xf32, #tpu.memory_space<vmem>>)
      %dma_start3A_649 = arith.constant 8 : i32
      %dma_start3A_650 = arith.constant 8 : i32
      %dma_start3A_651 = arith.constant 0 : i32
      %dma_start3A_652 = arith.constant 0 : i32
      %dma_start3A_653 = tpu.memref_slice %arg8[%dma_start3A_649, %dma_start3A_651, %dma_start3A_652] : memref<13x128x16xf32, #tpu.memory_space<vmem>> -> memref<1x128x16xf32, #tpu.memory_space<vmem>>
      %dma_start3A_654 = tpu.memref_squeeze %dma_start3A_653 : memref<1x128x16xf32, #tpu.memory_space<vmem>> -> memref<128x16xf32, #tpu.memory_space<vmem>>
      %dma_start3A_655 = arith.constant 0 : i32
      %dma_start3A_656 = tpu.memref_slice %arg7[%add3A_634, %dma_start3A_655] : memref<79x128xi32, #tpu.memory_space<vmem>> -> memref<1x128xi32, #tpu.memory_space<vmem>>
      %dma_start3A_657 = tpu.memref_squeeze %dma_start3A_656 : memref<1x128xi32, #tpu.memory_space<vmem>> -> memref<128xi32, #tpu.memory_space<vmem>>
      %dma_start3A_658 = arith.constant 0 : i32
      %dma_start3A_659 = arith.constant 0 : i32
      %dma_start3A_660 = tpu.memref_slice %arg10[%dma_start3A_658, %dma_start3A_659] : memref<10240x16xf32, #tpu.memory_space<vmem_shared>> -> memref<10240x16xf32, #tpu.memory_space<vmem_shared>>
      %dma_start3A_661 = tpu.memref_slice %arg13[%dma_start3A_650] : memref<13x!tpu.dma_semaphore, #tpu.memory_space<semaphore_mem>> -> memref<1x!tpu.dma_semaphore, #tpu.memory_space<semaphore_mem>>
      %dma_start3A_662 = tpu.memref_squeeze %dma_start3A_661 : memref<1x!tpu.dma_semaphore, #tpu.memory_space<semaphore_mem>> -> memref<!tpu.dma_semaphore, #tpu.memory_space<semaphore_mem>>
      tpu.enqueue_indirect_dma source(%dma_start3A_654 : memref<128x16xf32, #tpu.memory_space<vmem>>) target(%dma_start3A_660 : memref<10240x16xf32, #tpu.memory_space<vmem_shared>>) offsets(%dma_start3A_657 : memref<128xi32, #tpu.memory_space<vmem>>) semaphore(%dma_start3A_662 : memref<!tpu.dma_semaphore, #tpu.memory_space<semaphore_mem>>) {add = true}
      %add3A_663 = arith.constant 6 : i32
      %add3A_664 = arith.addi %add3A_634, %add3A_663 : i32
      %lt3A_665 = arith.constant 78 : i32
      %lt3A_666 = arith.cmpi slt, %add3A_664, %lt3A_665 : i32
      %convert_element_type3A_667 = arith.extui %lt3A_666 : i1 to i32
      %cond3A_668 = arith.constant 0 : i32
      %cond3A_669 = arith.cmpi ne, %convert_element_type3A_667, %cond3A_668 : i32
      scf.if %cond3A_669 {
        %ge3A = arith.constant 7 : i32
        %ge3A_826 = arith.cmpi sge, %add3A_634, %ge3A : i32
        %convert_element_type3A_827 = arith.extui %ge3A_826 : i1 to i32
        %cond3A_828 = arith.constant 0 : i32
        %cond3A_829 = arith.cmpi ne, %convert_element_type3A_827, %cond3A_828 : i32
        scf.if %cond3A_829 {
          %add3A_846 = arith.constant 6 : i32
          %add3A_847 = arith.addi %add3A_634, %add3A_846 : i32
          %sub3A = arith.constant 13 : i32
          %sub3A_848 = arith.subi %add3A_847, %sub3A : i32
          %dma_wait3A_849 = arith.constant 1 : i32
          %dma_wait3A_850 = arith.constant 1 : i32
          %dma_wait3A_851 = arith.constant 0 : i32
          %dma_wait3A_852 = arith.constant 0 : i32
          %dma_wait3A_853 = tpu.memref_slice %arg8[%dma_wait3A_849, %dma_wait3A_851, %dma_wait3A_852] : memref<13x128x16xf32, #tpu.memory_space<vmem>> -> memref<1x128x16xf32, #tpu.memory_space<vmem>>
          %dma_wait3A_854 = tpu.memref_squeeze %dma_wait3A_853 : memref<1x128x16xf32, #tpu.memory_space<vmem>> -> memref<128x16xf32, #tpu.memory_space<vmem>>
          %dma_wait3A_855 = arith.constant 0 : i32
          %dma_wait3A_856 = tpu.memref_slice %arg7[%sub3A_848, %dma_wait3A_855] : memref<79x128xi32, #tpu.memory_space<vmem>> -> memref<1x128xi32, #tpu.memory_space<vmem>>
          %dma_wait3A_857 = tpu.memref_squeeze %dma_wait3A_856 : memref<1x128xi32, #tpu.memory_space<vmem>> -> memref<128xi32, #tpu.memory_space<vmem>>
          %dma_wait3A_858 = arith.constant 0 : i32
          %dma_wait3A_859 = arith.constant 0 : i32
          %dma_wait3A_860 = tpu.memref_slice %arg10[%dma_wait3A_858, %dma_wait3A_859] : memref<10240x16xf32, #tpu.memory_space<vmem_shared>> -> memref<10240x16xf32, #tpu.memory_space<vmem_shared>>
          %dma_wait3A_861 = tpu.memref_slice %arg13[%dma_wait3A_850] : memref<13x!tpu.dma_semaphore, #tpu.memory_space<semaphore_mem>> -> memref<1x!tpu.dma_semaphore, #tpu.memory_space<semaphore_mem>>
          %dma_wait3A_862 = tpu.memref_squeeze %dma_wait3A_861 : memref<1x!tpu.dma_semaphore, #tpu.memory_space<semaphore_mem>> -> memref<!tpu.dma_semaphore, #tpu.memory_space<semaphore_mem>>
          tpu.wait_indirect_dma semaphore(%dma_wait3A_862 : memref<!tpu.dma_semaphore, #tpu.memory_space<semaphore_mem>>) src(%dma_wait3A_854 : memref<128x16xf32, #tpu.memory_space<vmem>>) dst(%dma_wait3A_860 : memref<10240x16xf32, #tpu.memory_space<vmem_shared>>)
        } else {
        }
        %add3A_830 = arith.constant 6 : i32
        %add3A_831 = arith.addi %add3A_634, %add3A_830 : i32
        %dma_start3A_832 = arith.constant 1 : i32
        %dma_start3A_833 = arith.constant 1 : i32
        %dma_start3A_834 = arith.constant 0 : i32
        %dma_start3A_835 = arith.constant 0 : i32
        %dma_start3A_836 = tpu.memref_slice %arg8[%dma_start3A_832, %dma_start3A_834, %dma_start3A_835] : memref<13x128x16xf32, #tpu.memory_space<vmem>> -> memref<1x128x16xf32, #tpu.memory_space<vmem>>
        %dma_start3A_837 = tpu.memref_squeeze %dma_start3A_836 : memref<1x128x16xf32, #tpu.memory_space<vmem>> -> memref<128x16xf32, #tpu.memory_space<vmem>>
        %dma_start3A_838 = arith.constant 0 : i32
        %dma_start3A_839 = tpu.memref_slice %arg6[%add3A_831, %dma_start3A_838] : memref<79x128xi32, #tpu.memory_space<vmem>> -> memref<1x128xi32, #tpu.memory_space<vmem>>
        %dma_start3A_840 = tpu.memref_squeeze %dma_start3A_839 : memref<1x128xi32, #tpu.memory_space<vmem>> -> memref<128xi32, #tpu.memory_space<vmem>>
        %dma_start3A_841 = arith.constant 0 : i32
        %dma_start3A_842 = arith.constant 0 : i32
        %dma_start3A_843 = tpu.memref_slice %arg11[%dma_start3A_841, %dma_start3A_842] : memref<10000x16xf32, #tpu.memory_space<vmem_shared>> -> memref<10000x16xf32, #tpu.memory_space<vmem_shared>>
        %dma_start3A_844 = tpu.memref_slice %arg12[%dma_start3A_833] : memref<13x!tpu.dma_semaphore, #tpu.memory_space<semaphore_mem>> -> memref<1x!tpu.dma_semaphore, #tpu.memory_space<semaphore_mem>>
        %dma_start3A_845 = tpu.memref_squeeze %dma_start3A_844 : memref<1x!tpu.dma_semaphore, #tpu.memory_space<semaphore_mem>> -> memref<!tpu.dma_semaphore, #tpu.memory_space<semaphore_mem>>
        tpu.enqueue_indirect_dma source(%dma_start3A_843 : memref<10000x16xf32, #tpu.memory_space<vmem_shared>>) target(%dma_start3A_837 : memref<128x16xf32, #tpu.memory_space<vmem>>) offsets(%dma_start3A_840 : memref<128xi32, #tpu.memory_space<vmem>>) semaphore(%dma_start3A_845 : memref<!tpu.dma_semaphore, #tpu.memory_space<semaphore_mem>>)
      } else {
      }
      %mul3A_670 = arith.constant 13 : i32
      %mul3A_671 = arith.muli %scan3A_318, %mul3A_670 : i32
      %add3A_672 = arith.constant 9 : i32
      %add3A_673 = arith.addi %mul3A_671, %add3A_672 : i32
      %dma_wait3A_674 = arith.constant 9 : i32
      %dma_wait3A_675 = arith.constant 9 : i32
      %dma_wait3A_676 = arith.constant 0 : i32
      %dma_wait3A_677 = arith.constant 0 : i32
      %dma_wait3A_678 = tpu.memref_slice %arg8[%dma_wait3A_674, %dma_wait3A_676, %dma_wait3A_677] : memref<13x128x16xf32, #tpu.memory_space<vmem>> -> memref<1x128x16xf32, #tpu.memory_space<vmem>>
      %dma_wait3A_679 = tpu.memref_squeeze %dma_wait3A_678 : memref<1x128x16xf32, #tpu.memory_space<vmem>> -> memref<128x16xf32, #tpu.memory_space<vmem>>
      %dma_wait3A_680 = arith.constant 0 : i32
      %dma_wait3A_681 = tpu.memref_slice %arg6[%add3A_673, %dma_wait3A_680] : memref<79x128xi32, #tpu.memory_space<vmem>> -> memref<1x128xi32, #tpu.memory_space<vmem>>
      %dma_wait3A_682 = tpu.memref_squeeze %dma_wait3A_681 : memref<1x128xi32, #tpu.memory_space<vmem>> -> memref<128xi32, #tpu.memory_space<vmem>>
      %dma_wait3A_683 = arith.constant 0 : i32
      %dma_wait3A_684 = arith.constant 0 : i32
      %dma_wait3A_685 = tpu.memref_slice %arg11[%dma_wait3A_683, %dma_wait3A_684] : memref<10000x16xf32, #tpu.memory_space<vmem_shared>> -> memref<10000x16xf32, #tpu.memory_space<vmem_shared>>
      %dma_wait3A_686 = tpu.memref_slice %arg12[%dma_wait3A_675] : memref<13x!tpu.dma_semaphore, #tpu.memory_space<semaphore_mem>> -> memref<1x!tpu.dma_semaphore, #tpu.memory_space<semaphore_mem>>
      %dma_wait3A_687 = tpu.memref_squeeze %dma_wait3A_686 : memref<1x!tpu.dma_semaphore, #tpu.memory_space<semaphore_mem>> -> memref<!tpu.dma_semaphore, #tpu.memory_space<semaphore_mem>>
      tpu.wait_indirect_dma semaphore(%dma_wait3A_687 : memref<!tpu.dma_semaphore, #tpu.memory_space<semaphore_mem>>) src(%dma_wait3A_685 : memref<10000x16xf32, #tpu.memory_space<vmem_shared>>) dst(%dma_wait3A_679 : memref<128x16xf32, #tpu.memory_space<vmem>>)
      %dma_start3A_688 = arith.constant 9 : i32
      %dma_start3A_689 = arith.constant 9 : i32
      %dma_start3A_690 = arith.constant 0 : i32
      %dma_start3A_691 = arith.constant 0 : i32
      %dma_start3A_692 = tpu.memref_slice %arg8[%dma_start3A_688, %dma_start3A_690, %dma_start3A_691] : memref<13x128x16xf32, #tpu.memory_space<vmem>> -> memref<1x128x16xf32, #tpu.memory_space<vmem>>
      %dma_start3A_693 = tpu.memref_squeeze %dma_start3A_692 : memref<1x128x16xf32, #tpu.memory_space<vmem>> -> memref<128x16xf32, #tpu.memory_space<vmem>>
      %dma_start3A_694 = arith.constant 0 : i32
      %dma_start3A_695 = tpu.memref_slice %arg7[%add3A_673, %dma_start3A_694] : memref<79x128xi32, #tpu.memory_space<vmem>> -> memref<1x128xi32, #tpu.memory_space<vmem>>
      %dma_start3A_696 = tpu.memref_squeeze %dma_start3A_695 : memref<1x128xi32, #tpu.memory_space<vmem>> -> memref<128xi32, #tpu.memory_space<vmem>>
      %dma_start3A_697 = arith.constant 0 : i32
      %dma_start3A_698 = arith.constant 0 : i32
      %dma_start3A_699 = tpu.memref_slice %arg10[%dma_start3A_697, %dma_start3A_698] : memref<10240x16xf32, #tpu.memory_space<vmem_shared>> -> memref<10240x16xf32, #tpu.memory_space<vmem_shared>>
      %dma_start3A_700 = tpu.memref_slice %arg13[%dma_start3A_689] : memref<13x!tpu.dma_semaphore, #tpu.memory_space<semaphore_mem>> -> memref<1x!tpu.dma_semaphore, #tpu.memory_space<semaphore_mem>>
      %dma_start3A_701 = tpu.memref_squeeze %dma_start3A_700 : memref<1x!tpu.dma_semaphore, #tpu.memory_space<semaphore_mem>> -> memref<!tpu.dma_semaphore, #tpu.memory_space<semaphore_mem>>
      tpu.enqueue_indirect_dma source(%dma_start3A_693 : memref<128x16xf32, #tpu.memory_space<vmem>>) target(%dma_start3A_699 : memref<10240x16xf32, #tpu.memory_space<vmem_shared>>) offsets(%dma_start3A_696 : memref<128xi32, #tpu.memory_space<vmem>>) semaphore(%dma_start3A_701 : memref<!tpu.dma_semaphore, #tpu.memory_space<semaphore_mem>>) {add = true}
      %add3A_702 = arith.constant 6 : i32
      %add3A_703 = arith.addi %add3A_673, %add3A_702 : i32
      %lt3A_704 = arith.constant 78 : i32
      %lt3A_705 = arith.cmpi slt, %add3A_703, %lt3A_704 : i32
      %convert_element_type3A_706 = arith.extui %lt3A_705 : i1 to i32
      %cond3A_707 = arith.constant 0 : i32
      %cond3A_708 = arith.cmpi ne, %convert_element_type3A_706, %cond3A_707 : i32
      scf.if %cond3A_708 {
        %ge3A = arith.constant 7 : i32
        %ge3A_826 = arith.cmpi sge, %add3A_673, %ge3A : i32
        %convert_element_type3A_827 = arith.extui %ge3A_826 : i1 to i32
        %cond3A_828 = arith.constant 0 : i32
        %cond3A_829 = arith.cmpi ne, %convert_element_type3A_827, %cond3A_828 : i32
        scf.if %cond3A_829 {
          %add3A_846 = arith.constant 6 : i32
          %add3A_847 = arith.addi %add3A_673, %add3A_846 : i32
          %sub3A = arith.constant 13 : i32
          %sub3A_848 = arith.subi %add3A_847, %sub3A : i32
          %dma_wait3A_849 = arith.constant 2 : i32
          %dma_wait3A_850 = arith.constant 2 : i32
          %dma_wait3A_851 = arith.constant 0 : i32
          %dma_wait3A_852 = arith.constant 0 : i32
          %dma_wait3A_853 = tpu.memref_slice %arg8[%dma_wait3A_849, %dma_wait3A_851, %dma_wait3A_852] : memref<13x128x16xf32, #tpu.memory_space<vmem>> -> memref<1x128x16xf32, #tpu.memory_space<vmem>>
          %dma_wait3A_854 = tpu.memref_squeeze %dma_wait3A_853 : memref<1x128x16xf32, #tpu.memory_space<vmem>> -> memref<128x16xf32, #tpu.memory_space<vmem>>
          %dma_wait3A_855 = arith.constant 0 : i32
          %dma_wait3A_856 = tpu.memref_slice %arg7[%sub3A_848, %dma_wait3A_855] : memref<79x128xi32, #tpu.memory_space<vmem>> -> memref<1x128xi32, #tpu.memory_space<vmem>>
          %dma_wait3A_857 = tpu.memref_squeeze %dma_wait3A_856 : memref<1x128xi32, #tpu.memory_space<vmem>> -> memref<128xi32, #tpu.memory_space<vmem>>
          %dma_wait3A_858 = arith.constant 0 : i32
          %dma_wait3A_859 = arith.constant 0 : i32
          %dma_wait3A_860 = tpu.memref_slice %arg10[%dma_wait3A_858, %dma_wait3A_859] : memref<10240x16xf32, #tpu.memory_space<vmem_shared>> -> memref<10240x16xf32, #tpu.memory_space<vmem_shared>>
          %dma_wait3A_861 = tpu.memref_slice %arg13[%dma_wait3A_850] : memref<13x!tpu.dma_semaphore, #tpu.memory_space<semaphore_mem>> -> memref<1x!tpu.dma_semaphore, #tpu.memory_space<semaphore_mem>>
          %dma_wait3A_862 = tpu.memref_squeeze %dma_wait3A_861 : memref<1x!tpu.dma_semaphore, #tpu.memory_space<semaphore_mem>> -> memref<!tpu.dma_semaphore, #tpu.memory_space<semaphore_mem>>
          tpu.wait_indirect_dma semaphore(%dma_wait3A_862 : memref<!tpu.dma_semaphore, #tpu.memory_space<semaphore_mem>>) src(%dma_wait3A_854 : memref<128x16xf32, #tpu.memory_space<vmem>>) dst(%dma_wait3A_860 : memref<10240x16xf32, #tpu.memory_space<vmem_shared>>)
        } else {
        }
        %add3A_830 = arith.constant 6 : i32
        %add3A_831 = arith.addi %add3A_673, %add3A_830 : i32
        %dma_start3A_832 = arith.constant 2 : i32
        %dma_start3A_833 = arith.constant 2 : i32
        %dma_start3A_834 = arith.constant 0 : i32
        %dma_start3A_835 = arith.constant 0 : i32
        %dma_start3A_836 = tpu.memref_slice %arg8[%dma_start3A_832, %dma_start3A_834, %dma_start3A_835] : memref<13x128x16xf32, #tpu.memory_space<vmem>> -> memref<1x128x16xf32, #tpu.memory_space<vmem>>
        %dma_start3A_837 = tpu.memref_squeeze %dma_start3A_836 : memref<1x128x16xf32, #tpu.memory_space<vmem>> -> memref<128x16xf32, #tpu.memory_space<vmem>>
        %dma_start3A_838 = arith.constant 0 : i32
        %dma_start3A_839 = tpu.memref_slice %arg6[%add3A_831, %dma_start3A_838] : memref<79x128xi32, #tpu.memory_space<vmem>> -> memref<1x128xi32, #tpu.memory_space<vmem>>
        %dma_start3A_840 = tpu.memref_squeeze %dma_start3A_839 : memref<1x128xi32, #tpu.memory_space<vmem>> -> memref<128xi32, #tpu.memory_space<vmem>>
        %dma_start3A_841 = arith.constant 0 : i32
        %dma_start3A_842 = arith.constant 0 : i32
        %dma_start3A_843 = tpu.memref_slice %arg11[%dma_start3A_841, %dma_start3A_842] : memref<10000x16xf32, #tpu.memory_space<vmem_shared>> -> memref<10000x16xf32, #tpu.memory_space<vmem_shared>>
        %dma_start3A_844 = tpu.memref_slice %arg12[%dma_start3A_833] : memref<13x!tpu.dma_semaphore, #tpu.memory_space<semaphore_mem>> -> memref<1x!tpu.dma_semaphore, #tpu.memory_space<semaphore_mem>>
        %dma_start3A_845 = tpu.memref_squeeze %dma_start3A_844 : memref<1x!tpu.dma_semaphore, #tpu.memory_space<semaphore_mem>> -> memref<!tpu.dma_semaphore, #tpu.memory_space<semaphore_mem>>
        tpu.enqueue_indirect_dma source(%dma_start3A_843 : memref<10000x16xf32, #tpu.memory_space<vmem_shared>>) target(%dma_start3A_837 : memref<128x16xf32, #tpu.memory_space<vmem>>) offsets(%dma_start3A_840 : memref<128xi32, #tpu.memory_space<vmem>>) semaphore(%dma_start3A_845 : memref<!tpu.dma_semaphore, #tpu.memory_space<semaphore_mem>>)
      } else {
      }
      %mul3A_709 = arith.constant 13 : i32
      %mul3A_710 = arith.muli %scan3A_318, %mul3A_709 : i32
      %add3A_711 = arith.constant 10 : i32
      %add3A_712 = arith.addi %mul3A_710, %add3A_711 : i32
      %dma_wait3A_713 = arith.constant 10 : i32
      %dma_wait3A_714 = arith.constant 10 : i32
      %dma_wait3A_715 = arith.constant 0 : i32
      %dma_wait3A_716 = arith.constant 0 : i32
      %dma_wait3A_717 = tpu.memref_slice %arg8[%dma_wait3A_713, %dma_wait3A_715, %dma_wait3A_716] : memref<13x128x16xf32, #tpu.memory_space<vmem>> -> memref<1x128x16xf32, #tpu.memory_space<vmem>>
      %dma_wait3A_718 = tpu.memref_squeeze %dma_wait3A_717 : memref<1x128x16xf32, #tpu.memory_space<vmem>> -> memref<128x16xf32, #tpu.memory_space<vmem>>
      %dma_wait3A_719 = arith.constant 0 : i32
      %dma_wait3A_720 = tpu.memref_slice %arg6[%add3A_712, %dma_wait3A_719] : memref<79x128xi32, #tpu.memory_space<vmem>> -> memref<1x128xi32, #tpu.memory_space<vmem>>
      %dma_wait3A_721 = tpu.memref_squeeze %dma_wait3A_720 : memref<1x128xi32, #tpu.memory_space<vmem>> -> memref<128xi32, #tpu.memory_space<vmem>>
      %dma_wait3A_722 = arith.constant 0 : i32
      %dma_wait3A_723 = arith.constant 0 : i32
      %dma_wait3A_724 = tpu.memref_slice %arg11[%dma_wait3A_722, %dma_wait3A_723] : memref<10000x16xf32, #tpu.memory_space<vmem_shared>> -> memref<10000x16xf32, #tpu.memory_space<vmem_shared>>
      %dma_wait3A_725 = tpu.memref_slice %arg12[%dma_wait3A_714] : memref<13x!tpu.dma_semaphore, #tpu.memory_space<semaphore_mem>> -> memref<1x!tpu.dma_semaphore, #tpu.memory_space<semaphore_mem>>
      %dma_wait3A_726 = tpu.memref_squeeze %dma_wait3A_725 : memref<1x!tpu.dma_semaphore, #tpu.memory_space<semaphore_mem>> -> memref<!tpu.dma_semaphore, #tpu.memory_space<semaphore_mem>>
      tpu.wait_indirect_dma semaphore(%dma_wait3A_726 : memref<!tpu.dma_semaphore, #tpu.memory_space<semaphore_mem>>) src(%dma_wait3A_724 : memref<10000x16xf32, #tpu.memory_space<vmem_shared>>) dst(%dma_wait3A_718 : memref<128x16xf32, #tpu.memory_space<vmem>>)
      %dma_start3A_727 = arith.constant 10 : i32
      %dma_start3A_728 = arith.constant 10 : i32
      %dma_start3A_729 = arith.constant 0 : i32
      %dma_start3A_730 = arith.constant 0 : i32
      %dma_start3A_731 = tpu.memref_slice %arg8[%dma_start3A_727, %dma_start3A_729, %dma_start3A_730] : memref<13x128x16xf32, #tpu.memory_space<vmem>> -> memref<1x128x16xf32, #tpu.memory_space<vmem>>
      %dma_start3A_732 = tpu.memref_squeeze %dma_start3A_731 : memref<1x128x16xf32, #tpu.memory_space<vmem>> -> memref<128x16xf32, #tpu.memory_space<vmem>>
      %dma_start3A_733 = arith.constant 0 : i32
      %dma_start3A_734 = tpu.memref_slice %arg7[%add3A_712, %dma_start3A_733] : memref<79x128xi32, #tpu.memory_space<vmem>> -> memref<1x128xi32, #tpu.memory_space<vmem>>
      %dma_start3A_735 = tpu.memref_squeeze %dma_start3A_734 : memref<1x128xi32, #tpu.memory_space<vmem>> -> memref<128xi32, #tpu.memory_space<vmem>>
      %dma_start3A_736 = arith.constant 0 : i32
      %dma_start3A_737 = arith.constant 0 : i32
      %dma_start3A_738 = tpu.memref_slice %arg10[%dma_start3A_736, %dma_start3A_737] : memref<10240x16xf32, #tpu.memory_space<vmem_shared>> -> memref<10240x16xf32, #tpu.memory_space<vmem_shared>>
      %dma_start3A_739 = tpu.memref_slice %arg13[%dma_start3A_728] : memref<13x!tpu.dma_semaphore, #tpu.memory_space<semaphore_mem>> -> memref<1x!tpu.dma_semaphore, #tpu.memory_space<semaphore_mem>>
      %dma_start3A_740 = tpu.memref_squeeze %dma_start3A_739 : memref<1x!tpu.dma_semaphore, #tpu.memory_space<semaphore_mem>> -> memref<!tpu.dma_semaphore, #tpu.memory_space<semaphore_mem>>
      tpu.enqueue_indirect_dma source(%dma_start3A_732 : memref<128x16xf32, #tpu.memory_space<vmem>>) target(%dma_start3A_738 : memref<10240x16xf32, #tpu.memory_space<vmem_shared>>) offsets(%dma_start3A_735 : memref<128xi32, #tpu.memory_space<vmem>>) semaphore(%dma_start3A_740 : memref<!tpu.dma_semaphore, #tpu.memory_space<semaphore_mem>>) {add = true}
      %add3A_741 = arith.constant 6 : i32
      %add3A_742 = arith.addi %add3A_712, %add3A_741 : i32
      %lt3A_743 = arith.constant 78 : i32
      %lt3A_744 = arith.cmpi slt, %add3A_742, %lt3A_743 : i32
      %convert_element_type3A_745 = arith.extui %lt3A_744 : i1 to i32
      %cond3A_746 = arith.constant 0 : i32
      %cond3A_747 = arith.cmpi ne, %convert_element_type3A_745, %cond3A_746 : i32
      scf.if %cond3A_747 {
        %ge3A = arith.constant 7 : i32
        %ge3A_826 = arith.cmpi sge, %add3A_712, %ge3A : i32
        %convert_element_type3A_827 = arith.extui %ge3A_826 : i1 to i32
        %cond3A_828 = arith.constant 0 : i32
        %cond3A_829 = arith.cmpi ne, %convert_element_type3A_827, %cond3A_828 : i32
        scf.if %cond3A_829 {
          %add3A_846 = arith.constant 6 : i32
          %add3A_847 = arith.addi %add3A_712, %add3A_846 : i32
          %sub3A = arith.constant 13 : i32
          %sub3A_848 = arith.subi %add3A_847, %sub3A : i32
          %dma_wait3A_849 = arith.constant 3 : i32
          %dma_wait3A_850 = arith.constant 3 : i32
          %dma_wait3A_851 = arith.constant 0 : i32
          %dma_wait3A_852 = arith.constant 0 : i32
          %dma_wait3A_853 = tpu.memref_slice %arg8[%dma_wait3A_849, %dma_wait3A_851, %dma_wait3A_852] : memref<13x128x16xf32, #tpu.memory_space<vmem>> -> memref<1x128x16xf32, #tpu.memory_space<vmem>>
          %dma_wait3A_854 = tpu.memref_squeeze %dma_wait3A_853 : memref<1x128x16xf32, #tpu.memory_space<vmem>> -> memref<128x16xf32, #tpu.memory_space<vmem>>
          %dma_wait3A_855 = arith.constant 0 : i32
          %dma_wait3A_856 = tpu.memref_slice %arg7[%sub3A_848, %dma_wait3A_855] : memref<79x128xi32, #tpu.memory_space<vmem>> -> memref<1x128xi32, #tpu.memory_space<vmem>>
          %dma_wait3A_857 = tpu.memref_squeeze %dma_wait3A_856 : memref<1x128xi32, #tpu.memory_space<vmem>> -> memref<128xi32, #tpu.memory_space<vmem>>
          %dma_wait3A_858 = arith.constant 0 : i32
          %dma_wait3A_859 = arith.constant 0 : i32
          %dma_wait3A_860 = tpu.memref_slice %arg10[%dma_wait3A_858, %dma_wait3A_859] : memref<10240x16xf32, #tpu.memory_space<vmem_shared>> -> memref<10240x16xf32, #tpu.memory_space<vmem_shared>>
          %dma_wait3A_861 = tpu.memref_slice %arg13[%dma_wait3A_850] : memref<13x!tpu.dma_semaphore, #tpu.memory_space<semaphore_mem>> -> memref<1x!tpu.dma_semaphore, #tpu.memory_space<semaphore_mem>>
          %dma_wait3A_862 = tpu.memref_squeeze %dma_wait3A_861 : memref<1x!tpu.dma_semaphore, #tpu.memory_space<semaphore_mem>> -> memref<!tpu.dma_semaphore, #tpu.memory_space<semaphore_mem>>
          tpu.wait_indirect_dma semaphore(%dma_wait3A_862 : memref<!tpu.dma_semaphore, #tpu.memory_space<semaphore_mem>>) src(%dma_wait3A_854 : memref<128x16xf32, #tpu.memory_space<vmem>>) dst(%dma_wait3A_860 : memref<10240x16xf32, #tpu.memory_space<vmem_shared>>)
        } else {
        }
        %add3A_830 = arith.constant 6 : i32
        %add3A_831 = arith.addi %add3A_712, %add3A_830 : i32
        %dma_start3A_832 = arith.constant 3 : i32
        %dma_start3A_833 = arith.constant 3 : i32
        %dma_start3A_834 = arith.constant 0 : i32
        %dma_start3A_835 = arith.constant 0 : i32
        %dma_start3A_836 = tpu.memref_slice %arg8[%dma_start3A_832, %dma_start3A_834, %dma_start3A_835] : memref<13x128x16xf32, #tpu.memory_space<vmem>> -> memref<1x128x16xf32, #tpu.memory_space<vmem>>
        %dma_start3A_837 = tpu.memref_squeeze %dma_start3A_836 : memref<1x128x16xf32, #tpu.memory_space<vmem>> -> memref<128x16xf32, #tpu.memory_space<vmem>>
        %dma_start3A_838 = arith.constant 0 : i32
        %dma_start3A_839 = tpu.memref_slice %arg6[%add3A_831, %dma_start3A_838] : memref<79x128xi32, #tpu.memory_space<vmem>> -> memref<1x128xi32, #tpu.memory_space<vmem>>
        %dma_start3A_840 = tpu.memref_squeeze %dma_start3A_839 : memref<1x128xi32, #tpu.memory_space<vmem>> -> memref<128xi32, #tpu.memory_space<vmem>>
        %dma_start3A_841 = arith.constant 0 : i32
        %dma_start3A_842 = arith.constant 0 : i32
        %dma_start3A_843 = tpu.memref_slice %arg11[%dma_start3A_841, %dma_start3A_842] : memref<10000x16xf32, #tpu.memory_space<vmem_shared>> -> memref<10000x16xf32, #tpu.memory_space<vmem_shared>>
        %dma_start3A_844 = tpu.memref_slice %arg12[%dma_start3A_833] : memref<13x!tpu.dma_semaphore, #tpu.memory_space<semaphore_mem>> -> memref<1x!tpu.dma_semaphore, #tpu.memory_space<semaphore_mem>>
        %dma_start3A_845 = tpu.memref_squeeze %dma_start3A_844 : memref<1x!tpu.dma_semaphore, #tpu.memory_space<semaphore_mem>> -> memref<!tpu.dma_semaphore, #tpu.memory_space<semaphore_mem>>
        tpu.enqueue_indirect_dma source(%dma_start3A_843 : memref<10000x16xf32, #tpu.memory_space<vmem_shared>>) target(%dma_start3A_837 : memref<128x16xf32, #tpu.memory_space<vmem>>) offsets(%dma_start3A_840 : memref<128xi32, #tpu.memory_space<vmem>>) semaphore(%dma_start3A_845 : memref<!tpu.dma_semaphore, #tpu.memory_space<semaphore_mem>>)
      } else {
      }
      %mul3A_748 = arith.constant 13 : i32
      %mul3A_749 = arith.muli %scan3A_318, %mul3A_748 : i32
      %add3A_750 = arith.constant 11 : i32
      %add3A_751 = arith.addi %mul3A_749, %add3A_750 : i32
      %dma_wait3A_752 = arith.constant 11 : i32
      %dma_wait3A_753 = arith.constant 11 : i32
      %dma_wait3A_754 = arith.constant 0 : i32
      %dma_wait3A_755 = arith.constant 0 : i32
      %dma_wait3A_756 = tpu.memref_slice %arg8[%dma_wait3A_752, %dma_wait3A_754, %dma_wait3A_755] : memref<13x128x16xf32, #tpu.memory_space<vmem>> -> memref<1x128x16xf32, #tpu.memory_space<vmem>>
      %dma_wait3A_757 = tpu.memref_squeeze %dma_wait3A_756 : memref<1x128x16xf32, #tpu.memory_space<vmem>> -> memref<128x16xf32, #tpu.memory_space<vmem>>
      %dma_wait3A_758 = arith.constant 0 : i32
      %dma_wait3A_759 = tpu.memref_slice %arg6[%add3A_751, %dma_wait3A_758] : memref<79x128xi32, #tpu.memory_space<vmem>> -> memref<1x128xi32, #tpu.memory_space<vmem>>
      %dma_wait3A_760 = tpu.memref_squeeze %dma_wait3A_759 : memref<1x128xi32, #tpu.memory_space<vmem>> -> memref<128xi32, #tpu.memory_space<vmem>>
      %dma_wait3A_761 = arith.constant 0 : i32
      %dma_wait3A_762 = arith.constant 0 : i32
      %dma_wait3A_763 = tpu.memref_slice %arg11[%dma_wait3A_761, %dma_wait3A_762] : memref<10000x16xf32, #tpu.memory_space<vmem_shared>> -> memref<10000x16xf32, #tpu.memory_space<vmem_shared>>
      %dma_wait3A_764 = tpu.memref_slice %arg12[%dma_wait3A_753] : memref<13x!tpu.dma_semaphore, #tpu.memory_space<semaphore_mem>> -> memref<1x!tpu.dma_semaphore, #tpu.memory_space<semaphore_mem>>
      %dma_wait3A_765 = tpu.memref_squeeze %dma_wait3A_764 : memref<1x!tpu.dma_semaphore, #tpu.memory_space<semaphore_mem>> -> memref<!tpu.dma_semaphore, #tpu.memory_space<semaphore_mem>>
      tpu.wait_indirect_dma semaphore(%dma_wait3A_765 : memref<!tpu.dma_semaphore, #tpu.memory_space<semaphore_mem>>) src(%dma_wait3A_763 : memref<10000x16xf32, #tpu.memory_space<vmem_shared>>) dst(%dma_wait3A_757 : memref<128x16xf32, #tpu.memory_space<vmem>>)
      %dma_start3A_766 = arith.constant 11 : i32
      %dma_start3A_767 = arith.constant 11 : i32
      %dma_start3A_768 = arith.constant 0 : i32
      %dma_start3A_769 = arith.constant 0 : i32
      %dma_start3A_770 = tpu.memref_slice %arg8[%dma_start3A_766, %dma_start3A_768, %dma_start3A_769] : memref<13x128x16xf32, #tpu.memory_space<vmem>> -> memref<1x128x16xf32, #tpu.memory_space<vmem>>
      %dma_start3A_771 = tpu.memref_squeeze %dma_start3A_770 : memref<1x128x16xf32, #tpu.memory_space<vmem>> -> memref<128x16xf32, #tpu.memory_space<vmem>>
      %dma_start3A_772 = arith.constant 0 : i32
      %dma_start3A_773 = tpu.memref_slice %arg7[%add3A_751, %dma_start3A_772] : memref<79x128xi32, #tpu.memory_space<vmem>> -> memref<1x128xi32, #tpu.memory_space<vmem>>
      %dma_start3A_774 = tpu.memref_squeeze %dma_start3A_773 : memref<1x128xi32, #tpu.memory_space<vmem>> -> memref<128xi32, #tpu.memory_space<vmem>>
      %dma_start3A_775 = arith.constant 0 : i32
      %dma_start3A_776 = arith.constant 0 : i32
      %dma_start3A_777 = tpu.memref_slice %arg10[%dma_start3A_775, %dma_start3A_776] : memref<10240x16xf32, #tpu.memory_space<vmem_shared>> -> memref<10240x16xf32, #tpu.memory_space<vmem_shared>>
      %dma_start3A_778 = tpu.memref_slice %arg13[%dma_start3A_767] : memref<13x!tpu.dma_semaphore, #tpu.memory_space<semaphore_mem>> -> memref<1x!tpu.dma_semaphore, #tpu.memory_space<semaphore_mem>>
      %dma_start3A_779 = tpu.memref_squeeze %dma_start3A_778 : memref<1x!tpu.dma_semaphore, #tpu.memory_space<semaphore_mem>> -> memref<!tpu.dma_semaphore, #tpu.memory_space<semaphore_mem>>
      tpu.enqueue_indirect_dma source(%dma_start3A_771 : memref<128x16xf32, #tpu.memory_space<vmem>>) target(%dma_start3A_777 : memref<10240x16xf32, #tpu.memory_space<vmem_shared>>) offsets(%dma_start3A_774 : memref<128xi32, #tpu.memory_space<vmem>>) semaphore(%dma_start3A_779 : memref<!tpu.dma_semaphore, #tpu.memory_space<semaphore_mem>>) {add = true}
      %add3A_780 = arith.constant 6 : i32
      %add3A_781 = arith.addi %add3A_751, %add3A_780 : i32
      %lt3A_782 = arith.constant 78 : i32
      %lt3A_783 = arith.cmpi slt, %add3A_781, %lt3A_782 : i32
      %convert_element_type3A_784 = arith.extui %lt3A_783 : i1 to i32
      %cond3A_785 = arith.constant 0 : i32
      %cond3A_786 = arith.cmpi ne, %convert_element_type3A_784, %cond3A_785 : i32
      scf.if %cond3A_786 {
        %ge3A = arith.constant 7 : i32
        %ge3A_826 = arith.cmpi sge, %add3A_751, %ge3A : i32
        %convert_element_type3A_827 = arith.extui %ge3A_826 : i1 to i32
        %cond3A_828 = arith.constant 0 : i32
        %cond3A_829 = arith.cmpi ne, %convert_element_type3A_827, %cond3A_828 : i32
        scf.if %cond3A_829 {
          %add3A_846 = arith.constant 6 : i32
          %add3A_847 = arith.addi %add3A_751, %add3A_846 : i32
          %sub3A = arith.constant 13 : i32
          %sub3A_848 = arith.subi %add3A_847, %sub3A : i32
          %dma_wait3A_849 = arith.constant 4 : i32
          %dma_wait3A_850 = arith.constant 4 : i32
          %dma_wait3A_851 = arith.constant 0 : i32
          %dma_wait3A_852 = arith.constant 0 : i32
          %dma_wait3A_853 = tpu.memref_slice %arg8[%dma_wait3A_849, %dma_wait3A_851, %dma_wait3A_852] : memref<13x128x16xf32, #tpu.memory_space<vmem>> -> memref<1x128x16xf32, #tpu.memory_space<vmem>>
          %dma_wait3A_854 = tpu.memref_squeeze %dma_wait3A_853 : memref<1x128x16xf32, #tpu.memory_space<vmem>> -> memref<128x16xf32, #tpu.memory_space<vmem>>
          %dma_wait3A_855 = arith.constant 0 : i32
          %dma_wait3A_856 = tpu.memref_slice %arg7[%sub3A_848, %dma_wait3A_855] : memref<79x128xi32, #tpu.memory_space<vmem>> -> memref<1x128xi32, #tpu.memory_space<vmem>>
          %dma_wait3A_857 = tpu.memref_squeeze %dma_wait3A_856 : memref<1x128xi32, #tpu.memory_space<vmem>> -> memref<128xi32, #tpu.memory_space<vmem>>
          %dma_wait3A_858 = arith.constant 0 : i32
          %dma_wait3A_859 = arith.constant 0 : i32
          %dma_wait3A_860 = tpu.memref_slice %arg10[%dma_wait3A_858, %dma_wait3A_859] : memref<10240x16xf32, #tpu.memory_space<vmem_shared>> -> memref<10240x16xf32, #tpu.memory_space<vmem_shared>>
          %dma_wait3A_861 = tpu.memref_slice %arg13[%dma_wait3A_850] : memref<13x!tpu.dma_semaphore, #tpu.memory_space<semaphore_mem>> -> memref<1x!tpu.dma_semaphore, #tpu.memory_space<semaphore_mem>>
          %dma_wait3A_862 = tpu.memref_squeeze %dma_wait3A_861 : memref<1x!tpu.dma_semaphore, #tpu.memory_space<semaphore_mem>> -> memref<!tpu.dma_semaphore, #tpu.memory_space<semaphore_mem>>
          tpu.wait_indirect_dma semaphore(%dma_wait3A_862 : memref<!tpu.dma_semaphore, #tpu.memory_space<semaphore_mem>>) src(%dma_wait3A_854 : memref<128x16xf32, #tpu.memory_space<vmem>>) dst(%dma_wait3A_860 : memref<10240x16xf32, #tpu.memory_space<vmem_shared>>)
        } else {
        }
        %add3A_830 = arith.constant 6 : i32
        %add3A_831 = arith.addi %add3A_751, %add3A_830 : i32
        %dma_start3A_832 = arith.constant 4 : i32
        %dma_start3A_833 = arith.constant 4 : i32
        %dma_start3A_834 = arith.constant 0 : i32
        %dma_start3A_835 = arith.constant 0 : i32
        %dma_start3A_836 = tpu.memref_slice %arg8[%dma_start3A_832, %dma_start3A_834, %dma_start3A_835] : memref<13x128x16xf32, #tpu.memory_space<vmem>> -> memref<1x128x16xf32, #tpu.memory_space<vmem>>
        %dma_start3A_837 = tpu.memref_squeeze %dma_start3A_836 : memref<1x128x16xf32, #tpu.memory_space<vmem>> -> memref<128x16xf32, #tpu.memory_space<vmem>>
        %dma_start3A_838 = arith.constant 0 : i32
        %dma_start3A_839 = tpu.memref_slice %arg6[%add3A_831, %dma_start3A_838] : memref<79x128xi32, #tpu.memory_space<vmem>> -> memref<1x128xi32, #tpu.memory_space<vmem>>
        %dma_start3A_840 = tpu.memref_squeeze %dma_start3A_839 : memref<1x128xi32, #tpu.memory_space<vmem>> -> memref<128xi32, #tpu.memory_space<vmem>>
        %dma_start3A_841 = arith.constant 0 : i32
        %dma_start3A_842 = arith.constant 0 : i32
        %dma_start3A_843 = tpu.memref_slice %arg11[%dma_start3A_841, %dma_start3A_842] : memref<10000x16xf32, #tpu.memory_space<vmem_shared>> -> memref<10000x16xf32, #tpu.memory_space<vmem_shared>>
        %dma_start3A_844 = tpu.memref_slice %arg12[%dma_start3A_833] : memref<13x!tpu.dma_semaphore, #tpu.memory_space<semaphore_mem>> -> memref<1x!tpu.dma_semaphore, #tpu.memory_space<semaphore_mem>>
        %dma_start3A_845 = tpu.memref_squeeze %dma_start3A_844 : memref<1x!tpu.dma_semaphore, #tpu.memory_space<semaphore_mem>> -> memref<!tpu.dma_semaphore, #tpu.memory_space<semaphore_mem>>
        tpu.enqueue_indirect_dma source(%dma_start3A_843 : memref<10000x16xf32, #tpu.memory_space<vmem_shared>>) target(%dma_start3A_837 : memref<128x16xf32, #tpu.memory_space<vmem>>) offsets(%dma_start3A_840 : memref<128xi32, #tpu.memory_space<vmem>>) semaphore(%dma_start3A_845 : memref<!tpu.dma_semaphore, #tpu.memory_space<semaphore_mem>>)
      } else {
      }
      %mul3A_787 = arith.constant 13 : i32
      %mul3A_788 = arith.muli %scan3A_318, %mul3A_787 : i32
      %add3A_789 = arith.constant 12 : i32
      %add3A_790 = arith.addi %mul3A_788, %add3A_789 : i32
      %dma_wait3A_791 = arith.constant 12 : i32
      %dma_wait3A_792 = arith.constant 12 : i32
      %dma_wait3A_793 = arith.constant 0 : i32
      %dma_wait3A_794 = arith.constant 0 : i32
      %dma_wait3A_795 = tpu.memref_slice %arg8[%dma_wait3A_791, %dma_wait3A_793, %dma_wait3A_794] : memref<13x128x16xf32, #tpu.memory_space<vmem>> -> memref<1x128x16xf32, #tpu.memory_space<vmem>>
      %dma_wait3A_796 = tpu.memref_squeeze %dma_wait3A_795 : memref<1x128x16xf32, #tpu.memory_space<vmem>> -> memref<128x16xf32, #tpu.memory_space<vmem>>
      %dma_wait3A_797 = arith.constant 0 : i32
      %dma_wait3A_798 = tpu.memref_slice %arg6[%add3A_790, %dma_wait3A_797] : memref<79x128xi32, #tpu.memory_space<vmem>> -> memref<1x128xi32, #tpu.memory_space<vmem>>
      %dma_wait3A_799 = tpu.memref_squeeze %dma_wait3A_798 : memref<1x128xi32, #tpu.memory_space<vmem>> -> memref<128xi32, #tpu.memory_space<vmem>>
      %dma_wait3A_800 = arith.constant 0 : i32
      %dma_wait3A_801 = arith.constant 0 : i32
      %dma_wait3A_802 = tpu.memref_slice %arg11[%dma_wait3A_800, %dma_wait3A_801] : memref<10000x16xf32, #tpu.memory_space<vmem_shared>> -> memref<10000x16xf32, #tpu.memory_space<vmem_shared>>
      %dma_wait3A_803 = tpu.memref_slice %arg12[%dma_wait3A_792] : memref<13x!tpu.dma_semaphore, #tpu.memory_space<semaphore_mem>> -> memref<1x!tpu.dma_semaphore, #tpu.memory_space<semaphore_mem>>
      %dma_wait3A_804 = tpu.memref_squeeze %dma_wait3A_803 : memref<1x!tpu.dma_semaphore, #tpu.memory_space<semaphore_mem>> -> memref<!tpu.dma_semaphore, #tpu.memory_space<semaphore_mem>>
      tpu.wait_indirect_dma semaphore(%dma_wait3A_804 : memref<!tpu.dma_semaphore, #tpu.memory_space<semaphore_mem>>) src(%dma_wait3A_802 : memref<10000x16xf32, #tpu.memory_space<vmem_shared>>) dst(%dma_wait3A_796 : memref<128x16xf32, #tpu.memory_space<vmem>>)
      %dma_start3A_805 = arith.constant 12 : i32
      %dma_start3A_806 = arith.constant 12 : i32
      %dma_start3A_807 = arith.constant 0 : i32
      %dma_start3A_808 = arith.constant 0 : i32
      %dma_start3A_809 = tpu.memref_slice %arg8[%dma_start3A_805, %dma_start3A_807, %dma_start3A_808] : memref<13x128x16xf32, #tpu.memory_space<vmem>> -> memref<1x128x16xf32, #tpu.memory_space<vmem>>
      %dma_start3A_810 = tpu.memref_squeeze %dma_start3A_809 : memref<1x128x16xf32, #tpu.memory_space<vmem>> -> memref<128x16xf32, #tpu.memory_space<vmem>>
      %dma_start3A_811 = arith.constant 0 : i32
      %dma_start3A_812 = tpu.memref_slice %arg7[%add3A_790, %dma_start3A_811] : memref<79x128xi32, #tpu.memory_space<vmem>> -> memref<1x128xi32, #tpu.memory_space<vmem>>
      %dma_start3A_813 = tpu.memref_squeeze %dma_start3A_812 : memref<1x128xi32, #tpu.memory_space<vmem>> -> memref<128xi32, #tpu.memory_space<vmem>>
      %dma_start3A_814 = arith.constant 0 : i32
      %dma_start3A_815 = arith.constant 0 : i32
      %dma_start3A_816 = tpu.memref_slice %arg10[%dma_start3A_814, %dma_start3A_815] : memref<10240x16xf32, #tpu.memory_space<vmem_shared>> -> memref<10240x16xf32, #tpu.memory_space<vmem_shared>>
      %dma_start3A_817 = tpu.memref_slice %arg13[%dma_start3A_806] : memref<13x!tpu.dma_semaphore, #tpu.memory_space<semaphore_mem>> -> memref<1x!tpu.dma_semaphore, #tpu.memory_space<semaphore_mem>>
      %dma_start3A_818 = tpu.memref_squeeze %dma_start3A_817 : memref<1x!tpu.dma_semaphore, #tpu.memory_space<semaphore_mem>> -> memref<!tpu.dma_semaphore, #tpu.memory_space<semaphore_mem>>
      tpu.enqueue_indirect_dma source(%dma_start3A_810 : memref<128x16xf32, #tpu.memory_space<vmem>>) target(%dma_start3A_816 : memref<10240x16xf32, #tpu.memory_space<vmem_shared>>) offsets(%dma_start3A_813 : memref<128xi32, #tpu.memory_space<vmem>>) semaphore(%dma_start3A_818 : memref<!tpu.dma_semaphore, #tpu.memory_space<semaphore_mem>>) {add = true}
      %add3A_819 = arith.constant 6 : i32
      %add3A_820 = arith.addi %add3A_790, %add3A_819 : i32
      %lt3A_821 = arith.constant 78 : i32
      %lt3A_822 = arith.cmpi slt, %add3A_820, %lt3A_821 : i32
      %convert_element_type3A_823 = arith.extui %lt3A_822 : i1 to i32
      %cond3A_824 = arith.constant 0 : i32
      %cond3A_825 = arith.cmpi ne, %convert_element_type3A_823, %cond3A_824 : i32
      scf.if %cond3A_825 {
        %ge3A = arith.constant 7 : i32
        %ge3A_826 = arith.cmpi sge, %add3A_790, %ge3A : i32
        %convert_element_type3A_827 = arith.extui %ge3A_826 : i1 to i32
        %cond3A_828 = arith.constant 0 : i32
        %cond3A_829 = arith.cmpi ne, %convert_element_type3A_827, %cond3A_828 : i32
        scf.if %cond3A_829 {
          %add3A_846 = arith.constant 6 : i32
          %add3A_847 = arith.addi %add3A_790, %add3A_846 : i32
          %sub3A = arith.constant 13 : i32
          %sub3A_848 = arith.subi %add3A_847, %sub3A : i32
          %dma_wait3A_849 = arith.constant 5 : i32
          %dma_wait3A_850 = arith.constant 5 : i32
          %dma_wait3A_851 = arith.constant 0 : i32
          %dma_wait3A_852 = arith.constant 0 : i32
          %dma_wait3A_853 = tpu.memref_slice %arg8[%dma_wait3A_849, %dma_wait3A_851, %dma_wait3A_852] : memref<13x128x16xf32, #tpu.memory_space<vmem>> -> memref<1x128x16xf32, #tpu.memory_space<vmem>>
          %dma_wait3A_854 = tpu.memref_squeeze %dma_wait3A_853 : memref<1x128x16xf32, #tpu.memory_space<vmem>> -> memref<128x16xf32, #tpu.memory_space<vmem>>
          %dma_wait3A_855 = arith.constant 0 : i32
          %dma_wait3A_856 = tpu.memref_slice %arg7[%sub3A_848, %dma_wait3A_855] : memref<79x128xi32, #tpu.memory_space<vmem>> -> memref<1x128xi32, #tpu.memory_space<vmem>>
          %dma_wait3A_857 = tpu.memref_squeeze %dma_wait3A_856 : memref<1x128xi32, #tpu.memory_space<vmem>> -> memref<128xi32, #tpu.memory_space<vmem>>
          %dma_wait3A_858 = arith.constant 0 : i32
          %dma_wait3A_859 = arith.constant 0 : i32
          %dma_wait3A_860 = tpu.memref_slice %arg10[%dma_wait3A_858, %dma_wait3A_859] : memref<10240x16xf32, #tpu.memory_space<vmem_shared>> -> memref<10240x16xf32, #tpu.memory_space<vmem_shared>>
          %dma_wait3A_861 = tpu.memref_slice %arg13[%dma_wait3A_850] : memref<13x!tpu.dma_semaphore, #tpu.memory_space<semaphore_mem>> -> memref<1x!tpu.dma_semaphore, #tpu.memory_space<semaphore_mem>>
          %dma_wait3A_862 = tpu.memref_squeeze %dma_wait3A_861 : memref<1x!tpu.dma_semaphore, #tpu.memory_space<semaphore_mem>> -> memref<!tpu.dma_semaphore, #tpu.memory_space<semaphore_mem>>
          tpu.wait_indirect_dma semaphore(%dma_wait3A_862 : memref<!tpu.dma_semaphore, #tpu.memory_space<semaphore_mem>>) src(%dma_wait3A_854 : memref<128x16xf32, #tpu.memory_space<vmem>>) dst(%dma_wait3A_860 : memref<10240x16xf32, #tpu.memory_space<vmem_shared>>)
        } else {
        }
        %add3A_830 = arith.constant 6 : i32
        %add3A_831 = arith.addi %add3A_790, %add3A_830 : i32
        %dma_start3A_832 = arith.constant 5 : i32
        %dma_start3A_833 = arith.constant 5 : i32
        %dma_start3A_834 = arith.constant 0 : i32
        %dma_start3A_835 = arith.constant 0 : i32
        %dma_start3A_836 = tpu.memref_slice %arg8[%dma_start3A_832, %dma_start3A_834, %dma_start3A_835] : memref<13x128x16xf32, #tpu.memory_space<vmem>> -> memref<1x128x16xf32, #tpu.memory_space<vmem>>
        %dma_start3A_837 = tpu.memref_squeeze %dma_start3A_836 : memref<1x128x16xf32, #tpu.memory_space<vmem>> -> memref<128x16xf32, #tpu.memory_space<vmem>>
        %dma_start3A_838 = arith.constant 0 : i32
        %dma_start3A_839 = tpu.memref_slice %arg6[%add3A_831, %dma_start3A_838] : memref<79x128xi32, #tpu.memory_space<vmem>> -> memref<1x128xi32, #tpu.memory_space<vmem>>
        %dma_start3A_840 = tpu.memref_squeeze %dma_start3A_839 : memref<1x128xi32, #tpu.memory_space<vmem>> -> memref<128xi32, #tpu.memory_space<vmem>>
        %dma_start3A_841 = arith.constant 0 : i32
        %dma_start3A_842 = arith.constant 0 : i32
        %dma_start3A_843 = tpu.memref_slice %arg11[%dma_start3A_841, %dma_start3A_842] : memref<10000x16xf32, #tpu.memory_space<vmem_shared>> -> memref<10000x16xf32, #tpu.memory_space<vmem_shared>>
        %dma_start3A_844 = tpu.memref_slice %arg12[%dma_start3A_833] : memref<13x!tpu.dma_semaphore, #tpu.memory_space<semaphore_mem>> -> memref<1x!tpu.dma_semaphore, #tpu.memory_space<semaphore_mem>>
        %dma_start3A_845 = tpu.memref_squeeze %dma_start3A_844 : memref<1x!tpu.dma_semaphore, #tpu.memory_space<semaphore_mem>> -> memref<!tpu.dma_semaphore, #tpu.memory_space<semaphore_mem>>
        tpu.enqueue_indirect_dma source(%dma_start3A_843 : memref<10000x16xf32, #tpu.memory_space<vmem_shared>>) target(%dma_start3A_837 : memref<128x16xf32, #tpu.memory_space<vmem>>) offsets(%dma_start3A_840 : memref<128xi32, #tpu.memory_space<vmem>>) semaphore(%dma_start3A_845 : memref<!tpu.dma_semaphore, #tpu.memory_space<semaphore_mem>>)
      } else {
      }
    }
    %scan3A_113 = arith.constant 6 : i32
    %dma_wait3A = arith.constant 0 : i32
    %dma_wait3A_114 = arith.constant 65 : i32
    %dma_wait3A_115 = arith.constant 0 : i32
    %dma_wait3A_116 = arith.constant 0 : i32
    %dma_wait3A_117 = arith.constant 0 : i32
    %dma_wait3A_118 = tpu.memref_slice %arg8[%dma_wait3A, %dma_wait3A_116, %dma_wait3A_117] : memref<13x128x16xf32, #tpu.memory_space<vmem>> -> memref<1x128x16xf32, #tpu.memory_space<vmem>>
    %dma_wait3A_119 = tpu.memref_squeeze %dma_wait3A_118 : memref<1x128x16xf32, #tpu.memory_space<vmem>> -> memref<128x16xf32, #tpu.memory_space<vmem>>
    %dma_wait3A_120 = arith.constant 0 : i32
    %dma_wait3A_121 = tpu.memref_slice %arg7[%dma_wait3A_114, %dma_wait3A_120] : memref<79x128xi32, #tpu.memory_space<vmem>> -> memref<1x128xi32, #tpu.memory_space<vmem>>
    %dma_wait3A_122 = tpu.memref_squeeze %dma_wait3A_121 : memref<1x128xi32, #tpu.memory_space<vmem>> -> memref<128xi32, #tpu.memory_space<vmem>>
    %dma_wait3A_123 = arith.constant 0 : i32
    %dma_wait3A_124 = arith.constant 0 : i32
    %dma_wait3A_125 = tpu.memref_slice %arg10[%dma_wait3A_123, %dma_wait3A_124] : memref<10240x16xf32, #tpu.memory_space<vmem_shared>> -> memref<10240x16xf32, #tpu.memory_space<vmem_shared>>
    %dma_wait3A_126 = tpu.memref_slice %arg13[%dma_wait3A_115] : memref<13x!tpu.dma_semaphore, #tpu.memory_space<semaphore_mem>> -> memref<1x!tpu.dma_semaphore, #tpu.memory_space<semaphore_mem>>
    %dma_wait3A_127 = tpu.memref_squeeze %dma_wait3A_126 : memref<1x!tpu.dma_semaphore, #tpu.memory_space<semaphore_mem>> -> memref<!tpu.dma_semaphore, #tpu.memory_space<semaphore_mem>>
    tpu.wait_indirect_dma semaphore(%dma_wait3A_127 : memref<!tpu.dma_semaphore, #tpu.memory_space<semaphore_mem>>) src(%dma_wait3A_119 : memref<128x16xf32, #tpu.memory_space<vmem>>) dst(%dma_wait3A_125 : memref<10240x16xf32, #tpu.memory_space<vmem_shared>>)
    %dma_wait3A_128 = arith.constant 1 : i32
    %dma_wait3A_129 = arith.constant 66 : i32
    %dma_wait3A_130 = arith.constant 1 : i32
    %dma_wait3A_131 = arith.constant 0 : i32
    %dma_wait3A_132 = arith.constant 0 : i32
    %dma_wait3A_133 = tpu.memref_slice %arg8[%dma_wait3A_128, %dma_wait3A_131, %dma_wait3A_132] : memref<13x128x16xf32, #tpu.memory_space<vmem>> -> memref<1x128x16xf32, #tpu.memory_space<vmem>>
    %dma_wait3A_134 = tpu.memref_squeeze %dma_wait3A_133 : memref<1x128x16xf32, #tpu.memory_space<vmem>> -> memref<128x16xf32, #tpu.memory_space<vmem>>
    %dma_wait3A_135 = arith.constant 0 : i32
    %dma_wait3A_136 = tpu.memref_slice %arg7[%dma_wait3A_129, %dma_wait3A_135] : memref<79x128xi32, #tpu.memory_space<vmem>> -> memref<1x128xi32, #tpu.memory_space<vmem>>
    %dma_wait3A_137 = tpu.memref_squeeze %dma_wait3A_136 : memref<1x128xi32, #tpu.memory_space<vmem>> -> memref<128xi32, #tpu.memory_space<vmem>>
    %dma_wait3A_138 = arith.constant 0 : i32
    %dma_wait3A_139 = arith.constant 0 : i32
    %dma_wait3A_140 = tpu.memref_slice %arg10[%dma_wait3A_138, %dma_wait3A_139] : memref<10240x16xf32, #tpu.memory_space<vmem_shared>> -> memref<10240x16xf32, #tpu.memory_space<vmem_shared>>
    %dma_wait3A_141 = tpu.memref_slice %arg13[%dma_wait3A_130] : memref<13x!tpu.dma_semaphore, #tpu.memory_space<semaphore_mem>> -> memref<1x!tpu.dma_semaphore, #tpu.memory_space<semaphore_mem>>
    %dma_wait3A_142 = tpu.memref_squeeze %dma_wait3A_141 : memref<1x!tpu.dma_semaphore, #tpu.memory_space<semaphore_mem>> -> memref<!tpu.dma_semaphore, #tpu.memory_space<semaphore_mem>>
    tpu.wait_indirect_dma semaphore(%dma_wait3A_142 : memref<!tpu.dma_semaphore, #tpu.memory_space<semaphore_mem>>) src(%dma_wait3A_134 : memref<128x16xf32, #tpu.memory_space<vmem>>) dst(%dma_wait3A_140 : memref<10240x16xf32, #tpu.memory_space<vmem_shared>>)
    %dma_wait3A_143 = arith.constant 2 : i32
    %dma_wait3A_144 = arith.constant 67 : i32
    %dma_wait3A_145 = arith.constant 2 : i32
    %dma_wait3A_146 = arith.constant 0 : i32
    %dma_wait3A_147 = arith.constant 0 : i32
    %dma_wait3A_148 = tpu.memref_slice %arg8[%dma_wait3A_143, %dma_wait3A_146, %dma_wait3A_147] : memref<13x128x16xf32, #tpu.memory_space<vmem>> -> memref<1x128x16xf32, #tpu.memory_space<vmem>>
    %dma_wait3A_149 = tpu.memref_squeeze %dma_wait3A_148 : memref<1x128x16xf32, #tpu.memory_space<vmem>> -> memref<128x16xf32, #tpu.memory_space<vmem>>
    %dma_wait3A_150 = arith.constant 0 : i32
    %dma_wait3A_151 = tpu.memref_slice %arg7[%dma_wait3A_144, %dma_wait3A_150] : memref<79x128xi32, #tpu.memory_space<vmem>> -> memref<1x128xi32, #tpu.memory_space<vmem>>
    %dma_wait3A_152 = tpu.memref_squeeze %dma_wait3A_151 : memref<1x128xi32, #tpu.memory_space<vmem>> -> memref<128xi32, #tpu.memory_space<vmem>>
    %dma_wait3A_153 = arith.constant 0 : i32
    %dma_wait3A_154 = arith.constant 0 : i32
    %dma_wait3A_155 = tpu.memref_slice %arg10[%dma_wait3A_153, %dma_wait3A_154] : memref<10240x16xf32, #tpu.memory_space<vmem_shared>> -> memref<10240x16xf32, #tpu.memory_space<vmem_shared>>
    %dma_wait3A_156 = tpu.memref_slice %arg13[%dma_wait3A_145] : memref<13x!tpu.dma_semaphore, #tpu.memory_space<semaphore_mem>> -> memref<1x!tpu.dma_semaphore, #tpu.memory_space<semaphore_mem>>
    %dma_wait3A_157 = tpu.memref_squeeze %dma_wait3A_156 : memref<1x!tpu.dma_semaphore, #tpu.memory_space<semaphore_mem>> -> memref<!tpu.dma_semaphore, #tpu.memory_space<semaphore_mem>>
    tpu.wait_indirect_dma semaphore(%dma_wait3A_157 : memref<!tpu.dma_semaphore, #tpu.memory_space<semaphore_mem>>) src(%dma_wait3A_149 : memref<128x16xf32, #tpu.memory_space<vmem>>) dst(%dma_wait3A_155 : memref<10240x16xf32, #tpu.memory_space<vmem_shared>>)
    %dma_wait3A_158 = arith.constant 3 : i32
    %dma_wait3A_159 = arith.constant 68 : i32
    %dma_wait3A_160 = arith.constant 3 : i32
    %dma_wait3A_161 = arith.constant 0 : i32
    %dma_wait3A_162 = arith.constant 0 : i32
    %dma_wait3A_163 = tpu.memref_slice %arg8[%dma_wait3A_158, %dma_wait3A_161, %dma_wait3A_162] : memref<13x128x16xf32, #tpu.memory_space<vmem>> -> memref<1x128x16xf32, #tpu.memory_space<vmem>>
    %dma_wait3A_164 = tpu.memref_squeeze %dma_wait3A_163 : memref<1x128x16xf32, #tpu.memory_space<vmem>> -> memref<128x16xf32, #tpu.memory_space<vmem>>
    %dma_wait3A_165 = arith.constant 0 : i32
    %dma_wait3A_166 = tpu.memref_slice %arg7[%dma_wait3A_159, %dma_wait3A_165] : memref<79x128xi32, #tpu.memory_space<vmem>> -> memref<1x128xi32, #tpu.memory_space<vmem>>
    %dma_wait3A_167 = tpu.memref_squeeze %dma_wait3A_166 : memref<1x128xi32, #tpu.memory_space<vmem>> -> memref<128xi32, #tpu.memory_space<vmem>>
    %dma_wait3A_168 = arith.constant 0 : i32
    %dma_wait3A_169 = arith.constant 0 : i32
    %dma_wait3A_170 = tpu.memref_slice %arg10[%dma_wait3A_168, %dma_wait3A_169] : memref<10240x16xf32, #tpu.memory_space<vmem_shared>> -> memref<10240x16xf32, #tpu.memory_space<vmem_shared>>
    %dma_wait3A_171 = tpu.memref_slice %arg13[%dma_wait3A_160] : memref<13x!tpu.dma_semaphore, #tpu.memory_space<semaphore_mem>> -> memref<1x!tpu.dma_semaphore, #tpu.memory_space<semaphore_mem>>
    %dma_wait3A_172 = tpu.memref_squeeze %dma_wait3A_171 : memref<1x!tpu.dma_semaphore, #tpu.memory_space<semaphore_mem>> -> memref<!tpu.dma_semaphore, #tpu.memory_space<semaphore_mem>>
    tpu.wait_indirect_dma semaphore(%dma_wait3A_172 : memref<!tpu.dma_semaphore, #tpu.memory_space<semaphore_mem>>) src(%dma_wait3A_164 : memref<128x16xf32, #tpu.memory_space<vmem>>) dst(%dma_wait3A_170 : memref<10240x16xf32, #tpu.memory_space<vmem_shared>>)
    %dma_wait3A_173 = arith.constant 4 : i32
    %dma_wait3A_174 = arith.constant 69 : i32
    %dma_wait3A_175 = arith.constant 4 : i32
    %dma_wait3A_176 = arith.constant 0 : i32
    %dma_wait3A_177 = arith.constant 0 : i32
    %dma_wait3A_178 = tpu.memref_slice %arg8[%dma_wait3A_173, %dma_wait3A_176, %dma_wait3A_177] : memref<13x128x16xf32, #tpu.memory_space<vmem>> -> memref<1x128x16xf32, #tpu.memory_space<vmem>>
    %dma_wait3A_179 = tpu.memref_squeeze %dma_wait3A_178 : memref<1x128x16xf32, #tpu.memory_space<vmem>> -> memref<128x16xf32, #tpu.memory_space<vmem>>
    %dma_wait3A_180 = arith.constant 0 : i32
    %dma_wait3A_181 = tpu.memref_slice %arg7[%dma_wait3A_174, %dma_wait3A_180] : memref<79x128xi32, #tpu.memory_space<vmem>> -> memref<1x128xi32, #tpu.memory_space<vmem>>
    %dma_wait3A_182 = tpu.memref_squeeze %dma_wait3A_181 : memref<1x128xi32, #tpu.memory_space<vmem>> -> memref<128xi32, #tpu.memory_space<vmem>>
    %dma_wait3A_183 = arith.constant 0 : i32
    %dma_wait3A_184 = arith.constant 0 : i32
    %dma_wait3A_185 = tpu.memref_slice %arg10[%dma_wait3A_183, %dma_wait3A_184] : memref<10240x16xf32, #tpu.memory_space<vmem_shared>> -> memref<10240x16xf32, #tpu.memory_space<vmem_shared>>
    %dma_wait3A_186 = tpu.memref_slice %arg13[%dma_wait3A_175] : memref<13x!tpu.dma_semaphore, #tpu.memory_space<semaphore_mem>> -> memref<1x!tpu.dma_semaphore, #tpu.memory_space<semaphore_mem>>
    %dma_wait3A_187 = tpu.memref_squeeze %dma_wait3A_186 : memref<1x!tpu.dma_semaphore, #tpu.memory_space<semaphore_mem>> -> memref<!tpu.dma_semaphore, #tpu.memory_space<semaphore_mem>>
    tpu.wait_indirect_dma semaphore(%dma_wait3A_187 : memref<!tpu.dma_semaphore, #tpu.memory_space<semaphore_mem>>) src(%dma_wait3A_179 : memref<128x16xf32, #tpu.memory_space<vmem>>) dst(%dma_wait3A_185 : memref<10240x16xf32, #tpu.memory_space<vmem_shared>>)
    %dma_wait3A_188 = arith.constant 5 : i32
    %dma_wait3A_189 = arith.constant 70 : i32
    %dma_wait3A_190 = arith.constant 5 : i32
    %dma_wait3A_191 = arith.constant 0 : i32
    %dma_wait3A_192 = arith.constant 0 : i32
    %dma_wait3A_193 = tpu.memref_slice %arg8[%dma_wait3A_188, %dma_wait3A_191, %dma_wait3A_192] : memref<13x128x16xf32, #tpu.memory_space<vmem>> -> memref<1x128x16xf32, #tpu.memory_space<vmem>>
    %dma_wait3A_194 = tpu.memref_squeeze %dma_wait3A_193 : memref<1x128x16xf32, #tpu.memory_space<vmem>> -> memref<128x16xf32, #tpu.memory_space<vmem>>
    %dma_wait3A_195 = arith.constant 0 : i32
    %dma_wait3A_196 = tpu.memref_slice %arg7[%dma_wait3A_189, %dma_wait3A_195] : memref<79x128xi32, #tpu.memory_space<vmem>> -> memref<1x128xi32, #tpu.memory_space<vmem>>
    %dma_wait3A_197 = tpu.memref_squeeze %dma_wait3A_196 : memref<1x128xi32, #tpu.memory_space<vmem>> -> memref<128xi32, #tpu.memory_space<vmem>>
    %dma_wait3A_198 = arith.constant 0 : i32
    %dma_wait3A_199 = arith.constant 0 : i32
    %dma_wait3A_200 = tpu.memref_slice %arg10[%dma_wait3A_198, %dma_wait3A_199] : memref<10240x16xf32, #tpu.memory_space<vmem_shared>> -> memref<10240x16xf32, #tpu.memory_space<vmem_shared>>
    %dma_wait3A_201 = tpu.memref_slice %arg13[%dma_wait3A_190] : memref<13x!tpu.dma_semaphore, #tpu.memory_space<semaphore_mem>> -> memref<1x!tpu.dma_semaphore, #tpu.memory_space<semaphore_mem>>
    %dma_wait3A_202 = tpu.memref_squeeze %dma_wait3A_201 : memref<1x!tpu.dma_semaphore, #tpu.memory_space<semaphore_mem>> -> memref<!tpu.dma_semaphore, #tpu.memory_space<semaphore_mem>>
    tpu.wait_indirect_dma semaphore(%dma_wait3A_202 : memref<!tpu.dma_semaphore, #tpu.memory_space<semaphore_mem>>) src(%dma_wait3A_194 : memref<128x16xf32, #tpu.memory_space<vmem>>) dst(%dma_wait3A_200 : memref<10240x16xf32, #tpu.memory_space<vmem_shared>>)
    %dma_wait3A_203 = arith.constant 6 : i32
    %dma_wait3A_204 = arith.constant 71 : i32
    %dma_wait3A_205 = arith.constant 6 : i32
    %dma_wait3A_206 = arith.constant 0 : i32
    %dma_wait3A_207 = arith.constant 0 : i32
    %dma_wait3A_208 = tpu.memref_slice %arg8[%dma_wait3A_203, %dma_wait3A_206, %dma_wait3A_207] : memref<13x128x16xf32, #tpu.memory_space<vmem>> -> memref<1x128x16xf32, #tpu.memory_space<vmem>>
    %dma_wait3A_209 = tpu.memref_squeeze %dma_wait3A_208 : memref<1x128x16xf32, #tpu.memory_space<vmem>> -> memref<128x16xf32, #tpu.memory_space<vmem>>
    %dma_wait3A_210 = arith.constant 0 : i32
    %dma_wait3A_211 = tpu.memref_slice %arg7[%dma_wait3A_204, %dma_wait3A_210] : memref<79x128xi32, #tpu.memory_space<vmem>> -> memref<1x128xi32, #tpu.memory_space<vmem>>
    %dma_wait3A_212 = tpu.memref_squeeze %dma_wait3A_211 : memref<1x128xi32, #tpu.memory_space<vmem>> -> memref<128xi32, #tpu.memory_space<vmem>>
    %dma_wait3A_213 = arith.constant 0 : i32
    %dma_wait3A_214 = arith.constant 0 : i32
    %dma_wait3A_215 = tpu.memref_slice %arg10[%dma_wait3A_213, %dma_wait3A_214] : memref<10240x16xf32, #tpu.memory_space<vmem_shared>> -> memref<10240x16xf32, #tpu.memory_space<vmem_shared>>
    %dma_wait3A_216 = tpu.memref_slice %arg13[%dma_wait3A_205] : memref<13x!tpu.dma_semaphore, #tpu.memory_space<semaphore_mem>> -> memref<1x!tpu.dma_semaphore, #tpu.memory_space<semaphore_mem>>
    %dma_wait3A_217 = tpu.memref_squeeze %dma_wait3A_216 : memref<1x!tpu.dma_semaphore, #tpu.memory_space<semaphore_mem>> -> memref<!tpu.dma_semaphore, #tpu.memory_space<semaphore_mem>>
    tpu.wait_indirect_dma semaphore(%dma_wait3A_217 : memref<!tpu.dma_semaphore, #tpu.memory_space<semaphore_mem>>) src(%dma_wait3A_209 : memref<128x16xf32, #tpu.memory_space<vmem>>) dst(%dma_wait3A_215 : memref<10240x16xf32, #tpu.memory_space<vmem_shared>>)
    %dma_wait3A_218 = arith.constant 7 : i32
    %dma_wait3A_219 = arith.constant 72 : i32
    %dma_wait3A_220 = arith.constant 7 : i32
    %dma_wait3A_221 = arith.constant 0 : i32
    %dma_wait3A_222 = arith.constant 0 : i32
    %dma_wait3A_223 = tpu.memref_slice %arg8[%dma_wait3A_218, %dma_wait3A_221, %dma_wait3A_222] : memref<13x128x16xf32, #tpu.memory_space<vmem>> -> memref<1x128x16xf32, #tpu.memory_space<vmem>>
    %dma_wait3A_224 = tpu.memref_squeeze %dma_wait3A_223 : memref<1x128x16xf32, #tpu.memory_space<vmem>> -> memref<128x16xf32, #tpu.memory_space<vmem>>
    %dma_wait3A_225 = arith.constant 0 : i32
    %dma_wait3A_226 = tpu.memref_slice %arg7[%dma_wait3A_219, %dma_wait3A_225] : memref<79x128xi32, #tpu.memory_space<vmem>> -> memref<1x128xi32, #tpu.memory_space<vmem>>
    %dma_wait3A_227 = tpu.memref_squeeze %dma_wait3A_226 : memref<1x128xi32, #tpu.memory_space<vmem>> -> memref<128xi32, #tpu.memory_space<vmem>>
    %dma_wait3A_228 = arith.constant 0 : i32
    %dma_wait3A_229 = arith.constant 0 : i32
    %dma_wait3A_230 = tpu.memref_slice %arg10[%dma_wait3A_228, %dma_wait3A_229] : memref<10240x16xf32, #tpu.memory_space<vmem_shared>> -> memref<10240x16xf32, #tpu.memory_space<vmem_shared>>
    %dma_wait3A_231 = tpu.memref_slice %arg13[%dma_wait3A_220] : memref<13x!tpu.dma_semaphore, #tpu.memory_space<semaphore_mem>> -> memref<1x!tpu.dma_semaphore, #tpu.memory_space<semaphore_mem>>
    %dma_wait3A_232 = tpu.memref_squeeze %dma_wait3A_231 : memref<1x!tpu.dma_semaphore, #tpu.memory_space<semaphore_mem>> -> memref<!tpu.dma_semaphore, #tpu.memory_space<semaphore_mem>>
    tpu.wait_indirect_dma semaphore(%dma_wait3A_232 : memref<!tpu.dma_semaphore, #tpu.memory_space<semaphore_mem>>) src(%dma_wait3A_224 : memref<128x16xf32, #tpu.memory_space<vmem>>) dst(%dma_wait3A_230 : memref<10240x16xf32, #tpu.memory_space<vmem_shared>>)
    %dma_wait3A_233 = arith.constant 8 : i32
    %dma_wait3A_234 = arith.constant 73 : i32
    %dma_wait3A_235 = arith.constant 8 : i32
    %dma_wait3A_236 = arith.constant 0 : i32
    %dma_wait3A_237 = arith.constant 0 : i32
    %dma_wait3A_238 = tpu.memref_slice %arg8[%dma_wait3A_233, %dma_wait3A_236, %dma_wait3A_237] : memref<13x128x16xf32, #tpu.memory_space<vmem>> -> memref<1x128x16xf32, #tpu.memory_space<vmem>>
    %dma_wait3A_239 = tpu.memref_squeeze %dma_wait3A_238 : memref<1x128x16xf32, #tpu.memory_space<vmem>> -> memref<128x16xf32, #tpu.memory_space<vmem>>
    %dma_wait3A_240 = arith.constant 0 : i32
    %dma_wait3A_241 = tpu.memref_slice %arg7[%dma_wait3A_234, %dma_wait3A_240] : memref<79x128xi32, #tpu.memory_space<vmem>> -> memref<1x128xi32, #tpu.memory_space<vmem>>
    %dma_wait3A_242 = tpu.memref_squeeze %dma_wait3A_241 : memref<1x128xi32, #tpu.memory_space<vmem>> -> memref<128xi32, #tpu.memory_space<vmem>>
    %dma_wait3A_243 = arith.constant 0 : i32
    %dma_wait3A_244 = arith.constant 0 : i32
    %dma_wait3A_245 = tpu.memref_slice %arg10[%dma_wait3A_243, %dma_wait3A_244] : memref<10240x16xf32, #tpu.memory_space<vmem_shared>> -> memref<10240x16xf32, #tpu.memory_space<vmem_shared>>
    %dma_wait3A_246 = tpu.memref_slice %arg13[%dma_wait3A_235] : memref<13x!tpu.dma_semaphore, #tpu.memory_space<semaphore_mem>> -> memref<1x!tpu.dma_semaphore, #tpu.memory_space<semaphore_mem>>
    %dma_wait3A_247 = tpu.memref_squeeze %dma_wait3A_246 : memref<1x!tpu.dma_semaphore, #tpu.memory_space<semaphore_mem>> -> memref<!tpu.dma_semaphore, #tpu.memory_space<semaphore_mem>>
    tpu.wait_indirect_dma semaphore(%dma_wait3A_247 : memref<!tpu.dma_semaphore, #tpu.memory_space<semaphore_mem>>) src(%dma_wait3A_239 : memref<128x16xf32, #tpu.memory_space<vmem>>) dst(%dma_wait3A_245 : memref<10240x16xf32, #tpu.memory_space<vmem_shared>>)
    %dma_wait3A_248 = arith.constant 9 : i32
    %dma_wait3A_249 = arith.constant 74 : i32
    %dma_wait3A_250 = arith.constant 9 : i32
    %dma_wait3A_251 = arith.constant 0 : i32
    %dma_wait3A_252 = arith.constant 0 : i32
    %dma_wait3A_253 = tpu.memref_slice %arg8[%dma_wait3A_248, %dma_wait3A_251, %dma_wait3A_252] : memref<13x128x16xf32, #tpu.memory_space<vmem>> -> memref<1x128x16xf32, #tpu.memory_space<vmem>>
    %dma_wait3A_254 = tpu.memref_squeeze %dma_wait3A_253 : memref<1x128x16xf32, #tpu.memory_space<vmem>> -> memref<128x16xf32, #tpu.memory_space<vmem>>
    %dma_wait3A_255 = arith.constant 0 : i32
    %dma_wait3A_256 = tpu.memref_slice %arg7[%dma_wait3A_249, %dma_wait3A_255] : memref<79x128xi32, #tpu.memory_space<vmem>> -> memref<1x128xi32, #tpu.memory_space<vmem>>
    %dma_wait3A_257 = tpu.memref_squeeze %dma_wait3A_256 : memref<1x128xi32, #tpu.memory_space<vmem>> -> memref<128xi32, #tpu.memory_space<vmem>>
    %dma_wait3A_258 = arith.constant 0 : i32
    %dma_wait3A_259 = arith.constant 0 : i32
    %dma_wait3A_260 = tpu.memref_slice %arg10[%dma_wait3A_258, %dma_wait3A_259] : memref<10240x16xf32, #tpu.memory_space<vmem_shared>> -> memref<10240x16xf32, #tpu.memory_space<vmem_shared>>
    %dma_wait3A_261 = tpu.memref_slice %arg13[%dma_wait3A_250] : memref<13x!tpu.dma_semaphore, #tpu.memory_space<semaphore_mem>> -> memref<1x!tpu.dma_semaphore, #tpu.memory_space<semaphore_mem>>
    %dma_wait3A_262 = tpu.memref_squeeze %dma_wait3A_261 : memref<1x!tpu.dma_semaphore, #tpu.memory_space<semaphore_mem>> -> memref<!tpu.dma_semaphore, #tpu.memory_space<semaphore_mem>>
    tpu.wait_indirect_dma semaphore(%dma_wait3A_262 : memref<!tpu.dma_semaphore, #tpu.memory_space<semaphore_mem>>) src(%dma_wait3A_254 : memref<128x16xf32, #tpu.memory_space<vmem>>) dst(%dma_wait3A_260 : memref<10240x16xf32, #tpu.memory_space<vmem_shared>>)
    %dma_wait3A_263 = arith.constant 10 : i32
    %dma_wait3A_264 = arith.constant 75 : i32
    %dma_wait3A_265 = arith.constant 10 : i32
    %dma_wait3A_266 = arith.constant 0 : i32
    %dma_wait3A_267 = arith.constant 0 : i32
    %dma_wait3A_268 = tpu.memref_slice %arg8[%dma_wait3A_263, %dma_wait3A_266, %dma_wait3A_267] : memref<13x128x16xf32, #tpu.memory_space<vmem>> -> memref<1x128x16xf32, #tpu.memory_space<vmem>>
    %dma_wait3A_269 = tpu.memref_squeeze %dma_wait3A_268 : memref<1x128x16xf32, #tpu.memory_space<vmem>> -> memref<128x16xf32, #tpu.memory_space<vmem>>
    %dma_wait3A_270 = arith.constant 0 : i32
    %dma_wait3A_271 = tpu.memref_slice %arg7[%dma_wait3A_264, %dma_wait3A_270] : memref<79x128xi32, #tpu.memory_space<vmem>> -> memref<1x128xi32, #tpu.memory_space<vmem>>
    %dma_wait3A_272 = tpu.memref_squeeze %dma_wait3A_271 : memref<1x128xi32, #tpu.memory_space<vmem>> -> memref<128xi32, #tpu.memory_space<vmem>>
    %dma_wait3A_273 = arith.constant 0 : i32
    %dma_wait3A_274 = arith.constant 0 : i32
    %dma_wait3A_275 = tpu.memref_slice %arg10[%dma_wait3A_273, %dma_wait3A_274] : memref<10240x16xf32, #tpu.memory_space<vmem_shared>> -> memref<10240x16xf32, #tpu.memory_space<vmem_shared>>
    %dma_wait3A_276 = tpu.memref_slice %arg13[%dma_wait3A_265] : memref<13x!tpu.dma_semaphore, #tpu.memory_space<semaphore_mem>> -> memref<1x!tpu.dma_semaphore, #tpu.memory_space<semaphore_mem>>
    %dma_wait3A_277 = tpu.memref_squeeze %dma_wait3A_276 : memref<1x!tpu.dma_semaphore, #tpu.memory_space<semaphore_mem>> -> memref<!tpu.dma_semaphore, #tpu.memory_space<semaphore_mem>>
    tpu.wait_indirect_dma semaphore(%dma_wait3A_277 : memref<!tpu.dma_semaphore, #tpu.memory_space<semaphore_mem>>) src(%dma_wait3A_269 : memref<128x16xf32, #tpu.memory_space<vmem>>) dst(%dma_wait3A_275 : memref<10240x16xf32, #tpu.memory_space<vmem_shared>>)
    %dma_wait3A_278 = arith.constant 11 : i32
    %dma_wait3A_279 = arith.constant 76 : i32
    %dma_wait3A_280 = arith.constant 11 : i32
    %dma_wait3A_281 = arith.constant 0 : i32
    %dma_wait3A_282 = arith.constant 0 : i32
    %dma_wait3A_283 = tpu.memref_slice %arg8[%dma_wait3A_278, %dma_wait3A_281, %dma_wait3A_282] : memref<13x128x16xf32, #tpu.memory_space<vmem>> -> memref<1x128x16xf32, #tpu.memory_space<vmem>>
    %dma_wait3A_284 = tpu.memref_squeeze %dma_wait3A_283 : memref<1x128x16xf32, #tpu.memory_space<vmem>> -> memref<128x16xf32, #tpu.memory_space<vmem>>
    %dma_wait3A_285 = arith.constant 0 : i32
    %dma_wait3A_286 = tpu.memref_slice %arg7[%dma_wait3A_279, %dma_wait3A_285] : memref<79x128xi32, #tpu.memory_space<vmem>> -> memref<1x128xi32, #tpu.memory_space<vmem>>
    %dma_wait3A_287 = tpu.memref_squeeze %dma_wait3A_286 : memref<1x128xi32, #tpu.memory_space<vmem>> -> memref<128xi32, #tpu.memory_space<vmem>>
    %dma_wait3A_288 = arith.constant 0 : i32
    %dma_wait3A_289 = arith.constant 0 : i32
    %dma_wait3A_290 = tpu.memref_slice %arg10[%dma_wait3A_288, %dma_wait3A_289] : memref<10240x16xf32, #tpu.memory_space<vmem_shared>> -> memref<10240x16xf32, #tpu.memory_space<vmem_shared>>
    %dma_wait3A_291 = tpu.memref_slice %arg13[%dma_wait3A_280] : memref<13x!tpu.dma_semaphore, #tpu.memory_space<semaphore_mem>> -> memref<1x!tpu.dma_semaphore, #tpu.memory_space<semaphore_mem>>
    %dma_wait3A_292 = tpu.memref_squeeze %dma_wait3A_291 : memref<1x!tpu.dma_semaphore, #tpu.memory_space<semaphore_mem>> -> memref<!tpu.dma_semaphore, #tpu.memory_space<semaphore_mem>>
    tpu.wait_indirect_dma semaphore(%dma_wait3A_292 : memref<!tpu.dma_semaphore, #tpu.memory_space<semaphore_mem>>) src(%dma_wait3A_284 : memref<128x16xf32, #tpu.memory_space<vmem>>) dst(%dma_wait3A_290 : memref<10240x16xf32, #tpu.memory_space<vmem_shared>>)
    %dma_wait3A_293 = arith.constant 12 : i32
    %dma_wait3A_294 = arith.constant 77 : i32
    %dma_wait3A_295 = arith.constant 12 : i32
    %dma_wait3A_296 = arith.constant 0 : i32
    %dma_wait3A_297 = arith.constant 0 : i32
    %dma_wait3A_298 = tpu.memref_slice %arg8[%dma_wait3A_293, %dma_wait3A_296, %dma_wait3A_297] : memref<13x128x16xf32, #tpu.memory_space<vmem>> -> memref<1x128x16xf32, #tpu.memory_space<vmem>>
    %dma_wait3A_299 = tpu.memref_squeeze %dma_wait3A_298 : memref<1x128x16xf32, #tpu.memory_space<vmem>> -> memref<128x16xf32, #tpu.memory_space<vmem>>
    %dma_wait3A_300 = arith.constant 0 : i32
    %dma_wait3A_301 = tpu.memref_slice %arg7[%dma_wait3A_294, %dma_wait3A_300] : memref<79x128xi32, #tpu.memory_space<vmem>> -> memref<1x128xi32, #tpu.memory_space<vmem>>
    %dma_wait3A_302 = tpu.memref_squeeze %dma_wait3A_301 : memref<1x128xi32, #tpu.memory_space<vmem>> -> memref<128xi32, #tpu.memory_space<vmem>>
    %dma_wait3A_303 = arith.constant 0 : i32
    %dma_wait3A_304 = arith.constant 0 : i32
    %dma_wait3A_305 = tpu.memref_slice %arg10[%dma_wait3A_303, %dma_wait3A_304] : memref<10240x16xf32, #tpu.memory_space<vmem_shared>> -> memref<10240x16xf32, #tpu.memory_space<vmem_shared>>
    %dma_wait3A_306 = tpu.memref_slice %arg13[%dma_wait3A_295] : memref<13x!tpu.dma_semaphore, #tpu.memory_space<semaphore_mem>> -> memref<1x!tpu.dma_semaphore, #tpu.memory_space<semaphore_mem>>
    %dma_wait3A_307 = tpu.memref_squeeze %dma_wait3A_306 : memref<1x!tpu.dma_semaphore, #tpu.memory_space<semaphore_mem>> -> memref<!tpu.dma_semaphore, #tpu.memory_space<semaphore_mem>>
    tpu.wait_indirect_dma semaphore(%dma_wait3A_307 : memref<!tpu.dma_semaphore, #tpu.memory_space<semaphore_mem>>) src(%dma_wait3A_299 : memref<128x16xf32, #tpu.memory_space<vmem>>) dst(%dma_wait3A_305 : memref<10240x16xf32, #tpu.memory_space<vmem_shared>>)
    %lt3A_308 = arith.constant 4 : i32
    %lt3A_309 = arith.cmpi slt, %add3A, %lt3A_308 : i32
    %convert_element_type3A_310 = arith.extui %lt3A_309 : i1 to i32
    %cond3A_311 = arith.constant 0 : i32
    %cond3A_312 = arith.cmpi ne, %convert_element_type3A_310, %cond3A_311 : i32
    scf.if %cond3A_312 {
      %dma_start3A_318 = arith.constant 78 : i32
      %dma_start3A_319 = arith.constant 0 : i32
      %dma_start3A_320 = arith.constant 0 : i32
      %dma_start3A_321 = arith.constant 0 : i32
      %dma_start3A_322 = arith.constant 0 : i32
      %dma_start3A_323 = tpu.memref_slice %arg8[%dma_start3A_319, %dma_start3A_321, %dma_start3A_322] : memref<13x128x16xf32, #tpu.memory_space<vmem>> -> memref<1x128x16xf32, #tpu.memory_space<vmem>>
      %dma_start3A_324 = tpu.memref_squeeze %dma_start3A_323 : memref<1x128x16xf32, #tpu.memory_space<vmem>> -> memref<128x16xf32, #tpu.memory_space<vmem>>
      %dma_start3A_325 = arith.constant 0 : i32
      %dma_start3A_326 = tpu.memref_slice %arg6[%dma_start3A_318, %dma_start3A_325] : memref<79x128xi32, #tpu.memory_space<vmem>> -> memref<1x128xi32, #tpu.memory_space<vmem>>
      %dma_start3A_327 = tpu.memref_squeeze %dma_start3A_326 : memref<1x128xi32, #tpu.memory_space<vmem>> -> memref<128xi32, #tpu.memory_space<vmem>>
      %dma_start3A_328 = arith.constant 0 : i32
      %dma_start3A_329 = arith.constant 0 : i32
      %dma_start3A_330 = tpu.memref_slice %arg11[%dma_start3A_328, %dma_start3A_329] : memref<10000x16xf32, #tpu.memory_space<vmem_shared>> -> memref<10000x16xf32, #tpu.memory_space<vmem_shared>>
      %dma_start3A_331 = tpu.memref_slice %arg12[%dma_start3A_320] : memref<13x!tpu.dma_semaphore, #tpu.memory_space<semaphore_mem>> -> memref<1x!tpu.dma_semaphore, #tpu.memory_space<semaphore_mem>>
      %dma_start3A_332 = tpu.memref_squeeze %dma_start3A_331 : memref<1x!tpu.dma_semaphore, #tpu.memory_space<semaphore_mem>> -> memref<!tpu.dma_semaphore, #tpu.memory_space<semaphore_mem>>
      tpu.enqueue_indirect_dma source(%dma_start3A_330 : memref<10000x16xf32, #tpu.memory_space<vmem_shared>>) target(%dma_start3A_324 : memref<128x16xf32, #tpu.memory_space<vmem>>) offsets(%dma_start3A_327 : memref<128xi32, #tpu.memory_space<vmem>>) semaphore(%dma_start3A_332 : memref<!tpu.dma_semaphore, #tpu.memory_space<semaphore_mem>>)
      %dma_wait3A_333 = arith.constant 78 : i32
      %dma_wait3A_334 = arith.constant 0 : i32
      %dma_wait3A_335 = arith.constant 0 : i32
      %dma_wait3A_336 = arith.constant 0 : i32
      %dma_wait3A_337 = arith.constant 0 : i32
      %dma_wait3A_338 = tpu.memref_slice %arg8[%dma_wait3A_334, %dma_wait3A_336, %dma_wait3A_337] : memref<13x128x16xf32, #tpu.memory_space<vmem>> -> memref<1x128x16xf32, #tpu.memory_space<vmem>>
      %dma_wait3A_339 = tpu.memref_squeeze %dma_wait3A_338 : memref<1x128x16xf32, #tpu.memory_space<vmem>> -> memref<128x16xf32, #tpu.memory_space<vmem>>
      %dma_wait3A_340 = arith.constant 0 : i32
      %dma_wait3A_341 = tpu.memref_slice %arg6[%dma_wait3A_333, %dma_wait3A_340] : memref<79x128xi32, #tpu.memory_space<vmem>> -> memref<1x128xi32, #tpu.memory_space<vmem>>
      %dma_wait3A_342 = tpu.memref_squeeze %dma_wait3A_341 : memref<1x128xi32, #tpu.memory_space<vmem>> -> memref<128xi32, #tpu.memory_space<vmem>>
      %dma_wait3A_343 = arith.constant 0 : i32
      %dma_wait3A_344 = arith.constant 0 : i32
      %dma_wait3A_345 = tpu.memref_slice %arg11[%dma_wait3A_343, %dma_wait3A_344] : memref<10000x16xf32, #tpu.memory_space<vmem_shared>> -> memref<10000x16xf32, #tpu.memory_space<vmem_shared>>
      %dma_wait3A_346 = tpu.memref_slice %arg12[%dma_wait3A_335] : memref<13x!tpu.dma_semaphore, #tpu.memory_space<semaphore_mem>> -> memref<1x!tpu.dma_semaphore, #tpu.memory_space<semaphore_mem>>
      %dma_wait3A_347 = tpu.memref_squeeze %dma_wait3A_346 : memref<1x!tpu.dma_semaphore, #tpu.memory_space<semaphore_mem>> -> memref<!tpu.dma_semaphore, #tpu.memory_space<semaphore_mem>>
      tpu.wait_indirect_dma semaphore(%dma_wait3A_347 : memref<!tpu.dma_semaphore, #tpu.memory_space<semaphore_mem>>) src(%dma_wait3A_345 : memref<10000x16xf32, #tpu.memory_space<vmem_shared>>) dst(%dma_wait3A_339 : memref<128x16xf32, #tpu.memory_space<vmem>>)
      %dma_start3A_348 = arith.constant 0 : i32
      %dma_start3A_349 = arith.constant 78 : i32
      %dma_start3A_350 = arith.constant 0 : i32
      %dma_start3A_351 = arith.constant 0 : i32
      %dma_start3A_352 = arith.constant 0 : i32
      %dma_start3A_353 = tpu.memref_slice %arg8[%dma_start3A_348, %dma_start3A_351, %dma_start3A_352] : memref<13x128x16xf32, #tpu.memory_space<vmem>> -> memref<1x128x16xf32, #tpu.memory_space<vmem>>
      %dma_start3A_354 = tpu.memref_squeeze %dma_start3A_353 : memref<1x128x16xf32, #tpu.memory_space<vmem>> -> memref<128x16xf32, #tpu.memory_space<vmem>>
      %dma_start3A_355 = arith.constant 0 : i32
      %dma_start3A_356 = tpu.memref_slice %arg7[%dma_start3A_349, %dma_start3A_355] : memref<79x128xi32, #tpu.memory_space<vmem>> -> memref<1x128xi32, #tpu.memory_space<vmem>>
      %dma_start3A_357 = tpu.memref_squeeze %dma_start3A_356 : memref<1x128xi32, #tpu.memory_space<vmem>> -> memref<128xi32, #tpu.memory_space<vmem>>
      %dma_start3A_358 = arith.constant 0 : i32
      %dma_start3A_359 = arith.constant 0 : i32
      %dma_start3A_360 = tpu.memref_slice %arg10[%dma_start3A_358, %dma_start3A_359] : memref<10240x16xf32, #tpu.memory_space<vmem_shared>> -> memref<10240x16xf32, #tpu.memory_space<vmem_shared>>
      %dma_start3A_361 = tpu.memref_slice %arg13[%dma_start3A_350] : memref<13x!tpu.dma_semaphore, #tpu.memory_space<semaphore_mem>> -> memref<1x!tpu.dma_semaphore, #tpu.memory_space<semaphore_mem>>
      %dma_start3A_362 = tpu.memref_squeeze %dma_start3A_361 : memref<1x!tpu.dma_semaphore, #tpu.memory_space<semaphore_mem>> -> memref<!tpu.dma_semaphore, #tpu.memory_space<semaphore_mem>>
      tpu.enqueue_indirect_dma source(%dma_start3A_354 : memref<128x16xf32, #tpu.memory_space<vmem>>) target(%dma_start3A_360 : memref<10240x16xf32, #tpu.memory_space<vmem_shared>>) offsets(%dma_start3A_357 : memref<128xi32, #tpu.memory_space<vmem>>) semaphore(%dma_start3A_362 : memref<!tpu.dma_semaphore, #tpu.memory_space<semaphore_mem>>) {add = true}
      %dma_wait3A_363 = arith.constant 0 : i32
      %dma_wait3A_364 = arith.constant 78 : i32
      %dma_wait3A_365 = arith.constant 0 : i32
      %dma_wait3A_366 = arith.constant 0 : i32
      %dma_wait3A_367 = arith.constant 0 : i32
      %dma_wait3A_368 = tpu.memref_slice %arg8[%dma_wait3A_363, %dma_wait3A_366, %dma_wait3A_367] : memref<13x128x16xf32, #tpu.memory_space<vmem>> -> memref<1x128x16xf32, #tpu.memory_space<vmem>>
      %dma_wait3A_369 = tpu.memref_squeeze %dma_wait3A_368 : memref<1x128x16xf32, #tpu.memory_space<vmem>> -> memref<128x16xf32, #tpu.memory_space<vmem>>
      %dma_wait3A_370 = arith.constant 0 : i32
      %dma_wait3A_371 = tpu.memref_slice %arg7[%dma_wait3A_364, %dma_wait3A_370] : memref<79x128xi32, #tpu.memory_space<vmem>> -> memref<1x128xi32, #tpu.memory_space<vmem>>
      %dma_wait3A_372 = tpu.memref_squeeze %dma_wait3A_371 : memref<1x128xi32, #tpu.memory_space<vmem>> -> memref<128xi32, #tpu.memory_space<vmem>>
      %dma_wait3A_373 = arith.constant 0 : i32
      %dma_wait3A_374 = arith.constant 0 : i32
      %dma_wait3A_375 = tpu.memref_slice %arg10[%dma_wait3A_373, %dma_wait3A_374] : memref<10240x16xf32, #tpu.memory_space<vmem_shared>> -> memref<10240x16xf32, #tpu.memory_space<vmem_shared>>
      %dma_wait3A_376 = tpu.memref_slice %arg13[%dma_wait3A_365] : memref<13x!tpu.dma_semaphore, #tpu.memory_space<semaphore_mem>> -> memref<1x!tpu.dma_semaphore, #tpu.memory_space<semaphore_mem>>
      %dma_wait3A_377 = tpu.memref_squeeze %dma_wait3A_376 : memref<1x!tpu.dma_semaphore, #tpu.memory_space<semaphore_mem>> -> memref<!tpu.dma_semaphore, #tpu.memory_space<semaphore_mem>>
      tpu.wait_indirect_dma semaphore(%dma_wait3A_377 : memref<!tpu.dma_semaphore, #tpu.memory_space<semaphore_mem>>) src(%dma_wait3A_369 : memref<128x16xf32, #tpu.memory_space<vmem>>) dst(%dma_wait3A_375 : memref<10240x16xf32, #tpu.memory_space<vmem_shared>>)
    } else {
    }
    %barrier3A_313 = arith.constant 0 : index
    tpu.barrier barrier_id(%barrier3A_313)
    %mul3A_314 = arith.constant 640 : i32
    %mul3A_315 = arith.muli %arg1, %mul3A_314 : i32
    "tpu.region"() ({
      %run_scoped3A = tpu.sem_alloc : memref<!tpu.dma_semaphore, #tpu.memory_space<semaphore_mem>>
      %dma_start3A_318 = arith.constant 0 : i32
      %dma_start3A_319 = tpu.memref_slice %arg10[%mul3A_315, %dma_start3A_318] : memref<10240x16xf32, #tpu.memory_space<vmem_shared>> -> memref<640x16xf32, #tpu.memory_space<vmem_shared>>
      %dma_start3A_320 = arith.constant 0 : i32
      %dma_start3A_321 = tpu.memref_slice %arg10[%mul3A_315, %dma_start3A_320] : memref<10240x16xf32, #tpu.memory_space<vmem_shared>> -> memref<640x16xf32, #tpu.memory_space<vmem_shared>>
      tpu.enqueue_dma source(%dma_start3A_321 : memref<640x16xf32, #tpu.memory_space<vmem_shared>>) target(%arg9 : memref<640x16xf32, #tpu.memory_space<vmem>>) target_semaphore(%run_scoped3A : memref<!tpu.dma_semaphore, #tpu.memory_space<semaphore_mem>>)
      %dma_wait3A_322 = arith.constant 0 : i32
      %dma_wait3A_323 = tpu.memref_slice %arg10[%mul3A_315, %dma_wait3A_322] : memref<10240x16xf32, #tpu.memory_space<vmem_shared>> -> memref<640x16xf32, #tpu.memory_space<vmem_shared>>
      %dma_wait3A_324 = arith.constant 0 : i32
      %dma_wait3A_325 = tpu.memref_slice %arg10[%mul3A_315, %dma_wait3A_324] : memref<10240x16xf32, #tpu.memory_space<vmem_shared>> -> memref<640x16xf32, #tpu.memory_space<vmem_shared>>
      tpu.wait_dma2 semaphore(%run_scoped3A : memref<!tpu.dma_semaphore, #tpu.memory_space<semaphore_mem>>) src(%dma_wait3A_325 : memref<640x16xf32, #tpu.memory_space<vmem_shared>>) dst(%arg9 : memref<640x16xf32, #tpu.memory_space<vmem>>)
      tpu.yield
    }) : () -> ()
    %mul3A_316 = arith.constant 640 : i32
    %mul3A_317 = arith.muli %arg1, %mul3A_316 : i32
    "tpu.region"() ({
      %run_scoped3A = tpu.sem_alloc : memref<!tpu.dma_semaphore, #tpu.memory_space<semaphore_mem>>
      %dma_start3A_318 = arith.constant 0 : i32
      %dma_start3A_319 = tpu.memref_slice %arg5[%arg0, %mul3A_317, %dma_start3A_318] : memref<2x10240x16xf32, #tpu.memory_space<hbm>> -> memref<1x640x16xf32, #tpu.memory_space<hbm>>
      %dma_start3A_320 = tpu.memref_squeeze %dma_start3A_319 : memref<1x640x16xf32, #tpu.memory_space<hbm>> -> memref<640x16xf32, #tpu.memory_space<hbm>>
      %dma_start3A_321 = arith.constant 0 : i32
      %dma_start3A_322 = tpu.memref_slice %arg5[%arg0, %mul3A_317, %dma_start3A_321] : memref<2x10240x16xf32, #tpu.memory_space<hbm>> -> memref<1x640x16xf32, #tpu.memory_space<hbm>>
      %dma_start3A_323 = tpu.memref_squeeze %dma_start3A_322 : memref<1x640x16xf32, #tpu.memory_space<hbm>> -> memref<640x16xf32, #tpu.memory_space<hbm>>
      tpu.enqueue_dma source(%arg9 : memref<640x16xf32, #tpu.memory_space<vmem>>) target(%dma_start3A_323 : memref<640x16xf32, #tpu.memory_space<hbm>>) target_semaphore(%run_scoped3A : memref<!tpu.dma_semaphore, #tpu.memory_space<semaphore_mem>>)
      %dma_wait3A_324 = arith.constant 0 : i32
      %dma_wait3A_325 = tpu.memref_slice %arg5[%arg0, %mul3A_317, %dma_wait3A_324] : memref<2x10240x16xf32, #tpu.memory_space<hbm>> -> memref<1x640x16xf32, #tpu.memory_space<hbm>>
      %dma_wait3A_326 = tpu.memref_squeeze %dma_wait3A_325 : memref<1x640x16xf32, #tpu.memory_space<hbm>> -> memref<640x16xf32, #tpu.memory_space<hbm>>
      %dma_wait3A_327 = arith.constant 0 : i32
      %dma_wait3A_328 = tpu.memref_slice %arg5[%arg0, %mul3A_317, %dma_wait3A_327] : memref<2x10240x16xf32, #tpu.memory_space<hbm>> -> memref<1x640x16xf32, #tpu.memory_space<hbm>>
      %dma_wait3A_329 = tpu.memref_squeeze %dma_wait3A_328 : memref<1x640x16xf32, #tpu.memory_space<hbm>> -> memref<640x16xf32, #tpu.memory_space<hbm>>
      tpu.wait_dma2 semaphore(%run_scoped3A : memref<!tpu.dma_semaphore, #tpu.memory_space<semaphore_mem>>) src(%arg9 : memref<640x16xf32, #tpu.memory_space<vmem>>) dst(%dma_wait3A_329 : memref<640x16xf32, #tpu.memory_space<hbm>>)
      tpu.yield
    }) : () -> ()
    return
  }
}

module attributes {stable_mosaic.version = 14 : i64} {
  func.func @body(%arg0: i32, %arg1: memref<5000x128xf32, #tpu.memory_space<vmem>>, %arg2: memref<128x32xf32, #tpu.memory_space<vmem>>, %arg3: memref<2x5000x16xf32, #tpu.memory_space<vmem>>, %arg4: memref<5000x32xf32, #tpu.memory_space<vmem>>) attributes {dimension_semantics = [#tpu.dimension_semantics<arbitrary>], iteration_bounds = array<i64: 2>, scalar_prefetch = 0 : i64, scratch_operands = 0 : i64, tpu.core_type = #tpu.core_type<tc>, window_params = [{transform_indices = @transform_0, window_bounds = array<i64: 5000, 128>}, {pipeline_mode = #tpu.pipeline_mode<synchronous>, transform_indices = @transform_1, window_bounds = array<i64: 128, 32>}, {transform_indices = @transform_2, window_bounds = array<i64: 2, 5000, 16>}, {transform_indices = @transform_3, window_bounds = array<i64: 5000, 32>}]} {
    %get3A = arith.constant 0 : index
    %get3A_0 = arith.constant 0 : index
    %get3A_1 = arith.constant 0 : index
    %get3A_2 = vector.load %arg3[%get3A, %get3A_0, %get3A_1] : memref<2x5000x16xf32, #tpu.memory_space<vmem>>, vector<1x5000x1xf32>
    %get3A_3 = vector.shape_cast %get3A_2 : vector<1x5000x1xf32> to vector<5000x1xf32>
    %get3A_4 = arith.constant 1 : index
    %get3A_5 = arith.constant 0 : index
    %get3A_6 = arith.constant 0 : index
    %get3A_7 = vector.load %arg3[%get3A_4, %get3A_5, %get3A_6] : memref<2x5000x16xf32, #tpu.memory_space<vmem>>, vector<1x5000x1xf32>
    %get3A_8 = vector.shape_cast %get3A_7 : vector<1x5000x1xf32> to vector<5000x1xf32>
    %add3A = arith.addf %get3A_3, %get3A_8 : vector<5000x1xf32>
    %add3A_9 = arith.constant 1.000000e+00 : f32
    %add3A_10 = vector.broadcast %add3A_9 : f32 to vector<5000x1xf32>
    %add3A_11 = arith.addf %add3A, %add3A_10 : vector<5000x1xf32>
    %rsqrt3A = math.rsqrt %add3A_11 : vector<5000x1xf32>
    %get3A_12 = arith.constant 0 : index
    %get3A_13 = arith.constant 0 : index
    %get3A_14 = vector.load %arg1[%get3A_12, %get3A_13] : memref<5000x128xf32, #tpu.memory_space<vmem>>, vector<5000x128xf32>
    %get3A_15 = arith.constant 0 : index
    %get3A_16 = arith.constant 0 : index
    %get3A_17 = vector.load %arg2[%get3A_15, %get3A_16] : memref<128x32xf32, #tpu.memory_space<vmem>>, vector<128x32xf32>
    %dot_general3A = arith.constant dense<0.000000e+00> : vector<5000x32xf32>
    %dot_general3A_18 = tpu.matmul %get3A_14, %get3A_17, %dot_general3A {dimension_numbers = #tpu.dot_dimension_numbers<[1], [0], [0], [1], [0, 0, 1, 1], [], []>, transpose_lhs_hint = false} : vector<5000x128xf32>, vector<128x32xf32>, vector<5000x32xf32> -> vector<5000x32xf32>
    %mul3A = vector.broadcast %rsqrt3A : vector<5000x1xf32> to vector<5000x32xf32>
    %mul3A_19 = arith.mulf %mul3A, %dot_general3A_18 : vector<5000x32xf32>
    %swap3A = arith.constant 0 : index
    %swap3A_20 = arith.constant 0 : index
    %swap3A_21 = vector.load %arg4[%swap3A, %swap3A_20] : memref<5000x32xf32, #tpu.memory_space<vmem>>, vector<5000x32xf32>
    tpu.vector_store %arg4[%swap3A, %swap3A_20], %mul3A_19 {strides = array<i32>} : memref<5000x32xf32, #tpu.memory_space<vmem>>, vector<5000x32xf32>,
    return
  }
  func.func @transform_0(%arg0: i32) -> (i32, i32) {
    %c0_i32 = arith.constant 0 : i32
    %c0_i32_0 = arith.constant 0 : i32
    return %arg0, %c0_i32 : i32, i32
  }
  func.func @transform_1(%arg0: i32) -> (i32, i32) {
    %c0_i32 = arith.constant 0 : i32
    %c0_i32_0 = arith.constant 0 : i32
    %c0_i32_1 = arith.constant 0 : i32
    return %c0_i32, %c0_i32_0 : i32, i32
  }
  func.func @transform_2(%arg0: i32) -> (i32, i32, i32) {
    %c0_i32 = arith.constant 0 : i32
    %c0_i32_0 = arith.constant 0 : i32
    %c0_i32_1 = arith.constant 0 : i32
    return %c0_i32, %arg0, %c0_i32_0 : i32, i32, i32
  }
  func.func @transform_3(%arg0: i32) -> (i32, i32) {
    %c0_i32 = arith.constant 0 : i32
    %c0_i32_0 = arith.constant 0 : i32
    return %arg0, %c0_i32 : i32, i32
  }
}

module attributes {stable_mosaic.version = 14 : i64} {
  func.func @body(%arg0: i32, %arg1: memref<2x5000x32xf32, #tpu.memory_space<vmem>>, %arg2: memref<5000x32xf32, #tpu.memory_space<vmem>>, %arg3: memref<2x5000x16xf32, #tpu.memory_space<vmem>>, %arg4: memref<1x32xf32, #tpu.memory_space<vmem>>, %arg5: memref<32x16xf32, #tpu.memory_space<vmem>>, %arg6: memref<5000x16xf32, #tpu.memory_space<vmem>>) attributes {dimension_semantics = [#tpu.dimension_semantics<arbitrary>], iteration_bounds = array<i64: 2>, scalar_prefetch = 0 : i64, scratch_operands = 0 : i64, tpu.core_type = #tpu.core_type<tc>, window_params = [{transform_indices = @transform_0, window_bounds = array<i64: 2, 5000, 32>}, {transform_indices = @transform_1, window_bounds = array<i64: 5000, 32>}, {transform_indices = @transform_2, window_bounds = array<i64: 2, 5000, 16>}, {pipeline_mode = #tpu.pipeline_mode<synchronous>, transform_indices = @transform_3, window_bounds = array<i64: 1, 32>}, {pipeline_mode = #tpu.pipeline_mode<synchronous>, transform_indices = @transform_4, window_bounds = array<i64: 32, 16>}, {transform_indices = @transform_5, window_bounds = array<i64: 5000, 16>}]} {
    %get3A = arith.constant 0 : index
    %get3A_0 = arith.constant 0 : index
    %get3A_1 = arith.constant 0 : index
    %get3A_2 = vector.load %arg3[%get3A, %get3A_0, %get3A_1] : memref<2x5000x16xf32, #tpu.memory_space<vmem>>, vector<1x5000x1xf32>
    %get3A_3 = vector.shape_cast %get3A_2 : vector<1x5000x1xf32> to vector<5000x1xf32>
    %get3A_4 = arith.constant 1 : index
    %get3A_5 = arith.constant 0 : index
    %get3A_6 = arith.constant 0 : index
    %get3A_7 = vector.load %arg3[%get3A_4, %get3A_5, %get3A_6] : memref<2x5000x16xf32, #tpu.memory_space<vmem>>, vector<1x5000x1xf32>
    %get3A_8 = vector.shape_cast %get3A_7 : vector<1x5000x1xf32> to vector<5000x1xf32>
    %add3A = arith.addf %get3A_3, %get3A_8 : vector<5000x1xf32>
    %add3A_9 = arith.constant 1.000000e+00 : f32
    %add3A_10 = vector.broadcast %add3A_9 : f32 to vector<5000x1xf32>
    %add3A_11 = arith.addf %add3A, %add3A_10 : vector<5000x1xf32>
    %rsqrt3A = math.rsqrt %add3A_11 : vector<5000x1xf32>
    %get3A_12 = arith.constant 0 : index
    %get3A_13 = arith.constant 0 : index
    %get3A_14 = arith.constant 0 : index
    %get3A_15 = vector.load %arg1[%get3A_12, %get3A_13, %get3A_14] : memref<2x5000x32xf32, #tpu.memory_space<vmem>>, vector<1x5000x32xf32>
    %get3A_16 = vector.shape_cast %get3A_15 : vector<1x5000x32xf32> to vector<5000x32xf32>
    %get3A_17 = arith.constant 1 : index
    %get3A_18 = arith.constant 0 : index
    %get3A_19 = arith.constant 0 : index
    %get3A_20 = vector.load %arg1[%get3A_17, %get3A_18, %get3A_19] : memref<2x5000x32xf32, #tpu.memory_space<vmem>>, vector<1x5000x32xf32>
    %get3A_21 = vector.shape_cast %get3A_20 : vector<1x5000x32xf32> to vector<5000x32xf32>
    %add3A_22 = arith.addf %get3A_16, %get3A_21 : vector<5000x32xf32>
    %get3A_23 = arith.constant 0 : index
    %get3A_24 = arith.constant 0 : index
    %get3A_25 = vector.load %arg2[%get3A_23, %get3A_24] : memref<5000x32xf32, #tpu.memory_space<vmem>>, vector<5000x32xf32>
    %add3A_26 = arith.addf %add3A_22, %get3A_25 : vector<5000x32xf32>
    %mul3A = vector.broadcast %rsqrt3A : vector<5000x1xf32> to vector<5000x32xf32>
    %mul3A_27 = arith.mulf %mul3A, %add3A_26 : vector<5000x32xf32>
    %get3A_28 = arith.constant 0 : index
    %get3A_29 = arith.constant 0 : index
    %get3A_30 = vector.load %arg4[%get3A_28, %get3A_29] : memref<1x32xf32, #tpu.memory_space<vmem>>, vector<1x32xf32>
    %add3A_31 = vector.broadcast %get3A_30 : vector<1x32xf32> to vector<5000x32xf32>
    %add3A_32 = arith.addf %mul3A_27, %add3A_31 : vector<5000x32xf32>
    %max3A = arith.constant 0.000000e+00 : f32
    %max3A_33 = vector.broadcast %max3A : f32 to vector<5000x32xf32>
    %max3A_34 = arith.maximumf %add3A_32, %max3A_33 : vector<5000x32xf32>
    %get3A_35 = arith.constant 0 : index
    %get3A_36 = arith.constant 0 : index
    %get3A_37 = vector.load %arg5[%get3A_35, %get3A_36] : memref<32x16xf32, #tpu.memory_space<vmem>>, vector<32x16xf32>
    %dot_general3A = arith.constant dense<0.000000e+00> : vector<5000x16xf32>
    %dot_general3A_38 = tpu.matmul %max3A_34, %get3A_37, %dot_general3A {dimension_numbers = #tpu.dot_dimension_numbers<[1], [0], [0], [1], [0, 0, 1, 1], [], []>, transpose_lhs_hint = false} : vector<5000x32xf32>, vector<32x16xf32>, vector<5000x16xf32> -> vector<5000x16xf32>
    %mul3A_39 = vector.broadcast %rsqrt3A : vector<5000x1xf32> to vector<5000x16xf32>
    %mul3A_40 = arith.mulf %mul3A_39, %dot_general3A_38 : vector<5000x16xf32>
    %swap3A = arith.constant 0 : index
    %swap3A_41 = arith.constant 0 : index
    %swap3A_42 = vector.load %arg6[%swap3A, %swap3A_41] : memref<5000x16xf32, #tpu.memory_space<vmem>>, vector<5000x16xf32>
    tpu.vector_store %arg6[%swap3A, %swap3A_41], %mul3A_40 {strides = array<i32>} : memref<5000x16xf32, #tpu.memory_space<vmem>>, vector<5000x16xf32>,
    return
  }
  func.func @transform_0(%arg0: i32) -> (i32, i32, i32) {
    %c0_i32 = arith.constant 0 : i32
    %c0_i32_0 = arith.constant 0 : i32
    %c0_i32_1 = arith.constant 0 : i32
    return %c0_i32, %arg0, %c0_i32_0 : i32, i32, i32
  }
  func.func @transform_1(%arg0: i32) -> (i32, i32) {
    %c0_i32 = arith.constant 0 : i32
    %c0_i32_0 = arith.constant 0 : i32
    return %arg0, %c0_i32 : i32, i32
  }
  func.func @transform_2(%arg0: i32) -> (i32, i32, i32) {
    %c0_i32 = arith.constant 0 : i32
    %c0_i32_0 = arith.constant 0 : i32
    %c0_i32_1 = arith.constant 0 : i32
    return %c0_i32, %arg0, %c0_i32_0 : i32, i32, i32
  }
  func.func @transform_3(%arg0: i32) -> (i32, i32) {
    %c0_i32 = arith.constant 0 : i32
    %c0_i32_0 = arith.constant 0 : i32
    %c0_i32_1 = arith.constant 0 : i32
    return %c0_i32, %c0_i32_0 : i32, i32
  }
  func.func @transform_4(%arg0: i32) -> (i32, i32) {
    %c0_i32 = arith.constant 0 : i32
    %c0_i32_0 = arith.constant 0 : i32
    %c0_i32_1 = arith.constant 0 : i32
    return %c0_i32, %c0_i32_0 : i32, i32
  }
  func.func @transform_5(%arg0: i32) -> (i32, i32) {
    %c0_i32 = arith.constant 0 : i32
    %c0_i32_0 = arith.constant 0 : i32
    return %arg0, %c0_i32 : i32, i32
  }
}

module attributes {stable_mosaic.version = 14 : i64} {
  func.func @body(%arg0: i32, %arg1: memref<2x5000x16xf32, #tpu.memory_space<vmem>>, %arg2: memref<5000x16xf32, #tpu.memory_space<vmem>>, %arg3: memref<2x5000x16xf32, #tpu.memory_space<vmem>>, %arg4: memref<1x16xf32, #tpu.memory_space<vmem>>, %arg5: memref<5000x16xf32, #tpu.memory_space<vmem>>) attributes {dimension_semantics = [#tpu.dimension_semantics<arbitrary>], iteration_bounds = array<i64: 2>, scalar_prefetch = 0 : i64, scratch_operands = 0 : i64, tpu.core_type = #tpu.core_type<tc>, window_params = [{transform_indices = @transform_0, window_bounds = array<i64: 2, 5000, 16>}, {transform_indices = @transform_1, window_bounds = array<i64: 5000, 16>}, {transform_indices = @transform_2, window_bounds = array<i64: 2, 5000, 16>}, {pipeline_mode = #tpu.pipeline_mode<synchronous>, transform_indices = @transform_3, window_bounds = array<i64: 1, 16>}, {transform_indices = @transform_4, window_bounds = array<i64: 5000, 16>}]} {
    %get3A = arith.constant 0 : index
    %get3A_0 = arith.constant 0 : index
    %get3A_1 = arith.constant 0 : index
    %get3A_2 = vector.load %arg3[%get3A, %get3A_0, %get3A_1] : memref<2x5000x16xf32, #tpu.memory_space<vmem>>, vector<1x5000x1xf32>
    %get3A_3 = vector.shape_cast %get3A_2 : vector<1x5000x1xf32> to vector<5000x1xf32>
    %get3A_4 = arith.constant 1 : index
    %get3A_5 = arith.constant 0 : index
    %get3A_6 = arith.constant 0 : index
    %get3A_7 = vector.load %arg3[%get3A_4, %get3A_5, %get3A_6] : memref<2x5000x16xf32, #tpu.memory_space<vmem>>, vector<1x5000x1xf32>
    %get3A_8 = vector.shape_cast %get3A_7 : vector<1x5000x1xf32> to vector<5000x1xf32>
    %add3A = arith.addf %get3A_3, %get3A_8 : vector<5000x1xf32>
    %add3A_9 = arith.constant 1.000000e+00 : f32
    %add3A_10 = vector.broadcast %add3A_9 : f32 to vector<5000x1xf32>
    %add3A_11 = arith.addf %add3A, %add3A_10 : vector<5000x1xf32>
    %rsqrt3A = math.rsqrt %add3A_11 : vector<5000x1xf32>
    %get3A_12 = arith.constant 0 : index
    %get3A_13 = arith.constant 0 : index
    %get3A_14 = arith.constant 0 : index
    %get3A_15 = vector.load %arg1[%get3A_12, %get3A_13, %get3A_14] : memref<2x5000x16xf32, #tpu.memory_space<vmem>>, vector<1x5000x16xf32>
    %get3A_16 = vector.shape_cast %get3A_15 : vector<1x5000x16xf32> to vector<5000x16xf32>
    %get3A_17 = arith.constant 1 : index
    %get3A_18 = arith.constant 0 : index
    %get3A_19 = arith.constant 0 : index
    %get3A_20 = vector.load %arg1[%get3A_17, %get3A_18, %get3A_19] : memref<2x5000x16xf32, #tpu.memory_space<vmem>>, vector<1x5000x16xf32>
    %get3A_21 = vector.shape_cast %get3A_20 : vector<1x5000x16xf32> to vector<5000x16xf32>
    %add3A_22 = arith.addf %get3A_16, %get3A_21 : vector<5000x16xf32>
    %get3A_23 = arith.constant 0 : index
    %get3A_24 = arith.constant 0 : index
    %get3A_25 = vector.load %arg2[%get3A_23, %get3A_24] : memref<5000x16xf32, #tpu.memory_space<vmem>>, vector<5000x16xf32>
    %add3A_26 = arith.addf %add3A_22, %get3A_25 : vector<5000x16xf32>
    %mul3A = vector.broadcast %rsqrt3A : vector<5000x1xf32> to vector<5000x16xf32>
    %mul3A_27 = arith.mulf %mul3A, %add3A_26 : vector<5000x16xf32>
    %get3A_28 = arith.constant 0 : index
    %get3A_29 = arith.constant 0 : index
    %get3A_30 = vector.load %arg4[%get3A_28, %get3A_29] : memref<1x16xf32, #tpu.memory_space<vmem>>, vector<1x16xf32>
    %add3A_31 = vector.broadcast %get3A_30 : vector<1x16xf32> to vector<5000x16xf32>
    %add3A_32 = arith.addf %mul3A_27, %add3A_31 : vector<5000x16xf32>
    %swap3A = arith.constant 0 : index
    %swap3A_33 = arith.constant 0 : index
    %swap3A_34 = vector.load %arg5[%swap3A, %swap3A_33] : memref<5000x16xf32, #tpu.memory_space<vmem>>, vector<5000x16xf32>
    tpu.vector_store %arg5[%swap3A, %swap3A_33], %add3A_32 {strides = array<i32>} : memref<5000x16xf32, #tpu.memory_space<vmem>>, vector<5000x16xf32>,
    return
  }
  func.func @transform_0(%arg0: i32) -> (i32, i32, i32) {
    %c0_i32 = arith.constant 0 : i32
    %c0_i32_0 = arith.constant 0 : i32
    %c0_i32_1 = arith.constant 0 : i32
    return %c0_i32, %arg0, %c0_i32_0 : i32, i32, i32
  }
  func.func @transform_1(%arg0: i32) -> (i32, i32) {
    %c0_i32 = arith.constant 0 : i32
    %c0_i32_0 = arith.constant 0 : i32
    return %arg0, %c0_i32 : i32, i32
  }
  func.func @transform_2(%arg0: i32) -> (i32, i32, i32) {
    %c0_i32 = arith.constant 0 : i32
    %c0_i32_0 = arith.constant 0 : i32
    %c0_i32_1 = arith.constant 0 : i32
    return %c0_i32, %arg0, %c0_i32_0 : i32, i32, i32
  }
  func.func @transform_3(%arg0: i32) -> (i32, i32) {
    %c0_i32 = arith.constant 0 : i32
    %c0_i32_0 = arith.constant 0 : i32
    %c0_i32_1 = arith.constant 0 : i32
    return %c0_i32, %c0_i32_0 : i32, i32
  }
  func.func @transform_4(%arg0: i32) -> (i32, i32) {
    %c0_i32 = arith.constant 0 : i32
    %c0_i32_0 = arith.constant 0 : i32
    return %arg0, %c0_i32 : i32, i32
  }
}

</mosaic_0001>

<sc_bundles>
// kernel: kernel.11.cloned.1.call-start
scs
__scs_entry_jumppad:
0x0: {  	(pc) =	sbr.rel $0x88, $3  }
0x1: {  	(tag) =	ssettag $0x0;
	lr =	simm.s32 $0x1  }
0x2: {  	[smem:$0x3F9B] =	sst lr;
	_ =	strace $0xD0000000  }
0x3: {  	_ = 	snop  }
0x4: {  	_ = 	snop  }
0x5: {  	_ = 	snop  }
0x6: {  	_ = 	snop  }
0x7: {  	_ = 	snop  }
__scs_overlays_trampoline_lowered:
0x8: {  	[smem:$0x3FAA] =	sst s0  }
0x9: {  	[smem:$0x3FAB] =	sst s1  }
0xa: {  	[smem:$0x3FAC] =	sst s2  }
0xb: {  	[smem:$0x3FAD] =	sst s3  }
0xc: {  	[smem:$0x3FAE] =	sst s4  }
0xd: {  	[smem:$0x3FAF] =	sst s5  }
0xe: {  	[smem:$0x3FB0] =	sst s6  }
0xf: {  	[smem:$0x3FB1] =	sst s7  }
0x10: {  	[smem:$0x3FB2] =	sst s8  }
0x11: {  	[smem:$0x3FB3] =	sst s9;
	s0 =	simm.s32 @!p0 $0x0  }
0x12: {  	s1 =	sld [smem:$0x3F99];
	s0 =	simm.s32 @p0 $0x1  }
0x13: {  	[smem:$0x3FB4] =	sst s0;
	s0 =	simm.s32 @!p1 $0x0  }
0x14: {  	s2 =	sld [smem:$0x3F98];
	s0 =	simm.s32 @p1 $0x1  }
0x15: {  	[smem:$0x3FB5] =	sst s0;
	s0 =	simm.s32 @!p2 $0x0  }
0x16: {  	s3 =	sld [smem:$0x3FDB];
	s0 =	simm.s32 @p2 $0x1  }
0x17: {  	s4 =	simm.s32 $0x1BF5;
	[smem:$0x3FB7] =	sst s0  }
0x18: {  	s0 =	sld [smem:$0x3F9A];
	_ =	swait.ge [sflag:s4], $0x0  }
0x19: {  	s7 =	sld [smem:$0x3F9B]  }
0x1a: {  	s8 =	sadd.s32 $0xFFFFE003, lr  }
0x1b: {  	s9 =	sadd.s32 $0xFFFFFEF7, lr;
	s5 =	simm.s32 $0xFFFFFFFF;
	p2 =	slt.u32 s8, $0xFFFFF086  }
0x1c: {  	p1 =	slt.u32 s9, $0xF7A;
	s5 =	simm.s32 @!p2 $0x0  }
0x1d: {  	s5 =	simm.s32 @p1 $0x1;
	p0 =	seq.s32 s7, s2  }
0x1e: {  	s7 =	smul.u32 @!p0 $0xF7A, s2;
	p2 =	seq.s32 @!p0 s5, $0x0  }
0x1f: {  	s9 =	smul.u32 $0xF7A, s1;
	s8 =	simm.s32 @!p0 $0x1BF5;
	p2 =	por !p2, p0  }
0x20: {  	[sflag:s8] =	ssyncset.s32 @!p0 $0xFFFFF086;
	s6 =	sadd.s32 @!p0 s3, s7;
	s7 =	simm.s32 @!p0 $0x108  }
0x21: {  	s3 =	sadd.s32 s3, s9;
	s6 =	sadd.s32 @!p0 $0x88, s6;
	s7 =	simm.s32 @p2 $0x1082  }
0x22: {  	[simem:s7], [sflag:s8] =	dma.local @!p0 [hbm:s6], $0xF7A  }
0x23: {  	s9 =	sor.u32 $0xD0000000, s2;
	s6 =	simm.s32 $0x108;
	_ =	swait.ge @!p0 [sflag:s8], $0x0  }
0x24: {  	s3 =	sadd.s32 $0x88, s3;
	s6 =	simm.s32 @!p1 $0x1082;
	[sflag:s4] =	ssyncset.s32 $0xFFFFF086  }
0x25: {  	[simem:s6], [sflag:s4] =	dma.local [hbm:s3], $0xF7A  }
0x26: {  	[smem:$0x3F9B] =	sst s1;
	(tag) =	ssettag s2;
	_ =	strace s9  }
0x27: {  	s1 =	sld [smem:$0x3FAB]  }
0x28: {  	s2 =	sld [smem:$0x3FAC]  }
0x29: {  	s4 =	sld [smem:$0x3FAE]  }
0x2a: {  	p0 =	seq.s32 s5, $0x0;
	s5 =	sld [smem:$0x3FAF]  }
0x2b: {  	s6 =	sld [smem:$0x3FB0]  }
0x2c: {  	s7 =	sld [smem:$0x3FB1]  }
0x2d: {  	s3 =	simm.s32 $0x108;
	s8 =	sld [smem:$0x3FB2]  }
0x2e: {  	s3 =	simm.s32 @!p0 $0x1082;
	s9 =	sld [smem:$0x3FB3]  }
0x2f: {  	lr =	sadd.s32 s0, s3;
	s0 =	sld [smem:$0x3FAA]  }
0x30: {  	s3 =	sld [smem:$0x3FAD]  }
0x31: {  	[smem:$0x3FB6] =	sst s10  }
0x32: {  	s10 =	sld [smem:$0x3FB4];
	_ =	sdelay $0x3  }
0x33: {  	p0 =	seq.s32 s10, $0x1;
	s10 =	sld [smem:$0x3FB6];
	_ =	sdelay $0x3  }
0x34: {  	[smem:$0x3FB6] =	sst s10  }
0x35: {  	s10 =	sld [smem:$0x3FB5];
	_ =	sdelay $0x3  }
0x36: {  	p1 =	seq.s32 s10, $0x1;
	s10 =	sld [smem:$0x3FB6];
	_ =	sdelay $0x3  }
0x37: {  	[smem:$0x3FB6] =	sst s10  }
0x38: {  	s10 =	sld [smem:$0x3FB7]  }
0x39: {  	_ = 	snop;
	(pc) =	sbr.ind lr, $3  }
0x3a: {  	_ = 	snop  }
0x3b: {  	_ = 	snop  }
0x3c: {  	p2 =	seq.s32 s10, $0x1;
	s10 =	sld [smem:$0x3FB6]  }
0x3d: {  	_ =	shalt  }
0x3e: {  	_ =	shalt  }
0x3f: {  	_ =	shalt  }
0x40: {  	_ =	shalt  }
0x41: {  	_ =	shalt  }
0x42: {  	_ =	shalt  }
0x43: {  	_ =	shalt  }
0x44: {  	_ =	shalt  }
0x45: {  	_ =	shalt  }
0x46: {  	_ =	shalt  }
0x47: {  	_ =	shalt  }
0x48: {  	_ =	shalt  }
0x49: {  	_ =	shalt  }
0x4a: {  	_ =	shalt  }
0x4b: {  	_ =	shalt  }
0x4c: {  	_ =	shalt  }
0x4d: {  	_ =	shalt  }
0x4e: {  	_ =	shalt  }
0x4f: {  	_ =	shalt  }
0x50: {  	_ =	shalt  }
0x51: {  	_ =	shalt  }
0x52: {  	_ =	shalt  }
0x53: {  	_ =	shalt  }
0x54: {  	_ =	shalt  }
0x55: {  	_ =	shalt  }
0x56: {  	_ =	shalt  }
0x57: {  	_ =	shalt  }
0x58: {  	_ =	shalt  }
0x59: {  	_ =	shalt  }
0x5a: {  	_ =	shalt  }
0x5b: {  	_ =	shalt  }
0x5c: {  	_ =	shalt  }
0x5d: {  	_ =	shalt  }
0x5e: {  	_ =	shalt  }
0x5f: {  	_ =	shalt  }
0x60: {  	_ =	shalt  }
0x61: {  	_ =	shalt  }
0x62: {  	_ =	shalt  }
0x63: {  	_ =	shalt  }
0x64: {  	_ =	shalt  }
0x65: {  	_ =	shalt  }
0x66: {  	_ =	shalt  }
0x67: {  	_ =	shalt  }
0x68: {  	_ =	shalt  }
0x69: {  	_ =	shalt  }
0x6a: {  	_ =	shalt  }
0x6b: {  	_ =	shalt  }
0x6c: {  	_ =	shalt  }
0x6d: {  	_ =	shalt  }
0x6e: {  	_ =	shalt  }
0x6f: {  	_ =	shalt  }
0x70: {  	_ =	shalt  }
0x71: {  	_ =	shalt  }
0x72: {  	_ =	shalt  }
0x73: {  	_ =	shalt  }
0x74: {  	_ =	shalt  }
0x75: {  	_ =	shalt  }
0x76: {  	_ =	shalt  }
0x77: {  	_ =	shalt  }
0x78: {  	_ =	shalt  }
0x79: {  	_ =	shalt  }
0x7a: {  	_ =	shalt  }
0x7b: {  	_ =	shalt  }
0x7c: {  	_ =	shalt  }
0x7d: {  	_ =	shalt  }
0x7e: {  	_ =	shalt  }
0x7f: {  	_ =	shalt  }
0x80: {  	_ =	shalt  }
0x81: {  	_ =	shalt  }
0x82: {  	_ =	shalt  }
0x83: {  	_ =	shalt  }
0x84: {  	_ =	shalt  }
0x85: {  	_ =	shalt  }
0x86: {  	_ =	shalt  }
0x87: {  	_ =	shalt  }
.Lfunc_end0:
.L_simem_size_0:
called_computation.1_lowered:
.L_overlay_start_0:
0x88: {  	s2 =	sld [smem:$0x3FD9]  }
0x89: {  	s3 =	sld [smem:$0x3FFE];
	_ =	sdelay $0x1  }
0x8a: {  	s1 =	srdreg.scid  }
0x8b: {  	s0 =	sand.u32 $0x1, s1  }
0x8c: {  	s16 =	sshll.u32 s0, $0xA;
	s2 =	sadd.s32 s3, s2  }
0x8d: {  	s2 =	sadd.s32 s2, s16  }
0x8e: {  	[smem:$0x3FC2] =	sst s2  }
0x8f: {  	_ = 	snop  }
0x90: {  	(tm) =	ssettm $0x1  }
0x91: {  	s17 =	sld [smem:$0x3FFB];
	_ =	sdelay $0x3  }
0x92: {  	_ =	strace s17  }
0x93: {  	s2 =	sld [smem:$0x3FFC];
	_ =	sdelay $0x3  }
0x94: {  	_ =	strace s2  }
0x95: {  	s2 =	sld [smem:$0x3FFD];
	_ =	sdelay $0x3  }
0x96: {  	_ =	strace s2  }
0x97: {  	_ =	strace $0x8FFFFFFF  }
0x98: {  	s18 =	sld [smem:$0x3FDB];
	_ =	sdelay $0x1  }
0x99: {  	s19 =	simm.s32 $_scs_section_size  }
0x9a: {  	s4 =	simm.s32 $_size__tile_overlayer_lowered;
	s5 =	simm.s32 $_tile_overlayer_lowered  }
0x9b: {  	s22 =	simm.s32 $0x1BFF;
	s21 =	sshll.u32 s5, $0x1;
	s2 =	sadd.s32 s19, s18  }
0x9c: {  	s6 =	simm.s32 $0x0;
	s20 =	sshll.u32 s4, $0x1;
	s4 =	sadd.s32 s21, s2  }
0x9d: {  	[timem:s6], [sflag:s22] =	dma.local [hbm:s4], s20  }
0x9e: {  	_ =	swait.ge [sflag:s22], s20  }
0x9f: {  	s3 =	ssub.s32 $0x0, s20;
	[sflag:s22] =	ssyncset.done $0x0  }
0xa0: {  	[sflag:s22] =	ssyncadd.s32 s3;
	_ =	sdelay $0x1  }
0xa1: {  	s23 =	simm.s32 $0x1B8B  }
0xa2: {  	_ =	swait.ge [sflag:s23], $0x1  }
0xa3: {  	[sflag:s23] =	ssyncset.done $0x0  }
0xa4: {  	s25 =	simm.s32 $0x1B8E;
	s24 =	sld [smem:$0x3FFE];
	[sflag:s23] =	ssyncadd.s32 $0xFFFFFFFF  }
0xa5: {  	s26 =	simm.s32 $execute0_lowered;
	[smem:$0x3FD2] =	sst s25  }
0xa6: {  	s4 =	sshll.u32 s26, $0x1;
	_ =	strace $0x80000049;
	[dreg:$0x1] =	wrdreg $0xFFFFFFFF  }
0xa7: {  	s28 =	simm.s32 $_size_execute0_lowered;
	s2 =	sadd.s32 s2, s4;
	[dreg:$0x0] =	wrdreg $0x0  }
0xa8: {  	s4 =	sshll.u32 s28, $0x1;
	[dreg:$0x2] =	wrdreg s2  }
0xa9: {  	[dreg:$0x3] =	wrdreg s4  }
0xaa: {  	[dreg:$0x4] =	wrdreg $0xC0  }
0xab: {  	_ =	task [dreg:s6], $0x5FFFF  }
0xac: {  	[dreg:$0x1] =	wrdreg $0xFFFFFFFF  }
0xad: {  	[dreg:$0x0] =	wrdreg $0x60  }
0xae: {  	[dreg:$0x2] =	wrdreg s24  }
0xaf: {  	[dreg:$0x3] =	wrdreg $0xFF000  }
0xb0: {  	[dreg:$0x4] =	wrdreg $0x14F000  }
0xb1: {  	[dreg:$0x5] =	wrdreg $0x9  }
0xb2: {  	_ =	task.clear_ibuf [dreg:s6], $0x6FFFF;
	_ =	strace $0x90000049  }
0xb3: {  	s29 =	simm.s32 $0x9;
	_ =	strace $0x8000004B  }
0xb4: {  	_ =	swait.ge [sflag:s29], $0x1  }
0xb5: {  	[sflag:s29] =	ssyncadd.s32 $0xFFFFFFFF  }
0xb6: {  	_ =	strace $0x9000004B  }
0xb7: {  	_ =	sfence  }
0xb8: {  	s30 =	sld [smem:$0x0];
	_ =	sdelay $0x2  }
0xb9: {  	s31 =	sshll.u32 s1, $0xD;
	s1 =	sshrl.u32 s1, $0x2  }
0xba: {  	s3 =	sand.u32 $0x4000, s31;
	s1 =	sadd.s32 s1, s30  }
0xbb: {  	s0 =	sor.u32 s3, s0;
	s1 =	sshll.u32 s1, $0x11  }
0xbc: {  	s0 =	sor.u32 s1, s0  }
0xbd: {  	s0 =	sadd.s32 $0x8F2B, s0  }
0xbe: {  	[sflag:s0] =	ssyncadd.remote.s32 $0x1  }
0xbf: {  	_ =	sfence.sel $0xFFFF  }
0xc0: {  	[dreg:$0x0] =	wrdreg $0xFFFFFFFF;
	(pc) =	sbr.abs _section_cstart, $3  }
0xc1: {  	[dreg:$0x1] =	wrdreg $0xFFFFFFFF  }
0xc2: {  	_ =	task.clear_ibuf [dreg:s6], $0x2FFFF;
	_ =	strace $0x9FFFFFFF  }
0xc3: {  	(tm) =	ssettm $0x7FFFFFFF  }
tec
execute0_lowered:
.L_overlay_start_1:
0x0: {  	(tag) =	ssettag $0x1  }
0x1: {  	s0 =	rddreg [dreg:$0x0]  }
0x2: {  	s2 =	rddreg [dreg:$0x1]  }
0x3: {  	s3 =	rddreg [dreg:$0x2];
	s4 =	simm.s32 $0x0  }
0x4: {  	s16 =	stileid.u32;
	s5 =	srdreg.scid;
	s14 =	simm.s32 $0xD  }
0x5: {  	s17 =	simm.s32 $0x80;
	s18 =	simm.s32 $0x4F00;
	s19 =	simm.s32 $0x5F00  }
0x6: {  	s29 =	simm.s32 $0x9F00;
	s30 =	simm.s32 $0x2;
	s31 =	simm.s32 $0x4  }
0x7: {  	s20 =	simm.s32 $0x5;
	s28 =	simm.s32 $0xA;
	s15 =	simm.s32 $0x2780  }
0x8: {  	[smem:$0x7FF] =	sst s4;
	s1 =	smul.u32 $0x7D00, s16;
	s5 =	sand.u32 $0x1, s5  }
0x9: {  	s7 =	smul.u32 $0x5000, s16;
	s9 =	sshll.u32 s16, $0x1;
	s10 =	sadd.s32 $0x1A00, s0  }
0xa: {  	s11 =	sadd.s32 $0xB800, s0;
	p0 =	sgt.u32 s16, $0x9;
	p1 =	sgt.u32 s16, $0x1  }
0xb: {  	_ =	strace $0x8000004A;
	s8 =	smul.u32 $0x50000, s5;
	s9 =	sor.u32 s5, s9  }
0xc: {  	s5 =	ssub.s32 $0x2, s5;
	s6 =	sshrl.u32 s1, $0x3;
	s12 =	smul.u32 $0x4E, s9  }
0xd: {  	s13 =	sshrl.u32 s5, $0x1;
	s9 =	smin.u32 s9, $0x4;
	s1 =	sadd.s32 s1, s3  }
0xe: {  	s6 =	sadd.s32 s6, s0;
	s8 =	sadd.s32 s7, s8;
	s21 =	ssub.s32 s5, s13  }
0xf: {  	s5 =	sadd.s32 s7, s2;
	s13 =	simm.s32 $0xAF00;
	s8 =	sshrl.u32 s8, $0x3  }
0x10: {  	s9 =	sadd.s32 s9, s12;
	s6 =	sadd.s32 $0x8C800, s6;
	s26 =	smax.u32 s21, $0x1  }
0x11: {  	s21 =	simm.s32 $0x6F00;
	s0 =	sadd.s32 s8, s0;
	[dreg:$0x4] =	wrdreg s6  }
0x12: {  	s22 =	sshll.u32 s9, $0x4;
	[dreg:$0xa] =	wrdreg s26;
	s26 =	simm.s32 $0x1  }
0x13: {  	s8 =	simm.s32 $0xC;
	s9 =	simm.s32 $0x0;
	s23 =	sadd.s32 s10, s22  }
0x14: {  	s24 =	sadd.s32 $0x4E0, s22;
	s7 =	sadd.s32 s11, s22;
	[dreg:$0x5] =	wrdreg s23  }
0x15: {  	s0 =	sadd.s32 $0x96600, s0;
	s22 =	simm.s32 $0x3;
	[dreg:$0x6] =	wrdreg s7  }
.Ltmp0:
0x16: {  	s25 =	sadd.s32 s10, s24;
	[dreg:$0x9] =	wrdreg s0;
	(pc) =	sbr.rel .LBB2_1-.Ltmp0, $4  }
0x17: {  	s6 =	sadd.s32 s11, s24;
	s0 =	sshrl.u32 @!p0 s1, $0x3;
	[dreg:$0x7] =	wrdreg s25  }
0x18: {  	s23 =	simm.s32 $0x7F00;
	s1 =	simm.s32 $0x8;
	[dreg:$0x8] =	wrdreg s6  }
0x19: {  	s24 =	simm.s32 $0x9;
	s7 =	simm.s32 $0xB;
	[dreg:$0xb] =	wrdreg s0  }
0x1a: {  	v0 =	vimm.f32 $0.0e+00;
	s25 =	simm.s32 $0x8F00;
	s0 =	simm.s32 $0x7;
	s6 =	simm.s32 $0x6  }
.LBB2_6:
0x1b: {  	_ =	swait.ge [sflag:s22], $0x1000  }
0x1c: {  	[sflag:s22] =	ssyncset.done $0x0  }
0x1d: {  	[sflag:s22] =	ssyncadd.s32 $0xFFFFF000  }
0x1e: {  	[spmem:s2] =	stream.indirect.scatter.add.f32 [tilespmem:s21], [sflag:$0x9], $0x20, s12, s17, $0xb8;
	[tilespmem:$0x19D20] =	vst v63  }
0x1f: {  	_ =	swait.ge [sflag:s31], $0x1000  }
0x20: {  	[sflag:s31] =	ssyncset.done $0x0  }
0x21: {  	s10 =	sadd.s32 $0x2C00, s11;
	[sflag:s31] =	ssyncadd.s32 $0xFFFFF000  }
0x22: {  	[spmem:s2] =	stream.indirect.scatter.add.f32 [tilespmem:s23], [sflag:$0xA], $0x20, s10, s17, $0xb8;
	[tilespmem:$0x19D20] =	vst v63  }
0x23: {  	_ =	swait.ge [sflag:s20], $0x1000  }
0x24: {  	[sflag:s20] =	ssyncset.done $0x0  }
0x25: {  	s16 =	sadd.s32 $0x2C80, s11;
	[sflag:s20] =	ssyncadd.s32 $0xFFFFF000  }
0x26: {  	[spmem:s2] =	stream.indirect.scatter.add.f32 [tilespmem:s25], [sflag:$0xB], $0x20, s16, s17, $0xb8;
	[tilespmem:$0x19D20] =	vst v63  }
0x27: {  	_ =	swait.ge [sflag:s6], $0x1000  }
0x28: {  	[sflag:s6] =	ssyncset.done $0x0  }
0x29: {  	s11 =	sadd.s32 $0x2D00, s11;
	[sflag:s6] =	ssyncadd.s32 $0xFFFFF000  }
0x2a: {  	[spmem:s2] =	stream.indirect.scatter.add.f32 [tilespmem:s29], [sflag:$0xC], $0x20, s11, s17, $0xb8;
	[tilespmem:$0x19D20] =	vst v63  }
0x2b: {  	_ =	swait.ge [sflag:s0], $0x1000  }
0x2c: {  	[sflag:s0] =	ssyncset.done $0x0  }
0x2d: {  	[sflag:s0] =	ssyncadd.s32 $0xFFFFF000  }
0x2e: {  	_ =	swait.ge [sflag:s1], $0x1000  }
0x2f: {  	[sflag:s1] =	ssyncset.done $0x0  }
0x30: {  	[sflag:s1] =	ssyncadd.s32 $0xFFFFF000  }
0x31: {  	_ =	swait.ge [sflag:s24], $0x1000  }
0x32: {  	[sflag:s24] =	ssyncset.done $0x0  }
0x33: {  	[sflag:s24] =	ssyncadd.s32 $0xFFFFF000  }
0x34: {  	_ =	swait.ge [sflag:s28], $0x1000  }
0x35: {  	[sflag:s28] =	ssyncset.done $0x0  }
0x36: {  	[sflag:s28] =	ssyncadd.s32 $0xFFFFF000  }
0x37: {  	_ =	swait.ge [sflag:s7], $0x1000  }
0x38: {  	[sflag:s7] =	ssyncset.done $0x0  }
0x39: {  	[sflag:s7] =	ssyncadd.s32 $0xFFFFF000  }
0x3a: {  	_ =	swait.ge [sflag:s8], $0x1000  }
0x3b: {  	s12 =	simm.s32 @!p1 $0x4F00;
	[sflag:s8] =	ssyncset.done $0x0  }
0x3c: {  	s10 =	simm.s32 @!p1 $0x80;
	s11 =	simm.s32 @!p1 $0x2700;
	[sflag:s8] =	ssyncadd.s32 $0xFFFFF000  }
0x3d: {  	[tilespmem:s12], [sflag:$0x1] =	stream.indirect.gather @!p1 [spmem:s3], $0x20, s11, s10, $0xb8;
	[tilespmem:$0x19D20] =	vst v63  }
0x3e: {  	s11 =	simm.s32 @!p1 $0x1  }
0x3f: {  	_ =	swait.ge @!p1 [sflag:s11], $0x1000  }
0x40: {  	[sflag:s11] =	ssyncset.done @!p1 $0x0  }
0x41: {  	[sflag:s11] =	ssyncadd.s32 @!p1 $0xFFFFF000;
	s11 =	simm.s32 @!p1 $0x4E80  }
0x42: {  	[spmem:s2] =	stream.indirect.scatter.add.f32 @!p1 [tilespmem:s12], [sflag:$0x7], $0x20, s11, s10, $0xb8;
	[tilespmem:$0x19D20] =	vst v63  }
0x43: {  	s10 =	simm.s32 @!p1 $0x7  }
0x44: {  	_ =	swait.ge @!p1 [sflag:s10], $0x1000  }
0x45: {  	[sflag:s10] =	ssyncset.done @!p1 $0x0  }
0x46: {  	[sflag:s10] =	ssyncadd.s32 @!p1 $0xFFFFF000  }
0x47: {  	[bflag:$0x0] =	sbarrier.arrive $0xFFFF  }
0x48: {  	[tilespmem:s13], [sflag:$0xD] =	stream.linear.gather [spmem:s5], $0x5000, $0x38;
	[tilespmem:$0x19D20] =	vst v63  }
0x49: {  	_ =	swait.ge [sflag:s14], $0x5000  }
0x4a: {  	[sflag:s14] =	ssyncset.done $0x0  }
0x4b: {  	s12 =	rddreg [dreg:$0x9];
	[sflag:s14] =	ssyncadd.s32 $0xFFFFB000  }
0x4c: {  	[hbm4b:s12+s4] =	stream.linear.scatter [tilespmem:s13], [sflag:$0xD], $0x5000, $0x38;
	[tilespmem:$0x19D20] =	vst v63  }
0x4d: {  	_ =	swait.ge [sflag:s14], $0x5000  }
0x4e: {  	s9 =	sadd.s32 $0x1, s9;
	s16 =	rddreg [dreg:$0xa]  }
0x4f: {  	p2 =	sne.s32 s9, s16  }
.Ltmp1:
0x50: {  	_ = 	snop;
	(pc) =	sbr.rel @!p2 .LBB2_7-.Ltmp1, $3  }
0x51: {  	_ =	sdelay $0x1  }
0x52: {  	[sflag:s14] =	ssyncset.done $0x0  }
0x53: {  	[sflag:s14] =	ssyncadd.s32 $0xFFFFB000  }
.LBB2_1:
0x54: {  	s10 =	simm.s32 $0x80;
	s11 =	simm.s32 $0x0  }
.LBB2_2:
0x55: {  	p2 =	sne.s32 s10, $0x13F80;
	[tilespmem:s11+$0xAF00] =	vst v0;
	s12 =	smov.u32 s10;
	s10 =	sadd.s32 $0x80, s10  }
.Ltmp2:
0x56: {  	[tilespmem:s11+$0xAF10] =	vst v0;
	(pc) =	sbr.rel @p2 .LBB2_2-.Ltmp2, $2  }
0x57: {  	_ =	sdelay $0x2  }
0x58: {  	s11 =	sshra.s32 s12, $0x2  }
0x59: {  	[tilespmem:s11+$0xAF00] =	vst v0  }
0x5a: {  	[tilespmem:s11+$0xAF10] =	vst v0  }
0x5b: {  	[spmem:s5] =	stream.linear.scatter [tilespmem:s13], [sflag:$0xD], $0x5000, $0x38;
	[tilespmem:$0x19D20] =	vst v63  }
0x5c: {  	s10 =	stileid.u32;
	_ =	swait.ge [sflag:s14], $0x5000  }
0x5d: {  	s10 =	sshll.u32 @!p0 s10, $0x6;
	[sflag:s14] =	ssyncset.done $0x0;
	s11 =	rddreg [dreg:$0x4]  }
0x5e: {  	s10 =	sor.u32 @!p0 $0x1C0D, s10;
	s12 =	rddreg [dreg:$0xb];
	[sflag:s14] =	ssyncadd.s32 $0xFFFFB000  }
0x5f: {  	[spmem:s12], [sflag:s10] =	dma.local @!p0 [hbm:s11], $0xFA0  }
0x60: {  	s10 =	simm.s32 @!p0 $0xD  }
0x61: {  	_ =	swait.ge @!p0 [sflag:s10], $0xFA0  }
0x62: {  	[sflag:s10] =	ssyncset.done @!p0 $0x0  }
0x63: {  	[sflag:s10] =	ssyncadd.s32 @!p0 $0xFFFFF060  }
0x64: {  	[bflag:$0x0] =	sbarrier.arrive $0xFFFF  }
0x65: {  	s16 =	rddreg [dreg:$0x5]  }
0x66: {  	[tilespmem:s4], [sflag:$0xD] =	stream.linear.gather [hbm4b:s16+s4], $0x2700, $0x38;
	[tilespmem:$0x19D20] =	vst v63  }
0x67: {  	_ =	swait.ge [sflag:s14], $0x2700  }
0x68: {  	[sflag:s14] =	ssyncset.done $0x0  }
0x69: {  	s11 =	rddreg [dreg:$0x6];
	[sflag:s14] =	ssyncadd.s32 $0xFFFFD900  }
0x6a: {  	[tilespmem:s15], [sflag:$0xD] =	stream.linear.gather [hbm4b:s11+s4], $0x2700, $0x38;
	[tilespmem:$0x19D20] =	vst v63  }
0x6b: {  	_ =	swait.ge [sflag:s14], $0x2700  }
0x6c: {  	s10 =	simm.s32 @!p1 $0x0;
	[sflag:s14] =	ssyncset.done $0x0  }
0x6d: {  	s11 =	simm.s32 @!p1 $0x2700;
	s12 =	rddreg [dreg:$0x7];
	[sflag:s14] =	ssyncadd.s32 $0xFFFFD900  }
0x6e: {  	[tilespmem:s11], [sflag:$0xD] =	stream.linear.gather @!p1 [hbm4b:s12+s10], $0x80, $0x38;
	[tilespmem:$0x19D20] =	vst v63  }
0x6f: {  	s11 =	simm.s32 @!p1 $0xD  }
0x70: {  	_ =	swait.ge @!p1 [sflag:s11], $0x80  }
0x71: {  	[sflag:s11] =	ssyncset.done @!p1 $0x0  }
0x72: {  	s12 =	simm.s32 @!p1 $0x4E80;
	s16 =	rddreg [dreg:$0x8];
	[sflag:s11] =	ssyncadd.s32 @!p1 $0xFFFFFF80  }
0x73: {  	[tilespmem:s12], [sflag:$0xD] =	stream.linear.gather @!p1 [hbm4b:s16+s10], $0x80, $0x38;
	[tilespmem:$0x19D20] =	vst v63  }
0x74: {  	_ =	swait.ge @!p1 [sflag:s11], $0x80  }
0x75: {  	[sflag:s11] =	ssyncset.done @!p1 $0x0  }
0x76: {  	s10 =	simm.s32 $0x0;
	[sflag:s11] =	ssyncadd.s32 @!p1 $0xFFFFFF80  }
0x77: {  	[tilespmem:s18], [sflag:$0x1] =	stream.indirect.gather [spmem:s3], $0x20, s10, s17, $0xb8;
	[tilespmem:$0x19D20] =	vst v63  }
0x78: {  	_ = 	snop  }
0x79: {  	[tilespmem:s19], [sflag:$0x2] =	stream.indirect.gather [spmem:s3], $0x20, s17, s17, $0xb8;
	[tilespmem:$0x19D20] =	vst v63  }
0x7a: {  	s12 =	simm.s32 $0x100  }
0x7b: {  	[tilespmem:s21], [sflag:$0x3] =	stream.indirect.gather [spmem:s3], $0x20, s12, s17, $0xb8;
	[tilespmem:$0x19D20] =	vst v63  }
0x7c: {  	s16 =	simm.s32 $0x180  }
0x7d: {  	[tilespmem:s23], [sflag:$0x4] =	stream.indirect.gather [spmem:s3], $0x20, s16, s17, $0xb8;
	[tilespmem:$0x19D20] =	vst v63  }
0x7e: {  	s12 =	simm.s32 $0x200  }
0x7f: {  	[tilespmem:s25], [sflag:$0x5] =	stream.indirect.gather [spmem:s3], $0x20, s12, s17, $0xb8;
	[tilespmem:$0x19D20] =	vst v63  }
0x80: {  	_ =	swait.ge [sflag:s26], $0x1000  }
0x81: {  	[sflag:s26] =	ssyncset.done $0x0  }
0x82: {  	[sflag:s26] =	ssyncadd.s32 $0xFFFFF000  }
0x83: {  	[spmem:s2] =	stream.indirect.scatter.add.f32 [tilespmem:s18], [sflag:$0x7], $0x20, s15, s17, $0xb8;
	[tilespmem:$0x19D20] =	vst v63  }
0x84: {  	s16 =	simm.s32 $0x280  }
0x85: {  	[tilespmem:s29], [sflag:$0x6] =	stream.indirect.gather [spmem:s3], $0x20, s16, s17, $0xb8;
	[tilespmem:$0x19D20] =	vst v63  }
0x86: {  	_ =	swait.ge [sflag:s30], $0x1000  }
0x87: {  	[sflag:s30] =	ssyncset.done $0x0  }
0x88: {  	s12 =	simm.s32 $0x2800;
	[sflag:s30] =	ssyncadd.s32 $0xFFFFF000  }
0x89: {  	[spmem:s2] =	stream.indirect.scatter.add.f32 [tilespmem:s19], [sflag:$0x8], $0x20, s12, s17, $0xb8;
	[tilespmem:$0x19D20] =	vst v63  }
0x8a: {  	_ =	swait.ge [sflag:s0], $0x1000  }
0x8b: {  	[sflag:s0] =	ssyncset.done $0x0  }
0x8c: {  	s16 =	simm.s32 $0x300;
	[sflag:s0] =	ssyncadd.s32 $0xFFFFF000  }
0x8d: {  	[tilespmem:s18], [sflag:$0x1] =	stream.indirect.gather [spmem:s3], $0x20, s16, s17, $0xb8;
	[tilespmem:$0x19D20] =	vst v63  }
0x8e: {  	_ =	swait.ge [sflag:s22], $0x1000  }
0x8f: {  	[sflag:s22] =	ssyncset.done $0x0  }
0x90: {  	s12 =	simm.s32 $0x2880;
	[sflag:s22] =	ssyncadd.s32 $0xFFFFF000  }
0x91: {  	[spmem:s2] =	stream.indirect.scatter.add.f32 [tilespmem:s21], [sflag:$0x9], $0x20, s12, s17, $0xb8;
	[tilespmem:$0x19D20] =	vst v63  }
0x92: {  	_ =	swait.ge [sflag:s1], $0x1000  }
0x93: {  	[sflag:s1] =	ssyncset.done $0x0  }
0x94: {  	s16 =	simm.s32 $0x380;
	[sflag:s1] =	ssyncadd.s32 $0xFFFFF000  }
0x95: {  	[tilespmem:s19], [sflag:$0x2] =	stream.indirect.gather [spmem:s3], $0x20, s16, s17, $0xb8;
	[tilespmem:$0x19D20] =	vst v63  }
0x96: {  	_ =	swait.ge [sflag:s31], $0x1000  }
0x97: {  	[sflag:s31] =	ssyncset.done $0x0  }
0x98: {  	s12 =	simm.s32 $0x2900;
	[sflag:s31] =	ssyncadd.s32 $0xFFFFF000  }
0x99: {  	[spmem:s2] =	stream.indirect.scatter.add.f32 [tilespmem:s23], [sflag:$0xA], $0x20, s12, s17, $0xb8;
	[tilespmem:$0x19D20] =	vst v63  }
0x9a: {  	_ =	swait.ge [sflag:s24], $0x1000  }
0x9b: {  	[sflag:s24] =	ssyncset.done $0x0  }
0x9c: {  	s16 =	simm.s32 $0x400;
	[sflag:s24] =	ssyncadd.s32 $0xFFFFF000  }
0x9d: {  	[tilespmem:s21], [sflag:$0x3] =	stream.indirect.gather [spmem:s3], $0x20, s16, s17, $0xb8;
	[tilespmem:$0x19D20] =	vst v63  }
0x9e: {  	_ =	swait.ge [sflag:s20], $0x1000  }
0x9f: {  	[sflag:s20] =	ssyncset.done $0x0  }
0xa0: {  	s12 =	simm.s32 $0x2980;
	[sflag:s20] =	ssyncadd.s32 $0xFFFFF000  }
0xa1: {  	[spmem:s2] =	stream.indirect.scatter.add.f32 [tilespmem:s25], [sflag:$0xB], $0x20, s12, s17, $0xb8;
	[tilespmem:$0x19D20] =	vst v63  }
0xa2: {  	_ =	swait.ge [sflag:s28], $0x1000  }
0xa3: {  	[sflag:s28] =	ssyncset.done $0x0  }
0xa4: {  	s16 =	simm.s32 $0x480;
	[sflag:s28] =	ssyncadd.s32 $0xFFFFF000  }
0xa5: {  	[tilespmem:s23], [sflag:$0x4] =	stream.indirect.gather [spmem:s3], $0x20, s16, s17, $0xb8;
	[tilespmem:$0x19D20] =	vst v63  }
0xa6: {  	_ =	swait.ge [sflag:s6], $0x1000  }
0xa7: {  	[sflag:s6] =	ssyncset.done $0x0  }
0xa8: {  	s12 =	simm.s32 $0x2A00;
	[sflag:s6] =	ssyncadd.s32 $0xFFFFF000  }
0xa9: {  	[spmem:s2] =	stream.indirect.scatter.add.f32 [tilespmem:s29], [sflag:$0xC], $0x20, s12, s17, $0xb8;
	[tilespmem:$0x19D20] =	vst v63  }
0xaa: {  	_ =	swait.ge [sflag:s7], $0x1000  }
0xab: {  	[sflag:s7] =	ssyncset.done $0x0  }
0xac: {  	s16 =	simm.s32 $0x500;
	[sflag:s7] =	ssyncadd.s32 $0xFFFFF000  }
0xad: {  	[tilespmem:s25], [sflag:$0x5] =	stream.indirect.gather [spmem:s3], $0x20, s16, s17, $0xb8;
	[tilespmem:$0x19D20] =	vst v63  }
.LBB2_4:
0xae: {  	_ =	swait.ge [sflag:s26], $0x1000  }
0xaf: {  	s11 =	sshra.s32 s10, $0x2;
	[sflag:s26] =	ssyncset.done $0x0  }
0xb0: {  	s12 =	sadd.s32 $0x2A80, s11;
	[sflag:s26] =	ssyncadd.s32 $0xFFFFF000  }
0xb1: {  	[spmem:s2] =	stream.indirect.scatter.add.f32 [tilespmem:s18], [sflag:$0x7], $0x20, s12, s17, $0xb8;
	[tilespmem:$0x19D20] =	vst v63  }
0xb2: {  	_ =	swait.ge [sflag:s8], $0x1000  }
0xb3: {  	[sflag:s8] =	ssyncset.done $0x0  }
0xb4: {  	p2 =	seq.s32 s10, $0x8400;
	s16 =	sadd.s32 $0x580, s11;
	[sflag:s8] =	ssyncadd.s32 $0xFFFFF000  }
0xb5: {  	[tilespmem:s29], [sflag:$0x6] =	stream.indirect.gather [spmem:s3], $0x20, s16, s17, $0xb8;
	[tilespmem:$0x19D20] =	vst v63  }
.Ltmp3:
0xb6: {  	_ = 	snop;
	(pc) =	sbr.rel @p2 .LBB2_6-.Ltmp3, $4  }
0xb7: {  	_ =	swait.ge [sflag:s30], $0x1000  }
0xb8: {  	[sflag:s30] =	ssyncset.done $0x0  }
0xb9: {  	s12 =	sadd.s32 $0x2B80, s11;
	s16 =	sadd.s32 $0x2B00, s11;
	[sflag:s30] =	ssyncadd.s32 $0xFFFFF000  }
0xba: {  	[spmem:s2] =	stream.indirect.scatter.add.f32 [tilespmem:s19], [sflag:$0x8], $0x20, s16, s17, $0xb8;
	[tilespmem:$0x19D20] =	vst v63  }
0xbb: {  	_ =	swait.ge [sflag:s0], $0x1000  }
0xbc: {  	[sflag:s0] =	ssyncset.done $0x0  }
0xbd: {  	s16 =	sadd.s32 $0x600, s11;
	[sflag:s0] =	ssyncadd.s32 $0xFFFFF000  }
0xbe: {  	[tilespmem:s18], [sflag:$0x1] =	stream.indirect.gather [spmem:s3], $0x20, s16, s17, $0xb8;
	[tilespmem:$0x19D20] =	vst v63  }
0xbf: {  	_ =	swait.ge [sflag:s22], $0x1000  }
0xc0: {  	[sflag:s22] =	ssyncset.done $0x0  }
0xc1: {  	[sflag:s22] =	ssyncadd.s32 $0xFFFFF000  }
0xc2: {  	[spmem:s2] =	stream.indirect.scatter.add.f32 [tilespmem:s21], [sflag:$0x9], $0x20, s12, s17, $0xb8;
	[tilespmem:$0x19D20] =	vst v63  }
0xc3: {  	_ =	swait.ge [sflag:s1], $0x1000  }
0xc4: {  	[sflag:s1] =	ssyncset.done $0x0  }
0xc5: {  	s16 =	sadd.s32 $0x680, s11;
	[sflag:s1] =	ssyncadd.s32 $0xFFFFF000  }
0xc6: {  	[tilespmem:s19], [sflag:$0x2] =	stream.indirect.gather [spmem:s3], $0x20, s16, s17, $0xb8;
	[tilespmem:$0x19D20] =	vst v63  }
0xc7: {  	_ =	swait.ge [sflag:s31], $0x1000  }
0xc8: {  	[sflag:s31] =	ssyncset.done $0x0  }
0xc9: {  	s16 =	sadd.s32 $0x2C00, s11;
	[sflag:s31] =	ssyncadd.s32 $0xFFFFF000  }
0xca: {  	[spmem:s2] =	stream.indirect.scatter.add.f32 [tilespmem:s23], [sflag:$0xA], $0x20, s16, s17, $0xb8;
	[tilespmem:$0x19D20] =	vst v63  }
0xcb: {  	_ =	swait.ge [sflag:s24], $0x1000  }
0xcc: {  	[sflag:s24] =	ssyncset.done $0x0  }
0xcd: {  	s16 =	sadd.s32 $0x700, s11;
	[sflag:s24] =	ssyncadd.s32 $0xFFFFF000  }
0xce: {  	[tilespmem:s21], [sflag:$0x3] =	stream.indirect.gather [spmem:s3], $0x20, s16, s17, $0xb8;
	[tilespmem:$0x19D20] =	vst v63  }
0xcf: {  	_ =	swait.ge [sflag:s20], $0x1000  }
0xd0: {  	[sflag:s20] =	ssyncset.done $0x0  }
0xd1: {  	s16 =	sadd.s32 $0x2C80, s11;
	[sflag:s20] =	ssyncadd.s32 $0xFFFFF000  }
0xd2: {  	[spmem:s2] =	stream.indirect.scatter.add.f32 [tilespmem:s25], [sflag:$0xB], $0x20, s16, s17, $0xb8;
	[tilespmem:$0x19D20] =	vst v63  }
0xd3: {  	_ =	swait.ge [sflag:s28], $0x1000  }
0xd4: {  	[sflag:s28] =	ssyncset.done $0x0  }
0xd5: {  	s16 =	sadd.s32 $0x780, s11;
	[sflag:s28] =	ssyncadd.s32 $0xFFFFF000  }
0xd6: {  	[tilespmem:s23], [sflag:$0x4] =	stream.indirect.gather [spmem:s3], $0x20, s16, s17, $0xb8;
	[tilespmem:$0x19D20] =	vst v63  }
0xd7: {  	_ =	swait.ge [sflag:s6], $0x1000  }
0xd8: {  	[sflag:s6] =	ssyncset.done $0x0  }
0xd9: {  	s16 =	sadd.s32 $0x2D00, s11;
	[sflag:s6] =	ssyncadd.s32 $0xFFFFF000  }
0xda: {  	[spmem:s2] =	stream.indirect.scatter.add.f32 [tilespmem:s29], [sflag:$0xC], $0x20, s16, s17, $0xb8;
	[tilespmem:$0x19D20] =	vst v63  }
.Ltmp4:
0xdb: {  	_ = 	snop;
	(pc) =	sbr.rel .LBB2_4-.Ltmp4, $4  }
0xdc: {  	_ =	swait.ge [sflag:s7], $0x1000  }
0xdd: {  	[sflag:s7] =	ssyncset.done $0x0  }
0xde: {  	s10 =	sadd.s32 $0xC00, s10;
	s16 =	sadd.s32 $0x800, s11;
	[sflag:s7] =	ssyncadd.s32 $0xFFFFF000  }
0xdf: {  	[tilespmem:s25], [sflag:$0x5] =	stream.indirect.gather [spmem:s3], $0x20, s16, s17, $0xb8;
	[tilespmem:$0x19D20] =	vst v63  }
.LBB2_7:
0xe0: {  	_ =	sfence.sel $0x180000  }
0xe1: {  	[bflag:$0x0] =	sbarrier.arrive $0xFFFF  }
0xe2: {  	_ =	strace $0x9000004A  }
0xe3: {  	s0 =	stileid.u32;
	[bflag:$0x2] =	sbarrier.arrive $0xFFFF  }
0xe4: {  	p0 =	sne.s32 s0, $0x0;
	s0 =	rddreg [dreg:$0x3]  }
0xe5: {  	s0 =	sadd.s32 @!p0 $0x100000, s0  }
0xe6: {  	[sflag:s0] =	ssyncadd.tile.s32 @!p0 $0x1;
	_ =	shalt  }
.Lfunc_end2:
_tile_overlayer_lowered:
.L_overlay_start_2:
0xe7: {  	(tag) =	ssettag $0x2  }
0xe8: {  	s0 =	rddreg [dreg:$0x0];
	s2 =	stileid.u32  }
0xe9: {  	s1 =	rddreg [dreg:$0x1];
	p0 =	sne.s32 s2, $0x0  }
0xea: {  	s3 =	rddreg [dreg:$0x2];
	[bflag:$0x3] =	sbarrier.arrive $0xFFFF;
	s2 =	simm.s32 @!p0 $0x1C0D  }
0xeb: {  	[timem:s3], [sflag:s2] =	dma.local @!p0 [hbm:s0], s1  }
0xec: {  	s0 =	simm.s32 @!p0 $0xD  }
0xed: {  	_ =	swait.ge @!p0 [sflag:s0], s1  }
0xee: {  	s1 =	ssub.s32 @!p0 $0x0, s1;
	[sflag:s0] =	ssyncset.done @!p0 $0x0  }
0xef: {  	[sflag:s0] =	ssyncadd.s32 @!p0 s1  }
0xf0: {  	[bflag:$0x3] =	sbarrier.arrive $0xFFFF  }
0xf1: {  	_ =	shalt  }

// kernel: kernel.14.cloned.1.call-start
scs
__scs_entry_jumppad:
0x0: {  	(pc) =	sbr.rel $0x88, $3  }
0x1: {  	(tag) =	ssettag $0x0;
	lr =	simm.s32 $0x1  }
0x2: {  	[smem:$0x3F9B] =	sst lr;
	_ =	strace $0xD0000000  }
0x3: {  	_ = 	snop  }
0x4: {  	_ = 	snop  }
0x5: {  	_ = 	snop  }
0x6: {  	_ = 	snop  }
0x7: {  	_ = 	snop  }
__scs_overlays_trampoline_lowered:
0x8: {  	[smem:$0x3FAA] =	sst s0  }
0x9: {  	[smem:$0x3FAB] =	sst s1  }
0xa: {  	[smem:$0x3FAC] =	sst s2  }
0xb: {  	[smem:$0x3FAD] =	sst s3  }
0xc: {  	[smem:$0x3FAE] =	sst s4  }
0xd: {  	[smem:$0x3FAF] =	sst s5  }
0xe: {  	[smem:$0x3FB0] =	sst s6  }
0xf: {  	[smem:$0x3FB1] =	sst s7  }
0x10: {  	[smem:$0x3FB2] =	sst s8  }
0x11: {  	[smem:$0x3FB3] =	sst s9;
	s0 =	simm.s32 @!p0 $0x0  }
0x12: {  	s1 =	sld [smem:$0x3F99];
	s0 =	simm.s32 @p0 $0x1  }
0x13: {  	[smem:$0x3FB4] =	sst s0;
	s0 =	simm.s32 @!p1 $0x0  }
0x14: {  	s2 =	sld [smem:$0x3F98];
	s0 =	simm.s32 @p1 $0x1  }
0x15: {  	[smem:$0x3FB5] =	sst s0;
	s0 =	simm.s32 @!p2 $0x0  }
0x16: {  	s3 =	sld [smem:$0x3FDB];
	s0 =	simm.s32 @p2 $0x1  }
0x17: {  	s4 =	simm.s32 $0x1BF5;
	[smem:$0x3FB7] =	sst s0  }
0x18: {  	s0 =	sld [smem:$0x3F9A];
	_ =	swait.ge [sflag:s4], $0x0  }
0x19: {  	s7 =	sld [smem:$0x3F9B]  }
0x1a: {  	s8 =	sadd.s32 $0xFFFFE003, lr  }
0x1b: {  	s9 =	sadd.s32 $0xFFFFFEF7, lr;
	s5 =	simm.s32 $0xFFFFFFFF;
	p2 =	slt.u32 s8, $0xFFFFF086  }
0x1c: {  	p1 =	slt.u32 s9, $0xF7A;
	s5 =	simm.s32 @!p2 $0x0  }
0x1d: {  	s5 =	simm.s32 @p1 $0x1;
	p0 =	seq.s32 s7, s2  }
0x1e: {  	s7 =	smul.u32 @!p0 $0xF7A, s2;
	p2 =	seq.s32 @!p0 s5, $0x0  }
0x1f: {  	s9 =	smul.u32 $0xF7A, s1;
	s8 =	simm.s32 @!p0 $0x1BF5;
	p2 =	por !p2, p0  }
0x20: {  	[sflag:s8] =	ssyncset.s32 @!p0 $0xFFFFF086;
	s6 =	sadd.s32 @!p0 s3, s7;
	s7 =	simm.s32 @!p0 $0x108  }
0x21: {  	s3 =	sadd.s32 s3, s9;
	s6 =	sadd.s32 @!p0 $0x88, s6;
	s7 =	simm.s32 @p2 $0x1082  }
0x22: {  	[simem:s7], [sflag:s8] =	dma.local @!p0 [hbm:s6], $0xF7A  }
0x23: {  	s9 =	sor.u32 $0xD0000000, s2;
	s6 =	simm.s32 $0x108;
	_ =	swait.ge @!p0 [sflag:s8], $0x0  }
0x24: {  	s3 =	sadd.s32 $0x88, s3;
	s6 =	simm.s32 @!p1 $0x1082;
	[sflag:s4] =	ssyncset.s32 $0xFFFFF086  }
0x25: {  	[simem:s6], [sflag:s4] =	dma.local [hbm:s3], $0xF7A  }
0x26: {  	[smem:$0x3F9B] =	sst s1;
	(tag) =	ssettag s2;
	_ =	strace s9  }
0x27: {  	s1 =	sld [smem:$0x3FAB]  }
0x28: {  	s2 =	sld [smem:$0x3FAC]  }
0x29: {  	s4 =	sld [smem:$0x3FAE]  }
0x2a: {  	p0 =	seq.s32 s5, $0x0;
	s5 =	sld [smem:$0x3FAF]  }
0x2b: {  	s6 =	sld [smem:$0x3FB0]  }
0x2c: {  	s7 =	sld [smem:$0x3FB1]  }
0x2d: {  	s3 =	simm.s32 $0x108;
	s8 =	sld [smem:$0x3FB2]  }
0x2e: {  	s3 =	simm.s32 @!p0 $0x1082;
	s9 =	sld [smem:$0x3FB3]  }
0x2f: {  	lr =	sadd.s32 s0, s3;
	s0 =	sld [smem:$0x3FAA]  }
0x30: {  	s3 =	sld [smem:$0x3FAD]  }
0x31: {  	[smem:$0x3FB6] =	sst s10  }
0x32: {  	s10 =	sld [smem:$0x3FB4];
	_ =	sdelay $0x3  }
0x33: {  	p0 =	seq.s32 s10, $0x1;
	s10 =	sld [smem:$0x3FB6];
	_ =	sdelay $0x3  }
0x34: {  	[smem:$0x3FB6] =	sst s10  }
0x35: {  	s10 =	sld [smem:$0x3FB5];
	_ =	sdelay $0x3  }
0x36: {  	p1 =	seq.s32 s10, $0x1;
	s10 =	sld [smem:$0x3FB6];
	_ =	sdelay $0x3  }
0x37: {  	[smem:$0x3FB6] =	sst s10  }
0x38: {  	s10 =	sld [smem:$0x3FB7]  }
0x39: {  	_ = 	snop;
	(pc) =	sbr.ind lr, $3  }
0x3a: {  	_ = 	snop  }
0x3b: {  	_ = 	snop  }
0x3c: {  	p2 =	seq.s32 s10, $0x1;
	s10 =	sld [smem:$0x3FB6]  }
0x3d: {  	_ =	shalt  }
0x3e: {  	_ =	shalt  }
0x3f: {  	_ =	shalt  }
0x40: {  	_ =	shalt  }
0x41: {  	_ =	shalt  }
0x42: {  	_ =	shalt  }
0x43: {  	_ =	shalt  }
0x44: {  	_ =	shalt  }
0x45: {  	_ =	shalt  }
0x46: {  	_ =	shalt  }
0x47: {  	_ =	shalt  }
0x48: {  	_ =	shalt  }
0x49: {  	_ =	shalt  }
0x4a: {  	_ =	shalt  }
0x4b: {  	_ =	shalt  }
0x4c: {  	_ =	shalt  }
0x4d: {  	_ =	shalt  }
0x4e: {  	_ =	shalt  }
0x4f: {  	_ =	shalt  }
0x50: {  	_ =	shalt  }
0x51: {  	_ =	shalt  }
0x52: {  	_ =	shalt  }
0x53: {  	_ =	shalt  }
0x54: {  	_ =	shalt  }
0x55: {  	_ =	shalt  }
0x56: {  	_ =	shalt  }
0x57: {  	_ =	shalt  }
0x58: {  	_ =	shalt  }
0x59: {  	_ =	shalt  }
0x5a: {  	_ =	shalt  }
0x5b: {  	_ =	shalt  }
0x5c: {  	_ =	shalt  }
0x5d: {  	_ =	shalt  }
0x5e: {  	_ =	shalt  }
0x5f: {  	_ =	shalt  }
0x60: {  	_ =	shalt  }
0x61: {  	_ =	shalt  }
0x62: {  	_ =	shalt  }
0x63: {  	_ =	shalt  }
0x64: {  	_ =	shalt  }
0x65: {  	_ =	shalt  }
0x66: {  	_ =	shalt  }
0x67: {  	_ =	shalt  }
0x68: {  	_ =	shalt  }
0x69: {  	_ =	shalt  }
0x6a: {  	_ =	shalt  }
0x6b: {  	_ =	shalt  }
0x6c: {  	_ =	shalt  }
0x6d: {  	_ =	shalt  }
0x6e: {  	_ =	shalt  }
0x6f: {  	_ =	shalt  }
0x70: {  	_ =	shalt  }
0x71: {  	_ =	shalt  }
0x72: {  	_ =	shalt  }
0x73: {  	_ =	shalt  }
0x74: {  	_ =	shalt  }
0x75: {  	_ =	shalt  }
0x76: {  	_ =	shalt  }
0x77: {  	_ =	shalt  }
0x78: {  	_ =	shalt  }
0x79: {  	_ =	shalt  }
0x7a: {  	_ =	shalt  }
0x7b: {  	_ =	shalt  }
0x7c: {  	_ =	shalt  }
0x7d: {  	_ =	shalt  }
0x7e: {  	_ =	shalt  }
0x7f: {  	_ =	shalt  }
0x80: {  	_ =	shalt  }
0x81: {  	_ =	shalt  }
0x82: {  	_ =	shalt  }
0x83: {  	_ =	shalt  }
0x84: {  	_ =	shalt  }
0x85: {  	_ =	shalt  }
0x86: {  	_ =	shalt  }
0x87: {  	_ =	shalt  }
.Lfunc_end0:
.L_simem_size_0:
called_computation.2_lowered:
.L_overlay_start_0:
0x88: {  	s2 =	sld [smem:$0x3FD9]  }
0x89: {  	s3 =	sld [smem:$0x3FFE];
	_ =	sdelay $0x1  }
0x8a: {  	s1 =	srdreg.scid  }
0x8b: {  	s0 =	sand.u32 $0x1, s1  }
0x8c: {  	s17 =	sshll.u32 s0, $0xA;
	s2 =	sadd.s32 s3, s2  }
0x8d: {  	s2 =	sadd.s32 s2, s17  }
0x8e: {  	[smem:$0x3FC2] =	sst s2  }
0x8f: {  	_ = 	snop  }
0x90: {  	s2 =	sld [smem:$0x3FD0];
	(tm) =	ssettm $0x1  }
0x91: {  	s18 =	sld [smem:$0x3FFB];
	_ =	sdelay $0x3  }
0x92: {  	_ =	strace s18  }
0x93: {  	s3 =	sld [smem:$0x3FFC];
	_ =	sdelay $0x3  }
0x94: {  	_ =	strace s3  }
0x95: {  	s3 =	sld [smem:$0x3FFD];
	_ =	sdelay $0x3  }
0x96: {  	_ =	strace s3  }
0x97: {  	_ =	strace $0x8FFFFFFF  }
0x98: {  	s19 =	sld [smem:$0x3FDB];
	_ =	sdelay $0x1  }
0x99: {  	s4 =	simm.s32 $_scs_section_size  }
0x9a: {  	s5 =	simm.s32 $_size__tile_overlayer_lowered;
	s6 =	simm.s32 $_tile_overlayer_lowered  }
0x9b: {  	s22 =	simm.s32 $0x1BFF;
	s21 =	sshll.u32 s6, $0x1;
	s3 =	sadd.s32 s4, s19  }
0x9c: {  	s7 =	simm.s32 $0x0;
	s20 =	sshll.u32 s5, $0x1;
	s5 =	sadd.s32 s21, s3  }
0x9d: {  	[timem:s7], [sflag:s22] =	dma.local [hbm:s5], s20  }
0x9e: {  	_ =	swait.ge [sflag:s22], s20  }
0x9f: {  	s4 =	ssub.s32 $0x0, s20;
	[sflag:s22] =	ssyncset.done $0x0  }
0xa0: {  	[sflag:s22] =	ssyncadd.s32 s4;
	_ =	sdelay $0x1  }
0xa1: {  	s23 =	simm.s32 $0x1B8B  }
0xa2: {  	_ =	swait.ge [sflag:s23], $0x1  }
0xa3: {  	[sflag:s23] =	ssyncset.done $0x0  }
0xa4: {  	s25 =	simm.s32 $0x1B8E;
	s24 =	sld [smem:$0x3FFE];
	[sflag:s23] =	ssyncadd.s32 $0xFFFFFFFF  }
0xa5: {  	s26 =	simm.s32 $execute0_lowered;
	[smem:$0x3FD2] =	sst s25  }
0xa6: {  	s5 =	sshll.u32 s26, $0x1;
	_ =	strace $0x8000004C;
	[dreg:$0x1] =	wrdreg $0xFFFFFFFF  }
0xa7: {  	s28 =	simm.s32 $_size_execute0_lowered;
	s3 =	sadd.s32 s3, s5;
	[dreg:$0x0] =	wrdreg $0x0  }
0xa8: {  	s5 =	sshll.u32 s28, $0x1;
	[dreg:$0x2] =	wrdreg s3  }
0xa9: {  	[dreg:$0x3] =	wrdreg s5  }
0xaa: {  	[dreg:$0x4] =	wrdreg $0xC0  }
0xab: {  	_ =	task [dreg:s7], $0x5FFFF  }
0xac: {  	[dreg:$0x1] =	wrdreg $0xFFFFFFFF  }
0xad: {  	[dreg:$0x0] =	wrdreg $0x60  }
0xae: {  	[dreg:$0x2] =	wrdreg s2  }
0xaf: {  	[dreg:$0x3] =	wrdreg s24  }
0xb0: {  	[dreg:$0x4] =	wrdreg $0xDF000  }
0xb1: {  	[dreg:$0x5] =	wrdreg $0x107000  }
0xb2: {  	[dreg:$0x6] =	wrdreg $0x9  }
0xb3: {  	_ =	task.clear_ibuf [dreg:s7], $0x7FFFF;
	_ =	strace $0x9000004C  }
0xb4: {  	s29 =	simm.s32 $0x9;
	_ =	strace $0x8000004E  }
0xb5: {  	_ =	swait.ge [sflag:s29], $0x1  }
0xb6: {  	[sflag:s29] =	ssyncadd.s32 $0xFFFFFFFF  }
0xb7: {  	_ =	strace $0x9000004E  }
0xb8: {  	_ =	sfence  }
0xb9: {  	s30 =	sld [smem:$0x0];
	_ =	sdelay $0x2  }
0xba: {  	s31 =	sshll.u32 s1, $0xD;
	s1 =	sshrl.u32 s1, $0x2  }
0xbb: {  	s3 =	sand.u32 $0x4000, s31;
	s1 =	sadd.s32 s1, s30  }
0xbc: {  	s0 =	sor.u32 s3, s0;
	s1 =	sshll.u32 s1, $0x11  }
0xbd: {  	s0 =	sor.u32 s1, s0  }
0xbe: {  	s0 =	sadd.s32 $0x8F2B, s0  }
0xbf: {  	[sflag:s0] =	ssyncadd.remote.s32 $0x1  }
0xc0: {  	_ =	sfence.sel $0xFFFF  }
0xc1: {  	[dreg:$0x0] =	wrdreg $0xFFFFFFFF;
	(pc) =	sbr.abs _section_cstart, $3  }
0xc2: {  	[dreg:$0x1] =	wrdreg $0xFFFFFFFF  }
0xc3: {  	_ =	task.clear_ibuf [dreg:s7], $0x2FFFF;
	_ =	strace $0x9FFFFFFF  }
0xc4: {  	(tm) =	ssettm $0x7FFFFFFF  }
0xc5: {  	_ =	shalt  }
tec
execute0_lowered:
.L_overlay_start_1:
0x0: {  	(tag) =	ssettag $0x1  }
0x1: {  	s0 =	rddreg [dreg:$0x0]  }
0x2: {  	s1 =	rddreg [dreg:$0x1]  }
0x3: {  	s2 =	rddreg [dreg:$0x2]  }
0x4: {  	s3 =	rddreg [dreg:$0x3]  }
0x5: {  	s4 =	srdreg.scid;
	s13 =	stileid.u32  }
0x6: {  	s19 =	simm.s32 $0x0;
	s29 =	simm.s32 $0x7700;
	s30 =	simm.s32 $0x1  }
0x7: {  	s31 =	simm.s32 $0x7F00;
	s28 =	simm.s32 $0x5;
	s15 =	simm.s32 $0xC  }
0x8: {  	s16 =	simm.s32 $0xD;
	s14 =	simm.s32 $0x0;
	s4 =	sand.u32 $0x1, s4  }
0x9: {  	s5 =	smul.u32 $0x2800, s13;
	[smem:$0x7FF] =	sst s19;
	s7 =	sadd.s32 $0x1A00, s1  }
0xa: {  	s8 =	sshll.u32 s13, $0x1;
	s9 =	sadd.s32 $0xB800, s1;
	s12 =	smul.u32 $0x3E80, s13  }
0xb: {  	p0 =	sgt.u32 s13, $0x9;
	p1 =	sgt.u32 s13, $0x1;
	s6 =	smul.u32 $0x28000, s4  }
0xc: {  	_ =	strace $0x8000004D;
	s8 =	sor.u32 s4, s8;
	s4 =	ssub.s32 $0x2, s4  }
0xd: {  	s10 =	smul.u32 $0x4E, s8;
	s11 =	sshrl.u32 s4, $0x1;
	s8 =	smin.u32 s8, $0x4  }
0xe: {  	s20 =	sadd.s32 s5, s2;
	s18 =	sshrl.u32 s12, $0x3;
	s6 =	sadd.s32 s5, s6  }
0xf: {  	s4 =	ssub.s32 s4, s11;
	s0 =	sadd.s32 s0, s18;
	s18 =	simm.s32 $0x80  }
0x10: {  	s11 =	simm.s32 $0x8;
	[dreg:$0x5] =	wrdreg s20;
	s6 =	sshrl.u32 s6, $0x3  }
0x11: {  	s17 =	sadd.s32 s8, s10;
	s8 =	sadd.s32 s12, s3;
	[dreg:$0x6] =	wrdreg s0  }
0x12: {  	s26 =	smax.u32 s4, $0x1;
	s10 =	simm.s32 $0xAF00;
	s12 =	simm.s32 $0xA  }
0x13: {  	s4 =	simm.s32 $0x12;
	s1 =	sadd.s32 s6, s1;
	s6 =	sshll.u32 s17, $0x4  }
0x14: {  	[dreg:$0xc] =	wrdreg s26;
	s26 =	simm.s32 $0x6F00;
	s17 =	simm.s32 $0x3  }
0x15: {  	s21 =	sadd.s32 $0x4E0, s6;
	s22 =	sadd.s32 s7, s6;
	s23 =	sadd.s32 s9, s6  }
0x16: {  	s25 =	sadd.s32 $0x65600, s1;
	s6 =	simm.s32 $0xB700;
	[dreg:$0x7] =	wrdreg s22  }
0x17: {  	s1 =	simm.s32 $0x8700;
	[dreg:$0x8] =	wrdreg s23;
	s24 =	sadd.s32 s7, s21  }
0x18: {  	s0 =	sadd.s32 s9, s21;
	[dreg:$0xb] =	wrdreg s25;
	s21 =	simm.s32 $0x1B  }
.Ltmp0:
0x19: {  	s23 =	simm.s32 $0x4;
	s25 =	simm.s32 $0x9700;
	(pc) =	sbr.rel .LBB2_1-.Ltmp0, $4  }
0x1a: {  	s7 =	simm.s32 $0x6;
	[dreg:$0xa] =	wrdreg s0;
	s0 =	sshll.u32 @!p0 s13, $0x6  }
0x1b: {  	s9 =	simm.s32 $0x7;
	[dreg:$0x9] =	wrdreg s24;
	s0 =	sor.u32 @!p0 $0x1C1B, s0  }
0x1c: {  	s13 =	simm.s32 $0x13;
	[dreg:$0xd] =	wrdreg s0;
	s0 =	sshrl.u32 @!p0 s8, $0x3  }
0x1d: {  	v0 =	vimm.f32 $0.0e+00;
	s8 =	simm.s32 $0xA700;
	[dreg:$0xe] =	wrdreg s0;
	s0 =	simm.s32 $0x2  }
.LBB2_6:
0x1e: {  	_ =	swait.ge [sflag:s16], $0x800  }
0x1f: {  	[sflag:s16] =	ssyncset.done $0x0  }
0x20: {  	s5 =	simm.s32 $0xE;
	[sflag:s16] =	ssyncadd.s32 $0xFFFFF800  }
0x21: {  	[spmem:s2] =	stream.indirect.scatter.add.f32 [tilespmem:s10], [sflag:$0x1A], $0x10, s19, s18, $0xb8;
	[tilespmem:$0x12E10] =	vst v63  }
0x22: {  	_ =	swait.ge [sflag:s5], $0x800  }
0x23: {  	[sflag:s5] =	ssyncset.done $0x0  }
0x24: {  	s22 =	simm.s32 $0xF;
	[sflag:s5] =	ssyncadd.s32 $0xFFFFF800  }
0x25: {  	_ =	swait.ge [sflag:s22], $0x800  }
0x26: {  	[sflag:s22] =	ssyncset.done $0x0  }
0x27: {  	s24 =	simm.s32 $0x10;
	[sflag:s22] =	ssyncadd.s32 $0xFFFFF800  }
0x28: {  	_ =	swait.ge [sflag:s24], $0x800  }
0x29: {  	[sflag:s24] =	ssyncset.done $0x0  }
0x2a: {  	s6 =	simm.s32 $0x11;
	[sflag:s24] =	ssyncadd.s32 $0xFFFFF800  }
0x2b: {  	_ =	swait.ge [sflag:s6], $0x800  }
0x2c: {  	[sflag:s6] =	ssyncset.done $0x0  }
0x2d: {  	[sflag:s6] =	ssyncadd.s32 $0xFFFFF800  }
0x2e: {  	_ =	swait.ge [sflag:s4], $0x800  }
0x2f: {  	[sflag:s4] =	ssyncset.done $0x0  }
0x30: {  	[sflag:s4] =	ssyncadd.s32 $0xFFFFF800  }
0x31: {  	_ =	swait.ge [sflag:s13], $0x800  }
0x32: {  	[sflag:s13] =	ssyncset.done $0x0  }
0x33: {  	s14 =	simm.s32 $0x14;
	[sflag:s13] =	ssyncadd.s32 $0xFFFFF800  }
0x34: {  	_ =	swait.ge [sflag:s14], $0x800  }
0x35: {  	[sflag:s14] =	ssyncset.done $0x0  }
0x36: {  	s19 =	simm.s32 $0x15;
	[sflag:s14] =	ssyncadd.s32 $0xFFFFF800  }
0x37: {  	_ =	swait.ge [sflag:s19], $0x800  }
0x38: {  	[sflag:s19] =	ssyncset.done $0x0  }
0x39: {  	s20 =	simm.s32 $0x16;
	[sflag:s19] =	ssyncadd.s32 $0xFFFFF800  }
0x3a: {  	_ =	swait.ge [sflag:s20], $0x800  }
0x3b: {  	[sflag:s20] =	ssyncset.done $0x0  }
0x3c: {  	s21 =	simm.s32 $0x17;
	[sflag:s20] =	ssyncadd.s32 $0xFFFFF800  }
0x3d: {  	_ =	swait.ge [sflag:s21], $0x800  }
0x3e: {  	[sflag:s21] =	ssyncset.done $0x0  }
0x3f: {  	s22 =	simm.s32 $0x18;
	[sflag:s21] =	ssyncadd.s32 $0xFFFFF800  }
0x40: {  	_ =	swait.ge [sflag:s22], $0x800  }
0x41: {  	[sflag:s22] =	ssyncset.done $0x0  }
0x42: {  	s24 =	simm.s32 $0x19;
	[sflag:s22] =	ssyncadd.s32 $0xFFFFF800  }
0x43: {  	_ =	swait.ge [sflag:s24], $0x800  }
0x44: {  	[sflag:s24] =	ssyncset.done $0x0  }
0x45: {  	s6 =	simm.s32 $0x1A;
	[sflag:s24] =	ssyncadd.s32 $0xFFFFF800  }
0x46: {  	_ =	swait.ge [sflag:s6], $0x800  }
0x47: {  	s5 =	simm.s32 @!p1 $0x80;
	[sflag:s6] =	ssyncset.done $0x0  }
0x48: {  	s14 =	simm.s32 @!p1 $0x4F00;
	[sflag:s6] =	ssyncadd.s32 $0xFFFFF800;
	s6 =	simm.s32 @!p1 $0x2700  }
0x49: {  	[tilespmem:s14], [sflag:$0x1] =	stream.indirect.gather @!p1 [spmem:s3], $0x10, s6, s5, $0xb8;
	[tilespmem:$0x12E10] =	vst v63  }
0x4a: {  	s6 =	simm.s32 @!p1 $0x1  }
0x4b: {  	_ =	swait.ge @!p1 [sflag:s6], $0x800  }
0x4c: {  	[sflag:s6] =	ssyncset.done @!p1 $0x0  }
0x4d: {  	[sflag:s6] =	ssyncadd.s32 @!p1 $0xFFFFF800;
	s6 =	simm.s32 @!p1 $0x4E80  }
0x4e: {  	[spmem:s2] =	stream.indirect.scatter.add.f32 @!p1 [tilespmem:s14], [sflag:$0xE], $0x10, s6, s5, $0xb8;
	[tilespmem:$0x12E10] =	vst v63  }
0x4f: {  	s5 =	simm.s32 @!p1 $0xE  }
0x50: {  	_ =	swait.ge @!p1 [sflag:s5], $0x800  }
0x51: {  	[sflag:s5] =	ssyncset.done @!p1 $0x0  }
0x52: {  	[sflag:s5] =	ssyncadd.s32 @!p1 $0xFFFFF800  }
0x53: {  	[bflag:$0x0] =	sbarrier.arrive $0xFFFF  }
0x54: {  	s21 =	simm.s32 $0x1B;
	s6 =	simm.s32 $0xB700;
	s20 =	rddreg [dreg:$0x5]  }
0x55: {  	[tilespmem:s6], [sflag:$0x1B] =	stream.linear.gather [spmem:s20], $0x2800, $0x38;
	[tilespmem:$0x12E10] =	vst v63  }
0x56: {  	_ =	swait.ge [sflag:s21], $0x2800  }
0x57: {  	[sflag:s21] =	ssyncset.done $0x0  }
0x58: {  	s19 =	simm.s32 $0x0;
	s14 =	rddreg [dreg:$0xb];
	[sflag:s21] =	ssyncadd.s32 $0xFFFFD800  }
0x59: {  	[hbm4b:s14+s19] =	stream.linear.scatter [tilespmem:s6], [sflag:$0x1B], $0x2800, $0x38;
	[tilespmem:$0x12E10] =	vst v63  }
0x5a: {  	_ =	swait.ge [sflag:s21], $0x2800  }
0x5b: {  	s22 =	rddreg [dreg:$0xf]  }
0x5c: {  	s24 =	rddreg [dreg:$0xc];
	s14 =	sadd.s32 $0x1, s22  }
0x5d: {  	p2 =	sne.s32 s14, s24  }
.Ltmp1:
0x5e: {  	_ = 	snop;
	(pc) =	sbr.rel @!p2 .LBB2_7-.Ltmp1, $3  }
0x5f: {  	_ =	sdelay $0x1  }
0x60: {  	[sflag:s21] =	ssyncset.done $0x0  }
0x61: {  	[sflag:s21] =	ssyncadd.s32 $0xFFFFD800  }
.LBB2_1:
0x62: {  	[dreg:$0xf] =	wrdreg s14;
	s5 =	simm.s32 $0x40;
	s14 =	simm.s32 $0x0  }
.LBB2_2:
0x63: {  	p2 =	sne.s32 s5, $0x9FC0;
	[tilespmem:s14+$0xB700] =	vst v0;
	s14 =	smov.u32 s5;
	s5 =	sadd.s32 $0x40, s5  }
.Ltmp2:
0x64: {  	(pc) =	sbr.rel @p2 .LBB2_2-.Ltmp2, $2  }
0x65: {  	_ =	sdelay $0x2  }
0x66: {  	s14 =	sshra.s32 s14, $0x2  }
0x67: {  	[tilespmem:s14+$0xB700] =	vst v0  }
0x68: {  	[spmem:s20] =	stream.linear.scatter [tilespmem:s6], [sflag:$0x1B], $0x2800, $0x38;
	[tilespmem:$0x12E10] =	vst v63  }
0x69: {  	_ =	swait.ge [sflag:s21], $0x2800  }
0x6a: {  	s5 =	rddreg [dreg:$0x6]  }
0x6b: {  	[sflag:s21] =	ssyncset.done $0x0;
	s6 =	rddreg [dreg:$0xd]  }
0x6c: {  	s14 =	rddreg [dreg:$0xe];
	[sflag:s21] =	ssyncadd.s32 $0xFFFFD800  }
0x6d: {  	[spmem:s14], [sflag:s6] =	dma.local @!p0 [hbm:s5], $0x7D0  }
0x6e: {  	s5 =	simm.s32 @!p0 $0x1B  }
0x6f: {  	_ =	swait.ge @!p0 [sflag:s5], $0x7D0  }
0x70: {  	[sflag:s5] =	ssyncset.done @!p0 $0x0  }
0x71: {  	[sflag:s5] =	ssyncadd.s32 @!p0 $0xFFFFF830  }
0x72: {  	[bflag:$0x0] =	sbarrier.arrive $0xFFFF  }
0x73: {  	s6 =	rddreg [dreg:$0x7]  }
0x74: {  	[tilespmem:s19], [sflag:$0x1B] =	stream.linear.gather [hbm4b:s6+s19], $0x2700, $0x38;
	[tilespmem:$0x12E10] =	vst v63  }
0x75: {  	_ =	swait.ge [sflag:s21], $0x2700  }
0x76: {  	[sflag:s21] =	ssyncset.done $0x0  }
0x77: {  	s20 =	simm.s32 $0x2780;
	s14 =	rddreg [dreg:$0x8];
	[sflag:s21] =	ssyncadd.s32 $0xFFFFD900  }
0x78: {  	[tilespmem:s20], [sflag:$0x1B] =	stream.linear.gather [hbm4b:s14+s19], $0x2700, $0x38;
	[tilespmem:$0x12E10] =	vst v63  }
0x79: {  	_ =	swait.ge [sflag:s21], $0x2700  }
0x7a: {  	s5 =	simm.s32 @!p1 $0x0;
	[sflag:s21] =	ssyncset.done $0x0  }
0x7b: {  	s14 =	simm.s32 @!p1 $0x2700;
	s6 =	rddreg [dreg:$0x9];
	[sflag:s21] =	ssyncadd.s32 $0xFFFFD900  }
0x7c: {  	[tilespmem:s14], [sflag:$0x1B] =	stream.linear.gather @!p1 [hbm4b:s6+s5], $0x80, $0x38;
	[tilespmem:$0x12E10] =	vst v63  }
0x7d: {  	s14 =	simm.s32 @!p1 $0x1B  }
0x7e: {  	_ =	swait.ge @!p1 [sflag:s14], $0x80  }
0x7f: {  	[sflag:s14] =	ssyncset.done @!p1 $0x0  }
0x80: {  	s19 =	simm.s32 @!p1 $0x4E80;
	s6 =	rddreg [dreg:$0xa];
	[sflag:s14] =	ssyncadd.s32 @!p1 $0xFFFFFF80  }
0x81: {  	[tilespmem:s19], [sflag:$0x1B] =	stream.linear.gather @!p1 [hbm4b:s6+s5], $0x80, $0x38;
	[tilespmem:$0x12E10] =	vst v63  }
0x82: {  	_ =	swait.ge @!p1 [sflag:s14], $0x80  }
0x83: {  	[sflag:s14] =	ssyncset.done @!p1 $0x0  }
0x84: {  	s22 =	simm.s32 $0x4F00;
	[sflag:s14] =	ssyncadd.s32 @!p1 $0xFFFFFF80;
	s14 =	simm.s32 $0x0  }
0x85: {  	[tilespmem:s22], [sflag:$0x1] =	stream.indirect.gather [spmem:s3], $0x10, s14, s18, $0xb8;
	[tilespmem:$0x12E10] =	vst v63  }
0x86: {  	s24 =	simm.s32 $0x5700  }
0x87: {  	[tilespmem:s24], [sflag:$0x2] =	stream.indirect.gather [spmem:s3], $0x10, s18, s18, $0xb8;
	[tilespmem:$0x12E10] =	vst v63  }
0x88: {  	s6 =	simm.s32 $0x100;
	s19 =	simm.s32 $0x5F00  }
0x89: {  	[tilespmem:s19], [sflag:$0x3] =	stream.indirect.gather [spmem:s3], $0x10, s6, s18, $0xb8;
	[tilespmem:$0x12E10] =	vst v63  }
0x8a: {  	s20 =	simm.s32 $0x180;
	s21 =	simm.s32 $0x6700  }
0x8b: {  	[tilespmem:s21], [sflag:$0x4] =	stream.indirect.gather [spmem:s3], $0x10, s20, s18, $0xb8;
	[tilespmem:$0x12E10] =	vst v63  }
0x8c: {  	s22 =	simm.s32 $0x200  }
0x8d: {  	[tilespmem:s26], [sflag:$0x5] =	stream.indirect.gather [spmem:s3], $0x10, s22, s18, $0xb8;
	[tilespmem:$0x12E10] =	vst v63  }
0x8e: {  	s24 =	simm.s32 $0x280  }
0x8f: {  	[tilespmem:s29], [sflag:$0x6] =	stream.indirect.gather [spmem:s3], $0x10, s24, s18, $0xb8;
	[tilespmem:$0x12E10] =	vst v63  }
.LBB2_4:
0x90: {  	_ =	swait.ge [sflag:s30], $0x800  }
0x91: {  	s5 =	sshra.s32 s14, $0x2;
	s6 =	simm.s32 $0x4F00;
	[sflag:s30] =	ssyncset.done $0x0  }
0x92: {  	p2 =	seq.s32 s14, $0x0;
	s19 =	sadd.s32 $0x2780, s5;
	[sflag:s30] =	ssyncadd.s32 $0xFFFFF800  }
0x93: {  	[spmem:s2] =	stream.indirect.scatter.add.f32 [tilespmem:s6], [sflag:$0xE], $0x10, s19, s18, $0xb8;
	[tilespmem:$0x12E10] =	vst v63  }
0x94: {  	s19 =	simm.s32 @!p2 $0x14  }
0x95: {  	_ =	swait.ge @!p2 [sflag:s19], $0x800  }
0x96: {  	[sflag:s19] =	ssyncset.done @!p2 $0x0  }
0x97: {  	s21 =	sadd.s32 $0x300, s5;
	[sflag:s19] =	ssyncadd.s32 @!p2 $0xFFFFF800  }
0x98: {  	[tilespmem:s31], [sflag:$0x7] =	stream.indirect.gather [spmem:s3], $0x10, s21, s18, $0xb8;
	[tilespmem:$0x12E10] =	vst v63  }
0x99: {  	_ =	swait.ge [sflag:s0], $0x800  }
0x9a: {  	s24 =	simm.s32 $0x5700;
	[sflag:s0] =	ssyncset.done $0x0  }
0x9b: {  	s22 =	sadd.s32 $0x2800, s5;
	s19 =	simm.s32 @!p2 $0x15;
	[sflag:s0] =	ssyncadd.s32 $0xFFFFF800  }
0x9c: {  	[spmem:s2] =	stream.indirect.scatter.add.f32 [tilespmem:s24], [sflag:$0xF], $0x10, s22, s18, $0xb8;
	[tilespmem:$0x12E10] =	vst v63  }
0x9d: {  	_ =	swait.ge @!p2 [sflag:s19], $0x800  }
0x9e: {  	[sflag:s19] =	ssyncset.done @!p2 $0x0  }
0x9f: {  	s6 =	sadd.s32 $0x380, s5;
	[sflag:s19] =	ssyncadd.s32 @!p2 $0xFFFFF800  }
0xa0: {  	[tilespmem:s1], [sflag:$0x8] =	stream.indirect.gather [spmem:s3], $0x10, s6, s18, $0xb8;
	[tilespmem:$0x12E10] =	vst v63  }
0xa1: {  	_ =	swait.ge [sflag:s17], $0x800  }
0xa2: {  	s20 =	sadd.s32 $0x2880, s5;
	[sflag:s17] =	ssyncset.done $0x0  }
0xa3: {  	s21 =	simm.s32 $0x5F00;
	s19 =	simm.s32 @!p2 $0x16;
	[sflag:s17] =	ssyncadd.s32 $0xFFFFF800  }
0xa4: {  	[spmem:s2] =	stream.indirect.scatter.add.f32 [tilespmem:s21], [sflag:$0x10], $0x10, s20, s18, $0xb8;
	[tilespmem:$0x12E10] =	vst v63  }
0xa5: {  	_ =	swait.ge @!p2 [sflag:s19], $0x800  }
0xa6: {  	[sflag:s19] =	ssyncset.done @!p2 $0x0  }
0xa7: {  	s22 =	sadd.s32 $0x400, s5;
	s24 =	simm.s32 $0x8F00;
	[sflag:s19] =	ssyncadd.s32 @!p2 $0xFFFFF800  }
0xa8: {  	[tilespmem:s24], [sflag:$0x9] =	stream.indirect.gather [spmem:s3], $0x10, s22, s18, $0xb8;
	[tilespmem:$0x12E10] =	vst v63  }
0xa9: {  	_ =	swait.ge [sflag:s23], $0x800  }
0xaa: {  	s20 =	sadd.s32 $0x2900, s5;
	[sflag:s23] =	ssyncset.done $0x0  }
0xab: {  	s21 =	simm.s32 $0x6700;
	s19 =	simm.s32 @!p2 $0x17;
	[sflag:s23] =	ssyncadd.s32 $0xFFFFF800  }
0xac: {  	[spmem:s2] =	stream.indirect.scatter.add.f32 [tilespmem:s21], [sflag:$0x11], $0x10, s20, s18, $0xb8;
	[tilespmem:$0x12E10] =	vst v63  }
0xad: {  	_ =	swait.ge @!p2 [sflag:s19], $0x800  }
0xae: {  	[sflag:s19] =	ssyncset.done @!p2 $0x0  }
0xaf: {  	s22 =	sadd.s32 $0x480, s5;
	[sflag:s19] =	ssyncadd.s32 @!p2 $0xFFFFF800  }
0xb0: {  	[tilespmem:s25], [sflag:$0xA] =	stream.indirect.gather [spmem:s3], $0x10, s22, s18, $0xb8;
	[tilespmem:$0x12E10] =	vst v63  }
0xb1: {  	_ =	swait.ge [sflag:s28], $0x800  }
0xb2: {  	[sflag:s28] =	ssyncset.done $0x0  }
0xb3: {  	s24 =	sadd.s32 $0x2980, s5;
	s19 =	simm.s32 @!p2 $0x18;
	[sflag:s28] =	ssyncadd.s32 $0xFFFFF800  }
0xb4: {  	[spmem:s2] =	stream.indirect.scatter.add.f32 [tilespmem:s26], [sflag:$0x12], $0x10, s24, s18, $0xb8;
	[tilespmem:$0x12E10] =	vst v63  }
0xb5: {  	_ =	swait.ge @!p2 [sflag:s19], $0x800  }
0xb6: {  	[sflag:s19] =	ssyncset.done @!p2 $0x0  }
0xb7: {  	s6 =	sadd.s32 $0x500, s5;
	s20 =	simm.s32 $0x9F00;
	[sflag:s19] =	ssyncadd.s32 @!p2 $0xFFFFF800  }
0xb8: {  	[tilespmem:s20], [sflag:$0xB] =	stream.indirect.gather [spmem:s3], $0x10, s6, s18, $0xb8;
	[tilespmem:$0x12E10] =	vst v63  }
0xb9: {  	_ =	swait.ge [sflag:s7], $0x800  }
0xba: {  	[sflag:s7] =	ssyncset.done $0x0  }
0xbb: {  	s21 =	sadd.s32 $0x2A00, s5;
	s19 =	simm.s32 @!p2 $0x19;
	[sflag:s7] =	ssyncadd.s32 $0xFFFFF800  }
0xbc: {  	[spmem:s2] =	stream.indirect.scatter.add.f32 [tilespmem:s29], [sflag:$0x13], $0x10, s21, s18, $0xb8;
	[tilespmem:$0x12E10] =	vst v63  }
0xbd: {  	_ =	swait.ge @!p2 [sflag:s19], $0x800  }
0xbe: {  	[sflag:s19] =	ssyncset.done @!p2 $0x0  }
0xbf: {  	s22 =	sadd.s32 $0x580, s5;
	[sflag:s19] =	ssyncadd.s32 @!p2 $0xFFFFF800  }
0xc0: {  	[tilespmem:s8], [sflag:$0xC] =	stream.indirect.gather [spmem:s3], $0x10, s22, s18, $0xb8;
	[tilespmem:$0x12E10] =	vst v63  }
0xc1: {  	_ =	swait.ge [sflag:s9], $0x800  }
0xc2: {  	[sflag:s9] =	ssyncset.done $0x0  }
0xc3: {  	s24 =	sadd.s32 $0x2A80, s5;
	s19 =	simm.s32 @!p2 $0x1A;
	[sflag:s9] =	ssyncadd.s32 $0xFFFFF800  }
0xc4: {  	[spmem:s2] =	stream.indirect.scatter.add.f32 [tilespmem:s31], [sflag:$0x14], $0x10, s24, s18, $0xb8;
	[tilespmem:$0x12E10] =	vst v63  }
0xc5: {  	_ =	swait.ge @!p2 [sflag:s19], $0x800  }
0xc6: {  	[sflag:s19] =	ssyncset.done @!p2 $0x0  }
0xc7: {  	s6 =	sadd.s32 $0x600, s5;
	[sflag:s19] =	ssyncadd.s32 @!p2 $0xFFFFF800  }
0xc8: {  	[tilespmem:s10], [sflag:$0xD] =	stream.indirect.gather [spmem:s3], $0x10, s6, s18, $0xb8;
	[tilespmem:$0x12E10] =	vst v63  }
0xc9: {  	_ =	swait.ge [sflag:s11], $0x800  }
0xca: {  	p2 =	seq.s32 s14, $0x8200;
	[sflag:s11] =	ssyncset.done $0x0  }
0xcb: {  	s20 =	sadd.s32 $0x2B00, s5;
	s19 =	simm.s32 @p2 $0x9;
	[sflag:s11] =	ssyncadd.s32 $0xFFFFF800  }
0xcc: {  	[spmem:s2] =	stream.indirect.scatter.add.f32 [tilespmem:s1], [sflag:$0x15], $0x10, s20, s18, $0xb8;
	[tilespmem:$0x12E10] =	vst v63  }
0xcd: {  	_ =	swait.ge @p2 [sflag:s19], $0x800  }
0xce: {  	[sflag:s19] =	ssyncset.done @p2 $0x0  }
0xcf: {  	[sflag:s19] =	ssyncadd.s32 @p2 $0xFFFFF800;
	s19 =	sshra.s32 @p2 s14, $0x2  }
0xd0: {  	s22 =	simm.s32 @p2 $0x80;
	s21 =	simm.s32 @p2 $0x8F00;
	s20 =	sadd.s32 @p2 $0x2B80, s19  }
0xd1: {  	[spmem:s2] =	stream.indirect.scatter.add.f32 @p2 [tilespmem:s21], [sflag:$0x16], $0x10, s20, s22, $0xb8;
	[tilespmem:$0x12E10] =	vst v63  }
0xd2: {  	s20 =	simm.s32 @!p2 $0xE  }
0xd3: {  	_ =	swait.ge @!p2 [sflag:s20], $0x800  }
0xd4: {  	[sflag:s20] =	ssyncset.done @!p2 $0x0  }
0xd5: {  	[sflag:s20] =	ssyncadd.s32 @!p2 $0xFFFFF800;
	s20 =	sshra.s32 @!p2 s14, $0x2  }
0xd6: {  	s24 =	simm.s32 @!p2 $0x80;
	s6 =	simm.s32 @!p2 $0x4F00;
	s21 =	sadd.s32 @!p2 $0x680, s20  }
0xd7: {  	[tilespmem:s6], [sflag:$0x1] =	stream.indirect.gather @!p2 [spmem:s3], $0x10, s21, s24, $0xb8;
	[tilespmem:$0x12E10] =	vst v63  }
0xd8: {  	s6 =	simm.s32 @!p2 $0x9  }
0xd9: {  	_ =	swait.ge @!p2 [sflag:s6], $0x800  }
0xda: {  	[sflag:s6] =	ssyncset.done @!p2 $0x0  }
0xdb: {  	s21 =	simm.s32 @!p2 $0x8F00;
	[sflag:s6] =	ssyncadd.s32 @!p2 $0xFFFFF800;
	s6 =	sadd.s32 @!p2 $0x2B80, s20  }
0xdc: {  	[spmem:s2] =	stream.indirect.scatter.add.f32 @!p2 [tilespmem:s21], [sflag:$0x16], $0x10, s6, s24, $0xb8;
	[tilespmem:$0x12E10] =	vst v63  }
0xdd: {  	s6 =	simm.s32 @!p2 $0xF  }
0xde: {  	_ =	swait.ge @!p2 [sflag:s6], $0x800  }
0xdf: {  	[sflag:s6] =	ssyncset.done @!p2 $0x0  }
0xe0: {  	s21 =	simm.s32 @!p2 $0x5700;
	[sflag:s6] =	ssyncadd.s32 @!p2 $0xFFFFF800;
	s6 =	sadd.s32 @!p2 $0x700, s20  }
0xe1: {  	[tilespmem:s21], [sflag:$0x2] =	stream.indirect.gather @!p2 [spmem:s3], $0x10, s6, s24, $0xb8;
	[tilespmem:$0x12E10] =	vst v63  }
0xe2: {  	_ =	swait.ge [sflag:s12], $0x800  }
0xe3: {  	[sflag:s12] =	ssyncset.done $0x0  }
0xe4: {  	s21 =	sadd.s32 $0x2C00, s5;
	s6 =	simm.s32 @p2 $0xB;
	[sflag:s12] =	ssyncadd.s32 $0xFFFFF800  }
0xe5: {  	[spmem:s2] =	stream.indirect.scatter.add.f32 [tilespmem:s25], [sflag:$0x17], $0x10, s21, s18, $0xb8;
	[tilespmem:$0x12E10] =	vst v63  }
0xe6: {  	_ =	swait.ge @p2 [sflag:s6], $0x800  }
0xe7: {  	[sflag:s6] =	ssyncset.done @p2 $0x0  }
0xe8: {  	[sflag:s6] =	ssyncadd.s32 @p2 $0xFFFFF800;
	s6 =	sadd.s32 @p2 $0x2C80, s19;
	s19 =	simm.s32 @p2 $0x9F00  }
0xe9: {  	[spmem:s2] =	stream.indirect.scatter.add.f32 @p2 [tilespmem:s19], [sflag:$0x18], $0x10, s6, s22, $0xb8;
	[tilespmem:$0x12E10] =	vst v63  }
0xea: {  	s6 =	simm.s32 @!p2 $0x10  }
0xeb: {  	_ =	swait.ge @!p2 [sflag:s6], $0x800  }
0xec: {  	[sflag:s6] =	ssyncset.done @!p2 $0x0  }
0xed: {  	s19 =	simm.s32 @!p2 $0x5F00;
	[sflag:s6] =	ssyncadd.s32 @!p2 $0xFFFFF800;
	s6 =	sadd.s32 @!p2 $0x780, s20  }
0xee: {  	[tilespmem:s19], [sflag:$0x3] =	stream.indirect.gather @!p2 [spmem:s3], $0x10, s6, s24, $0xb8;
	[tilespmem:$0x12E10] =	vst v63  }
0xef: {  	s6 =	simm.s32 @!p2 $0xB  }
0xf0: {  	_ =	swait.ge @!p2 [sflag:s6], $0x800  }
0xf1: {  	[sflag:s6] =	ssyncset.done @!p2 $0x0  }
0xf2: {  	s19 =	simm.s32 @!p2 $0x9F00;
	[sflag:s6] =	ssyncadd.s32 @!p2 $0xFFFFF800;
	s6 =	sadd.s32 @!p2 $0x2C80, s20  }
0xf3: {  	[spmem:s2] =	stream.indirect.scatter.add.f32 @!p2 [tilespmem:s19], [sflag:$0x18], $0x10, s6, s24, $0xb8;
	[tilespmem:$0x12E10] =	vst v63  }
0xf4: {  	s6 =	simm.s32 @!p2 $0x11  }
0xf5: {  	_ =	swait.ge @!p2 [sflag:s6], $0x800  }
0xf6: {  	[sflag:s6] =	ssyncset.done @!p2 $0x0  }
0xf7: {  	s19 =	simm.s32 @!p2 $0x6700;
	[sflag:s6] =	ssyncadd.s32 @!p2 $0xFFFFF800;
	s6 =	sadd.s32 @!p2 $0x800, s20  }
0xf8: {  	[tilespmem:s19], [sflag:$0x4] =	stream.indirect.gather @!p2 [spmem:s3], $0x10, s6, s24, $0xb8;
	[tilespmem:$0x12E10] =	vst v63  }
.Ltmp3:
0xf9: {  	_ = 	snop;
	(pc) =	sbr.rel @p2 .LBB2_6-.Ltmp3, $4  }
0xfa: {  	_ =	swait.ge [sflag:s15], $0x800  }
0xfb: {  	[sflag:s15] =	ssyncset.done $0x0  }
0xfc: {  	s24 =	sadd.s32 $0x2D00, s5;
	s19 =	sadd.s32 $0x2D80, s5;
	[sflag:s15] =	ssyncadd.s32 $0xFFFFF800  }
0xfd: {  	[spmem:s2] =	stream.indirect.scatter.add.f32 [tilespmem:s8], [sflag:$0x19], $0x10, s24, s18, $0xb8;
	[tilespmem:$0x12E10] =	vst v63  }
0xfe: {  	_ =	swait.ge [sflag:s4], $0x800  }
0xff: {  	[sflag:s4] =	ssyncset.done $0x0  }
0x100: {  	s6 =	sadd.s32 $0x880, s5;
	[sflag:s4] =	ssyncadd.s32 $0xFFFFF800  }
0x101: {  	[tilespmem:s26], [sflag:$0x5] =	stream.indirect.gather [spmem:s3], $0x10, s6, s18, $0xb8;
	[tilespmem:$0x12E10] =	vst v63  }
0x102: {  	_ =	swait.ge [sflag:s16], $0x800  }
0x103: {  	[sflag:s16] =	ssyncset.done $0x0  }
0x104: {  	[sflag:s16] =	ssyncadd.s32 $0xFFFFF800  }
0x105: {  	[spmem:s2] =	stream.indirect.scatter.add.f32 [tilespmem:s10], [sflag:$0x1A], $0x10, s19, s18, $0xb8;
	[tilespmem:$0x12E10] =	vst v63  }
.Ltmp4:
0x106: {  	_ = 	snop;
	(pc) =	sbr.rel .LBB2_4-.Ltmp4, $4  }
0x107: {  	_ =	swait.ge [sflag:s13], $0x800  }
0x108: {  	[sflag:s13] =	ssyncset.done $0x0  }
0x109: {  	s24 =	sadd.s32 $0x900, s5;
	s14 =	sadd.s32 $0x1A00, s14;
	[sflag:s13] =	ssyncadd.s32 $0xFFFFF800  }
0x10a: {  	[tilespmem:s29], [sflag:$0x6] =	stream.indirect.gather [spmem:s3], $0x10, s24, s18, $0xb8;
	[tilespmem:$0x12E10] =	vst v63  }
.LBB2_7:
0x10b: {  	_ =	sfence.sel $0x180000  }
0x10c: {  	[bflag:$0x0] =	sbarrier.arrive $0xFFFF  }
0x10d: {  	_ =	strace $0x9000004D  }
0x10e: {  	s0 =	stileid.u32;
	[bflag:$0x2] =	sbarrier.arrive $0xFFFF  }
0x10f: {  	p0 =	sne.s32 s0, $0x0;
	s0 =	rddreg [dreg:$0x4]  }
0x110: {  	s0 =	sadd.s32 @!p0 $0x100000, s0  }
0x111: {  	[sflag:s0] =	ssyncadd.tile.s32 @!p0 $0x1;
	_ =	shalt  }
.Lfunc_end2:
_tile_overlayer_lowered:
.L_overlay_start_2:
0x112: {  	(tag) =	ssettag $0x2  }
0x113: {  	s0 =	rddreg [dreg:$0x0];
	s2 =	stileid.u32  }
0x114: {  	s1 =	rddreg [dreg:$0x1];
	p0 =	sne.s32 s2, $0x0  }
0x115: {  	s3 =	rddreg [dreg:$0x2];
	[bflag:$0x3] =	sbarrier.arrive $0xFFFF;
	s2 =	simm.s32 @!p0 $0x1C1B  }
0x116: {  	[timem:s3], [sflag:s2] =	dma.local @!p0 [hbm:s0], s1  }
0x117: {  	s0 =	simm.s32 @!p0 $0x1B  }
0x118: {  	_ =	swait.ge @!p0 [sflag:s0], s1  }
0x119: {  	s1 =	ssub.s32 @!p0 $0x0, s1;
	[sflag:s0] =	ssyncset.done @!p0 $0x0  }
0x11a: {  	[sflag:s0] =	ssyncadd.s32 @!p0 s1  }
0x11b: {  	[bflag:$0x3] =	sbarrier.arrive $0xFFFF  }
0x11c: {  	_ =	shalt  }

// kernel: kernel.8.cloned.1.call-start
scs
__scs_entry_jumppad:
0x0: {  	(pc) =	sbr.rel $0x88, $3  }
0x1: {  	(tag) =	ssettag $0x0;
	lr =	simm.s32 $0x1  }
0x2: {  	[smem:$0x3F9B] =	sst lr;
	_ =	strace $0xD0000000  }
0x3: {  	_ = 	snop  }
0x4: {  	_ = 	snop  }
0x5: {  	_ = 	snop  }
0x6: {  	_ = 	snop  }
0x7: {  	_ = 	snop  }
__scs_overlays_trampoline_lowered:
0x8: {  	[smem:$0x3FAA] =	sst s0  }
0x9: {  	[smem:$0x3FAB] =	sst s1  }
0xa: {  	[smem:$0x3FAC] =	sst s2  }
0xb: {  	[smem:$0x3FAD] =	sst s3  }
0xc: {  	[smem:$0x3FAE] =	sst s4  }
0xd: {  	[smem:$0x3FAF] =	sst s5  }
0xe: {  	[smem:$0x3FB0] =	sst s6  }
0xf: {  	[smem:$0x3FB1] =	sst s7  }
0x10: {  	[smem:$0x3FB2] =	sst s8  }
0x11: {  	[smem:$0x3FB3] =	sst s9;
	s0 =	simm.s32 @!p0 $0x0  }
0x12: {  	s1 =	sld [smem:$0x3F99];
	s0 =	simm.s32 @p0 $0x1  }
0x13: {  	[smem:$0x3FB4] =	sst s0;
	s0 =	simm.s32 @!p1 $0x0  }
0x14: {  	s2 =	sld [smem:$0x3F98];
	s0 =	simm.s32 @p1 $0x1  }
0x15: {  	[smem:$0x3FB5] =	sst s0;
	s0 =	simm.s32 @!p2 $0x0  }
0x16: {  	s3 =	sld [smem:$0x3FDB];
	s0 =	simm.s32 @p2 $0x1  }
0x17: {  	s4 =	simm.s32 $0x1BF5;
	[smem:$0x3FB7] =	sst s0  }
0x18: {  	s0 =	sld [smem:$0x3F9A];
	_ =	swait.ge [sflag:s4], $0x0  }
0x19: {  	s7 =	sld [smem:$0x3F9B]  }
0x1a: {  	s8 =	sadd.s32 $0xFFFFE003, lr  }
0x1b: {  	s9 =	sadd.s32 $0xFFFFFEF7, lr;
	s5 =	simm.s32 $0xFFFFFFFF;
	p2 =	slt.u32 s8, $0xFFFFF086  }
0x1c: {  	p1 =	slt.u32 s9, $0xF7A;
	s5 =	simm.s32 @!p2 $0x0  }
0x1d: {  	s5 =	simm.s32 @p1 $0x1;
	p0 =	seq.s32 s7, s2  }
0x1e: {  	s7 =	smul.u32 @!p0 $0xF7A, s2;
	p2 =	seq.s32 @!p0 s5, $0x0  }
0x1f: {  	s9 =	smul.u32 $0xF7A, s1;
	s8 =	simm.s32 @!p0 $0x1BF5;
	p2 =	por !p2, p0  }
0x20: {  	[sflag:s8] =	ssyncset.s32 @!p0 $0xFFFFF086;
	s6 =	sadd.s32 @!p0 s3, s7;
	s7 =	simm.s32 @!p0 $0x108  }
0x21: {  	s3 =	sadd.s32 s3, s9;
	s6 =	sadd.s32 @!p0 $0x88, s6;
	s7 =	simm.s32 @p2 $0x1082  }
0x22: {  	[simem:s7], [sflag:s8] =	dma.local @!p0 [hbm:s6], $0xF7A  }
0x23: {  	s9 =	sor.u32 $0xD0000000, s2;
	s6 =	simm.s32 $0x108;
	_ =	swait.ge @!p0 [sflag:s8], $0x0  }
0x24: {  	s3 =	sadd.s32 $0x88, s3;
	s6 =	simm.s32 @!p1 $0x1082;
	[sflag:s4] =	ssyncset.s32 $0xFFFFF086  }
0x25: {  	[simem:s6], [sflag:s4] =	dma.local [hbm:s3], $0xF7A  }
0x26: {  	[smem:$0x3F9B] =	sst s1;
	(tag) =	ssettag s2;
	_ =	strace s9  }
0x27: {  	s1 =	sld [smem:$0x3FAB]  }
0x28: {  	s2 =	sld [smem:$0x3FAC]  }
0x29: {  	s4 =	sld [smem:$0x3FAE]  }
0x2a: {  	p0 =	seq.s32 s5, $0x0;
	s5 =	sld [smem:$0x3FAF]  }
0x2b: {  	s6 =	sld [smem:$0x3FB0]  }
0x2c: {  	s7 =	sld [smem:$0x3FB1]  }
0x2d: {  	s3 =	simm.s32 $0x108;
	s8 =	sld [smem:$0x3FB2]  }
0x2e: {  	s3 =	simm.s32 @!p0 $0x1082;
	s9 =	sld [smem:$0x3FB3]  }
0x2f: {  	lr =	sadd.s32 s0, s3;
	s0 =	sld [smem:$0x3FAA]  }
0x30: {  	s3 =	sld [smem:$0x3FAD]  }
0x31: {  	[smem:$0x3FB6] =	sst s10  }
0x32: {  	s10 =	sld [smem:$0x3FB4];
	_ =	sdelay $0x3  }
0x33: {  	p0 =	seq.s32 s10, $0x1;
	s10 =	sld [smem:$0x3FB6];
	_ =	sdelay $0x3  }
0x34: {  	[smem:$0x3FB6] =	sst s10  }
0x35: {  	s10 =	sld [smem:$0x3FB5];
	_ =	sdelay $0x3  }
0x36: {  	p1 =	seq.s32 s10, $0x1;
	s10 =	sld [smem:$0x3FB6];
	_ =	sdelay $0x3  }
0x37: {  	[smem:$0x3FB6] =	sst s10  }
0x38: {  	s10 =	sld [smem:$0x3FB7]  }
0x39: {  	_ = 	snop;
	(pc) =	sbr.ind lr, $3  }
0x3a: {  	_ = 	snop  }
0x3b: {  	_ = 	snop  }
0x3c: {  	p2 =	seq.s32 s10, $0x1;
	s10 =	sld [smem:$0x3FB6]  }
0x3d: {  	_ =	shalt  }
0x3e: {  	_ =	shalt  }
0x3f: {  	_ =	shalt  }
0x40: {  	_ =	shalt  }
0x41: {  	_ =	shalt  }
0x42: {  	_ =	shalt  }
0x43: {  	_ =	shalt  }
0x44: {  	_ =	shalt  }
0x45: {  	_ =	shalt  }
0x46: {  	_ =	shalt  }
0x47: {  	_ =	shalt  }
0x48: {  	_ =	shalt  }
0x49: {  	_ =	shalt  }
0x4a: {  	_ =	shalt  }
0x4b: {  	_ =	shalt  }
0x4c: {  	_ =	shalt  }
0x4d: {  	_ =	shalt  }
0x4e: {  	_ =	shalt  }
0x4f: {  	_ =	shalt  }
0x50: {  	_ =	shalt  }
0x51: {  	_ =	shalt  }
0x52: {  	_ =	shalt  }
0x53: {  	_ =	shalt  }
0x54: {  	_ =	shalt  }
0x55: {  	_ =	shalt  }
0x56: {  	_ =	shalt  }
0x57: {  	_ =	shalt  }
0x58: {  	_ =	shalt  }
0x59: {  	_ =	shalt  }
0x5a: {  	_ =	shalt  }
0x5b: {  	_ =	shalt  }
0x5c: {  	_ =	shalt  }
0x5d: {  	_ =	shalt  }
0x5e: {  	_ =	shalt  }
0x5f: {  	_ =	shalt  }
0x60: {  	_ =	shalt  }
0x61: {  	_ =	shalt  }
0x62: {  	_ =	shalt  }
0x63: {  	_ =	shalt  }
0x64: {  	_ =	shalt  }
0x65: {  	_ =	shalt  }
0x66: {  	_ =	shalt  }
0x67: {  	_ =	shalt  }
0x68: {  	_ =	shalt  }
0x69: {  	_ =	shalt  }
0x6a: {  	_ =	shalt  }
0x6b: {  	_ =	shalt  }
0x6c: {  	_ =	shalt  }
0x6d: {  	_ =	shalt  }
0x6e: {  	_ =	shalt  }
0x6f: {  	_ =	shalt  }
0x70: {  	_ =	shalt  }
0x71: {  	_ =	shalt  }
0x72: {  	_ =	shalt  }
0x73: {  	_ =	shalt  }
0x74: {  	_ =	shalt  }
0x75: {  	_ =	shalt  }
0x76: {  	_ =	shalt  }
0x77: {  	_ =	shalt  }
0x78: {  	_ =	shalt  }
0x79: {  	_ =	shalt  }
0x7a: {  	_ =	shalt  }
0x7b: {  	_ =	shalt  }
0x7c: {  	_ =	shalt  }
0x7d: {  	_ =	shalt  }
0x7e: {  	_ =	shalt  }
0x7f: {  	_ =	shalt  }
0x80: {  	_ =	shalt  }
0x81: {  	_ =	shalt  }
0x82: {  	_ =	shalt  }
0x83: {  	_ =	shalt  }
0x84: {  	_ =	shalt  }
0x85: {  	_ =	shalt  }
0x86: {  	_ =	shalt  }
0x87: {  	_ =	shalt  }
.Lfunc_end0:
.L_simem_size_0:
called_computation_lowered:
.L_overlay_start_0:
0x88: {  	s2 =	sld [smem:$0x3FD9]  }
0x89: {  	s3 =	sld [smem:$0x3FFE];
	_ =	sdelay $0x1  }
0x8a: {  	s1 =	srdreg.scid  }
0x8b: {  	s0 =	sand.u32 $0x1, s1  }
0x8c: {  	s16 =	sshll.u32 s0, $0xA;
	s2 =	sadd.s32 s3, s2  }
0x8d: {  	s2 =	sadd.s32 s2, s16  }
0x8e: {  	[smem:$0x3FC2] =	sst s2  }
0x8f: {  	_ = 	snop  }
0x90: {  	(tm) =	ssettm $0x1  }
0x91: {  	s17 =	sld [smem:$0x3FFB];
	_ =	sdelay $0x3  }
0x92: {  	_ =	strace s17  }
0x93: {  	s2 =	sld [smem:$0x3FFC];
	_ =	sdelay $0x3  }
0x94: {  	_ =	strace s2  }
0x95: {  	s2 =	sld [smem:$0x3FFD];
	_ =	sdelay $0x3  }
0x96: {  	_ =	strace s2  }
0x97: {  	_ =	strace $0x8FFFFFFF  }
0x98: {  	s18 =	sld [smem:$0x3FDB];
	_ =	sdelay $0x1  }
0x99: {  	s19 =	simm.s32 $_scs_section_size  }
0x9a: {  	s4 =	simm.s32 $_size__tile_overlayer_lowered;
	s5 =	simm.s32 $_tile_overlayer_lowered  }
0x9b: {  	s22 =	simm.s32 $0x1BFF;
	s21 =	sshll.u32 s5, $0x1;
	s2 =	sadd.s32 s19, s18  }
0x9c: {  	s6 =	simm.s32 $0x0;
	s20 =	sshll.u32 s4, $0x1;
	s4 =	sadd.s32 s21, s2  }
0x9d: {  	[timem:s6], [sflag:s22] =	dma.local [hbm:s4], s20  }
0x9e: {  	_ =	swait.ge [sflag:s22], s20  }
0x9f: {  	s3 =	ssub.s32 $0x0, s20;
	[sflag:s22] =	ssyncset.done $0x0  }
0xa0: {  	[sflag:s22] =	ssyncadd.s32 s3;
	_ =	sdelay $0x1  }
0xa1: {  	s23 =	simm.s32 $0x1B8B  }
0xa2: {  	_ =	swait.ge [sflag:s23], $0x1  }
0xa3: {  	[sflag:s23] =	ssyncset.done $0x0  }
0xa4: {  	s25 =	simm.s32 $0x1B8E;
	s24 =	sld [smem:$0x3FFE];
	[sflag:s23] =	ssyncadd.s32 $0xFFFFFFFF  }
0xa5: {  	s26 =	simm.s32 $execute0_lowered;
	[smem:$0x3FD2] =	sst s25  }
0xa6: {  	s4 =	sshll.u32 s26, $0x1;
	_ =	strace $0x80000046;
	[dreg:$0x1] =	wrdreg $0xFFFFFFFF  }
0xa7: {  	s28 =	simm.s32 $_size_execute0_lowered;
	s2 =	sadd.s32 s2, s4;
	[dreg:$0x0] =	wrdreg $0x0  }
0xa8: {  	s4 =	sshll.u32 s28, $0x1;
	[dreg:$0x2] =	wrdreg s2  }
0xa9: {  	[dreg:$0x3] =	wrdreg s4  }
0xaa: {  	[dreg:$0x4] =	wrdreg $0xC0  }
0xab: {  	_ =	task [dreg:s6], $0x5FFFF  }
0xac: {  	[dreg:$0x1] =	wrdreg $0xFFFFFFFF  }
0xad: {  	[dreg:$0x0] =	wrdreg $0x60  }
0xae: {  	[dreg:$0x2] =	wrdreg s24  }
0xaf: {  	[dreg:$0x3] =	wrdreg $0x57800  }
0xb0: {  	[dreg:$0x4] =	wrdreg $0x9  }
0xb1: {  	_ =	task.clear_ibuf [dreg:s6], $0x5FFFF;
	_ =	strace $0x90000046  }
0xb2: {  	s29 =	simm.s32 $0x9;
	_ =	strace $0x80000048  }
0xb3: {  	_ =	swait.ge [sflag:s29], $0x1  }
0xb4: {  	[sflag:s29] =	ssyncadd.s32 $0xFFFFFFFF  }
0xb5: {  	_ =	strace $0x90000048  }
0xb6: {  	_ =	sfence  }
0xb7: {  	s30 =	sld [smem:$0x0];
	_ =	sdelay $0x2  }
0xb8: {  	s31 =	sshll.u32 s1, $0xD;
	s1 =	sshrl.u32 s1, $0x2  }
0xb9: {  	s3 =	sand.u32 $0x4000, s31;
	s1 =	sadd.s32 s1, s30  }
0xba: {  	s0 =	sor.u32 s3, s0;
	s1 =	sshll.u32 s1, $0x11  }
0xbb: {  	s0 =	sor.u32 s1, s0  }
0xbc: {  	s0 =	sadd.s32 $0x8F2B, s0  }
0xbd: {  	[sflag:s0] =	ssyncadd.remote.s32 $0x1  }
0xbe: {  	_ =	sfence.sel $0xFFFF  }
0xbf: {  	[dreg:$0x0] =	wrdreg $0xFFFFFFFF;
	(pc) =	sbr.abs _section_cstart, $3  }
0xc0: {  	[dreg:$0x1] =	wrdreg $0xFFFFFFFF  }
0xc1: {  	_ =	task.clear_ibuf [dreg:s6], $0x2FFFF;
	_ =	strace $0x9FFFFFFF  }
0xc2: {  	(tm) =	ssettm $0x7FFFFFFF  }
0xc3: {  	_ =	shalt  }
tec
execute0_lowered:
.L_overlay_start_1:
0x0: {  	(tag) =	ssettag $0x1  }
0x1: {  	s1 =	srdreg.scid;
	s6 =	rddreg [dreg:$0x0]  }
0x2: {  	s0 =	stileid.u32;
	s2 =	rddreg [dreg:$0x1];
	s3 =	simm.s32 $0x0  }
0x3: {  	s11 =	simm.s32 $0x80;
	s12 =	simm.s32 $0x2780;
	s13 =	simm.s32 $0x0  }
0x4: {  	s4 =	sand.u32 $0x1, s1;
	s28 =	sshll.u32 s0, $0x1;
	s1 =	rddreg [dreg:$0x2]  }
0x5: {  	s8 =	smul.u32 $0x2800, s0;
	[smem:$0x7FF] =	sst s3;
	p0 =	sgt.u32 s0, $0x1  }
0x6: {  	s5 =	sor.u32 s4, s28;
	s9 =	smul.u32 $0x28000, s4;
	s4 =	ssub.s32 $0x2, s4  }
0x7: {  	_ =	strace $0x80000047;
	s7 =	smul.u32 $0x4E, s5;
	s31 =	sshrl.u32 s4, $0x1  }
0x8: {  	s5 =	smin.u32 s5, $0x4;
	s29 =	sadd.s32 s8, s9;
	s10 =	ssub.s32 s4, s31  }
0x9: {  	s4 =	sadd.s32 s8, s2;
	s9 =	simm.s32 $0x2F80;
	s5 =	sadd.s32 s5, s7  }
0xa: {  	s7 =	sshrl.u32 s29, $0x3;
	s8 =	smax.u32 s10, $0x1;
	s5 =	sshll.u32 s5, $0x4  }
0xb: {  	s10 =	simm.s32 $0x1;
	s7 =	sadd.s32 s7, s6;
	s30 =	sadd.s32 s5, s6  }
0xc: {  	v0 =	vimm.f32 $0.0e+00;
	v1 =	vimm.f32 $1.000000000e+00;
	s7 =	sadd.s32 $0x15600, s7;
	s5 =	sadd.s32 $0xB800, s30;
	s6 =	sadd.s32 $0xBCE0, s30  }
.LBB2_1:
0xd: {  	s14 =	simm.s32 $0x40;
	s15 =	simm.s32 $0x0  }
.LBB2_2:
0xe: {  	p1 =	sne.s32 s14, $0x9FC0;
	[tilespmem:s15+$0x2F80] =	vst v0;
	s15 =	smov.u32 s14;
	s14 =	sadd.s32 $0x40, s14  }
.Ltmp0:
0xf: {  	(pc) =	sbr.rel @p1 .LBB2_2-.Ltmp0, $2  }
0x10: {  	_ =	sdelay $0x2  }
0x11: {  	s15 =	sshra.s32 s15, $0x2  }
0x12: {  	[tilespmem:s15+$0x2F80] =	vst v0  }
0x13: {  	[spmem:s4] =	stream.linear.scatter [tilespmem:s9], [sflag:$0x1], $0x2800, $0x38;
	[tilespmem:$0x7F80] =	vst v63  }
0x14: {  	_ =	swait.ge [sflag:s10], $0x2800  }
0x15: {  	[sflag:s10] =	ssyncset.done $0x0  }
0x16: {  	s14 =	simm.s32 $0x40;
	s15 =	simm.s32 $0x0;
	[sflag:s10] =	ssyncadd.s32 $0xFFFFD800  }
.LBB2_4:
0x17: {  	p1 =	sne.s32 s14, $0x1FC0;
	[tilespmem:s15+$0x2780] =	vst v1;
	s15 =	smov.u32 s14;
	s14 =	sadd.s32 $0x40, s14  }
.Ltmp1:
0x18: {  	(pc) =	sbr.rel @p1 .LBB2_4-.Ltmp1, $2  }
0x19: {  	_ =	sdelay $0x2  }
0x1a: {  	s15 =	sshra.s32 s15, $0x2  }
0x1b: {  	[tilespmem:s15+$0x2780] =	vst v1  }
0x1c: {  	[bflag:$0x0] =	sbarrier.arrive $0xFFFF  }
0x1d: {  	[tilespmem:s3], [sflag:$0x1] =	stream.linear.gather [hbm4b:s5+s3], $0x2700, $0x38;
	[tilespmem:$0x7F80] =	vst v63  }
0x1e: {  	_ =	swait.ge [sflag:s10], $0x2700  }
0x1f: {  	[sflag:s10] =	ssyncset.done $0x0  }
0x20: {  	s14 =	simm.s32 @!p0 $0x0;
	s15 =	simm.s32 @!p0 $0x2700;
	[sflag:s10] =	ssyncadd.s32 $0xFFFFD900  }
0x21: {  	[tilespmem:s15], [sflag:$0x1] =	stream.linear.gather @!p0 [hbm4b:s6+s14], $0x80, $0x38;
	[tilespmem:$0x7F80] =	vst v63  }
0x22: {  	s15 =	simm.s32 @!p0 $0x4F  }
0x23: {  	s14 =	simm.s32 @!p0 $0x1;
	s15 =	simm.s32 @p0 $0x4E  }
0x24: {  	_ =	swait.ge @!p0 [sflag:s14], $0x80;
	p1 =	sne.s32 s15, $0x1  }
.Ltmp2:
0x25: {  	[sflag:s14] =	ssyncset.done @!p0 $0x0;
	(pc) =	sbr.rel @!p1 .LBB2_7-.Ltmp2, $4  }
0x26: {  	[sflag:s14] =	ssyncadd.s32 @!p0 $0xFFFFFF80;
	s14 =	simm.s32 $0x0  }
0x27: {  	[spmem:s2] =	stream.indirect.scatter.add.f32 [tilespmem:s12], [sflag:$0x1], $0x10, s14, s11, $0xb8;
	[tilespmem:$0x7F80] =	vst v63  }
0x28: {  	_ =	swait.ge [sflag:s10], $0x800  }
0x29: {  	s15 =	sadd.s32 $0xFFFFFFFF, s15;
	[sflag:s10] =	ssyncset.done $0x0  }
.LBB2_6:
0x2a: {  	p1 =	sne.s32 s15, $0x1;
	[sflag:s10] =	ssyncadd.s32 $0xFFFFF800;
	s14 =	sadd.s32 $0x80, s14  }
.Ltmp3:
0x2b: {  	s15 =	sadd.s32 $0xFFFFFFFF, s15;
	(pc) =	sbr.rel @p1 .LBB2_6-.Ltmp3, $4  }
0x2c: {  	_ = 	snop  }
0x2d: {  	[spmem:s2] =	stream.indirect.scatter.add.f32 [tilespmem:s12], [sflag:$0x1], $0x10, s14, s11, $0xb8;
	[tilespmem:$0x7F80] =	vst v63  }
0x2e: {  	_ =	swait.ge [sflag:s10], $0x800  }
0x2f: {  	[sflag:s10] =	ssyncset.done $0x0  }
.LBB2_7:
0x30: {  	[sflag:s10] =	ssyncadd.s32 $0xFFFFF800  }
0x31: {  	[bflag:$0x0] =	sbarrier.arrive $0xFFFF  }
0x32: {  	[tilespmem:s9], [sflag:$0x1] =	stream.linear.gather [spmem:s4], $0x2800, $0x38;
	[tilespmem:$0x7F80] =	vst v63  }
0x33: {  	s13 =	sadd.s32 $0x1, s13;
	_ =	swait.ge [sflag:s10], $0x2800  }
0x34: {  	p1 =	sne.s32 s13, s8;
	[sflag:s10] =	ssyncset.done $0x0  }
.Ltmp4:
0x35: {  	[sflag:s10] =	ssyncadd.s32 $0xFFFFD800;
	(pc) =	sbr.rel @p1 .LBB2_1-.Ltmp4, $4  }
0x36: {  	[hbm4b:s7+s3] =	stream.linear.scatter [tilespmem:s9], [sflag:$0x1], $0x2800, $0x38;
	[tilespmem:$0x7F80] =	vst v63  }
0x37: {  	_ =	swait.ge [sflag:s10], $0x2800  }
0x38: {  	[sflag:s10] =	ssyncset.done $0x0  }
0x39: {  	[sflag:s10] =	ssyncadd.s32 $0xFFFFD800  }
0x3a: {  	_ =	sfence.sel $0x180000  }
0x3b: {  	[bflag:$0x0] =	sbarrier.arrive $0xFFFF  }
0x3c: {  	p0 =	sne.s32 s0, $0x0;
	_ =	strace $0x90000047  }
0x3d: {  	s0 =	sadd.s32 @!p0 $0x100000, s1;
	[bflag:$0x2] =	sbarrier.arrive $0xFFFF  }
0x3e: {  	[sflag:s0] =	ssyncadd.tile.s32 @!p0 $0x1;
	_ =	shalt  }
.Lfunc_end2:
_tile_overlayer_lowered:
.L_overlay_start_2:
0x3f: {  	(tag) =	ssettag $0x2  }
0x40: {  	s0 =	rddreg [dreg:$0x0];
	s2 =	stileid.u32  }
0x41: {  	s1 =	rddreg [dreg:$0x1];
	p0 =	sne.s32 s2, $0x0  }
0x42: {  	s3 =	rddreg [dreg:$0x2];
	[bflag:$0x3] =	sbarrier.arrive $0xFFFF;
	s2 =	simm.s32 @!p0 $0x1C01  }
0x43: {  	[timem:s3], [sflag:s2] =	dma.local @!p0 [hbm:s0], s1  }
0x44: {  	s0 =	simm.s32 @!p0 $0x1  }
0x45: {  	_ =	swait.ge @!p0 [sflag:s0], s1  }
0x46: {  	s1 =	ssub.s32 @!p0 $0x0, s1;
	[sflag:s0] =	ssyncset.done @!p0 $0x0  }
0x47: {  	[sflag:s0] =	ssyncadd.s32 @!p0 s1  }
0x48: {  	[bflag:$0x3] =	sbarrier.arrive $0xFFFF  }
0x49: {  	_ =	shalt  }

</sc_bundles>
